<compile_context>
chip_gen: v7x
topology: tpu7x:2x2x1
jax: 0.10.2.dev20260603
libtpu: 0.0.44.dev20260713+nightly
codegen_flags: <defaults>
</compile_context>

<pallas_src>
import functools

import jax
import jax.numpy as jnp
from jax import lax
from jax.experimental import pallas as pl
from jax.experimental.pallas import tpu as pltpu
from jax.experimental.pallas import tpu_sc as plsc

N, E, D, R, B_ = 10000, 320000, 128, 8, 8
NC, NS = 2, 16
NW = NC * NS
CHUNK = 64
CPW = 160
NBUF = 4
HHALF = CPW // 4
NHALF = CPW // HHALF
EPAD = NW * CPW * CHUNK
NPAD = 10240
ROWS_PT = NPAD // NS
BN_EPS = 1e-5
NBLK = 2000
NB = N // NBLK



def _wcomb_body(coeff_ref, basis_ref, w_ref):
    w_ref[...] = jnp.dot(coeff_ref[...], basis_ref[...],
                         preferred_element_type=jnp.float32)


def _wcomb(coeff, basis):
    w = pl.pallas_call(
        _wcomb_body,
        out_shape=jax.ShapeDtypeStruct((R, D * D), jnp.float32),
    )(coeff, basis.reshape(B_, D * D))
    return w.reshape(R, D, D)


def _hall_body(x_ref, w_ref, out_ref):
    x = x_ref[...]
    for r in range(R):
        out_ref[r] = jnp.dot(x, w_ref[r], preferred_element_type=jnp.float32)


def _hall(x, w):
    return pl.pallas_call(
        _hall_body,
        grid=(NB,),
        in_specs=[
            pl.BlockSpec((NBLK, D), lambda i: (i, 0)),
            pl.BlockSpec((R, D, D), lambda i: (0, 0, 0)),
        ],
        out_specs=pl.BlockSpec((R, NBLK, D), lambda i: (0, i, 0)),
        out_shape=jax.ShapeDtypeStruct((R, N, D), jnp.float32),
    )(x, w)


def _hall_bn_body(y_ref, st_ref, g_ref, gb_ref, w_ref, out_ref, x_ref):
    mean = st_ref[0] * (1.0 / N)
    var = st_ref[1] * (1.0 / N) - mean * mean
    scale = lax.rsqrt(var + BN_EPS) * g_ref[...]
    shift = gb_ref[...] - mean * scale
    xb = jnp.maximum(y_ref[...] * scale + shift, 0.0)
    x_ref[...] = xb
    for r in range(R):
        out_ref[r] = jnp.dot(xb, w_ref[r], preferred_element_type=jnp.float32)


def _hall_bn(y, stats, bng, bnb, w):
    return pl.pallas_call(
        _hall_bn_body,
        grid=(NB,),
        in_specs=[
            pl.BlockSpec((NBLK, D), lambda i: (i, 0)),
            pl.BlockSpec((2, D), lambda i: (0, 0)),
            pl.BlockSpec((D,), lambda i: (0,)),
            pl.BlockSpec((D,), lambda i: (0,)),
            pl.BlockSpec((R, D, D), lambda i: (0, 0, 0)),
        ],
        out_specs=[
            pl.BlockSpec((R, NBLK, D), lambda i: (0, i, 0)),
            pl.BlockSpec((NBLK, D), lambda i: (i, 0)),
        ],
        out_shape=[
            jax.ShapeDtypeStruct((R, N, D), jnp.float32),
            jax.ShapeDtypeStruct((N, D), jnp.float32),
        ],
    )(y, stats, bng, bnb, w)


def _stage1_body(p_ref, cb_ref, w1_ref, b1_ref, hdn_ref, st_ref):
    i = pl.program_id(0)
    agg = p_ref[0] + p_ref[1] + cb_ref[...]
    hdn = jnp.dot(agg, w1_ref[...], preferred_element_type=jnp.float32)
    hdn = hdn + b1_ref[...]
    hdn_ref[...] = hdn
    s0 = jnp.sum(hdn, axis=0, keepdims=True)
    s1 = jnp.sum(hdn * hdn, axis=0, keepdims=True)
    st = jnp.concatenate([s0, s1], axis=0)

    @pl.when(i == 0)
    def _():
        st_ref[...] = jnp.zeros_like(st_ref)

    st_ref[...] += st


def _stage1(partials, cb, w1, b1):
    return pl.pallas_call(
        _stage1_body,
        grid=(NB,),
        in_specs=[
            pl.BlockSpec((NC, NBLK, D), lambda i: (0, i, 0)),
            pl.BlockSpec((D,), lambda i: (0,)),
            pl.BlockSpec((D, D), lambda i: (0, 0)),
            pl.BlockSpec((D,), lambda i: (0,)),
        ],
        out_specs=[
            pl.BlockSpec((NBLK, D), lambda i: (i, 0)),
            pl.BlockSpec((2, D), lambda i: (0, 0)),
        ],
        out_shape=[
            jax.ShapeDtypeStruct((N, D), jnp.float32),
            jax.ShapeDtypeStruct((2, D), jnp.float32),
        ],
    )(partials, cb, w1, b1)


def _stage2_body(hdn_ref, st_ref, g_ref, gb_ref, w2_ref, b2_ref,
                 y_ref, st2_ref):
    i = pl.program_id(0)
    mean = st_ref[0] * (1.0 / N)
    var = st_ref[1] * (1.0 / N) - mean * mean
    scale = lax.rsqrt(var + BN_EPS) * g_ref[...]
    shift = gb_ref[...] - mean * scale
    xb = jnp.maximum(hdn_ref[...] * scale + shift, 0.0)
    y = jnp.dot(xb, w2_ref[...], preferred_element_type=jnp.float32)
    y = y + b2_ref[...]
    y_ref[...] = y
    s0 = jnp.sum(y, axis=0, keepdims=True)
    s1 = jnp.sum(y * y, axis=0, keepdims=True)
    st = jnp.concatenate([s0, s1], axis=0)

    @pl.when(i == 0)
    def _():
        st2_ref[...] = jnp.zeros_like(st2_ref)

    st2_ref[...] += st


def _stage2(hdn, stats, g1, gb1, w2, b2):
    return pl.pallas_call(
        _stage2_body,
        grid=(NB,),
        in_specs=[
            pl.BlockSpec((NBLK, D), lambda i: (i, 0)),
            pl.BlockSpec((2, D), lambda i: (0, 0)),
            pl.BlockSpec((D,), lambda i: (0,)),
            pl.BlockSpec((D,), lambda i: (0,)),
            pl.BlockSpec((D, D), lambda i: (0, 0)),
            pl.BlockSpec((D,), lambda i: (0,)),
        ],
        out_specs=[
            pl.BlockSpec((NBLK, D), lambda i: (i, 0)),
            pl.BlockSpec((2, D), lambda i: (0, 0)),
        ],
        out_shape=[
            jax.ShapeDtypeStruct((N, D), jnp.float32),
            jax.ShapeDtypeStruct((2, D), jnp.float32),
        ],
    )(hdn, stats, g1, gb1, w2, b2)


def _stage3_body(h_ref, x1_ref, y_ref, st_ref, g_ref, gb_ref, out_ref):
    mean = st_ref[0] * (1.0 / N)
    var = st_ref[1] * (1.0 / N) - mean * mean
    scale = lax.rsqrt(var + BN_EPS) * g_ref[...]
    shift = gb_ref[...] - mean * scale
    out_ref[0] = h_ref[...]
    out_ref[1] = x1_ref[...]
    out_ref[2] = jnp.maximum(y_ref[...] * scale + shift, 0.0)


def _stage3(h, x1, y, stats, bng, bnb):
    return pl.pallas_call(
        _stage3_body,
        grid=(NB,),
        in_specs=[
            pl.BlockSpec((NBLK, D), lambda i: (i, 0)),
            pl.BlockSpec((NBLK, D), lambda i: (i, 0)),
            pl.BlockSpec((NBLK, D), lambda i: (i, 0)),
            pl.BlockSpec((2, D), lambda i: (0, 0)),
            pl.BlockSpec((D,), lambda i: (0,)),
            pl.BlockSpec((D,), lambda i: (0,)),
        ],
        out_specs=pl.BlockSpec((3, NBLK, D), lambda i: (0, i, 0)),
        out_shape=jax.ShapeDtypeStruct((3, N, D), jnp.float32),
    )(h, x1, y, stats, bng, bnb)



def _edge_agg_body(hall_ref, key_ref, out_ref,
                   gidx_v, dst_v, rows0, rows1, rows2, rows3,
                   sem0, sem1, sem2, sem3, agg):
    rows = (rows0, rows1, rows2, rows3)
    sems = (sem0, sem1, sem2, sem3)
    c = lax.axis_index("c")
    s = lax.axis_index("s")
    wid = s * NC + c
    z = jnp.zeros((16,), jnp.float32)

    def zrow(j, carry):
        for k in range(D // 16):
            rows0[j, pl.ds(k * 16, 16)] = z
        return carry

    lax.fori_loop(0, CHUNK, zrow, 0)
    for t in range(ROWS_PT // CHUNK):
        pltpu.sync_copy(rows0, agg.at[pl.ds(s * ROWS_PT + t * CHUNK, CHUNK)])
    plsc.subcore_barrier()

    for p in range(NHALF):
        pltpu.sync_copy(key_ref.at[wid * NHALF + p], gidx_v)

        def unpack(j, carry):
            for k in range(CHUNK // 16):
                kv = gidx_v[j, pl.ds(k * 16, 16)]
                gidx_v[j, pl.ds(k * 16, 16)] = kv >> 14
                dst_v[j, pl.ds(k * 16, 16)] = kv & 16383
            return carry

        lax.fori_loop(0, HHALF, unpack, 0)
        for b in range(NBUF):
            pltpu.async_copy(hall_ref.at[gidx_v.at[b]], rows[b], sems[b])

        def ring(i, carry):
            j0 = NBUF * i
            for b in range(NBUF):
                j = j0 + b
                pltpu.make_async_copy(hall_ref.at[gidx_v.at[j]], rows[b],
                                      sems[b]).wait()
                pltpu.sync_copy(rows[b], agg.at[dst_v.at[j]], add=True)

                @pl.when(j + NBUF < HHALF)
                def _():
                    pltpu.async_copy(hall_ref.at[gidx_v.at[j + NBUF]],
                                     rows[b], sems[b])
            return carry

        lax.fori_loop(0, HHALF // NBUF, ring, 0)
    plsc.subcore_barrier()
    pltpu.sync_copy(agg.at[pl.ds(s * ROWS_PT, ROWS_PT)],
                    out_ref.at[c, pl.ds(s * ROWS_PT, ROWS_PT)])


@functools.lru_cache(maxsize=None)
def _build_edge_agg():
    mesh = plsc.VectorSubcoreMesh(core_axis_name="c", subcore_axis_name="s")
    return pl.kernel(
        _edge_agg_body,
        out_type=jax.ShapeDtypeStruct((NC, NPAD, D), jnp.float32),
        name="edge_agg",
        mesh=mesh,
        scratch_types=[
            pltpu.VMEM((HHALF, CHUNK), jnp.int32),
            pltpu.VMEM((HHALF, CHUNK), jnp.int32),
            pltpu.VMEM((CHUNK, D), jnp.float32),
            pltpu.VMEM((CHUNK, D), jnp.float32),
            pltpu.VMEM((CHUNK, D), jnp.float32),
            pltpu.VMEM((CHUNK, D), jnp.float32),
            pltpu.SemaphoreType.DMA,
            pltpu.SemaphoreType.DMA,
            pltpu.SemaphoreType.DMA,
            pltpu.SemaphoreType.DMA,
            pltpu.VMEM_SHARED((NPAD, D), jnp.float32),
        ],
    )



def _mlp(hall, keys, cb, w1, b1, g1, gb1, w2, b2):
    partials = _build_edge_agg()(hall.reshape(R * N, D), keys)
    hdn, st1 = _stage1(partials, cb, w1, b1)
    return _stage2(hdn, st1, g1, gb1, w2, b2)


def kernel(h, edge_index, etypes,
           basis0, coeff0, cb0, w1_0, b1_0, g1_0, gb1_0, w2_0, b2_0,
           bng_0, bnb_0,
           basis1, coeff1, cb1, w1_1, b1_1, g1_1, gb1_1, w2_1, b2_1,
           bng_1, bnb_1):
    src, dst = edge_index[0], edge_index[1]
    key = (etypes * N + src) * 16384 + dst
    epw = E // NW
    padw = CPW * CHUNK - epw
    pidx = jnp.arange(padw, dtype=jnp.int32)
    pad_k = jnp.tile((pidx * 331 % (R * N)) * 16384
                     + N + pidx % (NPAD - N), (NW, 1))
    keys = jnp.concatenate([key.reshape(NW, epw), pad_k], axis=1)
    keys = keys.reshape(NW * NHALF, HHALF, CHUNK)

    hall1 = _hall(h, _wcomb(coeff0, basis0))
    y1, sty1 = _mlp(hall1, keys, cb0, w1_0, b1_0,
                    g1_0, gb1_0, w2_0, b2_0)
    hall2, x1 = _hall_bn(y1, sty1, bng_0, bnb_0, _wcomb(coeff1, basis1))
    y2, sty2 = _mlp(hall2, keys, cb1, w1_1, b1_1,
                    g1_1, gb1_1, w2_1, b2_1)
    return _stage3(h, x1, y2, sty2, bng_1, bnb_1)

# --- scband reference (transcript-rebuilt; emitter-appended) ---
"""Pipeline reference for scband-rgin-14379550507187 (READ-ONLY COPY).

The authoritative reference and input builder live on the scoring server;
editing this copy changes nothing except your own understanding.
"""

import jax, jax.numpy as jnp
import numpy as np

N, E, D, R, B, L = 10000, 320000, 128, 8, 8, 2

def _bn(x, g, b, eps=1e-5):
    m = jnp.mean(x, axis=0)
    v = jnp.var(x, axis=0)
    return (x - m) / jnp.sqrt(v + eps) * g + b

def setup_inputs(seed=0):
    key = jax.random.key(seed)
    ks = jax.random.split(key, 64)
    inp = {}
    inp['h'] = jax.random.normal(ks[0], (N, D), dtype=jnp.float32)
    inp['edge_index'] = jax.random.randint(ks[1], (2, E), 0, N, dtype=jnp.int32)
    inp['etypes'] = jax.random.randint(ks[2], (E,), 0, R, dtype=jnp.int32)
    i = 3
    for l in range(L):
        inp[f'basis{l}'] = jax.random.normal(ks[i], (B, D, D), dtype=jnp.float32) / np.sqrt(D); i += 1
        inp[f'coeff{l}'] = jax.random.normal(ks[i], (R, B), dtype=jnp.float32) / np.sqrt(B); i += 1
        inp[f'cb{l}'] = jnp.zeros((D,), jnp.float32)
        inp[f'w1_{l}'] = jax.random.normal(ks[i], (D, D), dtype=jnp.float32) / np.sqrt(D); i += 1
        inp[f'b1_{l}'] = jnp.zeros((D,), jnp.float32)
        inp[f'g1_{l}'] = jnp.ones((D,), jnp.float32)
        inp[f'gb1_{l}'] = jnp.zeros((D,), jnp.float32)
        inp[f'w2_{l}'] = jax.random.normal(ks[i], (D, D), dtype=jnp.float32) / np.sqrt(D); i += 1
        inp[f'b2_{l}'] = jnp.zeros((D,), jnp.float32)
        inp[f'bng_{l}'] = jnp.ones((D,), jnp.float32)
        inp[f'bnb_{l}'] = jnp.zeros((D,), jnp.float32)
    return inp

def _forward(p, edge_index, etypes):
    src, dst = edge_index[0], edge_index[1]
    x = p['h']
    n = x.shape[0]
    reps = [x]
    for l in range(L):
        # basis-decomposed relation weights: W_r = sum_b coeff[r,b] * basis[b]
        W = jnp.einsum('rb,bio->rio', p[f'coeff{l}'], p[f'basis{l}'])
        # per-relation projected node features [R, N, D]
        Hall = jnp.einsum('ni,rio->rno', x, W)
        # per-edge message m_e = (h[src_e] @ W[etype_e])
        m = Hall[etypes, src]
        # sum-aggregate messages at destination nodes + conv bias
        agg = jax.ops.segment_sum(m, dst, num_segments=n) + p[f'cb{l}']
        # MLP activation (2 layers: linear -> BN -> relu -> linear)
        hdn = agg @ p[f'w1_{l}'] + p[f'b1_{l}']
        hdn = jax.nn.relu(_bn(hdn, p[f'g1_{l}'], p[f'gb1_{l}']))
        x = hdn @ p[f'w2_{l}'] + p[f'b2_{l}']
        # outer batch norm + relu
        x = jax.nn.relu(_bn(x, p[f'bng_{l}'], p[f'bnb_{l}']))
        reps.append(x)
    return jnp.stack(reps)

def reference(h, edge_index, etypes,
              basis0, coeff0, cb0, w1_0, b1_0, g1_0, gb1_0, w2_0, b2_0, bng_0, bnb_0,
              basis1, coeff1, cb1, w1_1, b1_1, g1_1, gb1_1, w2_1, b2_1, bng_1, bnb_1):
    inp = dict(locals())
    return _forward(inp, edge_index, etypes)

if __name__ == "__main__":
    import jax
    _d = setup_inputs()
    print(jax.jit(kernel)(*tuple(_d.values())))

</pallas_src>

<mosaic_0001>
#map = affine_map<(d0, d1) -> (0, 0)>
#map1 = affine_map<(d0, d1) -> (0, 0, 0)>
module attributes {stable_mosaic.version = 14 : i64} {
  func.func @edge_agg(%arg0: i32, %arg1: i32, %arg2: memref<80000x128xf32, #tpu.memory_space<hbm>>, %arg3: memref<128x40x64xi32, #tpu.memory_space<hbm>>, %arg4: memref<2x10240x128xf32, #tpu.memory_space<hbm>>, %arg5: memref<40x64xi32, #tpu.memory_space<vmem>>, %arg6: memref<40x64xi32, #tpu.memory_space<vmem>>, %arg7: memref<64x128xf32, #tpu.memory_space<vmem>>, %arg8: memref<64x128xf32, #tpu.memory_space<vmem>>, %arg9: memref<64x128xf32, #tpu.memory_space<vmem>>, %arg10: memref<64x128xf32, #tpu.memory_space<vmem>>, %arg11: memref<!tpu.dma_semaphore, #tpu.memory_space<semaphore_mem>>, %arg12: memref<!tpu.dma_semaphore, #tpu.memory_space<semaphore_mem>>, %arg13: memref<!tpu.dma_semaphore, #tpu.memory_space<semaphore_mem>>, %arg14: memref<!tpu.dma_semaphore, #tpu.memory_space<semaphore_mem>>, %arg15: memref<10240x128xf32, #tpu.memory_space<vmem_shared>>) attributes {dimension_semantics = [#tpu.dimension_semantics<core_parallel>, #tpu.dimension_semantics<subcore_parallel>], iteration_bounds = array<i64: 2, 16>, scalar_prefetch = 0 : i64, scratch_operands = 11 : i64, tpu.core_type = #tpu.core_type<sc_vector_subcore>, window_params = [{transform_indices = #map}, {transform_indices = #map1}, {transform_indices = #map1}]} {
    %mul3A = arith.constant 2 : i32
    %mul3A_0 = arith.muli %arg1, %mul3A : i32
    %add3A = arith.addi %mul3A_0, %arg0 : i32
    %broadcast_in_dim3A = arith.constant 0.000000e+00 : f32
    %broadcast_in_dim3A_1 = vector.broadcast %broadcast_in_dim3A : f32 to vector<16xf32>
    %scan3A = arith.constant 0 : i32
    %scan3A_2 = arith.constant 0 : i32
    %scan3A_3 = arith.constant 64 : i32
    %scan3A_4 = arith.addi %scan3A_2, %scan3A_3 : i32
    %scan3A_5 = arith.constant 1 : i32
    scf.for %scan3A_227 = %scan3A_2 to %scan3A_4 step %scan3A_5  : i32 {
      %swap3A = arith.index_cast %scan3A_227 : i32 to index
      %swap3A_228 = arith.constant 0 : index
      %swap3A_229 = tpu.vector_load %arg7[%swap3A, %swap3A_228] {strides = array<i32>} : memref<64x128xf32, #tpu.memory_space<vmem>>, vector<1x16xf32>,
      %swap3A_230 = vector.shape_cast %swap3A_229 : vector<1x16xf32> to vector<16xf32>
      %swap3A_231 = vector.shape_cast %broadcast_in_dim3A_1 : vector<16xf32> to vector<1x16xf32>
      tpu.vector_store %arg7[%swap3A, %swap3A_228], %swap3A_231 {strides = array<i32>} : memref<64x128xf32, #tpu.memory_space<vmem>>, vector<1x16xf32>,
      %swap3A_232 = arith.index_cast %scan3A_227 : i32 to index
      %swap3A_233 = arith.constant 16 : index
      %swap3A_234 = tpu.vector_load %arg7[%swap3A_232, %swap3A_233] {strides = array<i32>} : memref<64x128xf32, #tpu.memory_space<vmem>>, vector<1x16xf32>,
      %swap3A_235 = vector.shape_cast %swap3A_234 : vector<1x16xf32> to vector<16xf32>
      %swap3A_236 = vector.shape_cast %broadcast_in_dim3A_1 : vector<16xf32> to vector<1x16xf32>
      tpu.vector_store %arg7[%swap3A_232, %swap3A_233], %swap3A_236 {strides = array<i32>} : memref<64x128xf32, #tpu.memory_space<vmem>>, vector<1x16xf32>,
      %swap3A_237 = arith.index_cast %scan3A_227 : i32 to index
      %swap3A_238 = arith.constant 32 : index
      %swap3A_239 = tpu.vector_load %arg7[%swap3A_237, %swap3A_238] {strides = array<i32>} : memref<64x128xf32, #tpu.memory_space<vmem>>, vector<1x16xf32>,
      %swap3A_240 = vector.shape_cast %swap3A_239 : vector<1x16xf32> to vector<16xf32>
      %swap3A_241 = vector.shape_cast %broadcast_in_dim3A_1 : vector<16xf32> to vector<1x16xf32>
      tpu.vector_store %arg7[%swap3A_237, %swap3A_238], %swap3A_241 {strides = array<i32>} : memref<64x128xf32, #tpu.memory_space<vmem>>, vector<1x16xf32>,
      %swap3A_242 = arith.index_cast %scan3A_227 : i32 to index
      %swap3A_243 = arith.constant 48 : index
      %swap3A_244 = tpu.vector_load %arg7[%swap3A_242, %swap3A_243] {strides = array<i32>} : memref<64x128xf32, #tpu.memory_space<vmem>>, vector<1x16xf32>,
      %swap3A_245 = vector.shape_cast %swap3A_244 : vector<1x16xf32> to vector<16xf32>
      %swap3A_246 = vector.shape_cast %broadcast_in_dim3A_1 : vector<16xf32> to vector<1x16xf32>
      tpu.vector_store %arg7[%swap3A_242, %swap3A_243], %swap3A_246 {strides = array<i32>} : memref<64x128xf32, #tpu.memory_space<vmem>>, vector<1x16xf32>,
      %swap3A_247 = arith.index_cast %scan3A_227 : i32 to index
      %swap3A_248 = arith.constant 64 : index
      %swap3A_249 = tpu.vector_load %arg7[%swap3A_247, %swap3A_248] {strides = array<i32>} : memref<64x128xf32, #tpu.memory_space<vmem>>, vector<1x16xf32>,
      %swap3A_250 = vector.shape_cast %swap3A_249 : vector<1x16xf32> to vector<16xf32>
      %swap3A_251 = vector.shape_cast %broadcast_in_dim3A_1 : vector<16xf32> to vector<1x16xf32>
      tpu.vector_store %arg7[%swap3A_247, %swap3A_248], %swap3A_251 {strides = array<i32>} : memref<64x128xf32, #tpu.memory_space<vmem>>, vector<1x16xf32>,
      %swap3A_252 = arith.index_cast %scan3A_227 : i32 to index
      %swap3A_253 = arith.constant 80 : index
      %swap3A_254 = tpu.vector_load %arg7[%swap3A_252, %swap3A_253] {strides = array<i32>} : memref<64x128xf32, #tpu.memory_space<vmem>>, vector<1x16xf32>,
      %swap3A_255 = vector.shape_cast %swap3A_254 : vector<1x16xf32> to vector<16xf32>
      %swap3A_256 = vector.shape_cast %broadcast_in_dim3A_1 : vector<16xf32> to vector<1x16xf32>
      tpu.vector_store %arg7[%swap3A_252, %swap3A_253], %swap3A_256 {strides = array<i32>} : memref<64x128xf32, #tpu.memory_space<vmem>>, vector<1x16xf32>,
      %swap3A_257 = arith.index_cast %scan3A_227 : i32 to index
      %swap3A_258 = arith.constant 96 : index
      %swap3A_259 = tpu.vector_load %arg7[%swap3A_257, %swap3A_258] {strides = array<i32>} : memref<64x128xf32, #tpu.memory_space<vmem>>, vector<1x16xf32>,
      %swap3A_260 = vector.shape_cast %swap3A_259 : vector<1x16xf32> to vector<16xf32>
      %swap3A_261 = vector.shape_cast %broadcast_in_dim3A_1 : vector<16xf32> to vector<1x16xf32>
      tpu.vector_store %arg7[%swap3A_257, %swap3A_258], %swap3A_261 {strides = array<i32>} : memref<64x128xf32, #tpu.memory_space<vmem>>, vector<1x16xf32>,
      %swap3A_262 = arith.index_cast %scan3A_227 : i32 to index
      %swap3A_263 = arith.constant 112 : index
      %swap3A_264 = tpu.vector_load %arg7[%swap3A_262, %swap3A_263] {strides = array<i32>} : memref<64x128xf32, #tpu.memory_space<vmem>>, vector<1x16xf32>,
      %swap3A_265 = vector.shape_cast %swap3A_264 : vector<1x16xf32> to vector<16xf32>
      %swap3A_266 = vector.shape_cast %broadcast_in_dim3A_1 : vector<16xf32> to vector<1x16xf32>
      tpu.vector_store %arg7[%swap3A_262, %swap3A_263], %swap3A_266 {strides = array<i32>} : memref<64x128xf32, #tpu.memory_space<vmem>>, vector<1x16xf32>,
    }
    %scan3A_6 = arith.constant 64 : i32
    %mul3A_7 = arith.constant 640 : i32
    %mul3A_8 = arith.muli %arg1, %mul3A_7 : i32
    %add3A_9 = arith.constant 0 : i32
    %add3A_10 = arith.addi %mul3A_8, %add3A_9 : i32
    "tpu.region"() ({
      %run_scoped3A = tpu.sem_alloc : memref<!tpu.dma_semaphore, #tpu.memory_space<semaphore_mem>>
      %dma_start3A_227 = arith.constant 0 : i32
      %dma_start3A_228 = tpu.memref_slice %arg15[%add3A_10, %dma_start3A_227] : memref<10240x128xf32, #tpu.memory_space<vmem_shared>> -> memref<64x128xf32, #tpu.memory_space<vmem_shared>>
      %dma_start3A_229 = arith.constant 0 : i32
      %dma_start3A_230 = tpu.memref_slice %arg15[%add3A_10, %dma_start3A_229] : memref<10240x128xf32, #tpu.memory_space<vmem_shared>> -> memref<64x128xf32, #tpu.memory_space<vmem_shared>>
      tpu.enqueue_dma source(%arg7 : memref<64x128xf32, #tpu.memory_space<vmem>>) target(%dma_start3A_230 : memref<64x128xf32, #tpu.memory_space<vmem_shared>>) target_semaphore(%run_scoped3A : memref<!tpu.dma_semaphore, #tpu.memory_space<semaphore_mem>>)
      %dma_wait3A = arith.constant 0 : i32
      %dma_wait3A_231 = tpu.memref_slice %arg15[%add3A_10, %dma_wait3A] : memref<10240x128xf32, #tpu.memory_space<vmem_shared>> -> memref<64x128xf32, #tpu.memory_space<vmem_shared>>
      %dma_wait3A_232 = arith.constant 0 : i32
      %dma_wait3A_233 = tpu.memref_slice %arg15[%add3A_10, %dma_wait3A_232] : memref<10240x128xf32, #tpu.memory_space<vmem_shared>> -> memref<64x128xf32, #tpu.memory_space<vmem_shared>>
      tpu.wait_dma2 semaphore(%run_scoped3A : memref<!tpu.dma_semaphore, #tpu.memory_space<semaphore_mem>>) src(%arg7 : memref<64x128xf32, #tpu.memory_space<vmem>>) dst(%dma_wait3A_233 : memref<64x128xf32, #tpu.memory_space<vmem_shared>>)
      tpu.yield
    }) : () -> ()
    %mul3A_11 = arith.constant 640 : i32
    %mul3A_12 = arith.muli %arg1, %mul3A_11 : i32
    %add3A_13 = arith.constant 64 : i32
    %add3A_14 = arith.addi %mul3A_12, %add3A_13 : i32
    "tpu.region"() ({
      %run_scoped3A = tpu.sem_alloc : memref<!tpu.dma_semaphore, #tpu.memory_space<semaphore_mem>>
      %dma_start3A_227 = arith.constant 0 : i32
      %dma_start3A_228 = tpu.memref_slice %arg15[%add3A_14, %dma_start3A_227] : memref<10240x128xf32, #tpu.memory_space<vmem_shared>> -> memref<64x128xf32, #tpu.memory_space<vmem_shared>>
      %dma_start3A_229 = arith.constant 0 : i32
      %dma_start3A_230 = tpu.memref_slice %arg15[%add3A_14, %dma_start3A_229] : memref<10240x128xf32, #tpu.memory_space<vmem_shared>> -> memref<64x128xf32, #tpu.memory_space<vmem_shared>>
      tpu.enqueue_dma source(%arg7 : memref<64x128xf32, #tpu.memory_space<vmem>>) target(%dma_start3A_230 : memref<64x128xf32, #tpu.memory_space<vmem_shared>>) target_semaphore(%run_scoped3A : memref<!tpu.dma_semaphore, #tpu.memory_space<semaphore_mem>>)
      %dma_wait3A = arith.constant 0 : i32
      %dma_wait3A_231 = tpu.memref_slice %arg15[%add3A_14, %dma_wait3A] : memref<10240x128xf32, #tpu.memory_space<vmem_shared>> -> memref<64x128xf32, #tpu.memory_space<vmem_shared>>
      %dma_wait3A_232 = arith.constant 0 : i32
      %dma_wait3A_233 = tpu.memref_slice %arg15[%add3A_14, %dma_wait3A_232] : memref<10240x128xf32, #tpu.memory_space<vmem_shared>> -> memref<64x128xf32, #tpu.memory_space<vmem_shared>>
      tpu.wait_dma2 semaphore(%run_scoped3A : memref<!tpu.dma_semaphore, #tpu.memory_space<semaphore_mem>>) src(%arg7 : memref<64x128xf32, #tpu.memory_space<vmem>>) dst(%dma_wait3A_233 : memref<64x128xf32, #tpu.memory_space<vmem_shared>>)
      tpu.yield
    }) : () -> ()
    %mul3A_15 = arith.constant 640 : i32
    %mul3A_16 = arith.muli %arg1, %mul3A_15 : i32
    %add3A_17 = arith.constant 128 : i32
    %add3A_18 = arith.addi %mul3A_16, %add3A_17 : i32
    "tpu.region"() ({
      %run_scoped3A = tpu.sem_alloc : memref<!tpu.dma_semaphore, #tpu.memory_space<semaphore_mem>>
      %dma_start3A_227 = arith.constant 0 : i32
      %dma_start3A_228 = tpu.memref_slice %arg15[%add3A_18, %dma_start3A_227] : memref<10240x128xf32, #tpu.memory_space<vmem_shared>> -> memref<64x128xf32, #tpu.memory_space<vmem_shared>>
      %dma_start3A_229 = arith.constant 0 : i32
      %dma_start3A_230 = tpu.memref_slice %arg15[%add3A_18, %dma_start3A_229] : memref<10240x128xf32, #tpu.memory_space<vmem_shared>> -> memref<64x128xf32, #tpu.memory_space<vmem_shared>>
      tpu.enqueue_dma source(%arg7 : memref<64x128xf32, #tpu.memory_space<vmem>>) target(%dma_start3A_230 : memref<64x128xf32, #tpu.memory_space<vmem_shared>>) target_semaphore(%run_scoped3A : memref<!tpu.dma_semaphore, #tpu.memory_space<semaphore_mem>>)
      %dma_wait3A = arith.constant 0 : i32
      %dma_wait3A_231 = tpu.memref_slice %arg15[%add3A_18, %dma_wait3A] : memref<10240x128xf32, #tpu.memory_space<vmem_shared>> -> memref<64x128xf32, #tpu.memory_space<vmem_shared>>
      %dma_wait3A_232 = arith.constant 0 : i32
      %dma_wait3A_233 = tpu.memref_slice %arg15[%add3A_18, %dma_wait3A_232] : memref<10240x128xf32, #tpu.memory_space<vmem_shared>> -> memref<64x128xf32, #tpu.memory_space<vmem_shared>>
      tpu.wait_dma2 semaphore(%run_scoped3A : memref<!tpu.dma_semaphore, #tpu.memory_space<semaphore_mem>>) src(%arg7 : memref<64x128xf32, #tpu.memory_space<vmem>>) dst(%dma_wait3A_233 : memref<64x128xf32, #tpu.memory_space<vmem_shared>>)
      tpu.yield
    }) : () -> ()
    %mul3A_19 = arith.constant 640 : i32
    %mul3A_20 = arith.muli %arg1, %mul3A_19 : i32
    %add3A_21 = arith.constant 192 : i32
    %add3A_22 = arith.addi %mul3A_20, %add3A_21 : i32
    "tpu.region"() ({
      %run_scoped3A = tpu.sem_alloc : memref<!tpu.dma_semaphore, #tpu.memory_space<semaphore_mem>>
      %dma_start3A_227 = arith.constant 0 : i32
      %dma_start3A_228 = tpu.memref_slice %arg15[%add3A_22, %dma_start3A_227] : memref<10240x128xf32, #tpu.memory_space<vmem_shared>> -> memref<64x128xf32, #tpu.memory_space<vmem_shared>>
      %dma_start3A_229 = arith.constant 0 : i32
      %dma_start3A_230 = tpu.memref_slice %arg15[%add3A_22, %dma_start3A_229] : memref<10240x128xf32, #tpu.memory_space<vmem_shared>> -> memref<64x128xf32, #tpu.memory_space<vmem_shared>>
      tpu.enqueue_dma source(%arg7 : memref<64x128xf32, #tpu.memory_space<vmem>>) target(%dma_start3A_230 : memref<64x128xf32, #tpu.memory_space<vmem_shared>>) target_semaphore(%run_scoped3A : memref<!tpu.dma_semaphore, #tpu.memory_space<semaphore_mem>>)
      %dma_wait3A = arith.constant 0 : i32
      %dma_wait3A_231 = tpu.memref_slice %arg15[%add3A_22, %dma_wait3A] : memref<10240x128xf32, #tpu.memory_space<vmem_shared>> -> memref<64x128xf32, #tpu.memory_space<vmem_shared>>
      %dma_wait3A_232 = arith.constant 0 : i32
      %dma_wait3A_233 = tpu.memref_slice %arg15[%add3A_22, %dma_wait3A_232] : memref<10240x128xf32, #tpu.memory_space<vmem_shared>> -> memref<64x128xf32, #tpu.memory_space<vmem_shared>>
      tpu.wait_dma2 semaphore(%run_scoped3A : memref<!tpu.dma_semaphore, #tpu.memory_space<semaphore_mem>>) src(%arg7 : memref<64x128xf32, #tpu.memory_space<vmem>>) dst(%dma_wait3A_233 : memref<64x128xf32, #tpu.memory_space<vmem_shared>>)
      tpu.yield
    }) : () -> ()
    %mul3A_23 = arith.constant 640 : i32
    %mul3A_24 = arith.muli %arg1, %mul3A_23 : i32
    %add3A_25 = arith.constant 256 : i32
    %add3A_26 = arith.addi %mul3A_24, %add3A_25 : i32
    "tpu.region"() ({
      %run_scoped3A = tpu.sem_alloc : memref<!tpu.dma_semaphore, #tpu.memory_space<semaphore_mem>>
      %dma_start3A_227 = arith.constant 0 : i32
      %dma_start3A_228 = tpu.memref_slice %arg15[%add3A_26, %dma_start3A_227] : memref<10240x128xf32, #tpu.memory_space<vmem_shared>> -> memref<64x128xf32, #tpu.memory_space<vmem_shared>>
      %dma_start3A_229 = arith.constant 0 : i32
      %dma_start3A_230 = tpu.memref_slice %arg15[%add3A_26, %dma_start3A_229] : memref<10240x128xf32, #tpu.memory_space<vmem_shared>> -> memref<64x128xf32, #tpu.memory_space<vmem_shared>>
      tpu.enqueue_dma source(%arg7 : memref<64x128xf32, #tpu.memory_space<vmem>>) target(%dma_start3A_230 : memref<64x128xf32, #tpu.memory_space<vmem_shared>>) target_semaphore(%run_scoped3A : memref<!tpu.dma_semaphore, #tpu.memory_space<semaphore_mem>>)
      %dma_wait3A = arith.constant 0 : i32
      %dma_wait3A_231 = tpu.memref_slice %arg15[%add3A_26, %dma_wait3A] : memref<10240x128xf32, #tpu.memory_space<vmem_shared>> -> memref<64x128xf32, #tpu.memory_space<vmem_shared>>
      %dma_wait3A_232 = arith.constant 0 : i32
      %dma_wait3A_233 = tpu.memref_slice %arg15[%add3A_26, %dma_wait3A_232] : memref<10240x128xf32, #tpu.memory_space<vmem_shared>> -> memref<64x128xf32, #tpu.memory_space<vmem_shared>>
      tpu.wait_dma2 semaphore(%run_scoped3A : memref<!tpu.dma_semaphore, #tpu.memory_space<semaphore_mem>>) src(%arg7 : memref<64x128xf32, #tpu.memory_space<vmem>>) dst(%dma_wait3A_233 : memref<64x128xf32, #tpu.memory_space<vmem_shared>>)
      tpu.yield
    }) : () -> ()
    %mul3A_27 = arith.constant 640 : i32
    %mul3A_28 = arith.muli %arg1, %mul3A_27 : i32
    %add3A_29 = arith.constant 320 : i32
    %add3A_30 = arith.addi %mul3A_28, %add3A_29 : i32
    "tpu.region"() ({
      %run_scoped3A = tpu.sem_alloc : memref<!tpu.dma_semaphore, #tpu.memory_space<semaphore_mem>>
      %dma_start3A_227 = arith.constant 0 : i32
      %dma_start3A_228 = tpu.memref_slice %arg15[%add3A_30, %dma_start3A_227] : memref<10240x128xf32, #tpu.memory_space<vmem_shared>> -> memref<64x128xf32, #tpu.memory_space<vmem_shared>>
      %dma_start3A_229 = arith.constant 0 : i32
      %dma_start3A_230 = tpu.memref_slice %arg15[%add3A_30, %dma_start3A_229] : memref<10240x128xf32, #tpu.memory_space<vmem_shared>> -> memref<64x128xf32, #tpu.memory_space<vmem_shared>>
      tpu.enqueue_dma source(%arg7 : memref<64x128xf32, #tpu.memory_space<vmem>>) target(%dma_start3A_230 : memref<64x128xf32, #tpu.memory_space<vmem_shared>>) target_semaphore(%run_scoped3A : memref<!tpu.dma_semaphore, #tpu.memory_space<semaphore_mem>>)
      %dma_wait3A = arith.constant 0 : i32
      %dma_wait3A_231 = tpu.memref_slice %arg15[%add3A_30, %dma_wait3A] : memref<10240x128xf32, #tpu.memory_space<vmem_shared>> -> memref<64x128xf32, #tpu.memory_space<vmem_shared>>
      %dma_wait3A_232 = arith.constant 0 : i32
      %dma_wait3A_233 = tpu.memref_slice %arg15[%add3A_30, %dma_wait3A_232] : memref<10240x128xf32, #tpu.memory_space<vmem_shared>> -> memref<64x128xf32, #tpu.memory_space<vmem_shared>>
      tpu.wait_dma2 semaphore(%run_scoped3A : memref<!tpu.dma_semaphore, #tpu.memory_space<semaphore_mem>>) src(%arg7 : memref<64x128xf32, #tpu.memory_space<vmem>>) dst(%dma_wait3A_233 : memref<64x128xf32, #tpu.memory_space<vmem_shared>>)
      tpu.yield
    }) : () -> ()
    %mul3A_31 = arith.constant 640 : i32
    %mul3A_32 = arith.muli %arg1, %mul3A_31 : i32
    %add3A_33 = arith.constant 384 : i32
    %add3A_34 = arith.addi %mul3A_32, %add3A_33 : i32
    "tpu.region"() ({
      %run_scoped3A = tpu.sem_alloc : memref<!tpu.dma_semaphore, #tpu.memory_space<semaphore_mem>>
      %dma_start3A_227 = arith.constant 0 : i32
      %dma_start3A_228 = tpu.memref_slice %arg15[%add3A_34, %dma_start3A_227] : memref<10240x128xf32, #tpu.memory_space<vmem_shared>> -> memref<64x128xf32, #tpu.memory_space<vmem_shared>>
      %dma_start3A_229 = arith.constant 0 : i32
      %dma_start3A_230 = tpu.memref_slice %arg15[%add3A_34, %dma_start3A_229] : memref<10240x128xf32, #tpu.memory_space<vmem_shared>> -> memref<64x128xf32, #tpu.memory_space<vmem_shared>>
      tpu.enqueue_dma source(%arg7 : memref<64x128xf32, #tpu.memory_space<vmem>>) target(%dma_start3A_230 : memref<64x128xf32, #tpu.memory_space<vmem_shared>>) target_semaphore(%run_scoped3A : memref<!tpu.dma_semaphore, #tpu.memory_space<semaphore_mem>>)
      %dma_wait3A = arith.constant 0 : i32
      %dma_wait3A_231 = tpu.memref_slice %arg15[%add3A_34, %dma_wait3A] : memref<10240x128xf32, #tpu.memory_space<vmem_shared>> -> memref<64x128xf32, #tpu.memory_space<vmem_shared>>
      %dma_wait3A_232 = arith.constant 0 : i32
      %dma_wait3A_233 = tpu.memref_slice %arg15[%add3A_34, %dma_wait3A_232] : memref<10240x128xf32, #tpu.memory_space<vmem_shared>> -> memref<64x128xf32, #tpu.memory_space<vmem_shared>>
      tpu.wait_dma2 semaphore(%run_scoped3A : memref<!tpu.dma_semaphore, #tpu.memory_space<semaphore_mem>>) src(%arg7 : memref<64x128xf32, #tpu.memory_space<vmem>>) dst(%dma_wait3A_233 : memref<64x128xf32, #tpu.memory_space<vmem_shared>>)
      tpu.yield
    }) : () -> ()
    %mul3A_35 = arith.constant 640 : i32
    %mul3A_36 = arith.muli %arg1, %mul3A_35 : i32
    %add3A_37 = arith.constant 448 : i32
    %add3A_38 = arith.addi %mul3A_36, %add3A_37 : i32
    "tpu.region"() ({
      %run_scoped3A = tpu.sem_alloc : memref<!tpu.dma_semaphore, #tpu.memory_space<semaphore_mem>>
      %dma_start3A_227 = arith.constant 0 : i32
      %dma_start3A_228 = tpu.memref_slice %arg15[%add3A_38, %dma_start3A_227] : memref<10240x128xf32, #tpu.memory_space<vmem_shared>> -> memref<64x128xf32, #tpu.memory_space<vmem_shared>>
      %dma_start3A_229 = arith.constant 0 : i32
      %dma_start3A_230 = tpu.memref_slice %arg15[%add3A_38, %dma_start3A_229] : memref<10240x128xf32, #tpu.memory_space<vmem_shared>> -> memref<64x128xf32, #tpu.memory_space<vmem_shared>>
      tpu.enqueue_dma source(%arg7 : memref<64x128xf32, #tpu.memory_space<vmem>>) target(%dma_start3A_230 : memref<64x128xf32, #tpu.memory_space<vmem_shared>>) target_semaphore(%run_scoped3A : memref<!tpu.dma_semaphore, #tpu.memory_space<semaphore_mem>>)
      %dma_wait3A = arith.constant 0 : i32
      %dma_wait3A_231 = tpu.memref_slice %arg15[%add3A_38, %dma_wait3A] : memref<10240x128xf32, #tpu.memory_space<vmem_shared>> -> memref<64x128xf32, #tpu.memory_space<vmem_shared>>
      %dma_wait3A_232 = arith.constant 0 : i32
      %dma_wait3A_233 = tpu.memref_slice %arg15[%add3A_38, %dma_wait3A_232] : memref<10240x128xf32, #tpu.memory_space<vmem_shared>> -> memref<64x128xf32, #tpu.memory_space<vmem_shared>>
      tpu.wait_dma2 semaphore(%run_scoped3A : memref<!tpu.dma_semaphore, #tpu.memory_space<semaphore_mem>>) src(%arg7 : memref<64x128xf32, #tpu.memory_space<vmem>>) dst(%dma_wait3A_233 : memref<64x128xf32, #tpu.memory_space<vmem_shared>>)
      tpu.yield
    }) : () -> ()
    %mul3A_39 = arith.constant 640 : i32
    %mul3A_40 = arith.muli %arg1, %mul3A_39 : i32
    %add3A_41 = arith.constant 512 : i32
    %add3A_42 = arith.addi %mul3A_40, %add3A_41 : i32
    "tpu.region"() ({
      %run_scoped3A = tpu.sem_alloc : memref<!tpu.dma_semaphore, #tpu.memory_space<semaphore_mem>>
      %dma_start3A_227 = arith.constant 0 : i32
      %dma_start3A_228 = tpu.memref_slice %arg15[%add3A_42, %dma_start3A_227] : memref<10240x128xf32, #tpu.memory_space<vmem_shared>> -> memref<64x128xf32, #tpu.memory_space<vmem_shared>>
      %dma_start3A_229 = arith.constant 0 : i32
      %dma_start3A_230 = tpu.memref_slice %arg15[%add3A_42, %dma_start3A_229] : memref<10240x128xf32, #tpu.memory_space<vmem_shared>> -> memref<64x128xf32, #tpu.memory_space<vmem_shared>>
      tpu.enqueue_dma source(%arg7 : memref<64x128xf32, #tpu.memory_space<vmem>>) target(%dma_start3A_230 : memref<64x128xf32, #tpu.memory_space<vmem_shared>>) target_semaphore(%run_scoped3A : memref<!tpu.dma_semaphore, #tpu.memory_space<semaphore_mem>>)
      %dma_wait3A = arith.constant 0 : i32
      %dma_wait3A_231 = tpu.memref_slice %arg15[%add3A_42, %dma_wait3A] : memref<10240x128xf32, #tpu.memory_space<vmem_shared>> -> memref<64x128xf32, #tpu.memory_space<vmem_shared>>
      %dma_wait3A_232 = arith.constant 0 : i32
      %dma_wait3A_233 = tpu.memref_slice %arg15[%add3A_42, %dma_wait3A_232] : memref<10240x128xf32, #tpu.memory_space<vmem_shared>> -> memref<64x128xf32, #tpu.memory_space<vmem_shared>>
      tpu.wait_dma2 semaphore(%run_scoped3A : memref<!tpu.dma_semaphore, #tpu.memory_space<semaphore_mem>>) src(%arg7 : memref<64x128xf32, #tpu.memory_space<vmem>>) dst(%dma_wait3A_233 : memref<64x128xf32, #tpu.memory_space<vmem_shared>>)
      tpu.yield
    }) : () -> ()
    %mul3A_43 = arith.constant 640 : i32
    %mul3A_44 = arith.muli %arg1, %mul3A_43 : i32
    %add3A_45 = arith.constant 576 : i32
    %add3A_46 = arith.addi %mul3A_44, %add3A_45 : i32
    "tpu.region"() ({
      %run_scoped3A = tpu.sem_alloc : memref<!tpu.dma_semaphore, #tpu.memory_space<semaphore_mem>>
      %dma_start3A_227 = arith.constant 0 : i32
      %dma_start3A_228 = tpu.memref_slice %arg15[%add3A_46, %dma_start3A_227] : memref<10240x128xf32, #tpu.memory_space<vmem_shared>> -> memref<64x128xf32, #tpu.memory_space<vmem_shared>>
      %dma_start3A_229 = arith.constant 0 : i32
      %dma_start3A_230 = tpu.memref_slice %arg15[%add3A_46, %dma_start3A_229] : memref<10240x128xf32, #tpu.memory_space<vmem_shared>> -> memref<64x128xf32, #tpu.memory_space<vmem_shared>>
      tpu.enqueue_dma source(%arg7 : memref<64x128xf32, #tpu.memory_space<vmem>>) target(%dma_start3A_230 : memref<64x128xf32, #tpu.memory_space<vmem_shared>>) target_semaphore(%run_scoped3A : memref<!tpu.dma_semaphore, #tpu.memory_space<semaphore_mem>>)
      %dma_wait3A = arith.constant 0 : i32
      %dma_wait3A_231 = tpu.memref_slice %arg15[%add3A_46, %dma_wait3A] : memref<10240x128xf32, #tpu.memory_space<vmem_shared>> -> memref<64x128xf32, #tpu.memory_space<vmem_shared>>
      %dma_wait3A_232 = arith.constant 0 : i32
      %dma_wait3A_233 = tpu.memref_slice %arg15[%add3A_46, %dma_wait3A_232] : memref<10240x128xf32, #tpu.memory_space<vmem_shared>> -> memref<64x128xf32, #tpu.memory_space<vmem_shared>>
      tpu.wait_dma2 semaphore(%run_scoped3A : memref<!tpu.dma_semaphore, #tpu.memory_space<semaphore_mem>>) src(%arg7 : memref<64x128xf32, #tpu.memory_space<vmem>>) dst(%dma_wait3A_233 : memref<64x128xf32, #tpu.memory_space<vmem_shared>>)
      tpu.yield
    }) : () -> ()
    %barrier3A = arith.constant 0 : index
    tpu.barrier barrier_id(%barrier3A)
    %mul3A_47 = arith.constant 4 : i32
    %mul3A_48 = arith.muli %add3A, %mul3A_47 : i32
    %add3A_49 = arith.constant 0 : i32
    %add3A_50 = arith.addi %mul3A_48, %add3A_49 : i32
    "tpu.region"() ({
      %run_scoped3A = tpu.sem_alloc : memref<!tpu.dma_semaphore, #tpu.memory_space<semaphore_mem>>
      %dma_start3A_227 = arith.constant 0 : i32
      %dma_start3A_228 = arith.constant 0 : i32
      %dma_start3A_229 = tpu.memref_slice %arg3[%add3A_50, %dma_start3A_227, %dma_start3A_228] : memref<128x40x64xi32, #tpu.memory_space<hbm>> -> memref<1x40x64xi32, #tpu.memory_space<hbm>>
      %dma_start3A_230 = tpu.memref_squeeze %dma_start3A_229 : memref<1x40x64xi32, #tpu.memory_space<hbm>> -> memref<40x64xi32, #tpu.memory_space<hbm>>
      %dma_start3A_231 = arith.constant 0 : i32
      %dma_start3A_232 = arith.constant 0 : i32
      %dma_start3A_233 = tpu.memref_slice %arg3[%add3A_50, %dma_start3A_231, %dma_start3A_232] : memref<128x40x64xi32, #tpu.memory_space<hbm>> -> memref<1x40x64xi32, #tpu.memory_space<hbm>>
      %dma_start3A_234 = tpu.memref_squeeze %dma_start3A_233 : memref<1x40x64xi32, #tpu.memory_space<hbm>> -> memref<40x64xi32, #tpu.memory_space<hbm>>
      tpu.enqueue_dma source(%dma_start3A_234 : memref<40x64xi32, #tpu.memory_space<hbm>>) target(%arg5 : memref<40x64xi32, #tpu.memory_space<vmem>>) target_semaphore(%run_scoped3A : memref<!tpu.dma_semaphore, #tpu.memory_space<semaphore_mem>>)
      %dma_wait3A = arith.constant 0 : i32
      %dma_wait3A_235 = arith.constant 0 : i32
      %dma_wait3A_236 = tpu.memref_slice %arg3[%add3A_50, %dma_wait3A, %dma_wait3A_235] : memref<128x40x64xi32, #tpu.memory_space<hbm>> -> memref<1x40x64xi32, #tpu.memory_space<hbm>>
      %dma_wait3A_237 = tpu.memref_squeeze %dma_wait3A_236 : memref<1x40x64xi32, #tpu.memory_space<hbm>> -> memref<40x64xi32, #tpu.memory_space<hbm>>
      %dma_wait3A_238 = arith.constant 0 : i32
      %dma_wait3A_239 = arith.constant 0 : i32
      %dma_wait3A_240 = tpu.memref_slice %arg3[%add3A_50, %dma_wait3A_238, %dma_wait3A_239] : memref<128x40x64xi32, #tpu.memory_space<hbm>> -> memref<1x40x64xi32, #tpu.memory_space<hbm>>
      %dma_wait3A_241 = tpu.memref_squeeze %dma_wait3A_240 : memref<1x40x64xi32, #tpu.memory_space<hbm>> -> memref<40x64xi32, #tpu.memory_space<hbm>>
      tpu.wait_dma2 semaphore(%run_scoped3A : memref<!tpu.dma_semaphore, #tpu.memory_space<semaphore_mem>>) src(%dma_wait3A_241 : memref<40x64xi32, #tpu.memory_space<hbm>>) dst(%arg5 : memref<40x64xi32, #tpu.memory_space<vmem>>)
      tpu.yield
    }) : () -> ()
    %scan3A_51 = arith.constant 0 : i32
    %scan3A_52 = arith.constant 0 : i32
    %scan3A_53 = arith.constant 40 : i32
    %scan3A_54 = arith.addi %scan3A_52, %scan3A_53 : i32
    %scan3A_55 = arith.constant 1 : i32
    scf.for %scan3A_227 = %scan3A_52 to %scan3A_54 step %scan3A_55  : i32 {
      %get3A = arith.index_cast %scan3A_227 : i32 to index
      %get3A_228 = arith.constant 0 : index
      %get3A_229 = tpu.vector_load %arg5[%get3A, %get3A_228] {strides = array<i32>} : memref<40x64xi32, #tpu.memory_space<vmem>>, vector<1x16xi32>,
      %get3A_230 = vector.shape_cast %get3A_229 : vector<1x16xi32> to vector<16xi32>
      %shift_right_arithmetic3A = arith.constant 14 : i32
      %shift_right_arithmetic3A_231 = vector.broadcast %shift_right_arithmetic3A : i32 to vector<16xi32>
      %shift_right_arithmetic3A_232 = arith.shrsi %get3A_230, %shift_right_arithmetic3A_231 : vector<16xi32>
      %swap3A = arith.index_cast %scan3A_227 : i32 to index
      %swap3A_233 = arith.constant 0 : index
      %swap3A_234 = tpu.vector_load %arg5[%swap3A, %swap3A_233] {strides = array<i32>} : memref<40x64xi32, #tpu.memory_space<vmem>>, vector<1x16xi32>,
      %swap3A_235 = vector.shape_cast %swap3A_234 : vector<1x16xi32> to vector<16xi32>
      %swap3A_236 = vector.shape_cast %shift_right_arithmetic3A_232 : vector<16xi32> to vector<1x16xi32>
      tpu.vector_store %arg5[%swap3A, %swap3A_233], %swap3A_236 {strides = array<i32>} : memref<40x64xi32, #tpu.memory_space<vmem>>, vector<1x16xi32>,
      %and3A = arith.constant 16383 : i32
      %and3A_237 = vector.broadcast %and3A : i32 to vector<16xi32>
      %and3A_238 = arith.andi %get3A_230, %and3A_237 : vector<16xi32>
      %swap3A_239 = arith.index_cast %scan3A_227 : i32 to index
      %swap3A_240 = arith.constant 0 : index
      %swap3A_241 = tpu.vector_load %arg6[%swap3A_239, %swap3A_240] {strides = array<i32>} : memref<40x64xi32, #tpu.memory_space<vmem>>, vector<1x16xi32>,
      %swap3A_242 = vector.shape_cast %swap3A_241 : vector<1x16xi32> to vector<16xi32>
      %swap3A_243 = vector.shape_cast %and3A_238 : vector<16xi32> to vector<1x16xi32>
      tpu.vector_store %arg6[%swap3A_239, %swap3A_240], %swap3A_243 {strides = array<i32>} : memref<40x64xi32, #tpu.memory_space<vmem>>, vector<1x16xi32>,
      %get3A_244 = arith.index_cast %scan3A_227 : i32 to index
      %get3A_245 = arith.constant 16 : index
      %get3A_246 = tpu.vector_load %arg5[%get3A_244, %get3A_245] {strides = array<i32>} : memref<40x64xi32, #tpu.memory_space<vmem>>, vector<1x16xi32>,
      %get3A_247 = vector.shape_cast %get3A_246 : vector<1x16xi32> to vector<16xi32>
      %shift_right_arithmetic3A_248 = arith.constant 14 : i32
      %shift_right_arithmetic3A_249 = vector.broadcast %shift_right_arithmetic3A_248 : i32 to vector<16xi32>
      %shift_right_arithmetic3A_250 = arith.shrsi %get3A_247, %shift_right_arithmetic3A_249 : vector<16xi32>
      %swap3A_251 = arith.index_cast %scan3A_227 : i32 to index
      %swap3A_252 = arith.constant 16 : index
      %swap3A_253 = tpu.vector_load %arg5[%swap3A_251, %swap3A_252] {strides = array<i32>} : memref<40x64xi32, #tpu.memory_space<vmem>>, vector<1x16xi32>,
      %swap3A_254 = vector.shape_cast %swap3A_253 : vector<1x16xi32> to vector<16xi32>
      %swap3A_255 = vector.shape_cast %shift_right_arithmetic3A_250 : vector<16xi32> to vector<1x16xi32>
      tpu.vector_store %arg5[%swap3A_251, %swap3A_252], %swap3A_255 {strides = array<i32>} : memref<40x64xi32, #tpu.memory_space<vmem>>, vector<1x16xi32>,
      %and3A_256 = arith.constant 16383 : i32
      %and3A_257 = vector.broadcast %and3A_256 : i32 to vector<16xi32>
      %and3A_258 = arith.andi %get3A_247, %and3A_257 : vector<16xi32>
      %swap3A_259 = arith.index_cast %scan3A_227 : i32 to index
      %swap3A_260 = arith.constant 16 : index
      %swap3A_261 = tpu.vector_load %arg6[%swap3A_259, %swap3A_260] {strides = array<i32>} : memref<40x64xi32, #tpu.memory_space<vmem>>, vector<1x16xi32>,
      %swap3A_262 = vector.shape_cast %swap3A_261 : vector<1x16xi32> to vector<16xi32>
      %swap3A_263 = vector.shape_cast %and3A_258 : vector<16xi32> to vector<1x16xi32>
      tpu.vector_store %arg6[%swap3A_259, %swap3A_260], %swap3A_263 {strides = array<i32>} : memref<40x64xi32, #tpu.memory_space<vmem>>, vector<1x16xi32>,
      %get3A_264 = arith.index_cast %scan3A_227 : i32 to index
      %get3A_265 = arith.constant 32 : index
      %get3A_266 = tpu.vector_load %arg5[%get3A_264, %get3A_265] {strides = array<i32>} : memref<40x64xi32, #tpu.memory_space<vmem>>, vector<1x16xi32>,
      %get3A_267 = vector.shape_cast %get3A_266 : vector<1x16xi32> to vector<16xi32>
      %shift_right_arithmetic3A_268 = arith.constant 14 : i32
      %shift_right_arithmetic3A_269 = vector.broadcast %shift_right_arithmetic3A_268 : i32 to vector<16xi32>
      %shift_right_arithmetic3A_270 = arith.shrsi %get3A_267, %shift_right_arithmetic3A_269 : vector<16xi32>
      %swap3A_271 = arith.index_cast %scan3A_227 : i32 to index
      %swap3A_272 = arith.constant 32 : index
      %swap3A_273 = tpu.vector_load %arg5[%swap3A_271, %swap3A_272] {strides = array<i32>} : memref<40x64xi32, #tpu.memory_space<vmem>>, vector<1x16xi32>,
      %swap3A_274 = vector.shape_cast %swap3A_273 : vector<1x16xi32> to vector<16xi32>
      %swap3A_275 = vector.shape_cast %shift_right_arithmetic3A_270 : vector<16xi32> to vector<1x16xi32>
      tpu.vector_store %arg5[%swap3A_271, %swap3A_272], %swap3A_275 {strides = array<i32>} : memref<40x64xi32, #tpu.memory_space<vmem>>, vector<1x16xi32>,
      %and3A_276 = arith.constant 16383 : i32
      %and3A_277 = vector.broadcast %and3A_276 : i32 to vector<16xi32>
      %and3A_278 = arith.andi %get3A_267, %and3A_277 : vector<16xi32>
      %swap3A_279 = arith.index_cast %scan3A_227 : i32 to index
      %swap3A_280 = arith.constant 32 : index
      %swap3A_281 = tpu.vector_load %arg6[%swap3A_279, %swap3A_280] {strides = array<i32>} : memref<40x64xi32, #tpu.memory_space<vmem>>, vector<1x16xi32>,
      %swap3A_282 = vector.shape_cast %swap3A_281 : vector<1x16xi32> to vector<16xi32>
      %swap3A_283 = vector.shape_cast %and3A_278 : vector<16xi32> to vector<1x16xi32>
      tpu.vector_store %arg6[%swap3A_279, %swap3A_280], %swap3A_283 {strides = array<i32>} : memref<40x64xi32, #tpu.memory_space<vmem>>, vector<1x16xi32>,
      %get3A_284 = arith.index_cast %scan3A_227 : i32 to index
      %get3A_285 = arith.constant 48 : index
      %get3A_286 = tpu.vector_load %arg5[%get3A_284, %get3A_285] {strides = array<i32>} : memref<40x64xi32, #tpu.memory_space<vmem>>, vector<1x16xi32>,
      %get3A_287 = vector.shape_cast %get3A_286 : vector<1x16xi32> to vector<16xi32>
      %shift_right_arithmetic3A_288 = arith.constant 14 : i32
      %shift_right_arithmetic3A_289 = vector.broadcast %shift_right_arithmetic3A_288 : i32 to vector<16xi32>
      %shift_right_arithmetic3A_290 = arith.shrsi %get3A_287, %shift_right_arithmetic3A_289 : vector<16xi32>
      %swap3A_291 = arith.index_cast %scan3A_227 : i32 to index
      %swap3A_292 = arith.constant 48 : index
      %swap3A_293 = tpu.vector_load %arg5[%swap3A_291, %swap3A_292] {strides = array<i32>} : memref<40x64xi32, #tpu.memory_space<vmem>>, vector<1x16xi32>,
      %swap3A_294 = vector.shape_cast %swap3A_293 : vector<1x16xi32> to vector<16xi32>
      %swap3A_295 = vector.shape_cast %shift_right_arithmetic3A_290 : vector<16xi32> to vector<1x16xi32>
      tpu.vector_store %arg5[%swap3A_291, %swap3A_292], %swap3A_295 {strides = array<i32>} : memref<40x64xi32, #tpu.memory_space<vmem>>, vector<1x16xi32>,
      %and3A_296 = arith.constant 16383 : i32
      %and3A_297 = vector.broadcast %and3A_296 : i32 to vector<16xi32>
      %and3A_298 = arith.andi %get3A_287, %and3A_297 : vector<16xi32>
      %swap3A_299 = arith.index_cast %scan3A_227 : i32 to index
      %swap3A_300 = arith.constant 48 : index
      %swap3A_301 = tpu.vector_load %arg6[%swap3A_299, %swap3A_300] {strides = array<i32>} : memref<40x64xi32, #tpu.memory_space<vmem>>, vector<1x16xi32>,
      %swap3A_302 = vector.shape_cast %swap3A_301 : vector<1x16xi32> to vector<16xi32>
      %swap3A_303 = vector.shape_cast %and3A_298 : vector<16xi32> to vector<1x16xi32>
      tpu.vector_store %arg6[%swap3A_299, %swap3A_300], %swap3A_303 {strides = array<i32>} : memref<40x64xi32, #tpu.memory_space<vmem>>, vector<1x16xi32>,
    }
    %scan3A_56 = arith.constant 40 : i32
    %dma_start3A = arith.constant 0 : i32
    %dma_start3A_57 = arith.constant 0 : i32
    %dma_start3A_58 = tpu.memref_slice %arg5[%dma_start3A, %dma_start3A_57] : memref<40x64xi32, #tpu.memory_space<vmem>> -> memref<1x64xi32, #tpu.memory_space<vmem>>
    %dma_start3A_59 = tpu.memref_squeeze %dma_start3A_58 : memref<1x64xi32, #tpu.memory_space<vmem>> -> memref<64xi32, #tpu.memory_space<vmem>>
    %dma_start3A_60 = arith.constant 0 : i32
    %dma_start3A_61 = arith.constant 0 : i32
    %dma_start3A_62 = tpu.memref_slice %arg2[%dma_start3A_60, %dma_start3A_61] : memref<80000x128xf32, #tpu.memory_space<hbm>> -> memref<80000x128xf32, #tpu.memory_space<hbm>>
    tpu.enqueue_indirect_dma source(%dma_start3A_62 : memref<80000x128xf32, #tpu.memory_space<hbm>>) target(%arg7 : memref<64x128xf32, #tpu.memory_space<vmem>>) offsets(%dma_start3A_59 : memref<64xi32, #tpu.memory_space<vmem>>) semaphore(%arg11 : memref<!tpu.dma_semaphore, #tpu.memory_space<semaphore_mem>>)
    %dma_start3A_63 = arith.constant 1 : i32
    %dma_start3A_64 = arith.constant 0 : i32
    %dma_start3A_65 = tpu.memref_slice %arg5[%dma_start3A_63, %dma_start3A_64] : memref<40x64xi32, #tpu.memory_space<vmem>> -> memref<1x64xi32, #tpu.memory_space<vmem>>
    %dma_start3A_66 = tpu.memref_squeeze %dma_start3A_65 : memref<1x64xi32, #tpu.memory_space<vmem>> -> memref<64xi32, #tpu.memory_space<vmem>>
    %dma_start3A_67 = arith.constant 0 : i32
    %dma_start3A_68 = arith.constant 0 : i32
    %dma_start3A_69 = tpu.memref_slice %arg2[%dma_start3A_67, %dma_start3A_68] : memref<80000x128xf32, #tpu.memory_space<hbm>> -> memref<80000x128xf32, #tpu.memory_space<hbm>>
    tpu.enqueue_indirect_dma source(%dma_start3A_69 : memref<80000x128xf32, #tpu.memory_space<hbm>>) target(%arg8 : memref<64x128xf32, #tpu.memory_space<vmem>>) offsets(%dma_start3A_66 : memref<64xi32, #tpu.memory_space<vmem>>) semaphore(%arg12 : memref<!tpu.dma_semaphore, #tpu.memory_space<semaphore_mem>>)
    %dma_start3A_70 = arith.constant 2 : i32
    %dma_start3A_71 = arith.constant 0 : i32
    %dma_start3A_72 = tpu.memref_slice %arg5[%dma_start3A_70, %dma_start3A_71] : memref<40x64xi32, #tpu.memory_space<vmem>> -> memref<1x64xi32, #tpu.memory_space<vmem>>
    %dma_start3A_73 = tpu.memref_squeeze %dma_start3A_72 : memref<1x64xi32, #tpu.memory_space<vmem>> -> memref<64xi32, #tpu.memory_space<vmem>>
    %dma_start3A_74 = arith.constant 0 : i32
    %dma_start3A_75 = arith.constant 0 : i32
    %dma_start3A_76 = tpu.memref_slice %arg2[%dma_start3A_74, %dma_start3A_75] : memref<80000x128xf32, #tpu.memory_space<hbm>> -> memref<80000x128xf32, #tpu.memory_space<hbm>>
    tpu.enqueue_indirect_dma source(%dma_start3A_76 : memref<80000x128xf32, #tpu.memory_space<hbm>>) target(%arg9 : memref<64x128xf32, #tpu.memory_space<vmem>>) offsets(%dma_start3A_73 : memref<64xi32, #tpu.memory_space<vmem>>) semaphore(%arg13 : memref<!tpu.dma_semaphore, #tpu.memory_space<semaphore_mem>>)
    %dma_start3A_77 = arith.constant 3 : i32
    %dma_start3A_78 = arith.constant 0 : i32
    %dma_start3A_79 = tpu.memref_slice %arg5[%dma_start3A_77, %dma_start3A_78] : memref<40x64xi32, #tpu.memory_space<vmem>> -> memref<1x64xi32, #tpu.memory_space<vmem>>
    %dma_start3A_80 = tpu.memref_squeeze %dma_start3A_79 : memref<1x64xi32, #tpu.memory_space<vmem>> -> memref<64xi32, #tpu.memory_space<vmem>>
    %dma_start3A_81 = arith.constant 0 : i32
    %dma_start3A_82 = arith.constant 0 : i32
    %dma_start3A_83 = tpu.memref_slice %arg2[%dma_start3A_81, %dma_start3A_82] : memref<80000x128xf32, #tpu.memory_space<hbm>> -> memref<80000x128xf32, #tpu.memory_space<hbm>>
    tpu.enqueue_indirect_dma source(%dma_start3A_83 : memref<80000x128xf32, #tpu.memory_space<hbm>>) target(%arg10 : memref<64x128xf32, #tpu.memory_space<vmem>>) offsets(%dma_start3A_80 : memref<64xi32, #tpu.memory_space<vmem>>) semaphore(%arg14 : memref<!tpu.dma_semaphore, #tpu.memory_space<semaphore_mem>>)
    %scan3A_84 = arith.constant 0 : i32
    %scan3A_85 = arith.constant 0 : i32
    %scan3A_86 = arith.constant 10 : i32
    %scan3A_87 = arith.addi %scan3A_85, %scan3A_86 : i32
    %scan3A_88 = arith.constant 1 : i32
    scf.for %scan3A_227 = %scan3A_85 to %scan3A_87 step %scan3A_88  : i32 {
      %mul3A_228 = arith.constant 4 : i32
      %mul3A_229 = arith.muli %mul3A_228, %scan3A_227 : i32
      %add3A_230 = arith.constant 0 : i32
      %add3A_231 = arith.addi %mul3A_229, %add3A_230 : i32
      %dma_wait3A = arith.constant 0 : i32
      %dma_wait3A_232 = tpu.memref_slice %arg5[%add3A_231, %dma_wait3A] : memref<40x64xi32, #tpu.memory_space<vmem>> -> memref<1x64xi32, #tpu.memory_space<vmem>>
      %dma_wait3A_233 = tpu.memref_squeeze %dma_wait3A_232 : memref<1x64xi32, #tpu.memory_space<vmem>> -> memref<64xi32, #tpu.memory_space<vmem>>
      %dma_wait3A_234 = arith.constant 0 : i32
      %dma_wait3A_235 = arith.constant 0 : i32
      %dma_wait3A_236 = tpu.memref_slice %arg2[%dma_wait3A_234, %dma_wait3A_235] : memref<80000x128xf32, #tpu.memory_space<hbm>> -> memref<80000x128xf32, #tpu.memory_space<hbm>>
      tpu.wait_indirect_dma semaphore(%arg11 : memref<!tpu.dma_semaphore, #tpu.memory_space<semaphore_mem>>) src(%dma_wait3A_236 : memref<80000x128xf32, #tpu.memory_space<hbm>>) dst(%arg7 : memref<64x128xf32, #tpu.memory_space<vmem>>)
      "tpu.region"() ({
        %run_scoped3A = tpu.sem_alloc : memref<!tpu.dma_semaphore, #tpu.memory_space<semaphore_mem>>
        %dma_start3A_286 = arith.constant 0 : i32
        %dma_start3A_287 = tpu.memref_slice %arg6[%add3A_231, %dma_start3A_286] : memref<40x64xi32, #tpu.memory_space<vmem>> -> memref<1x64xi32, #tpu.memory_space<vmem>>
        %dma_start3A_288 = tpu.memref_squeeze %dma_start3A_287 : memref<1x64xi32, #tpu.memory_space<vmem>> -> memref<64xi32, #tpu.memory_space<vmem>>
        %dma_start3A_289 = arith.constant 0 : i32
        %dma_start3A_290 = arith.constant 0 : i32
        %dma_start3A_291 = tpu.memref_slice %arg15[%dma_start3A_289, %dma_start3A_290] : memref<10240x128xf32, #tpu.memory_space<vmem_shared>> -> memref<10240x128xf32, #tpu.memory_space<vmem_shared>>
        tpu.enqueue_indirect_dma source(%arg7 : memref<64x128xf32, #tpu.memory_space<vmem>>) target(%dma_start3A_291 : memref<10240x128xf32, #tpu.memory_space<vmem_shared>>) offsets(%dma_start3A_288 : memref<64xi32, #tpu.memory_space<vmem>>) semaphore(%run_scoped3A : memref<!tpu.dma_semaphore, #tpu.memory_space<semaphore_mem>>) {add = true}
        %dma_wait3A_292 = arith.constant 0 : i32
        %dma_wait3A_293 = tpu.memref_slice %arg6[%add3A_231, %dma_wait3A_292] : memref<40x64xi32, #tpu.memory_space<vmem>> -> memref<1x64xi32, #tpu.memory_space<vmem>>
        %dma_wait3A_294 = tpu.memref_squeeze %dma_wait3A_293 : memref<1x64xi32, #tpu.memory_space<vmem>> -> memref<64xi32, #tpu.memory_space<vmem>>
        %dma_wait3A_295 = arith.constant 0 : i32
        %dma_wait3A_296 = arith.constant 0 : i32
        %dma_wait3A_297 = tpu.memref_slice %arg15[%dma_wait3A_295, %dma_wait3A_296] : memref<10240x128xf32, #tpu.memory_space<vmem_shared>> -> memref<10240x128xf32, #tpu.memory_space<vmem_shared>>
        tpu.wait_indirect_dma semaphore(%run_scoped3A : memref<!tpu.dma_semaphore, #tpu.memory_space<semaphore_mem>>) src(%arg7 : memref<64x128xf32, #tpu.memory_space<vmem>>) dst(%dma_wait3A_297 : memref<10240x128xf32, #tpu.memory_space<vmem_shared>>)
        tpu.yield
      }) : () -> ()
      %add3A_237 = arith.constant 4 : i32
      %add3A_238 = arith.addi %add3A_231, %add3A_237 : i32
      %lt3A = arith.constant 40 : i32
      %lt3A_239 = arith.cmpi slt, %add3A_238, %lt3A : i32
      %convert_element_type3A = arith.extui %lt3A_239 : i1 to i32
      %cond3A = arith.constant 0 : i32
      %cond3A_240 = arith.cmpi ne, %convert_element_type3A, %cond3A : i32
      scf.if %cond3A_240 {
        %add3A_286 = arith.constant 4 : i32
        %add3A_287 = arith.addi %add3A_231, %add3A_286 : i32
        %dma_start3A_288 = arith.constant 0 : i32
        %dma_start3A_289 = tpu.memref_slice %arg5[%add3A_287, %dma_start3A_288] : memref<40x64xi32, #tpu.memory_space<vmem>> -> memref<1x64xi32, #tpu.memory_space<vmem>>
        %dma_start3A_290 = tpu.memref_squeeze %dma_start3A_289 : memref<1x64xi32, #tpu.memory_space<vmem>> -> memref<64xi32, #tpu.memory_space<vmem>>
        %dma_start3A_291 = arith.constant 0 : i32
        %dma_start3A_292 = arith.constant 0 : i32
        %dma_start3A_293 = tpu.memref_slice %arg2[%dma_start3A_291, %dma_start3A_292] : memref<80000x128xf32, #tpu.memory_space<hbm>> -> memref<80000x128xf32, #tpu.memory_space<hbm>>
        tpu.enqueue_indirect_dma source(%dma_start3A_293 : memref<80000x128xf32, #tpu.memory_space<hbm>>) target(%arg7 : memref<64x128xf32, #tpu.memory_space<vmem>>) offsets(%dma_start3A_290 : memref<64xi32, #tpu.memory_space<vmem>>) semaphore(%arg11 : memref<!tpu.dma_semaphore, #tpu.memory_space<semaphore_mem>>)
      } else {
      }
      %add3A_241 = arith.constant 1 : i32
      %add3A_242 = arith.addi %mul3A_229, %add3A_241 : i32
      %dma_wait3A_243 = arith.constant 0 : i32
      %dma_wait3A_244 = tpu.memref_slice %arg5[%add3A_242, %dma_wait3A_243] : memref<40x64xi32, #tpu.memory_space<vmem>> -> memref<1x64xi32, #tpu.memory_space<vmem>>
      %dma_wait3A_245 = tpu.memref_squeeze %dma_wait3A_244 : memref<1x64xi32, #tpu.memory_space<vmem>> -> memref<64xi32, #tpu.memory_space<vmem>>
      %dma_wait3A_246 = arith.constant 0 : i32
      %dma_wait3A_247 = arith.constant 0 : i32
      %dma_wait3A_248 = tpu.memref_slice %arg2[%dma_wait3A_246, %dma_wait3A_247] : memref<80000x128xf32, #tpu.memory_space<hbm>> -> memref<80000x128xf32, #tpu.memory_space<hbm>>
      tpu.wait_indirect_dma semaphore(%arg12 : memref<!tpu.dma_semaphore, #tpu.memory_space<semaphore_mem>>) src(%dma_wait3A_248 : memref<80000x128xf32, #tpu.memory_space<hbm>>) dst(%arg8 : memref<64x128xf32, #tpu.memory_space<vmem>>)
      "tpu.region"() ({
        %run_scoped3A = tpu.sem_alloc : memref<!tpu.dma_semaphore, #tpu.memory_space<semaphore_mem>>
        %dma_start3A_286 = arith.constant 0 : i32
        %dma_start3A_287 = tpu.memref_slice %arg6[%add3A_242, %dma_start3A_286] : memref<40x64xi32, #tpu.memory_space<vmem>> -> memref<1x64xi32, #tpu.memory_space<vmem>>
        %dma_start3A_288 = tpu.memref_squeeze %dma_start3A_287 : memref<1x64xi32, #tpu.memory_space<vmem>> -> memref<64xi32, #tpu.memory_space<vmem>>
        %dma_start3A_289 = arith.constant 0 : i32
        %dma_start3A_290 = arith.constant 0 : i32
        %dma_start3A_291 = tpu.memref_slice %arg15[%dma_start3A_289, %dma_start3A_290] : memref<10240x128xf32, #tpu.memory_space<vmem_shared>> -> memref<10240x128xf32, #tpu.memory_space<vmem_shared>>
        tpu.enqueue_indirect_dma source(%arg8 : memref<64x128xf32, #tpu.memory_space<vmem>>) target(%dma_start3A_291 : memref<10240x128xf32, #tpu.memory_space<vmem_shared>>) offsets(%dma_start3A_288 : memref<64xi32, #tpu.memory_space<vmem>>) semaphore(%run_scoped3A : memref<!tpu.dma_semaphore, #tpu.memory_space<semaphore_mem>>) {add = true}
        %dma_wait3A_292 = arith.constant 0 : i32
        %dma_wait3A_293 = tpu.memref_slice %arg6[%add3A_242, %dma_wait3A_292] : memref<40x64xi32, #tpu.memory_space<vmem>> -> memref<1x64xi32, #tpu.memory_space<vmem>>
        %dma_wait3A_294 = tpu.memref_squeeze %dma_wait3A_293 : memref<1x64xi32, #tpu.memory_space<vmem>> -> memref<64xi32, #tpu.memory_space<vmem>>
        %dma_wait3A_295 = arith.constant 0 : i32
        %dma_wait3A_296 = arith.constant 0 : i32
        %dma_wait3A_297 = tpu.memref_slice %arg15[%dma_wait3A_295, %dma_wait3A_296] : memref<10240x128xf32, #tpu.memory_space<vmem_shared>> -> memref<10240x128xf32, #tpu.memory_space<vmem_shared>>
        tpu.wait_indirect_dma semaphore(%run_scoped3A : memref<!tpu.dma_semaphore, #tpu.memory_space<semaphore_mem>>) src(%arg8 : memref<64x128xf32, #tpu.memory_space<vmem>>) dst(%dma_wait3A_297 : memref<10240x128xf32, #tpu.memory_space<vmem_shared>>)
        tpu.yield
      }) : () -> ()
      %add3A_249 = arith.constant 4 : i32
      %add3A_250 = arith.addi %add3A_242, %add3A_249 : i32
      %lt3A_251 = arith.constant 40 : i32
      %lt3A_252 = arith.cmpi slt, %add3A_250, %lt3A_251 : i32
      %convert_element_type3A_253 = arith.extui %lt3A_252 : i1 to i32
      %cond3A_254 = arith.constant 0 : i32
      %cond3A_255 = arith.cmpi ne, %convert_element_type3A_253, %cond3A_254 : i32
      scf.if %cond3A_255 {
        %add3A_286 = arith.constant 4 : i32
        %add3A_287 = arith.addi %add3A_242, %add3A_286 : i32
        %dma_start3A_288 = arith.constant 0 : i32
        %dma_start3A_289 = tpu.memref_slice %arg5[%add3A_287, %dma_start3A_288] : memref<40x64xi32, #tpu.memory_space<vmem>> -> memref<1x64xi32, #tpu.memory_space<vmem>>
        %dma_start3A_290 = tpu.memref_squeeze %dma_start3A_289 : memref<1x64xi32, #tpu.memory_space<vmem>> -> memref<64xi32, #tpu.memory_space<vmem>>
        %dma_start3A_291 = arith.constant 0 : i32
        %dma_start3A_292 = arith.constant 0 : i32
        %dma_start3A_293 = tpu.memref_slice %arg2[%dma_start3A_291, %dma_start3A_292] : memref<80000x128xf32, #tpu.memory_space<hbm>> -> memref<80000x128xf32, #tpu.memory_space<hbm>>
        tpu.enqueue_indirect_dma source(%dma_start3A_293 : memref<80000x128xf32, #tpu.memory_space<hbm>>) target(%arg8 : memref<64x128xf32, #tpu.memory_space<vmem>>) offsets(%dma_start3A_290 : memref<64xi32, #tpu.memory_space<vmem>>) semaphore(%arg12 : memref<!tpu.dma_semaphore, #tpu.memory_space<semaphore_mem>>)
      } else {
      }
      %add3A_256 = arith.constant 2 : i32
      %add3A_257 = arith.addi %mul3A_229, %add3A_256 : i32
      %dma_wait3A_258 = arith.constant 0 : i32
      %dma_wait3A_259 = tpu.memref_slice %arg5[%add3A_257, %dma_wait3A_258] : memref<40x64xi32, #tpu.memory_space<vmem>> -> memref<1x64xi32, #tpu.memory_space<vmem>>
      %dma_wait3A_260 = tpu.memref_squeeze %dma_wait3A_259 : memref<1x64xi32, #tpu.memory_space<vmem>> -> memref<64xi32, #tpu.memory_space<vmem>>
      %dma_wait3A_261 = arith.constant 0 : i32
      %dma_wait3A_262 = arith.constant 0 : i32
      %dma_wait3A_263 = tpu.memref_slice %arg2[%dma_wait3A_261, %dma_wait3A_262] : memref<80000x128xf32, #tpu.memory_space<hbm>> -> memref<80000x128xf32, #tpu.memory_space<hbm>>
      tpu.wait_indirect_dma semaphore(%arg13 : memref<!tpu.dma_semaphore, #tpu.memory_space<semaphore_mem>>) src(%dma_wait3A_263 : memref<80000x128xf32, #tpu.memory_space<hbm>>) dst(%arg9 : memref<64x128xf32, #tpu.memory_space<vmem>>)
      "tpu.region"() ({
        %run_scoped3A = tpu.sem_alloc : memref<!tpu.dma_semaphore, #tpu.memory_space<semaphore_mem>>
        %dma_start3A_286 = arith.constant 0 : i32
        %dma_start3A_287 = tpu.memref_slice %arg6[%add3A_257, %dma_start3A_286] : memref<40x64xi32, #tpu.memory_space<vmem>> -> memref<1x64xi32, #tpu.memory_space<vmem>>
        %dma_start3A_288 = tpu.memref_squeeze %dma_start3A_287 : memref<1x64xi32, #tpu.memory_space<vmem>> -> memref<64xi32, #tpu.memory_space<vmem>>
        %dma_start3A_289 = arith.constant 0 : i32
        %dma_start3A_290 = arith.constant 0 : i32
        %dma_start3A_291 = tpu.memref_slice %arg15[%dma_start3A_289, %dma_start3A_290] : memref<10240x128xf32, #tpu.memory_space<vmem_shared>> -> memref<10240x128xf32, #tpu.memory_space<vmem_shared>>
        tpu.enqueue_indirect_dma source(%arg9 : memref<64x128xf32, #tpu.memory_space<vmem>>) target(%dma_start3A_291 : memref<10240x128xf32, #tpu.memory_space<vmem_shared>>) offsets(%dma_start3A_288 : memref<64xi32, #tpu.memory_space<vmem>>) semaphore(%run_scoped3A : memref<!tpu.dma_semaphore, #tpu.memory_space<semaphore_mem>>) {add = true}
        %dma_wait3A_292 = arith.constant 0 : i32
        %dma_wait3A_293 = tpu.memref_slice %arg6[%add3A_257, %dma_wait3A_292] : memref<40x64xi32, #tpu.memory_space<vmem>> -> memref<1x64xi32, #tpu.memory_space<vmem>>
        %dma_wait3A_294 = tpu.memref_squeeze %dma_wait3A_293 : memref<1x64xi32, #tpu.memory_space<vmem>> -> memref<64xi32, #tpu.memory_space<vmem>>
        %dma_wait3A_295 = arith.constant 0 : i32
        %dma_wait3A_296 = arith.constant 0 : i32
        %dma_wait3A_297 = tpu.memref_slice %arg15[%dma_wait3A_295, %dma_wait3A_296] : memref<10240x128xf32, #tpu.memory_space<vmem_shared>> -> memref<10240x128xf32, #tpu.memory_space<vmem_shared>>
        tpu.wait_indirect_dma semaphore(%run_scoped3A : memref<!tpu.dma_semaphore, #tpu.memory_space<semaphore_mem>>) src(%arg9 : memref<64x128xf32, #tpu.memory_space<vmem>>) dst(%dma_wait3A_297 : memref<10240x128xf32, #tpu.memory_space<vmem_shared>>)
        tpu.yield
      }) : () -> ()
      %add3A_264 = arith.constant 4 : i32
      %add3A_265 = arith.addi %add3A_257, %add3A_264 : i32
      %lt3A_266 = arith.constant 40 : i32
      %lt3A_267 = arith.cmpi slt, %add3A_265, %lt3A_266 : i32
      %convert_element_type3A_268 = arith.extui %lt3A_267 : i1 to i32
      %cond3A_269 = arith.constant 0 : i32
      %cond3A_270 = arith.cmpi ne, %convert_element_type3A_268, %cond3A_269 : i32
      scf.if %cond3A_270 {
        %add3A_286 = arith.constant 4 : i32
        %add3A_287 = arith.addi %add3A_257, %add3A_286 : i32
        %dma_start3A_288 = arith.constant 0 : i32
        %dma_start3A_289 = tpu.memref_slice %arg5[%add3A_287, %dma_start3A_288] : memref<40x64xi32, #tpu.memory_space<vmem>> -> memref<1x64xi32, #tpu.memory_space<vmem>>
        %dma_start3A_290 = tpu.memref_squeeze %dma_start3A_289 : memref<1x64xi32, #tpu.memory_space<vmem>> -> memref<64xi32, #tpu.memory_space<vmem>>
        %dma_start3A_291 = arith.constant 0 : i32
        %dma_start3A_292 = arith.constant 0 : i32
        %dma_start3A_293 = tpu.memref_slice %arg2[%dma_start3A_291, %dma_start3A_292] : memref<80000x128xf32, #tpu.memory_space<hbm>> -> memref<80000x128xf32, #tpu.memory_space<hbm>>
        tpu.enqueue_indirect_dma source(%dma_start3A_293 : memref<80000x128xf32, #tpu.memory_space<hbm>>) target(%arg9 : memref<64x128xf32, #tpu.memory_space<vmem>>) offsets(%dma_start3A_290 : memref<64xi32, #tpu.memory_space<vmem>>) semaphore(%arg13 : memref<!tpu.dma_semaphore, #tpu.memory_space<semaphore_mem>>)
      } else {
      }
      %add3A_271 = arith.constant 3 : i32
      %add3A_272 = arith.addi %mul3A_229, %add3A_271 : i32
      %dma_wait3A_273 = arith.constant 0 : i32
      %dma_wait3A_274 = tpu.memref_slice %arg5[%add3A_272, %dma_wait3A_273] : memref<40x64xi32, #tpu.memory_space<vmem>> -> memref<1x64xi32, #tpu.memory_space<vmem>>
      %dma_wait3A_275 = tpu.memref_squeeze %dma_wait3A_274 : memref<1x64xi32, #tpu.memory_space<vmem>> -> memref<64xi32, #tpu.memory_space<vmem>>
      %dma_wait3A_276 = arith.constant 0 : i32
      %dma_wait3A_277 = arith.constant 0 : i32
      %dma_wait3A_278 = tpu.memref_slice %arg2[%dma_wait3A_276, %dma_wait3A_277] : memref<80000x128xf32, #tpu.memory_space<hbm>> -> memref<80000x128xf32, #tpu.memory_space<hbm>>
      tpu.wait_indirect_dma semaphore(%arg14 : memref<!tpu.dma_semaphore, #tpu.memory_space<semaphore_mem>>) src(%dma_wait3A_278 : memref<80000x128xf32, #tpu.memory_space<hbm>>) dst(%arg10 : memref<64x128xf32, #tpu.memory_space<vmem>>)
      "tpu.region"() ({
        %run_scoped3A = tpu.sem_alloc : memref<!tpu.dma_semaphore, #tpu.memory_space<semaphore_mem>>
        %dma_start3A_286 = arith.constant 0 : i32
        %dma_start3A_287 = tpu.memref_slice %arg6[%add3A_272, %dma_start3A_286] : memref<40x64xi32, #tpu.memory_space<vmem>> -> memref<1x64xi32, #tpu.memory_space<vmem>>
        %dma_start3A_288 = tpu.memref_squeeze %dma_start3A_287 : memref<1x64xi32, #tpu.memory_space<vmem>> -> memref<64xi32, #tpu.memory_space<vmem>>
        %dma_start3A_289 = arith.constant 0 : i32
        %dma_start3A_290 = arith.constant 0 : i32
        %dma_start3A_291 = tpu.memref_slice %arg15[%dma_start3A_289, %dma_start3A_290] : memref<10240x128xf32, #tpu.memory_space<vmem_shared>> -> memref<10240x128xf32, #tpu.memory_space<vmem_shared>>
        tpu.enqueue_indirect_dma source(%arg10 : memref<64x128xf32, #tpu.memory_space<vmem>>) target(%dma_start3A_291 : memref<10240x128xf32, #tpu.memory_space<vmem_shared>>) offsets(%dma_start3A_288 : memref<64xi32, #tpu.memory_space<vmem>>) semaphore(%run_scoped3A : memref<!tpu.dma_semaphore, #tpu.memory_space<semaphore_mem>>) {add = true}
        %dma_wait3A_292 = arith.constant 0 : i32
        %dma_wait3A_293 = tpu.memref_slice %arg6[%add3A_272, %dma_wait3A_292] : memref<40x64xi32, #tpu.memory_space<vmem>> -> memref<1x64xi32, #tpu.memory_space<vmem>>
        %dma_wait3A_294 = tpu.memref_squeeze %dma_wait3A_293 : memref<1x64xi32, #tpu.memory_space<vmem>> -> memref<64xi32, #tpu.memory_space<vmem>>
        %dma_wait3A_295 = arith.constant 0 : i32
        %dma_wait3A_296 = arith.constant 0 : i32
        %dma_wait3A_297 = tpu.memref_slice %arg15[%dma_wait3A_295, %dma_wait3A_296] : memref<10240x128xf32, #tpu.memory_space<vmem_shared>> -> memref<10240x128xf32, #tpu.memory_space<vmem_shared>>
        tpu.wait_indirect_dma semaphore(%run_scoped3A : memref<!tpu.dma_semaphore, #tpu.memory_space<semaphore_mem>>) src(%arg10 : memref<64x128xf32, #tpu.memory_space<vmem>>) dst(%dma_wait3A_297 : memref<10240x128xf32, #tpu.memory_space<vmem_shared>>)
        tpu.yield
      }) : () -> ()
      %add3A_279 = arith.constant 4 : i32
      %add3A_280 = arith.addi %add3A_272, %add3A_279 : i32
      %lt3A_281 = arith.constant 40 : i32
      %lt3A_282 = arith.cmpi slt, %add3A_280, %lt3A_281 : i32
      %convert_element_type3A_283 = arith.extui %lt3A_282 : i1 to i32
      %cond3A_284 = arith.constant 0 : i32
      %cond3A_285 = arith.cmpi ne, %convert_element_type3A_283, %cond3A_284 : i32
      scf.if %cond3A_285 {
        %add3A_286 = arith.constant 4 : i32
        %add3A_287 = arith.addi %add3A_272, %add3A_286 : i32
        %dma_start3A_288 = arith.constant 0 : i32
        %dma_start3A_289 = tpu.memref_slice %arg5[%add3A_287, %dma_start3A_288] : memref<40x64xi32, #tpu.memory_space<vmem>> -> memref<1x64xi32, #tpu.memory_space<vmem>>
        %dma_start3A_290 = tpu.memref_squeeze %dma_start3A_289 : memref<1x64xi32, #tpu.memory_space<vmem>> -> memref<64xi32, #tpu.memory_space<vmem>>
        %dma_start3A_291 = arith.constant 0 : i32
        %dma_start3A_292 = arith.constant 0 : i32
        %dma_start3A_293 = tpu.memref_slice %arg2[%dma_start3A_291, %dma_start3A_292] : memref<80000x128xf32, #tpu.memory_space<hbm>> -> memref<80000x128xf32, #tpu.memory_space<hbm>>
        tpu.enqueue_indirect_dma source(%dma_start3A_293 : memref<80000x128xf32, #tpu.memory_space<hbm>>) target(%arg10 : memref<64x128xf32, #tpu.memory_space<vmem>>) offsets(%dma_start3A_290 : memref<64xi32, #tpu.memory_space<vmem>>) semaphore(%arg14 : memref<!tpu.dma_semaphore, #tpu.memory_space<semaphore_mem>>)
      } else {
      }
    }
    %scan3A_89 = arith.constant 10 : i32
    %mul3A_90 = arith.constant 4 : i32
    %mul3A_91 = arith.muli %add3A, %mul3A_90 : i32
    %add3A_92 = arith.constant 1 : i32
    %add3A_93 = arith.addi %mul3A_91, %add3A_92 : i32
    "tpu.region"() ({
      %run_scoped3A = tpu.sem_alloc : memref<!tpu.dma_semaphore, #tpu.memory_space<semaphore_mem>>
      %dma_start3A_227 = arith.constant 0 : i32
      %dma_start3A_228 = arith.constant 0 : i32
      %dma_start3A_229 = tpu.memref_slice %arg3[%add3A_93, %dma_start3A_227, %dma_start3A_228] : memref<128x40x64xi32, #tpu.memory_space<hbm>> -> memref<1x40x64xi32, #tpu.memory_space<hbm>>
      %dma_start3A_230 = tpu.memref_squeeze %dma_start3A_229 : memref<1x40x64xi32, #tpu.memory_space<hbm>> -> memref<40x64xi32, #tpu.memory_space<hbm>>
      %dma_start3A_231 = arith.constant 0 : i32
      %dma_start3A_232 = arith.constant 0 : i32
      %dma_start3A_233 = tpu.memref_slice %arg3[%add3A_93, %dma_start3A_231, %dma_start3A_232] : memref<128x40x64xi32, #tpu.memory_space<hbm>> -> memref<1x40x64xi32, #tpu.memory_space<hbm>>
      %dma_start3A_234 = tpu.memref_squeeze %dma_start3A_233 : memref<1x40x64xi32, #tpu.memory_space<hbm>> -> memref<40x64xi32, #tpu.memory_space<hbm>>
      tpu.enqueue_dma source(%dma_start3A_234 : memref<40x64xi32, #tpu.memory_space<hbm>>) target(%arg5 : memref<40x64xi32, #tpu.memory_space<vmem>>) target_semaphore(%run_scoped3A : memref<!tpu.dma_semaphore, #tpu.memory_space<semaphore_mem>>)
      %dma_wait3A = arith.constant 0 : i32
      %dma_wait3A_235 = arith.constant 0 : i32
      %dma_wait3A_236 = tpu.memref_slice %arg3[%add3A_93, %dma_wait3A, %dma_wait3A_235] : memref<128x40x64xi32, #tpu.memory_space<hbm>> -> memref<1x40x64xi32, #tpu.memory_space<hbm>>
      %dma_wait3A_237 = tpu.memref_squeeze %dma_wait3A_236 : memref<1x40x64xi32, #tpu.memory_space<hbm>> -> memref<40x64xi32, #tpu.memory_space<hbm>>
      %dma_wait3A_238 = arith.constant 0 : i32
      %dma_wait3A_239 = arith.constant 0 : i32
      %dma_wait3A_240 = tpu.memref_slice %arg3[%add3A_93, %dma_wait3A_238, %dma_wait3A_239] : memref<128x40x64xi32, #tpu.memory_space<hbm>> -> memref<1x40x64xi32, #tpu.memory_space<hbm>>
      %dma_wait3A_241 = tpu.memref_squeeze %dma_wait3A_240 : memref<1x40x64xi32, #tpu.memory_space<hbm>> -> memref<40x64xi32, #tpu.memory_space<hbm>>
      tpu.wait_dma2 semaphore(%run_scoped3A : memref<!tpu.dma_semaphore, #tpu.memory_space<semaphore_mem>>) src(%dma_wait3A_241 : memref<40x64xi32, #tpu.memory_space<hbm>>) dst(%arg5 : memref<40x64xi32, #tpu.memory_space<vmem>>)
      tpu.yield
    }) : () -> ()
    %scan3A_94 = arith.constant 0 : i32
    %scan3A_95 = arith.constant 0 : i32
    %scan3A_96 = arith.constant 40 : i32
    %scan3A_97 = arith.addi %scan3A_95, %scan3A_96 : i32
    %scan3A_98 = arith.constant 1 : i32
    scf.for %scan3A_227 = %scan3A_95 to %scan3A_97 step %scan3A_98  : i32 {
      %get3A = arith.index_cast %scan3A_227 : i32 to index
      %get3A_228 = arith.constant 0 : index
      %get3A_229 = tpu.vector_load %arg5[%get3A, %get3A_228] {strides = array<i32>} : memref<40x64xi32, #tpu.memory_space<vmem>>, vector<1x16xi32>,
      %get3A_230 = vector.shape_cast %get3A_229 : vector<1x16xi32> to vector<16xi32>
      %shift_right_arithmetic3A = arith.constant 14 : i32
      %shift_right_arithmetic3A_231 = vector.broadcast %shift_right_arithmetic3A : i32 to vector<16xi32>
      %shift_right_arithmetic3A_232 = arith.shrsi %get3A_230, %shift_right_arithmetic3A_231 : vector<16xi32>
      %swap3A = arith.index_cast %scan3A_227 : i32 to index
      %swap3A_233 = arith.constant 0 : index
      %swap3A_234 = tpu.vector_load %arg5[%swap3A, %swap3A_233] {strides = array<i32>} : memref<40x64xi32, #tpu.memory_space<vmem>>, vector<1x16xi32>,
      %swap3A_235 = vector.shape_cast %swap3A_234 : vector<1x16xi32> to vector<16xi32>
      %swap3A_236 = vector.shape_cast %shift_right_arithmetic3A_232 : vector<16xi32> to vector<1x16xi32>
      tpu.vector_store %arg5[%swap3A, %swap3A_233], %swap3A_236 {strides = array<i32>} : memref<40x64xi32, #tpu.memory_space<vmem>>, vector<1x16xi32>,
      %and3A = arith.constant 16383 : i32
      %and3A_237 = vector.broadcast %and3A : i32 to vector<16xi32>
      %and3A_238 = arith.andi %get3A_230, %and3A_237 : vector<16xi32>
      %swap3A_239 = arith.index_cast %scan3A_227 : i32 to index
      %swap3A_240 = arith.constant 0 : index
      %swap3A_241 = tpu.vector_load %arg6[%swap3A_239, %swap3A_240] {strides = array<i32>} : memref<40x64xi32, #tpu.memory_space<vmem>>, vector<1x16xi32>,
      %swap3A_242 = vector.shape_cast %swap3A_241 : vector<1x16xi32> to vector<16xi32>
      %swap3A_243 = vector.shape_cast %and3A_238 : vector<16xi32> to vector<1x16xi32>
      tpu.vector_store %arg6[%swap3A_239, %swap3A_240], %swap3A_243 {strides = array<i32>} : memref<40x64xi32, #tpu.memory_space<vmem>>, vector<1x16xi32>,
      %get3A_244 = arith.index_cast %scan3A_227 : i32 to index
      %get3A_245 = arith.constant 16 : index
      %get3A_246 = tpu.vector_load %arg5[%get3A_244, %get3A_245] {strides = array<i32>} : memref<40x64xi32, #tpu.memory_space<vmem>>, vector<1x16xi32>,
      %get3A_247 = vector.shape_cast %get3A_246 : vector<1x16xi32> to vector<16xi32>
      %shift_right_arithmetic3A_248 = arith.constant 14 : i32
      %shift_right_arithmetic3A_249 = vector.broadcast %shift_right_arithmetic3A_248 : i32 to vector<16xi32>
      %shift_right_arithmetic3A_250 = arith.shrsi %get3A_247, %shift_right_arithmetic3A_249 : vector<16xi32>
      %swap3A_251 = arith.index_cast %scan3A_227 : i32 to index
      %swap3A_252 = arith.constant 16 : index
      %swap3A_253 = tpu.vector_load %arg5[%swap3A_251, %swap3A_252] {strides = array<i32>} : memref<40x64xi32, #tpu.memory_space<vmem>>, vector<1x16xi32>,
      %swap3A_254 = vector.shape_cast %swap3A_253 : vector<1x16xi32> to vector<16xi32>
      %swap3A_255 = vector.shape_cast %shift_right_arithmetic3A_250 : vector<16xi32> to vector<1x16xi32>
      tpu.vector_store %arg5[%swap3A_251, %swap3A_252], %swap3A_255 {strides = array<i32>} : memref<40x64xi32, #tpu.memory_space<vmem>>, vector<1x16xi32>,
      %and3A_256 = arith.constant 16383 : i32
      %and3A_257 = vector.broadcast %and3A_256 : i32 to vector<16xi32>
      %and3A_258 = arith.andi %get3A_247, %and3A_257 : vector<16xi32>
      %swap3A_259 = arith.index_cast %scan3A_227 : i32 to index
      %swap3A_260 = arith.constant 16 : index
      %swap3A_261 = tpu.vector_load %arg6[%swap3A_259, %swap3A_260] {strides = array<i32>} : memref<40x64xi32, #tpu.memory_space<vmem>>, vector<1x16xi32>,
      %swap3A_262 = vector.shape_cast %swap3A_261 : vector<1x16xi32> to vector<16xi32>
      %swap3A_263 = vector.shape_cast %and3A_258 : vector<16xi32> to vector<1x16xi32>
      tpu.vector_store %arg6[%swap3A_259, %swap3A_260], %swap3A_263 {strides = array<i32>} : memref<40x64xi32, #tpu.memory_space<vmem>>, vector<1x16xi32>,
      %get3A_264 = arith.index_cast %scan3A_227 : i32 to index
      %get3A_265 = arith.constant 32 : index
      %get3A_266 = tpu.vector_load %arg5[%get3A_264, %get3A_265] {strides = array<i32>} : memref<40x64xi32, #tpu.memory_space<vmem>>, vector<1x16xi32>,
      %get3A_267 = vector.shape_cast %get3A_266 : vector<1x16xi32> to vector<16xi32>
      %shift_right_arithmetic3A_268 = arith.constant 14 : i32
      %shift_right_arithmetic3A_269 = vector.broadcast %shift_right_arithmetic3A_268 : i32 to vector<16xi32>
      %shift_right_arithmetic3A_270 = arith.shrsi %get3A_267, %shift_right_arithmetic3A_269 : vector<16xi32>
      %swap3A_271 = arith.index_cast %scan3A_227 : i32 to index
      %swap3A_272 = arith.constant 32 : index
      %swap3A_273 = tpu.vector_load %arg5[%swap3A_271, %swap3A_272] {strides = array<i32>} : memref<40x64xi32, #tpu.memory_space<vmem>>, vector<1x16xi32>,
      %swap3A_274 = vector.shape_cast %swap3A_273 : vector<1x16xi32> to vector<16xi32>
      %swap3A_275 = vector.shape_cast %shift_right_arithmetic3A_270 : vector<16xi32> to vector<1x16xi32>
      tpu.vector_store %arg5[%swap3A_271, %swap3A_272], %swap3A_275 {strides = array<i32>} : memref<40x64xi32, #tpu.memory_space<vmem>>, vector<1x16xi32>,
      %and3A_276 = arith.constant 16383 : i32
      %and3A_277 = vector.broadcast %and3A_276 : i32 to vector<16xi32>
      %and3A_278 = arith.andi %get3A_267, %and3A_277 : vector<16xi32>
      %swap3A_279 = arith.index_cast %scan3A_227 : i32 to index
      %swap3A_280 = arith.constant 32 : index
      %swap3A_281 = tpu.vector_load %arg6[%swap3A_279, %swap3A_280] {strides = array<i32>} : memref<40x64xi32, #tpu.memory_space<vmem>>, vector<1x16xi32>,
      %swap3A_282 = vector.shape_cast %swap3A_281 : vector<1x16xi32> to vector<16xi32>
      %swap3A_283 = vector.shape_cast %and3A_278 : vector<16xi32> to vector<1x16xi32>
      tpu.vector_store %arg6[%swap3A_279, %swap3A_280], %swap3A_283 {strides = array<i32>} : memref<40x64xi32, #tpu.memory_space<vmem>>, vector<1x16xi32>,
      %get3A_284 = arith.index_cast %scan3A_227 : i32 to index
      %get3A_285 = arith.constant 48 : index
      %get3A_286 = tpu.vector_load %arg5[%get3A_284, %get3A_285] {strides = array<i32>} : memref<40x64xi32, #tpu.memory_space<vmem>>, vector<1x16xi32>,
      %get3A_287 = vector.shape_cast %get3A_286 : vector<1x16xi32> to vector<16xi32>
      %shift_right_arithmetic3A_288 = arith.constant 14 : i32
      %shift_right_arithmetic3A_289 = vector.broadcast %shift_right_arithmetic3A_288 : i32 to vector<16xi32>
      %shift_right_arithmetic3A_290 = arith.shrsi %get3A_287, %shift_right_arithmetic3A_289 : vector<16xi32>
      %swap3A_291 = arith.index_cast %scan3A_227 : i32 to index
      %swap3A_292 = arith.constant 48 : index
      %swap3A_293 = tpu.vector_load %arg5[%swap3A_291, %swap3A_292] {strides = array<i32>} : memref<40x64xi32, #tpu.memory_space<vmem>>, vector<1x16xi32>,
      %swap3A_294 = vector.shape_cast %swap3A_293 : vector<1x16xi32> to vector<16xi32>
      %swap3A_295 = vector.shape_cast %shift_right_arithmetic3A_290 : vector<16xi32> to vector<1x16xi32>
      tpu.vector_store %arg5[%swap3A_291, %swap3A_292], %swap3A_295 {strides = array<i32>} : memref<40x64xi32, #tpu.memory_space<vmem>>, vector<1x16xi32>,
      %and3A_296 = arith.constant 16383 : i32
      %and3A_297 = vector.broadcast %and3A_296 : i32 to vector<16xi32>
      %and3A_298 = arith.andi %get3A_287, %and3A_297 : vector<16xi32>
      %swap3A_299 = arith.index_cast %scan3A_227 : i32 to index
      %swap3A_300 = arith.constant 48 : index
      %swap3A_301 = tpu.vector_load %arg6[%swap3A_299, %swap3A_300] {strides = array<i32>} : memref<40x64xi32, #tpu.memory_space<vmem>>, vector<1x16xi32>,
      %swap3A_302 = vector.shape_cast %swap3A_301 : vector<1x16xi32> to vector<16xi32>
      %swap3A_303 = vector.shape_cast %and3A_298 : vector<16xi32> to vector<1x16xi32>
      tpu.vector_store %arg6[%swap3A_299, %swap3A_300], %swap3A_303 {strides = array<i32>} : memref<40x64xi32, #tpu.memory_space<vmem>>, vector<1x16xi32>,
    }
    %scan3A_99 = arith.constant 40 : i32
    %dma_start3A_100 = arith.constant 0 : i32
    %dma_start3A_101 = arith.constant 0 : i32
    %dma_start3A_102 = tpu.memref_slice %arg5[%dma_start3A_100, %dma_start3A_101] : memref<40x64xi32, #tpu.memory_space<vmem>> -> memref<1x64xi32, #tpu.memory_space<vmem>>
    %dma_start3A_103 = tpu.memref_squeeze %dma_start3A_102 : memref<1x64xi32, #tpu.memory_space<vmem>> -> memref<64xi32, #tpu.memory_space<vmem>>
    %dma_start3A_104 = arith.constant 0 : i32
    %dma_start3A_105 = arith.constant 0 : i32
    %dma_start3A_106 = tpu.memref_slice %arg2[%dma_start3A_104, %dma_start3A_105] : memref<80000x128xf32, #tpu.memory_space<hbm>> -> memref<80000x128xf32, #tpu.memory_space<hbm>>
    tpu.enqueue_indirect_dma source(%dma_start3A_106 : memref<80000x128xf32, #tpu.memory_space<hbm>>) target(%arg7 : memref<64x128xf32, #tpu.memory_space<vmem>>) offsets(%dma_start3A_103 : memref<64xi32, #tpu.memory_space<vmem>>) semaphore(%arg11 : memref<!tpu.dma_semaphore, #tpu.memory_space<semaphore_mem>>)
    %dma_start3A_107 = arith.constant 1 : i32
    %dma_start3A_108 = arith.constant 0 : i32
    %dma_start3A_109 = tpu.memref_slice %arg5[%dma_start3A_107, %dma_start3A_108] : memref<40x64xi32, #tpu.memory_space<vmem>> -> memref<1x64xi32, #tpu.memory_space<vmem>>
    %dma_start3A_110 = tpu.memref_squeeze %dma_start3A_109 : memref<1x64xi32, #tpu.memory_space<vmem>> -> memref<64xi32, #tpu.memory_space<vmem>>
    %dma_start3A_111 = arith.constant 0 : i32
    %dma_start3A_112 = arith.constant 0 : i32
    %dma_start3A_113 = tpu.memref_slice %arg2[%dma_start3A_111, %dma_start3A_112] : memref<80000x128xf32, #tpu.memory_space<hbm>> -> memref<80000x128xf32, #tpu.memory_space<hbm>>
    tpu.enqueue_indirect_dma source(%dma_start3A_113 : memref<80000x128xf32, #tpu.memory_space<hbm>>) target(%arg8 : memref<64x128xf32, #tpu.memory_space<vmem>>) offsets(%dma_start3A_110 : memref<64xi32, #tpu.memory_space<vmem>>) semaphore(%arg12 : memref<!tpu.dma_semaphore, #tpu.memory_space<semaphore_mem>>)
    %dma_start3A_114 = arith.constant 2 : i32
    %dma_start3A_115 = arith.constant 0 : i32
    %dma_start3A_116 = tpu.memref_slice %arg5[%dma_start3A_114, %dma_start3A_115] : memref<40x64xi32, #tpu.memory_space<vmem>> -> memref<1x64xi32, #tpu.memory_space<vmem>>
    %dma_start3A_117 = tpu.memref_squeeze %dma_start3A_116 : memref<1x64xi32, #tpu.memory_space<vmem>> -> memref<64xi32, #tpu.memory_space<vmem>>
    %dma_start3A_118 = arith.constant 0 : i32
    %dma_start3A_119 = arith.constant 0 : i32
    %dma_start3A_120 = tpu.memref_slice %arg2[%dma_start3A_118, %dma_start3A_119] : memref<80000x128xf32, #tpu.memory_space<hbm>> -> memref<80000x128xf32, #tpu.memory_space<hbm>>
    tpu.enqueue_indirect_dma source(%dma_start3A_120 : memref<80000x128xf32, #tpu.memory_space<hbm>>) target(%arg9 : memref<64x128xf32, #tpu.memory_space<vmem>>) offsets(%dma_start3A_117 : memref<64xi32, #tpu.memory_space<vmem>>) semaphore(%arg13 : memref<!tpu.dma_semaphore, #tpu.memory_space<semaphore_mem>>)
    %dma_start3A_121 = arith.constant 3 : i32
    %dma_start3A_122 = arith.constant 0 : i32
    %dma_start3A_123 = tpu.memref_slice %arg5[%dma_start3A_121, %dma_start3A_122] : memref<40x64xi32, #tpu.memory_space<vmem>> -> memref<1x64xi32, #tpu.memory_space<vmem>>
    %dma_start3A_124 = tpu.memref_squeeze %dma_start3A_123 : memref<1x64xi32, #tpu.memory_space<vmem>> -> memref<64xi32, #tpu.memory_space<vmem>>
    %dma_start3A_125 = arith.constant 0 : i32
    %dma_start3A_126 = arith.constant 0 : i32
    %dma_start3A_127 = tpu.memref_slice %arg2[%dma_start3A_125, %dma_start3A_126] : memref<80000x128xf32, #tpu.memory_space<hbm>> -> memref<80000x128xf32, #tpu.memory_space<hbm>>
    tpu.enqueue_indirect_dma source(%dma_start3A_127 : memref<80000x128xf32, #tpu.memory_space<hbm>>) target(%arg10 : memref<64x128xf32, #tpu.memory_space<vmem>>) offsets(%dma_start3A_124 : memref<64xi32, #tpu.memory_space<vmem>>) semaphore(%arg14 : memref<!tpu.dma_semaphore, #tpu.memory_space<semaphore_mem>>)
    %scan3A_128 = arith.constant 0 : i32
    %scan3A_129 = arith.constant 0 : i32
    %scan3A_130 = arith.constant 10 : i32
    %scan3A_131 = arith.addi %scan3A_129, %scan3A_130 : i32
    %scan3A_132 = arith.constant 1 : i32
    scf.for %scan3A_227 = %scan3A_129 to %scan3A_131 step %scan3A_132  : i32 {
      %mul3A_228 = arith.constant 4 : i32
      %mul3A_229 = arith.muli %mul3A_228, %scan3A_227 : i32
      %add3A_230 = arith.constant 0 : i32
      %add3A_231 = arith.addi %mul3A_229, %add3A_230 : i32
      %dma_wait3A = arith.constant 0 : i32
      %dma_wait3A_232 = tpu.memref_slice %arg5[%add3A_231, %dma_wait3A] : memref<40x64xi32, #tpu.memory_space<vmem>> -> memref<1x64xi32, #tpu.memory_space<vmem>>
      %dma_wait3A_233 = tpu.memref_squeeze %dma_wait3A_232 : memref<1x64xi32, #tpu.memory_space<vmem>> -> memref<64xi32, #tpu.memory_space<vmem>>
      %dma_wait3A_234 = arith.constant 0 : i32
      %dma_wait3A_235 = arith.constant 0 : i32
      %dma_wait3A_236 = tpu.memref_slice %arg2[%dma_wait3A_234, %dma_wait3A_235] : memref<80000x128xf32, #tpu.memory_space<hbm>> -> memref<80000x128xf32, #tpu.memory_space<hbm>>
      tpu.wait_indirect_dma semaphore(%arg11 : memref<!tpu.dma_semaphore, #tpu.memory_space<semaphore_mem>>) src(%dma_wait3A_236 : memref<80000x128xf32, #tpu.memory_space<hbm>>) dst(%arg7 : memref<64x128xf32, #tpu.memory_space<vmem>>)
      "tpu.region"() ({
        %run_scoped3A = tpu.sem_alloc : memref<!tpu.dma_semaphore, #tpu.memory_space<semaphore_mem>>
        %dma_start3A_286 = arith.constant 0 : i32
        %dma_start3A_287 = tpu.memref_slice %arg6[%add3A_231, %dma_start3A_286] : memref<40x64xi32, #tpu.memory_space<vmem>> -> memref<1x64xi32, #tpu.memory_space<vmem>>
        %dma_start3A_288 = tpu.memref_squeeze %dma_start3A_287 : memref<1x64xi32, #tpu.memory_space<vmem>> -> memref<64xi32, #tpu.memory_space<vmem>>
        %dma_start3A_289 = arith.constant 0 : i32
        %dma_start3A_290 = arith.constant 0 : i32
        %dma_start3A_291 = tpu.memref_slice %arg15[%dma_start3A_289, %dma_start3A_290] : memref<10240x128xf32, #tpu.memory_space<vmem_shared>> -> memref<10240x128xf32, #tpu.memory_space<vmem_shared>>
        tpu.enqueue_indirect_dma source(%arg7 : memref<64x128xf32, #tpu.memory_space<vmem>>) target(%dma_start3A_291 : memref<10240x128xf32, #tpu.memory_space<vmem_shared>>) offsets(%dma_start3A_288 : memref<64xi32, #tpu.memory_space<vmem>>) semaphore(%run_scoped3A : memref<!tpu.dma_semaphore, #tpu.memory_space<semaphore_mem>>) {add = true}
        %dma_wait3A_292 = arith.constant 0 : i32
        %dma_wait3A_293 = tpu.memref_slice %arg6[%add3A_231, %dma_wait3A_292] : memref<40x64xi32, #tpu.memory_space<vmem>> -> memref<1x64xi32, #tpu.memory_space<vmem>>
        %dma_wait3A_294 = tpu.memref_squeeze %dma_wait3A_293 : memref<1x64xi32, #tpu.memory_space<vmem>> -> memref<64xi32, #tpu.memory_space<vmem>>
        %dma_wait3A_295 = arith.constant 0 : i32
        %dma_wait3A_296 = arith.constant 0 : i32
        %dma_wait3A_297 = tpu.memref_slice %arg15[%dma_wait3A_295, %dma_wait3A_296] : memref<10240x128xf32, #tpu.memory_space<vmem_shared>> -> memref<10240x128xf32, #tpu.memory_space<vmem_shared>>
        tpu.wait_indirect_dma semaphore(%run_scoped3A : memref<!tpu.dma_semaphore, #tpu.memory_space<semaphore_mem>>) src(%arg7 : memref<64x128xf32, #tpu.memory_space<vmem>>) dst(%dma_wait3A_297 : memref<10240x128xf32, #tpu.memory_space<vmem_shared>>)
        tpu.yield
      }) : () -> ()
      %add3A_237 = arith.constant 4 : i32
      %add3A_238 = arith.addi %add3A_231, %add3A_237 : i32
      %lt3A = arith.constant 40 : i32
      %lt3A_239 = arith.cmpi slt, %add3A_238, %lt3A : i32
      %convert_element_type3A = arith.extui %lt3A_239 : i1 to i32
      %cond3A = arith.constant 0 : i32
      %cond3A_240 = arith.cmpi ne, %convert_element_type3A, %cond3A : i32
      scf.if %cond3A_240 {
        %add3A_286 = arith.constant 4 : i32
        %add3A_287 = arith.addi %add3A_231, %add3A_286 : i32
        %dma_start3A_288 = arith.constant 0 : i32
        %dma_start3A_289 = tpu.memref_slice %arg5[%add3A_287, %dma_start3A_288] : memref<40x64xi32, #tpu.memory_space<vmem>> -> memref<1x64xi32, #tpu.memory_space<vmem>>
        %dma_start3A_290 = tpu.memref_squeeze %dma_start3A_289 : memref<1x64xi32, #tpu.memory_space<vmem>> -> memref<64xi32, #tpu.memory_space<vmem>>
        %dma_start3A_291 = arith.constant 0 : i32
        %dma_start3A_292 = arith.constant 0 : i32
        %dma_start3A_293 = tpu.memref_slice %arg2[%dma_start3A_291, %dma_start3A_292] : memref<80000x128xf32, #tpu.memory_space<hbm>> -> memref<80000x128xf32, #tpu.memory_space<hbm>>
        tpu.enqueue_indirect_dma source(%dma_start3A_293 : memref<80000x128xf32, #tpu.memory_space<hbm>>) target(%arg7 : memref<64x128xf32, #tpu.memory_space<vmem>>) offsets(%dma_start3A_290 : memref<64xi32, #tpu.memory_space<vmem>>) semaphore(%arg11 : memref<!tpu.dma_semaphore, #tpu.memory_space<semaphore_mem>>)
      } else {
      }
      %add3A_241 = arith.constant 1 : i32
      %add3A_242 = arith.addi %mul3A_229, %add3A_241 : i32
      %dma_wait3A_243 = arith.constant 0 : i32
      %dma_wait3A_244 = tpu.memref_slice %arg5[%add3A_242, %dma_wait3A_243] : memref<40x64xi32, #tpu.memory_space<vmem>> -> memref<1x64xi32, #tpu.memory_space<vmem>>
      %dma_wait3A_245 = tpu.memref_squeeze %dma_wait3A_244 : memref<1x64xi32, #tpu.memory_space<vmem>> -> memref<64xi32, #tpu.memory_space<vmem>>
      %dma_wait3A_246 = arith.constant 0 : i32
      %dma_wait3A_247 = arith.constant 0 : i32
      %dma_wait3A_248 = tpu.memref_slice %arg2[%dma_wait3A_246, %dma_wait3A_247] : memref<80000x128xf32, #tpu.memory_space<hbm>> -> memref<80000x128xf32, #tpu.memory_space<hbm>>
      tpu.wait_indirect_dma semaphore(%arg12 : memref<!tpu.dma_semaphore, #tpu.memory_space<semaphore_mem>>) src(%dma_wait3A_248 : memref<80000x128xf32, #tpu.memory_space<hbm>>) dst(%arg8 : memref<64x128xf32, #tpu.memory_space<vmem>>)
      "tpu.region"() ({
        %run_scoped3A = tpu.sem_alloc : memref<!tpu.dma_semaphore, #tpu.memory_space<semaphore_mem>>
        %dma_start3A_286 = arith.constant 0 : i32
        %dma_start3A_287 = tpu.memref_slice %arg6[%add3A_242, %dma_start3A_286] : memref<40x64xi32, #tpu.memory_space<vmem>> -> memref<1x64xi32, #tpu.memory_space<vmem>>
        %dma_start3A_288 = tpu.memref_squeeze %dma_start3A_287 : memref<1x64xi32, #tpu.memory_space<vmem>> -> memref<64xi32, #tpu.memory_space<vmem>>
        %dma_start3A_289 = arith.constant 0 : i32
        %dma_start3A_290 = arith.constant 0 : i32
        %dma_start3A_291 = tpu.memref_slice %arg15[%dma_start3A_289, %dma_start3A_290] : memref<10240x128xf32, #tpu.memory_space<vmem_shared>> -> memref<10240x128xf32, #tpu.memory_space<vmem_shared>>
        tpu.enqueue_indirect_dma source(%arg8 : memref<64x128xf32, #tpu.memory_space<vmem>>) target(%dma_start3A_291 : memref<10240x128xf32, #tpu.memory_space<vmem_shared>>) offsets(%dma_start3A_288 : memref<64xi32, #tpu.memory_space<vmem>>) semaphore(%run_scoped3A : memref<!tpu.dma_semaphore, #tpu.memory_space<semaphore_mem>>) {add = true}
        %dma_wait3A_292 = arith.constant 0 : i32
        %dma_wait3A_293 = tpu.memref_slice %arg6[%add3A_242, %dma_wait3A_292] : memref<40x64xi32, #tpu.memory_space<vmem>> -> memref<1x64xi32, #tpu.memory_space<vmem>>
        %dma_wait3A_294 = tpu.memref_squeeze %dma_wait3A_293 : memref<1x64xi32, #tpu.memory_space<vmem>> -> memref<64xi32, #tpu.memory_space<vmem>>
        %dma_wait3A_295 = arith.constant 0 : i32
        %dma_wait3A_296 = arith.constant 0 : i32
        %dma_wait3A_297 = tpu.memref_slice %arg15[%dma_wait3A_295, %dma_wait3A_296] : memref<10240x128xf32, #tpu.memory_space<vmem_shared>> -> memref<10240x128xf32, #tpu.memory_space<vmem_shared>>
        tpu.wait_indirect_dma semaphore(%run_scoped3A : memref<!tpu.dma_semaphore, #tpu.memory_space<semaphore_mem>>) src(%arg8 : memref<64x128xf32, #tpu.memory_space<vmem>>) dst(%dma_wait3A_297 : memref<10240x128xf32, #tpu.memory_space<vmem_shared>>)
        tpu.yield
      }) : () -> ()
      %add3A_249 = arith.constant 4 : i32
      %add3A_250 = arith.addi %add3A_242, %add3A_249 : i32
      %lt3A_251 = arith.constant 40 : i32
      %lt3A_252 = arith.cmpi slt, %add3A_250, %lt3A_251 : i32
      %convert_element_type3A_253 = arith.extui %lt3A_252 : i1 to i32
      %cond3A_254 = arith.constant 0 : i32
      %cond3A_255 = arith.cmpi ne, %convert_element_type3A_253, %cond3A_254 : i32
      scf.if %cond3A_255 {
        %add3A_286 = arith.constant 4 : i32
        %add3A_287 = arith.addi %add3A_242, %add3A_286 : i32
        %dma_start3A_288 = arith.constant 0 : i32
        %dma_start3A_289 = tpu.memref_slice %arg5[%add3A_287, %dma_start3A_288] : memref<40x64xi32, #tpu.memory_space<vmem>> -> memref<1x64xi32, #tpu.memory_space<vmem>>
        %dma_start3A_290 = tpu.memref_squeeze %dma_start3A_289 : memref<1x64xi32, #tpu.memory_space<vmem>> -> memref<64xi32, #tpu.memory_space<vmem>>
        %dma_start3A_291 = arith.constant 0 : i32
        %dma_start3A_292 = arith.constant 0 : i32
        %dma_start3A_293 = tpu.memref_slice %arg2[%dma_start3A_291, %dma_start3A_292] : memref<80000x128xf32, #tpu.memory_space<hbm>> -> memref<80000x128xf32, #tpu.memory_space<hbm>>
        tpu.enqueue_indirect_dma source(%dma_start3A_293 : memref<80000x128xf32, #tpu.memory_space<hbm>>) target(%arg8 : memref<64x128xf32, #tpu.memory_space<vmem>>) offsets(%dma_start3A_290 : memref<64xi32, #tpu.memory_space<vmem>>) semaphore(%arg12 : memref<!tpu.dma_semaphore, #tpu.memory_space<semaphore_mem>>)
      } else {
      }
      %add3A_256 = arith.constant 2 : i32
      %add3A_257 = arith.addi %mul3A_229, %add3A_256 : i32
      %dma_wait3A_258 = arith.constant 0 : i32
      %dma_wait3A_259 = tpu.memref_slice %arg5[%add3A_257, %dma_wait3A_258] : memref<40x64xi32, #tpu.memory_space<vmem>> -> memref<1x64xi32, #tpu.memory_space<vmem>>
      %dma_wait3A_260 = tpu.memref_squeeze %dma_wait3A_259 : memref<1x64xi32, #tpu.memory_space<vmem>> -> memref<64xi32, #tpu.memory_space<vmem>>
      %dma_wait3A_261 = arith.constant 0 : i32
      %dma_wait3A_262 = arith.constant 0 : i32
      %dma_wait3A_263 = tpu.memref_slice %arg2[%dma_wait3A_261, %dma_wait3A_262] : memref<80000x128xf32, #tpu.memory_space<hbm>> -> memref<80000x128xf32, #tpu.memory_space<hbm>>
      tpu.wait_indirect_dma semaphore(%arg13 : memref<!tpu.dma_semaphore, #tpu.memory_space<semaphore_mem>>) src(%dma_wait3A_263 : memref<80000x128xf32, #tpu.memory_space<hbm>>) dst(%arg9 : memref<64x128xf32, #tpu.memory_space<vmem>>)
      "tpu.region"() ({
        %run_scoped3A = tpu.sem_alloc : memref<!tpu.dma_semaphore, #tpu.memory_space<semaphore_mem>>
        %dma_start3A_286 = arith.constant 0 : i32
        %dma_start3A_287 = tpu.memref_slice %arg6[%add3A_257, %dma_start3A_286] : memref<40x64xi32, #tpu.memory_space<vmem>> -> memref<1x64xi32, #tpu.memory_space<vmem>>
        %dma_start3A_288 = tpu.memref_squeeze %dma_start3A_287 : memref<1x64xi32, #tpu.memory_space<vmem>> -> memref<64xi32, #tpu.memory_space<vmem>>
        %dma_start3A_289 = arith.constant 0 : i32
        %dma_start3A_290 = arith.constant 0 : i32
        %dma_start3A_291 = tpu.memref_slice %arg15[%dma_start3A_289, %dma_start3A_290] : memref<10240x128xf32, #tpu.memory_space<vmem_shared>> -> memref<10240x128xf32, #tpu.memory_space<vmem_shared>>
        tpu.enqueue_indirect_dma source(%arg9 : memref<64x128xf32, #tpu.memory_space<vmem>>) target(%dma_start3A_291 : memref<10240x128xf32, #tpu.memory_space<vmem_shared>>) offsets(%dma_start3A_288 : memref<64xi32, #tpu.memory_space<vmem>>) semaphore(%run_scoped3A : memref<!tpu.dma_semaphore, #tpu.memory_space<semaphore_mem>>) {add = true}
        %dma_wait3A_292 = arith.constant 0 : i32
        %dma_wait3A_293 = tpu.memref_slice %arg6[%add3A_257, %dma_wait3A_292] : memref<40x64xi32, #tpu.memory_space<vmem>> -> memref<1x64xi32, #tpu.memory_space<vmem>>
        %dma_wait3A_294 = tpu.memref_squeeze %dma_wait3A_293 : memref<1x64xi32, #tpu.memory_space<vmem>> -> memref<64xi32, #tpu.memory_space<vmem>>
        %dma_wait3A_295 = arith.constant 0 : i32
        %dma_wait3A_296 = arith.constant 0 : i32
        %dma_wait3A_297 = tpu.memref_slice %arg15[%dma_wait3A_295, %dma_wait3A_296] : memref<10240x128xf32, #tpu.memory_space<vmem_shared>> -> memref<10240x128xf32, #tpu.memory_space<vmem_shared>>
        tpu.wait_indirect_dma semaphore(%run_scoped3A : memref<!tpu.dma_semaphore, #tpu.memory_space<semaphore_mem>>) src(%arg9 : memref<64x128xf32, #tpu.memory_space<vmem>>) dst(%dma_wait3A_297 : memref<10240x128xf32, #tpu.memory_space<vmem_shared>>)
        tpu.yield
      }) : () -> ()
      %add3A_264 = arith.constant 4 : i32
      %add3A_265 = arith.addi %add3A_257, %add3A_264 : i32
      %lt3A_266 = arith.constant 40 : i32
      %lt3A_267 = arith.cmpi slt, %add3A_265, %lt3A_266 : i32
      %convert_element_type3A_268 = arith.extui %lt3A_267 : i1 to i32
      %cond3A_269 = arith.constant 0 : i32
      %cond3A_270 = arith.cmpi ne, %convert_element_type3A_268, %cond3A_269 : i32
      scf.if %cond3A_270 {
        %add3A_286 = arith.constant 4 : i32
        %add3A_287 = arith.addi %add3A_257, %add3A_286 : i32
        %dma_start3A_288 = arith.constant 0 : i32
        %dma_start3A_289 = tpu.memref_slice %arg5[%add3A_287, %dma_start3A_288] : memref<40x64xi32, #tpu.memory_space<vmem>> -> memref<1x64xi32, #tpu.memory_space<vmem>>
        %dma_start3A_290 = tpu.memref_squeeze %dma_start3A_289 : memref<1x64xi32, #tpu.memory_space<vmem>> -> memref<64xi32, #tpu.memory_space<vmem>>
        %dma_start3A_291 = arith.constant 0 : i32
        %dma_start3A_292 = arith.constant 0 : i32
        %dma_start3A_293 = tpu.memref_slice %arg2[%dma_start3A_291, %dma_start3A_292] : memref<80000x128xf32, #tpu.memory_space<hbm>> -> memref<80000x128xf32, #tpu.memory_space<hbm>>
        tpu.enqueue_indirect_dma source(%dma_start3A_293 : memref<80000x128xf32, #tpu.memory_space<hbm>>) target(%arg9 : memref<64x128xf32, #tpu.memory_space<vmem>>) offsets(%dma_start3A_290 : memref<64xi32, #tpu.memory_space<vmem>>) semaphore(%arg13 : memref<!tpu.dma_semaphore, #tpu.memory_space<semaphore_mem>>)
      } else {
      }
      %add3A_271 = arith.constant 3 : i32
      %add3A_272 = arith.addi %mul3A_229, %add3A_271 : i32
      %dma_wait3A_273 = arith.constant 0 : i32
      %dma_wait3A_274 = tpu.memref_slice %arg5[%add3A_272, %dma_wait3A_273] : memref<40x64xi32, #tpu.memory_space<vmem>> -> memref<1x64xi32, #tpu.memory_space<vmem>>
      %dma_wait3A_275 = tpu.memref_squeeze %dma_wait3A_274 : memref<1x64xi32, #tpu.memory_space<vmem>> -> memref<64xi32, #tpu.memory_space<vmem>>
      %dma_wait3A_276 = arith.constant 0 : i32
      %dma_wait3A_277 = arith.constant 0 : i32
      %dma_wait3A_278 = tpu.memref_slice %arg2[%dma_wait3A_276, %dma_wait3A_277] : memref<80000x128xf32, #tpu.memory_space<hbm>> -> memref<80000x128xf32, #tpu.memory_space<hbm>>
      tpu.wait_indirect_dma semaphore(%arg14 : memref<!tpu.dma_semaphore, #tpu.memory_space<semaphore_mem>>) src(%dma_wait3A_278 : memref<80000x128xf32, #tpu.memory_space<hbm>>) dst(%arg10 : memref<64x128xf32, #tpu.memory_space<vmem>>)
      "tpu.region"() ({
        %run_scoped3A = tpu.sem_alloc : memref<!tpu.dma_semaphore, #tpu.memory_space<semaphore_mem>>
        %dma_start3A_286 = arith.constant 0 : i32
        %dma_start3A_287 = tpu.memref_slice %arg6[%add3A_272, %dma_start3A_286] : memref<40x64xi32, #tpu.memory_space<vmem>> -> memref<1x64xi32, #tpu.memory_space<vmem>>
        %dma_start3A_288 = tpu.memref_squeeze %dma_start3A_287 : memref<1x64xi32, #tpu.memory_space<vmem>> -> memref<64xi32, #tpu.memory_space<vmem>>
        %dma_start3A_289 = arith.constant 0 : i32
        %dma_start3A_290 = arith.constant 0 : i32
        %dma_start3A_291 = tpu.memref_slice %arg15[%dma_start3A_289, %dma_start3A_290] : memref<10240x128xf32, #tpu.memory_space<vmem_shared>> -> memref<10240x128xf32, #tpu.memory_space<vmem_shared>>
        tpu.enqueue_indirect_dma source(%arg10 : memref<64x128xf32, #tpu.memory_space<vmem>>) target(%dma_start3A_291 : memref<10240x128xf32, #tpu.memory_space<vmem_shared>>) offsets(%dma_start3A_288 : memref<64xi32, #tpu.memory_space<vmem>>) semaphore(%run_scoped3A : memref<!tpu.dma_semaphore, #tpu.memory_space<semaphore_mem>>) {add = true}
        %dma_wait3A_292 = arith.constant 0 : i32
        %dma_wait3A_293 = tpu.memref_slice %arg6[%add3A_272, %dma_wait3A_292] : memref<40x64xi32, #tpu.memory_space<vmem>> -> memref<1x64xi32, #tpu.memory_space<vmem>>
        %dma_wait3A_294 = tpu.memref_squeeze %dma_wait3A_293 : memref<1x64xi32, #tpu.memory_space<vmem>> -> memref<64xi32, #tpu.memory_space<vmem>>
        %dma_wait3A_295 = arith.constant 0 : i32
        %dma_wait3A_296 = arith.constant 0 : i32
        %dma_wait3A_297 = tpu.memref_slice %arg15[%dma_wait3A_295, %dma_wait3A_296] : memref<10240x128xf32, #tpu.memory_space<vmem_shared>> -> memref<10240x128xf32, #tpu.memory_space<vmem_shared>>
        tpu.wait_indirect_dma semaphore(%run_scoped3A : memref<!tpu.dma_semaphore, #tpu.memory_space<semaphore_mem>>) src(%arg10 : memref<64x128xf32, #tpu.memory_space<vmem>>) dst(%dma_wait3A_297 : memref<10240x128xf32, #tpu.memory_space<vmem_shared>>)
        tpu.yield
      }) : () -> ()
      %add3A_279 = arith.constant 4 : i32
      %add3A_280 = arith.addi %add3A_272, %add3A_279 : i32
      %lt3A_281 = arith.constant 40 : i32
      %lt3A_282 = arith.cmpi slt, %add3A_280, %lt3A_281 : i32
      %convert_element_type3A_283 = arith.extui %lt3A_282 : i1 to i32
      %cond3A_284 = arith.constant 0 : i32
      %cond3A_285 = arith.cmpi ne, %convert_element_type3A_283, %cond3A_284 : i32
      scf.if %cond3A_285 {
        %add3A_286 = arith.constant 4 : i32
        %add3A_287 = arith.addi %add3A_272, %add3A_286 : i32
        %dma_start3A_288 = arith.constant 0 : i32
        %dma_start3A_289 = tpu.memref_slice %arg5[%add3A_287, %dma_start3A_288] : memref<40x64xi32, #tpu.memory_space<vmem>> -> memref<1x64xi32, #tpu.memory_space<vmem>>
        %dma_start3A_290 = tpu.memref_squeeze %dma_start3A_289 : memref<1x64xi32, #tpu.memory_space<vmem>> -> memref<64xi32, #tpu.memory_space<vmem>>
        %dma_start3A_291 = arith.constant 0 : i32
        %dma_start3A_292 = arith.constant 0 : i32
        %dma_start3A_293 = tpu.memref_slice %arg2[%dma_start3A_291, %dma_start3A_292] : memref<80000x128xf32, #tpu.memory_space<hbm>> -> memref<80000x128xf32, #tpu.memory_space<hbm>>
        tpu.enqueue_indirect_dma source(%dma_start3A_293 : memref<80000x128xf32, #tpu.memory_space<hbm>>) target(%arg10 : memref<64x128xf32, #tpu.memory_space<vmem>>) offsets(%dma_start3A_290 : memref<64xi32, #tpu.memory_space<vmem>>) semaphore(%arg14 : memref<!tpu.dma_semaphore, #tpu.memory_space<semaphore_mem>>)
      } else {
      }
    }
    %scan3A_133 = arith.constant 10 : i32
    %mul3A_134 = arith.constant 4 : i32
    %mul3A_135 = arith.muli %add3A, %mul3A_134 : i32
    %add3A_136 = arith.constant 2 : i32
    %add3A_137 = arith.addi %mul3A_135, %add3A_136 : i32
    "tpu.region"() ({
      %run_scoped3A = tpu.sem_alloc : memref<!tpu.dma_semaphore, #tpu.memory_space<semaphore_mem>>
      %dma_start3A_227 = arith.constant 0 : i32
      %dma_start3A_228 = arith.constant 0 : i32
      %dma_start3A_229 = tpu.memref_slice %arg3[%add3A_137, %dma_start3A_227, %dma_start3A_228] : memref<128x40x64xi32, #tpu.memory_space<hbm>> -> memref<1x40x64xi32, #tpu.memory_space<hbm>>
      %dma_start3A_230 = tpu.memref_squeeze %dma_start3A_229 : memref<1x40x64xi32, #tpu.memory_space<hbm>> -> memref<40x64xi32, #tpu.memory_space<hbm>>
      %dma_start3A_231 = arith.constant 0 : i32
      %dma_start3A_232 = arith.constant 0 : i32
      %dma_start3A_233 = tpu.memref_slice %arg3[%add3A_137, %dma_start3A_231, %dma_start3A_232] : memref<128x40x64xi32, #tpu.memory_space<hbm>> -> memref<1x40x64xi32, #tpu.memory_space<hbm>>
      %dma_start3A_234 = tpu.memref_squeeze %dma_start3A_233 : memref<1x40x64xi32, #tpu.memory_space<hbm>> -> memref<40x64xi32, #tpu.memory_space<hbm>>
      tpu.enqueue_dma source(%dma_start3A_234 : memref<40x64xi32, #tpu.memory_space<hbm>>) target(%arg5 : memref<40x64xi32, #tpu.memory_space<vmem>>) target_semaphore(%run_scoped3A : memref<!tpu.dma_semaphore, #tpu.memory_space<semaphore_mem>>)
      %dma_wait3A = arith.constant 0 : i32
      %dma_wait3A_235 = arith.constant 0 : i32
      %dma_wait3A_236 = tpu.memref_slice %arg3[%add3A_137, %dma_wait3A, %dma_wait3A_235] : memref<128x40x64xi32, #tpu.memory_space<hbm>> -> memref<1x40x64xi32, #tpu.memory_space<hbm>>
      %dma_wait3A_237 = tpu.memref_squeeze %dma_wait3A_236 : memref<1x40x64xi32, #tpu.memory_space<hbm>> -> memref<40x64xi32, #tpu.memory_space<hbm>>
      %dma_wait3A_238 = arith.constant 0 : i32
      %dma_wait3A_239 = arith.constant 0 : i32
      %dma_wait3A_240 = tpu.memref_slice %arg3[%add3A_137, %dma_wait3A_238, %dma_wait3A_239] : memref<128x40x64xi32, #tpu.memory_space<hbm>> -> memref<1x40x64xi32, #tpu.memory_space<hbm>>
      %dma_wait3A_241 = tpu.memref_squeeze %dma_wait3A_240 : memref<1x40x64xi32, #tpu.memory_space<hbm>> -> memref<40x64xi32, #tpu.memory_space<hbm>>
      tpu.wait_dma2 semaphore(%run_scoped3A : memref<!tpu.dma_semaphore, #tpu.memory_space<semaphore_mem>>) src(%dma_wait3A_241 : memref<40x64xi32, #tpu.memory_space<hbm>>) dst(%arg5 : memref<40x64xi32, #tpu.memory_space<vmem>>)
      tpu.yield
    }) : () -> ()
    %scan3A_138 = arith.constant 0 : i32
    %scan3A_139 = arith.constant 0 : i32
    %scan3A_140 = arith.constant 40 : i32
    %scan3A_141 = arith.addi %scan3A_139, %scan3A_140 : i32
    %scan3A_142 = arith.constant 1 : i32
    scf.for %scan3A_227 = %scan3A_139 to %scan3A_141 step %scan3A_142  : i32 {
      %get3A = arith.index_cast %scan3A_227 : i32 to index
      %get3A_228 = arith.constant 0 : index
      %get3A_229 = tpu.vector_load %arg5[%get3A, %get3A_228] {strides = array<i32>} : memref<40x64xi32, #tpu.memory_space<vmem>>, vector<1x16xi32>,
      %get3A_230 = vector.shape_cast %get3A_229 : vector<1x16xi32> to vector<16xi32>
      %shift_right_arithmetic3A = arith.constant 14 : i32
      %shift_right_arithmetic3A_231 = vector.broadcast %shift_right_arithmetic3A : i32 to vector<16xi32>
      %shift_right_arithmetic3A_232 = arith.shrsi %get3A_230, %shift_right_arithmetic3A_231 : vector<16xi32>
      %swap3A = arith.index_cast %scan3A_227 : i32 to index
      %swap3A_233 = arith.constant 0 : index
      %swap3A_234 = tpu.vector_load %arg5[%swap3A, %swap3A_233] {strides = array<i32>} : memref<40x64xi32, #tpu.memory_space<vmem>>, vector<1x16xi32>,
      %swap3A_235 = vector.shape_cast %swap3A_234 : vector<1x16xi32> to vector<16xi32>
      %swap3A_236 = vector.shape_cast %shift_right_arithmetic3A_232 : vector<16xi32> to vector<1x16xi32>
      tpu.vector_store %arg5[%swap3A, %swap3A_233], %swap3A_236 {strides = array<i32>} : memref<40x64xi32, #tpu.memory_space<vmem>>, vector<1x16xi32>,
      %and3A = arith.constant 16383 : i32
      %and3A_237 = vector.broadcast %and3A : i32 to vector<16xi32>
      %and3A_238 = arith.andi %get3A_230, %and3A_237 : vector<16xi32>
      %swap3A_239 = arith.index_cast %scan3A_227 : i32 to index
      %swap3A_240 = arith.constant 0 : index
      %swap3A_241 = tpu.vector_load %arg6[%swap3A_239, %swap3A_240] {strides = array<i32>} : memref<40x64xi32, #tpu.memory_space<vmem>>, vector<1x16xi32>,
      %swap3A_242 = vector.shape_cast %swap3A_241 : vector<1x16xi32> to vector<16xi32>
      %swap3A_243 = vector.shape_cast %and3A_238 : vector<16xi32> to vector<1x16xi32>
      tpu.vector_store %arg6[%swap3A_239, %swap3A_240], %swap3A_243 {strides = array<i32>} : memref<40x64xi32, #tpu.memory_space<vmem>>, vector<1x16xi32>,
      %get3A_244 = arith.index_cast %scan3A_227 : i32 to index
      %get3A_245 = arith.constant 16 : index
      %get3A_246 = tpu.vector_load %arg5[%get3A_244, %get3A_245] {strides = array<i32>} : memref<40x64xi32, #tpu.memory_space<vmem>>, vector<1x16xi32>,
      %get3A_247 = vector.shape_cast %get3A_246 : vector<1x16xi32> to vector<16xi32>
      %shift_right_arithmetic3A_248 = arith.constant 14 : i32
      %shift_right_arithmetic3A_249 = vector.broadcast %shift_right_arithmetic3A_248 : i32 to vector<16xi32>
      %shift_right_arithmetic3A_250 = arith.shrsi %get3A_247, %shift_right_arithmetic3A_249 : vector<16xi32>
      %swap3A_251 = arith.index_cast %scan3A_227 : i32 to index
      %swap3A_252 = arith.constant 16 : index
      %swap3A_253 = tpu.vector_load %arg5[%swap3A_251, %swap3A_252] {strides = array<i32>} : memref<40x64xi32, #tpu.memory_space<vmem>>, vector<1x16xi32>,
      %swap3A_254 = vector.shape_cast %swap3A_253 : vector<1x16xi32> to vector<16xi32>
      %swap3A_255 = vector.shape_cast %shift_right_arithmetic3A_250 : vector<16xi32> to vector<1x16xi32>
      tpu.vector_store %arg5[%swap3A_251, %swap3A_252], %swap3A_255 {strides = array<i32>} : memref<40x64xi32, #tpu.memory_space<vmem>>, vector<1x16xi32>,
      %and3A_256 = arith.constant 16383 : i32
      %and3A_257 = vector.broadcast %and3A_256 : i32 to vector<16xi32>
      %and3A_258 = arith.andi %get3A_247, %and3A_257 : vector<16xi32>
      %swap3A_259 = arith.index_cast %scan3A_227 : i32 to index
      %swap3A_260 = arith.constant 16 : index
      %swap3A_261 = tpu.vector_load %arg6[%swap3A_259, %swap3A_260] {strides = array<i32>} : memref<40x64xi32, #tpu.memory_space<vmem>>, vector<1x16xi32>,
      %swap3A_262 = vector.shape_cast %swap3A_261 : vector<1x16xi32> to vector<16xi32>
      %swap3A_263 = vector.shape_cast %and3A_258 : vector<16xi32> to vector<1x16xi32>
      tpu.vector_store %arg6[%swap3A_259, %swap3A_260], %swap3A_263 {strides = array<i32>} : memref<40x64xi32, #tpu.memory_space<vmem>>, vector<1x16xi32>,
      %get3A_264 = arith.index_cast %scan3A_227 : i32 to index
      %get3A_265 = arith.constant 32 : index
      %get3A_266 = tpu.vector_load %arg5[%get3A_264, %get3A_265] {strides = array<i32>} : memref<40x64xi32, #tpu.memory_space<vmem>>, vector<1x16xi32>,
      %get3A_267 = vector.shape_cast %get3A_266 : vector<1x16xi32> to vector<16xi32>
      %shift_right_arithmetic3A_268 = arith.constant 14 : i32
      %shift_right_arithmetic3A_269 = vector.broadcast %shift_right_arithmetic3A_268 : i32 to vector<16xi32>
      %shift_right_arithmetic3A_270 = arith.shrsi %get3A_267, %shift_right_arithmetic3A_269 : vector<16xi32>
      %swap3A_271 = arith.index_cast %scan3A_227 : i32 to index
      %swap3A_272 = arith.constant 32 : index
      %swap3A_273 = tpu.vector_load %arg5[%swap3A_271, %swap3A_272] {strides = array<i32>} : memref<40x64xi32, #tpu.memory_space<vmem>>, vector<1x16xi32>,
      %swap3A_274 = vector.shape_cast %swap3A_273 : vector<1x16xi32> to vector<16xi32>
      %swap3A_275 = vector.shape_cast %shift_right_arithmetic3A_270 : vector<16xi32> to vector<1x16xi32>
      tpu.vector_store %arg5[%swap3A_271, %swap3A_272], %swap3A_275 {strides = array<i32>} : memref<40x64xi32, #tpu.memory_space<vmem>>, vector<1x16xi32>,
      %and3A_276 = arith.constant 16383 : i32
      %and3A_277 = vector.broadcast %and3A_276 : i32 to vector<16xi32>
      %and3A_278 = arith.andi %get3A_267, %and3A_277 : vector<16xi32>
      %swap3A_279 = arith.index_cast %scan3A_227 : i32 to index
      %swap3A_280 = arith.constant 32 : index
      %swap3A_281 = tpu.vector_load %arg6[%swap3A_279, %swap3A_280] {strides = array<i32>} : memref<40x64xi32, #tpu.memory_space<vmem>>, vector<1x16xi32>,
      %swap3A_282 = vector.shape_cast %swap3A_281 : vector<1x16xi32> to vector<16xi32>
      %swap3A_283 = vector.shape_cast %and3A_278 : vector<16xi32> to vector<1x16xi32>
      tpu.vector_store %arg6[%swap3A_279, %swap3A_280], %swap3A_283 {strides = array<i32>} : memref<40x64xi32, #tpu.memory_space<vmem>>, vector<1x16xi32>,
      %get3A_284 = arith.index_cast %scan3A_227 : i32 to index
      %get3A_285 = arith.constant 48 : index
      %get3A_286 = tpu.vector_load %arg5[%get3A_284, %get3A_285] {strides = array<i32>} : memref<40x64xi32, #tpu.memory_space<vmem>>, vector<1x16xi32>,
      %get3A_287 = vector.shape_cast %get3A_286 : vector<1x16xi32> to vector<16xi32>
      %shift_right_arithmetic3A_288 = arith.constant 14 : i32
      %shift_right_arithmetic3A_289 = vector.broadcast %shift_right_arithmetic3A_288 : i32 to vector<16xi32>
      %shift_right_arithmetic3A_290 = arith.shrsi %get3A_287, %shift_right_arithmetic3A_289 : vector<16xi32>
      %swap3A_291 = arith.index_cast %scan3A_227 : i32 to index
      %swap3A_292 = arith.constant 48 : index
      %swap3A_293 = tpu.vector_load %arg5[%swap3A_291, %swap3A_292] {strides = array<i32>} : memref<40x64xi32, #tpu.memory_space<vmem>>, vector<1x16xi32>,
      %swap3A_294 = vector.shape_cast %swap3A_293 : vector<1x16xi32> to vector<16xi32>
      %swap3A_295 = vector.shape_cast %shift_right_arithmetic3A_290 : vector<16xi32> to vector<1x16xi32>
      tpu.vector_store %arg5[%swap3A_291, %swap3A_292], %swap3A_295 {strides = array<i32>} : memref<40x64xi32, #tpu.memory_space<vmem>>, vector<1x16xi32>,
      %and3A_296 = arith.constant 16383 : i32
      %and3A_297 = vector.broadcast %and3A_296 : i32 to vector<16xi32>
      %and3A_298 = arith.andi %get3A_287, %and3A_297 : vector<16xi32>
      %swap3A_299 = arith.index_cast %scan3A_227 : i32 to index
      %swap3A_300 = arith.constant 48 : index
      %swap3A_301 = tpu.vector_load %arg6[%swap3A_299, %swap3A_300] {strides = array<i32>} : memref<40x64xi32, #tpu.memory_space<vmem>>, vector<1x16xi32>,
      %swap3A_302 = vector.shape_cast %swap3A_301 : vector<1x16xi32> to vector<16xi32>
      %swap3A_303 = vector.shape_cast %and3A_298 : vector<16xi32> to vector<1x16xi32>
      tpu.vector_store %arg6[%swap3A_299, %swap3A_300], %swap3A_303 {strides = array<i32>} : memref<40x64xi32, #tpu.memory_space<vmem>>, vector<1x16xi32>,
    }
    %scan3A_143 = arith.constant 40 : i32
    %dma_start3A_144 = arith.constant 0 : i32
    %dma_start3A_145 = arith.constant 0 : i32
    %dma_start3A_146 = tpu.memref_slice %arg5[%dma_start3A_144, %dma_start3A_145] : memref<40x64xi32, #tpu.memory_space<vmem>> -> memref<1x64xi32, #tpu.memory_space<vmem>>
    %dma_start3A_147 = tpu.memref_squeeze %dma_start3A_146 : memref<1x64xi32, #tpu.memory_space<vmem>> -> memref<64xi32, #tpu.memory_space<vmem>>
    %dma_start3A_148 = arith.constant 0 : i32
    %dma_start3A_149 = arith.constant 0 : i32
    %dma_start3A_150 = tpu.memref_slice %arg2[%dma_start3A_148, %dma_start3A_149] : memref<80000x128xf32, #tpu.memory_space<hbm>> -> memref<80000x128xf32, #tpu.memory_space<hbm>>
    tpu.enqueue_indirect_dma source(%dma_start3A_150 : memref<80000x128xf32, #tpu.memory_space<hbm>>) target(%arg7 : memref<64x128xf32, #tpu.memory_space<vmem>>) offsets(%dma_start3A_147 : memref<64xi32, #tpu.memory_space<vmem>>) semaphore(%arg11 : memref<!tpu.dma_semaphore, #tpu.memory_space<semaphore_mem>>)
    %dma_start3A_151 = arith.constant 1 : i32
    %dma_start3A_152 = arith.constant 0 : i32
    %dma_start3A_153 = tpu.memref_slice %arg5[%dma_start3A_151, %dma_start3A_152] : memref<40x64xi32, #tpu.memory_space<vmem>> -> memref<1x64xi32, #tpu.memory_space<vmem>>
    %dma_start3A_154 = tpu.memref_squeeze %dma_start3A_153 : memref<1x64xi32, #tpu.memory_space<vmem>> -> memref<64xi32, #tpu.memory_space<vmem>>
    %dma_start3A_155 = arith.constant 0 : i32
    %dma_start3A_156 = arith.constant 0 : i32
    %dma_start3A_157 = tpu.memref_slice %arg2[%dma_start3A_155, %dma_start3A_156] : memref<80000x128xf32, #tpu.memory_space<hbm>> -> memref<80000x128xf32, #tpu.memory_space<hbm>>
    tpu.enqueue_indirect_dma source(%dma_start3A_157 : memref<80000x128xf32, #tpu.memory_space<hbm>>) target(%arg8 : memref<64x128xf32, #tpu.memory_space<vmem>>) offsets(%dma_start3A_154 : memref<64xi32, #tpu.memory_space<vmem>>) semaphore(%arg12 : memref<!tpu.dma_semaphore, #tpu.memory_space<semaphore_mem>>)
    %dma_start3A_158 = arith.constant 2 : i32
    %dma_start3A_159 = arith.constant 0 : i32
    %dma_start3A_160 = tpu.memref_slice %arg5[%dma_start3A_158, %dma_start3A_159] : memref<40x64xi32, #tpu.memory_space<vmem>> -> memref<1x64xi32, #tpu.memory_space<vmem>>
    %dma_start3A_161 = tpu.memref_squeeze %dma_start3A_160 : memref<1x64xi32, #tpu.memory_space<vmem>> -> memref<64xi32, #tpu.memory_space<vmem>>
    %dma_start3A_162 = arith.constant 0 : i32
    %dma_start3A_163 = arith.constant 0 : i32
    %dma_start3A_164 = tpu.memref_slice %arg2[%dma_start3A_162, %dma_start3A_163] : memref<80000x128xf32, #tpu.memory_space<hbm>> -> memref<80000x128xf32, #tpu.memory_space<hbm>>
    tpu.enqueue_indirect_dma source(%dma_start3A_164 : memref<80000x128xf32, #tpu.memory_space<hbm>>) target(%arg9 : memref<64x128xf32, #tpu.memory_space<vmem>>) offsets(%dma_start3A_161 : memref<64xi32, #tpu.memory_space<vmem>>) semaphore(%arg13 : memref<!tpu.dma_semaphore, #tpu.memory_space<semaphore_mem>>)
    %dma_start3A_165 = arith.constant 3 : i32
    %dma_start3A_166 = arith.constant 0 : i32
    %dma_start3A_167 = tpu.memref_slice %arg5[%dma_start3A_165, %dma_start3A_166] : memref<40x64xi32, #tpu.memory_space<vmem>> -> memref<1x64xi32, #tpu.memory_space<vmem>>
    %dma_start3A_168 = tpu.memref_squeeze %dma_start3A_167 : memref<1x64xi32, #tpu.memory_space<vmem>> -> memref<64xi32, #tpu.memory_space<vmem>>
    %dma_start3A_169 = arith.constant 0 : i32
    %dma_start3A_170 = arith.constant 0 : i32
    %dma_start3A_171 = tpu.memref_slice %arg2[%dma_start3A_169, %dma_start3A_170] : memref<80000x128xf32, #tpu.memory_space<hbm>> -> memref<80000x128xf32, #tpu.memory_space<hbm>>
    tpu.enqueue_indirect_dma source(%dma_start3A_171 : memref<80000x128xf32, #tpu.memory_space<hbm>>) target(%arg10 : memref<64x128xf32, #tpu.memory_space<vmem>>) offsets(%dma_start3A_168 : memref<64xi32, #tpu.memory_space<vmem>>) semaphore(%arg14 : memref<!tpu.dma_semaphore, #tpu.memory_space<semaphore_mem>>)
    %scan3A_172 = arith.constant 0 : i32
    %scan3A_173 = arith.constant 0 : i32
    %scan3A_174 = arith.constant 10 : i32
    %scan3A_175 = arith.addi %scan3A_173, %scan3A_174 : i32
    %scan3A_176 = arith.constant 1 : i32
    scf.for %scan3A_227 = %scan3A_173 to %scan3A_175 step %scan3A_176  : i32 {
      %mul3A_228 = arith.constant 4 : i32
      %mul3A_229 = arith.muli %mul3A_228, %scan3A_227 : i32
      %add3A_230 = arith.constant 0 : i32
      %add3A_231 = arith.addi %mul3A_229, %add3A_230 : i32
      %dma_wait3A = arith.constant 0 : i32
      %dma_wait3A_232 = tpu.memref_slice %arg5[%add3A_231, %dma_wait3A] : memref<40x64xi32, #tpu.memory_space<vmem>> -> memref<1x64xi32, #tpu.memory_space<vmem>>
      %dma_wait3A_233 = tpu.memref_squeeze %dma_wait3A_232 : memref<1x64xi32, #tpu.memory_space<vmem>> -> memref<64xi32, #tpu.memory_space<vmem>>
      %dma_wait3A_234 = arith.constant 0 : i32
      %dma_wait3A_235 = arith.constant 0 : i32
      %dma_wait3A_236 = tpu.memref_slice %arg2[%dma_wait3A_234, %dma_wait3A_235] : memref<80000x128xf32, #tpu.memory_space<hbm>> -> memref<80000x128xf32, #tpu.memory_space<hbm>>
      tpu.wait_indirect_dma semaphore(%arg11 : memref<!tpu.dma_semaphore, #tpu.memory_space<semaphore_mem>>) src(%dma_wait3A_236 : memref<80000x128xf32, #tpu.memory_space<hbm>>) dst(%arg7 : memref<64x128xf32, #tpu.memory_space<vmem>>)
      "tpu.region"() ({
        %run_scoped3A = tpu.sem_alloc : memref<!tpu.dma_semaphore, #tpu.memory_space<semaphore_mem>>
        %dma_start3A_286 = arith.constant 0 : i32
        %dma_start3A_287 = tpu.memref_slice %arg6[%add3A_231, %dma_start3A_286] : memref<40x64xi32, #tpu.memory_space<vmem>> -> memref<1x64xi32, #tpu.memory_space<vmem>>
        %dma_start3A_288 = tpu.memref_squeeze %dma_start3A_287 : memref<1x64xi32, #tpu.memory_space<vmem>> -> memref<64xi32, #tpu.memory_space<vmem>>
        %dma_start3A_289 = arith.constant 0 : i32
        %dma_start3A_290 = arith.constant 0 : i32
        %dma_start3A_291 = tpu.memref_slice %arg15[%dma_start3A_289, %dma_start3A_290] : memref<10240x128xf32, #tpu.memory_space<vmem_shared>> -> memref<10240x128xf32, #tpu.memory_space<vmem_shared>>
        tpu.enqueue_indirect_dma source(%arg7 : memref<64x128xf32, #tpu.memory_space<vmem>>) target(%dma_start3A_291 : memref<10240x128xf32, #tpu.memory_space<vmem_shared>>) offsets(%dma_start3A_288 : memref<64xi32, #tpu.memory_space<vmem>>) semaphore(%run_scoped3A : memref<!tpu.dma_semaphore, #tpu.memory_space<semaphore_mem>>) {add = true}
        %dma_wait3A_292 = arith.constant 0 : i32
        %dma_wait3A_293 = tpu.memref_slice %arg6[%add3A_231, %dma_wait3A_292] : memref<40x64xi32, #tpu.memory_space<vmem>> -> memref<1x64xi32, #tpu.memory_space<vmem>>
        %dma_wait3A_294 = tpu.memref_squeeze %dma_wait3A_293 : memref<1x64xi32, #tpu.memory_space<vmem>> -> memref<64xi32, #tpu.memory_space<vmem>>
        %dma_wait3A_295 = arith.constant 0 : i32
        %dma_wait3A_296 = arith.constant 0 : i32
        %dma_wait3A_297 = tpu.memref_slice %arg15[%dma_wait3A_295, %dma_wait3A_296] : memref<10240x128xf32, #tpu.memory_space<vmem_shared>> -> memref<10240x128xf32, #tpu.memory_space<vmem_shared>>
        tpu.wait_indirect_dma semaphore(%run_scoped3A : memref<!tpu.dma_semaphore, #tpu.memory_space<semaphore_mem>>) src(%arg7 : memref<64x128xf32, #tpu.memory_space<vmem>>) dst(%dma_wait3A_297 : memref<10240x128xf32, #tpu.memory_space<vmem_shared>>)
        tpu.yield
      }) : () -> ()
      %add3A_237 = arith.constant 4 : i32
      %add3A_238 = arith.addi %add3A_231, %add3A_237 : i32
      %lt3A = arith.constant 40 : i32
      %lt3A_239 = arith.cmpi slt, %add3A_238, %lt3A : i32
      %convert_element_type3A = arith.extui %lt3A_239 : i1 to i32
      %cond3A = arith.constant 0 : i32
      %cond3A_240 = arith.cmpi ne, %convert_element_type3A, %cond3A : i32
      scf.if %cond3A_240 {
        %add3A_286 = arith.constant 4 : i32
        %add3A_287 = arith.addi %add3A_231, %add3A_286 : i32
        %dma_start3A_288 = arith.constant 0 : i32
        %dma_start3A_289 = tpu.memref_slice %arg5[%add3A_287, %dma_start3A_288] : memref<40x64xi32, #tpu.memory_space<vmem>> -> memref<1x64xi32, #tpu.memory_space<vmem>>
        %dma_start3A_290 = tpu.memref_squeeze %dma_start3A_289 : memref<1x64xi32, #tpu.memory_space<vmem>> -> memref<64xi32, #tpu.memory_space<vmem>>
        %dma_start3A_291 = arith.constant 0 : i32
        %dma_start3A_292 = arith.constant 0 : i32
        %dma_start3A_293 = tpu.memref_slice %arg2[%dma_start3A_291, %dma_start3A_292] : memref<80000x128xf32, #tpu.memory_space<hbm>> -> memref<80000x128xf32, #tpu.memory_space<hbm>>
        tpu.enqueue_indirect_dma source(%dma_start3A_293 : memref<80000x128xf32, #tpu.memory_space<hbm>>) target(%arg7 : memref<64x128xf32, #tpu.memory_space<vmem>>) offsets(%dma_start3A_290 : memref<64xi32, #tpu.memory_space<vmem>>) semaphore(%arg11 : memref<!tpu.dma_semaphore, #tpu.memory_space<semaphore_mem>>)
      } else {
      }
      %add3A_241 = arith.constant 1 : i32
      %add3A_242 = arith.addi %mul3A_229, %add3A_241 : i32
      %dma_wait3A_243 = arith.constant 0 : i32
      %dma_wait3A_244 = tpu.memref_slice %arg5[%add3A_242, %dma_wait3A_243] : memref<40x64xi32, #tpu.memory_space<vmem>> -> memref<1x64xi32, #tpu.memory_space<vmem>>
      %dma_wait3A_245 = tpu.memref_squeeze %dma_wait3A_244 : memref<1x64xi32, #tpu.memory_space<vmem>> -> memref<64xi32, #tpu.memory_space<vmem>>
      %dma_wait3A_246 = arith.constant 0 : i32
      %dma_wait3A_247 = arith.constant 0 : i32
      %dma_wait3A_248 = tpu.memref_slice %arg2[%dma_wait3A_246, %dma_wait3A_247] : memref<80000x128xf32, #tpu.memory_space<hbm>> -> memref<80000x128xf32, #tpu.memory_space<hbm>>
      tpu.wait_indirect_dma semaphore(%arg12 : memref<!tpu.dma_semaphore, #tpu.memory_space<semaphore_mem>>) src(%dma_wait3A_248 : memref<80000x128xf32, #tpu.memory_space<hbm>>) dst(%arg8 : memref<64x128xf32, #tpu.memory_space<vmem>>)
      "tpu.region"() ({
        %run_scoped3A = tpu.sem_alloc : memref<!tpu.dma_semaphore, #tpu.memory_space<semaphore_mem>>
        %dma_start3A_286 = arith.constant 0 : i32
        %dma_start3A_287 = tpu.memref_slice %arg6[%add3A_242, %dma_start3A_286] : memref<40x64xi32, #tpu.memory_space<vmem>> -> memref<1x64xi32, #tpu.memory_space<vmem>>
        %dma_start3A_288 = tpu.memref_squeeze %dma_start3A_287 : memref<1x64xi32, #tpu.memory_space<vmem>> -> memref<64xi32, #tpu.memory_space<vmem>>
        %dma_start3A_289 = arith.constant 0 : i32
        %dma_start3A_290 = arith.constant 0 : i32
        %dma_start3A_291 = tpu.memref_slice %arg15[%dma_start3A_289, %dma_start3A_290] : memref<10240x128xf32, #tpu.memory_space<vmem_shared>> -> memref<10240x128xf32, #tpu.memory_space<vmem_shared>>
        tpu.enqueue_indirect_dma source(%arg8 : memref<64x128xf32, #tpu.memory_space<vmem>>) target(%dma_start3A_291 : memref<10240x128xf32, #tpu.memory_space<vmem_shared>>) offsets(%dma_start3A_288 : memref<64xi32, #tpu.memory_space<vmem>>) semaphore(%run_scoped3A : memref<!tpu.dma_semaphore, #tpu.memory_space<semaphore_mem>>) {add = true}
        %dma_wait3A_292 = arith.constant 0 : i32
        %dma_wait3A_293 = tpu.memref_slice %arg6[%add3A_242, %dma_wait3A_292] : memref<40x64xi32, #tpu.memory_space<vmem>> -> memref<1x64xi32, #tpu.memory_space<vmem>>
        %dma_wait3A_294 = tpu.memref_squeeze %dma_wait3A_293 : memref<1x64xi32, #tpu.memory_space<vmem>> -> memref<64xi32, #tpu.memory_space<vmem>>
        %dma_wait3A_295 = arith.constant 0 : i32
        %dma_wait3A_296 = arith.constant 0 : i32
        %dma_wait3A_297 = tpu.memref_slice %arg15[%dma_wait3A_295, %dma_wait3A_296] : memref<10240x128xf32, #tpu.memory_space<vmem_shared>> -> memref<10240x128xf32, #tpu.memory_space<vmem_shared>>
        tpu.wait_indirect_dma semaphore(%run_scoped3A : memref<!tpu.dma_semaphore, #tpu.memory_space<semaphore_mem>>) src(%arg8 : memref<64x128xf32, #tpu.memory_space<vmem>>) dst(%dma_wait3A_297 : memref<10240x128xf32, #tpu.memory_space<vmem_shared>>)
        tpu.yield
      }) : () -> ()
      %add3A_249 = arith.constant 4 : i32
      %add3A_250 = arith.addi %add3A_242, %add3A_249 : i32
      %lt3A_251 = arith.constant 40 : i32
      %lt3A_252 = arith.cmpi slt, %add3A_250, %lt3A_251 : i32
      %convert_element_type3A_253 = arith.extui %lt3A_252 : i1 to i32
      %cond3A_254 = arith.constant 0 : i32
      %cond3A_255 = arith.cmpi ne, %convert_element_type3A_253, %cond3A_254 : i32
      scf.if %cond3A_255 {
        %add3A_286 = arith.constant 4 : i32
        %add3A_287 = arith.addi %add3A_242, %add3A_286 : i32
        %dma_start3A_288 = arith.constant 0 : i32
        %dma_start3A_289 = tpu.memref_slice %arg5[%add3A_287, %dma_start3A_288] : memref<40x64xi32, #tpu.memory_space<vmem>> -> memref<1x64xi32, #tpu.memory_space<vmem>>
        %dma_start3A_290 = tpu.memref_squeeze %dma_start3A_289 : memref<1x64xi32, #tpu.memory_space<vmem>> -> memref<64xi32, #tpu.memory_space<vmem>>
        %dma_start3A_291 = arith.constant 0 : i32
        %dma_start3A_292 = arith.constant 0 : i32
        %dma_start3A_293 = tpu.memref_slice %arg2[%dma_start3A_291, %dma_start3A_292] : memref<80000x128xf32, #tpu.memory_space<hbm>> -> memref<80000x128xf32, #tpu.memory_space<hbm>>
        tpu.enqueue_indirect_dma source(%dma_start3A_293 : memref<80000x128xf32, #tpu.memory_space<hbm>>) target(%arg8 : memref<64x128xf32, #tpu.memory_space<vmem>>) offsets(%dma_start3A_290 : memref<64xi32, #tpu.memory_space<vmem>>) semaphore(%arg12 : memref<!tpu.dma_semaphore, #tpu.memory_space<semaphore_mem>>)
      } else {
      }
      %add3A_256 = arith.constant 2 : i32
      %add3A_257 = arith.addi %mul3A_229, %add3A_256 : i32
      %dma_wait3A_258 = arith.constant 0 : i32
      %dma_wait3A_259 = tpu.memref_slice %arg5[%add3A_257, %dma_wait3A_258] : memref<40x64xi32, #tpu.memory_space<vmem>> -> memref<1x64xi32, #tpu.memory_space<vmem>>
      %dma_wait3A_260 = tpu.memref_squeeze %dma_wait3A_259 : memref<1x64xi32, #tpu.memory_space<vmem>> -> memref<64xi32, #tpu.memory_space<vmem>>
      %dma_wait3A_261 = arith.constant 0 : i32
      %dma_wait3A_262 = arith.constant 0 : i32
      %dma_wait3A_263 = tpu.memref_slice %arg2[%dma_wait3A_261, %dma_wait3A_262] : memref<80000x128xf32, #tpu.memory_space<hbm>> -> memref<80000x128xf32, #tpu.memory_space<hbm>>
      tpu.wait_indirect_dma semaphore(%arg13 : memref<!tpu.dma_semaphore, #tpu.memory_space<semaphore_mem>>) src(%dma_wait3A_263 : memref<80000x128xf32, #tpu.memory_space<hbm>>) dst(%arg9 : memref<64x128xf32, #tpu.memory_space<vmem>>)
      "tpu.region"() ({
        %run_scoped3A = tpu.sem_alloc : memref<!tpu.dma_semaphore, #tpu.memory_space<semaphore_mem>>
        %dma_start3A_286 = arith.constant 0 : i32
        %dma_start3A_287 = tpu.memref_slice %arg6[%add3A_257, %dma_start3A_286] : memref<40x64xi32, #tpu.memory_space<vmem>> -> memref<1x64xi32, #tpu.memory_space<vmem>>
        %dma_start3A_288 = tpu.memref_squeeze %dma_start3A_287 : memref<1x64xi32, #tpu.memory_space<vmem>> -> memref<64xi32, #tpu.memory_space<vmem>>
        %dma_start3A_289 = arith.constant 0 : i32
        %dma_start3A_290 = arith.constant 0 : i32
        %dma_start3A_291 = tpu.memref_slice %arg15[%dma_start3A_289, %dma_start3A_290] : memref<10240x128xf32, #tpu.memory_space<vmem_shared>> -> memref<10240x128xf32, #tpu.memory_space<vmem_shared>>
        tpu.enqueue_indirect_dma source(%arg9 : memref<64x128xf32, #tpu.memory_space<vmem>>) target(%dma_start3A_291 : memref<10240x128xf32, #tpu.memory_space<vmem_shared>>) offsets(%dma_start3A_288 : memref<64xi32, #tpu.memory_space<vmem>>) semaphore(%run_scoped3A : memref<!tpu.dma_semaphore, #tpu.memory_space<semaphore_mem>>) {add = true}
        %dma_wait3A_292 = arith.constant 0 : i32
        %dma_wait3A_293 = tpu.memref_slice %arg6[%add3A_257, %dma_wait3A_292] : memref<40x64xi32, #tpu.memory_space<vmem>> -> memref<1x64xi32, #tpu.memory_space<vmem>>
        %dma_wait3A_294 = tpu.memref_squeeze %dma_wait3A_293 : memref<1x64xi32, #tpu.memory_space<vmem>> -> memref<64xi32, #tpu.memory_space<vmem>>
        %dma_wait3A_295 = arith.constant 0 : i32
        %dma_wait3A_296 = arith.constant 0 : i32
        %dma_wait3A_297 = tpu.memref_slice %arg15[%dma_wait3A_295, %dma_wait3A_296] : memref<10240x128xf32, #tpu.memory_space<vmem_shared>> -> memref<10240x128xf32, #tpu.memory_space<vmem_shared>>
        tpu.wait_indirect_dma semaphore(%run_scoped3A : memref<!tpu.dma_semaphore, #tpu.memory_space<semaphore_mem>>) src(%arg9 : memref<64x128xf32, #tpu.memory_space<vmem>>) dst(%dma_wait3A_297 : memref<10240x128xf32, #tpu.memory_space<vmem_shared>>)
        tpu.yield
      }) : () -> ()
      %add3A_264 = arith.constant 4 : i32
      %add3A_265 = arith.addi %add3A_257, %add3A_264 : i32
      %lt3A_266 = arith.constant 40 : i32
      %lt3A_267 = arith.cmpi slt, %add3A_265, %lt3A_266 : i32
      %convert_element_type3A_268 = arith.extui %lt3A_267 : i1 to i32
      %cond3A_269 = arith.constant 0 : i32
      %cond3A_270 = arith.cmpi ne, %convert_element_type3A_268, %cond3A_269 : i32
      scf.if %cond3A_270 {
        %add3A_286 = arith.constant 4 : i32
        %add3A_287 = arith.addi %add3A_257, %add3A_286 : i32
        %dma_start3A_288 = arith.constant 0 : i32
        %dma_start3A_289 = tpu.memref_slice %arg5[%add3A_287, %dma_start3A_288] : memref<40x64xi32, #tpu.memory_space<vmem>> -> memref<1x64xi32, #tpu.memory_space<vmem>>
        %dma_start3A_290 = tpu.memref_squeeze %dma_start3A_289 : memref<1x64xi32, #tpu.memory_space<vmem>> -> memref<64xi32, #tpu.memory_space<vmem>>
        %dma_start3A_291 = arith.constant 0 : i32
        %dma_start3A_292 = arith.constant 0 : i32
        %dma_start3A_293 = tpu.memref_slice %arg2[%dma_start3A_291, %dma_start3A_292] : memref<80000x128xf32, #tpu.memory_space<hbm>> -> memref<80000x128xf32, #tpu.memory_space<hbm>>
        tpu.enqueue_indirect_dma source(%dma_start3A_293 : memref<80000x128xf32, #tpu.memory_space<hbm>>) target(%arg9 : memref<64x128xf32, #tpu.memory_space<vmem>>) offsets(%dma_start3A_290 : memref<64xi32, #tpu.memory_space<vmem>>) semaphore(%arg13 : memref<!tpu.dma_semaphore, #tpu.memory_space<semaphore_mem>>)
      } else {
      }
      %add3A_271 = arith.constant 3 : i32
      %add3A_272 = arith.addi %mul3A_229, %add3A_271 : i32
      %dma_wait3A_273 = arith.constant 0 : i32
      %dma_wait3A_274 = tpu.memref_slice %arg5[%add3A_272, %dma_wait3A_273] : memref<40x64xi32, #tpu.memory_space<vmem>> -> memref<1x64xi32, #tpu.memory_space<vmem>>
      %dma_wait3A_275 = tpu.memref_squeeze %dma_wait3A_274 : memref<1x64xi32, #tpu.memory_space<vmem>> -> memref<64xi32, #tpu.memory_space<vmem>>
      %dma_wait3A_276 = arith.constant 0 : i32
      %dma_wait3A_277 = arith.constant 0 : i32
      %dma_wait3A_278 = tpu.memref_slice %arg2[%dma_wait3A_276, %dma_wait3A_277] : memref<80000x128xf32, #tpu.memory_space<hbm>> -> memref<80000x128xf32, #tpu.memory_space<hbm>>
      tpu.wait_indirect_dma semaphore(%arg14 : memref<!tpu.dma_semaphore, #tpu.memory_space<semaphore_mem>>) src(%dma_wait3A_278 : memref<80000x128xf32, #tpu.memory_space<hbm>>) dst(%arg10 : memref<64x128xf32, #tpu.memory_space<vmem>>)
      "tpu.region"() ({
        %run_scoped3A = tpu.sem_alloc : memref<!tpu.dma_semaphore, #tpu.memory_space<semaphore_mem>>
        %dma_start3A_286 = arith.constant 0 : i32
        %dma_start3A_287 = tpu.memref_slice %arg6[%add3A_272, %dma_start3A_286] : memref<40x64xi32, #tpu.memory_space<vmem>> -> memref<1x64xi32, #tpu.memory_space<vmem>>
        %dma_start3A_288 = tpu.memref_squeeze %dma_start3A_287 : memref<1x64xi32, #tpu.memory_space<vmem>> -> memref<64xi32, #tpu.memory_space<vmem>>
        %dma_start3A_289 = arith.constant 0 : i32
        %dma_start3A_290 = arith.constant 0 : i32
        %dma_start3A_291 = tpu.memref_slice %arg15[%dma_start3A_289, %dma_start3A_290] : memref<10240x128xf32, #tpu.memory_space<vmem_shared>> -> memref<10240x128xf32, #tpu.memory_space<vmem_shared>>
        tpu.enqueue_indirect_dma source(%arg10 : memref<64x128xf32, #tpu.memory_space<vmem>>) target(%dma_start3A_291 : memref<10240x128xf32, #tpu.memory_space<vmem_shared>>) offsets(%dma_start3A_288 : memref<64xi32, #tpu.memory_space<vmem>>) semaphore(%run_scoped3A : memref<!tpu.dma_semaphore, #tpu.memory_space<semaphore_mem>>) {add = true}
        %dma_wait3A_292 = arith.constant 0 : i32
        %dma_wait3A_293 = tpu.memref_slice %arg6[%add3A_272, %dma_wait3A_292] : memref<40x64xi32, #tpu.memory_space<vmem>> -> memref<1x64xi32, #tpu.memory_space<vmem>>
        %dma_wait3A_294 = tpu.memref_squeeze %dma_wait3A_293 : memref<1x64xi32, #tpu.memory_space<vmem>> -> memref<64xi32, #tpu.memory_space<vmem>>
        %dma_wait3A_295 = arith.constant 0 : i32
        %dma_wait3A_296 = arith.constant 0 : i32
        %dma_wait3A_297 = tpu.memref_slice %arg15[%dma_wait3A_295, %dma_wait3A_296] : memref<10240x128xf32, #tpu.memory_space<vmem_shared>> -> memref<10240x128xf32, #tpu.memory_space<vmem_shared>>
        tpu.wait_indirect_dma semaphore(%run_scoped3A : memref<!tpu.dma_semaphore, #tpu.memory_space<semaphore_mem>>) src(%arg10 : memref<64x128xf32, #tpu.memory_space<vmem>>) dst(%dma_wait3A_297 : memref<10240x128xf32, #tpu.memory_space<vmem_shared>>)
        tpu.yield
      }) : () -> ()
      %add3A_279 = arith.constant 4 : i32
      %add3A_280 = arith.addi %add3A_272, %add3A_279 : i32
      %lt3A_281 = arith.constant 40 : i32
      %lt3A_282 = arith.cmpi slt, %add3A_280, %lt3A_281 : i32
      %convert_element_type3A_283 = arith.extui %lt3A_282 : i1 to i32
      %cond3A_284 = arith.constant 0 : i32
      %cond3A_285 = arith.cmpi ne, %convert_element_type3A_283, %cond3A_284 : i32
      scf.if %cond3A_285 {
        %add3A_286 = arith.constant 4 : i32
        %add3A_287 = arith.addi %add3A_272, %add3A_286 : i32
        %dma_start3A_288 = arith.constant 0 : i32
        %dma_start3A_289 = tpu.memref_slice %arg5[%add3A_287, %dma_start3A_288] : memref<40x64xi32, #tpu.memory_space<vmem>> -> memref<1x64xi32, #tpu.memory_space<vmem>>
        %dma_start3A_290 = tpu.memref_squeeze %dma_start3A_289 : memref<1x64xi32, #tpu.memory_space<vmem>> -> memref<64xi32, #tpu.memory_space<vmem>>
        %dma_start3A_291 = arith.constant 0 : i32
        %dma_start3A_292 = arith.constant 0 : i32
        %dma_start3A_293 = tpu.memref_slice %arg2[%dma_start3A_291, %dma_start3A_292] : memref<80000x128xf32, #tpu.memory_space<hbm>> -> memref<80000x128xf32, #tpu.memory_space<hbm>>
        tpu.enqueue_indirect_dma source(%dma_start3A_293 : memref<80000x128xf32, #tpu.memory_space<hbm>>) target(%arg10 : memref<64x128xf32, #tpu.memory_space<vmem>>) offsets(%dma_start3A_290 : memref<64xi32, #tpu.memory_space<vmem>>) semaphore(%arg14 : memref<!tpu.dma_semaphore, #tpu.memory_space<semaphore_mem>>)
      } else {
      }
    }
    %scan3A_177 = arith.constant 10 : i32
    %mul3A_178 = arith.constant 4 : i32
    %mul3A_179 = arith.muli %add3A, %mul3A_178 : i32
    %add3A_180 = arith.constant 3 : i32
    %add3A_181 = arith.addi %mul3A_179, %add3A_180 : i32
    "tpu.region"() ({
      %run_scoped3A = tpu.sem_alloc : memref<!tpu.dma_semaphore, #tpu.memory_space<semaphore_mem>>
      %dma_start3A_227 = arith.constant 0 : i32
      %dma_start3A_228 = arith.constant 0 : i32
      %dma_start3A_229 = tpu.memref_slice %arg3[%add3A_181, %dma_start3A_227, %dma_start3A_228] : memref<128x40x64xi32, #tpu.memory_space<hbm>> -> memref<1x40x64xi32, #tpu.memory_space<hbm>>
      %dma_start3A_230 = tpu.memref_squeeze %dma_start3A_229 : memref<1x40x64xi32, #tpu.memory_space<hbm>> -> memref<40x64xi32, #tpu.memory_space<hbm>>
      %dma_start3A_231 = arith.constant 0 : i32
      %dma_start3A_232 = arith.constant 0 : i32
      %dma_start3A_233 = tpu.memref_slice %arg3[%add3A_181, %dma_start3A_231, %dma_start3A_232] : memref<128x40x64xi32, #tpu.memory_space<hbm>> -> memref<1x40x64xi32, #tpu.memory_space<hbm>>
      %dma_start3A_234 = tpu.memref_squeeze %dma_start3A_233 : memref<1x40x64xi32, #tpu.memory_space<hbm>> -> memref<40x64xi32, #tpu.memory_space<hbm>>
      tpu.enqueue_dma source(%dma_start3A_234 : memref<40x64xi32, #tpu.memory_space<hbm>>) target(%arg5 : memref<40x64xi32, #tpu.memory_space<vmem>>) target_semaphore(%run_scoped3A : memref<!tpu.dma_semaphore, #tpu.memory_space<semaphore_mem>>)
      %dma_wait3A = arith.constant 0 : i32
      %dma_wait3A_235 = arith.constant 0 : i32
      %dma_wait3A_236 = tpu.memref_slice %arg3[%add3A_181, %dma_wait3A, %dma_wait3A_235] : memref<128x40x64xi32, #tpu.memory_space<hbm>> -> memref<1x40x64xi32, #tpu.memory_space<hbm>>
      %dma_wait3A_237 = tpu.memref_squeeze %dma_wait3A_236 : memref<1x40x64xi32, #tpu.memory_space<hbm>> -> memref<40x64xi32, #tpu.memory_space<hbm>>
      %dma_wait3A_238 = arith.constant 0 : i32
      %dma_wait3A_239 = arith.constant 0 : i32
      %dma_wait3A_240 = tpu.memref_slice %arg3[%add3A_181, %dma_wait3A_238, %dma_wait3A_239] : memref<128x40x64xi32, #tpu.memory_space<hbm>> -> memref<1x40x64xi32, #tpu.memory_space<hbm>>
      %dma_wait3A_241 = tpu.memref_squeeze %dma_wait3A_240 : memref<1x40x64xi32, #tpu.memory_space<hbm>> -> memref<40x64xi32, #tpu.memory_space<hbm>>
      tpu.wait_dma2 semaphore(%run_scoped3A : memref<!tpu.dma_semaphore, #tpu.memory_space<semaphore_mem>>) src(%dma_wait3A_241 : memref<40x64xi32, #tpu.memory_space<hbm>>) dst(%arg5 : memref<40x64xi32, #tpu.memory_space<vmem>>)
      tpu.yield
    }) : () -> ()
    %scan3A_182 = arith.constant 0 : i32
    %scan3A_183 = arith.constant 0 : i32
    %scan3A_184 = arith.constant 40 : i32
    %scan3A_185 = arith.addi %scan3A_183, %scan3A_184 : i32
    %scan3A_186 = arith.constant 1 : i32
    scf.for %scan3A_227 = %scan3A_183 to %scan3A_185 step %scan3A_186  : i32 {
      %get3A = arith.index_cast %scan3A_227 : i32 to index
      %get3A_228 = arith.constant 0 : index
      %get3A_229 = tpu.vector_load %arg5[%get3A, %get3A_228] {strides = array<i32>} : memref<40x64xi32, #tpu.memory_space<vmem>>, vector<1x16xi32>,
      %get3A_230 = vector.shape_cast %get3A_229 : vector<1x16xi32> to vector<16xi32>
      %shift_right_arithmetic3A = arith.constant 14 : i32
      %shift_right_arithmetic3A_231 = vector.broadcast %shift_right_arithmetic3A : i32 to vector<16xi32>
      %shift_right_arithmetic3A_232 = arith.shrsi %get3A_230, %shift_right_arithmetic3A_231 : vector<16xi32>
      %swap3A = arith.index_cast %scan3A_227 : i32 to index
      %swap3A_233 = arith.constant 0 : index
      %swap3A_234 = tpu.vector_load %arg5[%swap3A, %swap3A_233] {strides = array<i32>} : memref<40x64xi32, #tpu.memory_space<vmem>>, vector<1x16xi32>,
      %swap3A_235 = vector.shape_cast %swap3A_234 : vector<1x16xi32> to vector<16xi32>
      %swap3A_236 = vector.shape_cast %shift_right_arithmetic3A_232 : vector<16xi32> to vector<1x16xi32>
      tpu.vector_store %arg5[%swap3A, %swap3A_233], %swap3A_236 {strides = array<i32>} : memref<40x64xi32, #tpu.memory_space<vmem>>, vector<1x16xi32>,
      %and3A = arith.constant 16383 : i32
      %and3A_237 = vector.broadcast %and3A : i32 to vector<16xi32>
      %and3A_238 = arith.andi %get3A_230, %and3A_237 : vector<16xi32>
      %swap3A_239 = arith.index_cast %scan3A_227 : i32 to index
      %swap3A_240 = arith.constant 0 : index
      %swap3A_241 = tpu.vector_load %arg6[%swap3A_239, %swap3A_240] {strides = array<i32>} : memref<40x64xi32, #tpu.memory_space<vmem>>, vector<1x16xi32>,
      %swap3A_242 = vector.shape_cast %swap3A_241 : vector<1x16xi32> to vector<16xi32>
      %swap3A_243 = vector.shape_cast %and3A_238 : vector<16xi32> to vector<1x16xi32>
      tpu.vector_store %arg6[%swap3A_239, %swap3A_240], %swap3A_243 {strides = array<i32>} : memref<40x64xi32, #tpu.memory_space<vmem>>, vector<1x16xi32>,
      %get3A_244 = arith.index_cast %scan3A_227 : i32 to index
      %get3A_245 = arith.constant 16 : index
      %get3A_246 = tpu.vector_load %arg5[%get3A_244, %get3A_245] {strides = array<i32>} : memref<40x64xi32, #tpu.memory_space<vmem>>, vector<1x16xi32>,
      %get3A_247 = vector.shape_cast %get3A_246 : vector<1x16xi32> to vector<16xi32>
      %shift_right_arithmetic3A_248 = arith.constant 14 : i32
      %shift_right_arithmetic3A_249 = vector.broadcast %shift_right_arithmetic3A_248 : i32 to vector<16xi32>
      %shift_right_arithmetic3A_250 = arith.shrsi %get3A_247, %shift_right_arithmetic3A_249 : vector<16xi32>
      %swap3A_251 = arith.index_cast %scan3A_227 : i32 to index
      %swap3A_252 = arith.constant 16 : index
      %swap3A_253 = tpu.vector_load %arg5[%swap3A_251, %swap3A_252] {strides = array<i32>} : memref<40x64xi32, #tpu.memory_space<vmem>>, vector<1x16xi32>,
      %swap3A_254 = vector.shape_cast %swap3A_253 : vector<1x16xi32> to vector<16xi32>
      %swap3A_255 = vector.shape_cast %shift_right_arithmetic3A_250 : vector<16xi32> to vector<1x16xi32>
      tpu.vector_store %arg5[%swap3A_251, %swap3A_252], %swap3A_255 {strides = array<i32>} : memref<40x64xi32, #tpu.memory_space<vmem>>, vector<1x16xi32>,
      %and3A_256 = arith.constant 16383 : i32
      %and3A_257 = vector.broadcast %and3A_256 : i32 to vector<16xi32>
      %and3A_258 = arith.andi %get3A_247, %and3A_257 : vector<16xi32>
      %swap3A_259 = arith.index_cast %scan3A_227 : i32 to index
      %swap3A_260 = arith.constant 16 : index
      %swap3A_261 = tpu.vector_load %arg6[%swap3A_259, %swap3A_260] {strides = array<i32>} : memref<40x64xi32, #tpu.memory_space<vmem>>, vector<1x16xi32>,
      %swap3A_262 = vector.shape_cast %swap3A_261 : vector<1x16xi32> to vector<16xi32>
      %swap3A_263 = vector.shape_cast %and3A_258 : vector<16xi32> to vector<1x16xi32>
      tpu.vector_store %arg6[%swap3A_259, %swap3A_260], %swap3A_263 {strides = array<i32>} : memref<40x64xi32, #tpu.memory_space<vmem>>, vector<1x16xi32>,
      %get3A_264 = arith.index_cast %scan3A_227 : i32 to index
      %get3A_265 = arith.constant 32 : index
      %get3A_266 = tpu.vector_load %arg5[%get3A_264, %get3A_265] {strides = array<i32>} : memref<40x64xi32, #tpu.memory_space<vmem>>, vector<1x16xi32>,
      %get3A_267 = vector.shape_cast %get3A_266 : vector<1x16xi32> to vector<16xi32>
      %shift_right_arithmetic3A_268 = arith.constant 14 : i32
      %shift_right_arithmetic3A_269 = vector.broadcast %shift_right_arithmetic3A_268 : i32 to vector<16xi32>
      %shift_right_arithmetic3A_270 = arith.shrsi %get3A_267, %shift_right_arithmetic3A_269 : vector<16xi32>
      %swap3A_271 = arith.index_cast %scan3A_227 : i32 to index
      %swap3A_272 = arith.constant 32 : index
      %swap3A_273 = tpu.vector_load %arg5[%swap3A_271, %swap3A_272] {strides = array<i32>} : memref<40x64xi32, #tpu.memory_space<vmem>>, vector<1x16xi32>,
      %swap3A_274 = vector.shape_cast %swap3A_273 : vector<1x16xi32> to vector<16xi32>
      %swap3A_275 = vector.shape_cast %shift_right_arithmetic3A_270 : vector<16xi32> to vector<1x16xi32>
      tpu.vector_store %arg5[%swap3A_271, %swap3A_272], %swap3A_275 {strides = array<i32>} : memref<40x64xi32, #tpu.memory_space<vmem>>, vector<1x16xi32>,
      %and3A_276 = arith.constant 16383 : i32
      %and3A_277 = vector.broadcast %and3A_276 : i32 to vector<16xi32>
      %and3A_278 = arith.andi %get3A_267, %and3A_277 : vector<16xi32>
      %swap3A_279 = arith.index_cast %scan3A_227 : i32 to index
      %swap3A_280 = arith.constant 32 : index
      %swap3A_281 = tpu.vector_load %arg6[%swap3A_279, %swap3A_280] {strides = array<i32>} : memref<40x64xi32, #tpu.memory_space<vmem>>, vector<1x16xi32>,
      %swap3A_282 = vector.shape_cast %swap3A_281 : vector<1x16xi32> to vector<16xi32>
      %swap3A_283 = vector.shape_cast %and3A_278 : vector<16xi32> to vector<1x16xi32>
      tpu.vector_store %arg6[%swap3A_279, %swap3A_280], %swap3A_283 {strides = array<i32>} : memref<40x64xi32, #tpu.memory_space<vmem>>, vector<1x16xi32>,
      %get3A_284 = arith.index_cast %scan3A_227 : i32 to index
      %get3A_285 = arith.constant 48 : index
      %get3A_286 = tpu.vector_load %arg5[%get3A_284, %get3A_285] {strides = array<i32>} : memref<40x64xi32, #tpu.memory_space<vmem>>, vector<1x16xi32>,
      %get3A_287 = vector.shape_cast %get3A_286 : vector<1x16xi32> to vector<16xi32>
      %shift_right_arithmetic3A_288 = arith.constant 14 : i32
      %shift_right_arithmetic3A_289 = vector.broadcast %shift_right_arithmetic3A_288 : i32 to vector<16xi32>
      %shift_right_arithmetic3A_290 = arith.shrsi %get3A_287, %shift_right_arithmetic3A_289 : vector<16xi32>
      %swap3A_291 = arith.index_cast %scan3A_227 : i32 to index
      %swap3A_292 = arith.constant 48 : index
      %swap3A_293 = tpu.vector_load %arg5[%swap3A_291, %swap3A_292] {strides = array<i32>} : memref<40x64xi32, #tpu.memory_space<vmem>>, vector<1x16xi32>,
      %swap3A_294 = vector.shape_cast %swap3A_293 : vector<1x16xi32> to vector<16xi32>
      %swap3A_295 = vector.shape_cast %shift_right_arithmetic3A_290 : vector<16xi32> to vector<1x16xi32>
      tpu.vector_store %arg5[%swap3A_291, %swap3A_292], %swap3A_295 {strides = array<i32>} : memref<40x64xi32, #tpu.memory_space<vmem>>, vector<1x16xi32>,
      %and3A_296 = arith.constant 16383 : i32
      %and3A_297 = vector.broadcast %and3A_296 : i32 to vector<16xi32>
      %and3A_298 = arith.andi %get3A_287, %and3A_297 : vector<16xi32>
      %swap3A_299 = arith.index_cast %scan3A_227 : i32 to index
      %swap3A_300 = arith.constant 48 : index
      %swap3A_301 = tpu.vector_load %arg6[%swap3A_299, %swap3A_300] {strides = array<i32>} : memref<40x64xi32, #tpu.memory_space<vmem>>, vector<1x16xi32>,
      %swap3A_302 = vector.shape_cast %swap3A_301 : vector<1x16xi32> to vector<16xi32>
      %swap3A_303 = vector.shape_cast %and3A_298 : vector<16xi32> to vector<1x16xi32>
      tpu.vector_store %arg6[%swap3A_299, %swap3A_300], %swap3A_303 {strides = array<i32>} : memref<40x64xi32, #tpu.memory_space<vmem>>, vector<1x16xi32>,
    }
    %scan3A_187 = arith.constant 40 : i32
    %dma_start3A_188 = arith.constant 0 : i32
    %dma_start3A_189 = arith.constant 0 : i32
    %dma_start3A_190 = tpu.memref_slice %arg5[%dma_start3A_188, %dma_start3A_189] : memref<40x64xi32, #tpu.memory_space<vmem>> -> memref<1x64xi32, #tpu.memory_space<vmem>>
    %dma_start3A_191 = tpu.memref_squeeze %dma_start3A_190 : memref<1x64xi32, #tpu.memory_space<vmem>> -> memref<64xi32, #tpu.memory_space<vmem>>
    %dma_start3A_192 = arith.constant 0 : i32
    %dma_start3A_193 = arith.constant 0 : i32
    %dma_start3A_194 = tpu.memref_slice %arg2[%dma_start3A_192, %dma_start3A_193] : memref<80000x128xf32, #tpu.memory_space<hbm>> -> memref<80000x128xf32, #tpu.memory_space<hbm>>
    tpu.enqueue_indirect_dma source(%dma_start3A_194 : memref<80000x128xf32, #tpu.memory_space<hbm>>) target(%arg7 : memref<64x128xf32, #tpu.memory_space<vmem>>) offsets(%dma_start3A_191 : memref<64xi32, #tpu.memory_space<vmem>>) semaphore(%arg11 : memref<!tpu.dma_semaphore, #tpu.memory_space<semaphore_mem>>)
    %dma_start3A_195 = arith.constant 1 : i32
    %dma_start3A_196 = arith.constant 0 : i32
    %dma_start3A_197 = tpu.memref_slice %arg5[%dma_start3A_195, %dma_start3A_196] : memref<40x64xi32, #tpu.memory_space<vmem>> -> memref<1x64xi32, #tpu.memory_space<vmem>>
    %dma_start3A_198 = tpu.memref_squeeze %dma_start3A_197 : memref<1x64xi32, #tpu.memory_space<vmem>> -> memref<64xi32, #tpu.memory_space<vmem>>
    %dma_start3A_199 = arith.constant 0 : i32
    %dma_start3A_200 = arith.constant 0 : i32
    %dma_start3A_201 = tpu.memref_slice %arg2[%dma_start3A_199, %dma_start3A_200] : memref<80000x128xf32, #tpu.memory_space<hbm>> -> memref<80000x128xf32, #tpu.memory_space<hbm>>
    tpu.enqueue_indirect_dma source(%dma_start3A_201 : memref<80000x128xf32, #tpu.memory_space<hbm>>) target(%arg8 : memref<64x128xf32, #tpu.memory_space<vmem>>) offsets(%dma_start3A_198 : memref<64xi32, #tpu.memory_space<vmem>>) semaphore(%arg12 : memref<!tpu.dma_semaphore, #tpu.memory_space<semaphore_mem>>)
    %dma_start3A_202 = arith.constant 2 : i32
    %dma_start3A_203 = arith.constant 0 : i32
    %dma_start3A_204 = tpu.memref_slice %arg5[%dma_start3A_202, %dma_start3A_203] : memref<40x64xi32, #tpu.memory_space<vmem>> -> memref<1x64xi32, #tpu.memory_space<vmem>>
    %dma_start3A_205 = tpu.memref_squeeze %dma_start3A_204 : memref<1x64xi32, #tpu.memory_space<vmem>> -> memref<64xi32, #tpu.memory_space<vmem>>
    %dma_start3A_206 = arith.constant 0 : i32
    %dma_start3A_207 = arith.constant 0 : i32
    %dma_start3A_208 = tpu.memref_slice %arg2[%dma_start3A_206, %dma_start3A_207] : memref<80000x128xf32, #tpu.memory_space<hbm>> -> memref<80000x128xf32, #tpu.memory_space<hbm>>
    tpu.enqueue_indirect_dma source(%dma_start3A_208 : memref<80000x128xf32, #tpu.memory_space<hbm>>) target(%arg9 : memref<64x128xf32, #tpu.memory_space<vmem>>) offsets(%dma_start3A_205 : memref<64xi32, #tpu.memory_space<vmem>>) semaphore(%arg13 : memref<!tpu.dma_semaphore, #tpu.memory_space<semaphore_mem>>)
    %dma_start3A_209 = arith.constant 3 : i32
    %dma_start3A_210 = arith.constant 0 : i32
    %dma_start3A_211 = tpu.memref_slice %arg5[%dma_start3A_209, %dma_start3A_210] : memref<40x64xi32, #tpu.memory_space<vmem>> -> memref<1x64xi32, #tpu.memory_space<vmem>>
    %dma_start3A_212 = tpu.memref_squeeze %dma_start3A_211 : memref<1x64xi32, #tpu.memory_space<vmem>> -> memref<64xi32, #tpu.memory_space<vmem>>
    %dma_start3A_213 = arith.constant 0 : i32
    %dma_start3A_214 = arith.constant 0 : i32
    %dma_start3A_215 = tpu.memref_slice %arg2[%dma_start3A_213, %dma_start3A_214] : memref<80000x128xf32, #tpu.memory_space<hbm>> -> memref<80000x128xf32, #tpu.memory_space<hbm>>
    tpu.enqueue_indirect_dma source(%dma_start3A_215 : memref<80000x128xf32, #tpu.memory_space<hbm>>) target(%arg10 : memref<64x128xf32, #tpu.memory_space<vmem>>) offsets(%dma_start3A_212 : memref<64xi32, #tpu.memory_space<vmem>>) semaphore(%arg14 : memref<!tpu.dma_semaphore, #tpu.memory_space<semaphore_mem>>)
    %scan3A_216 = arith.constant 0 : i32
    %scan3A_217 = arith.constant 0 : i32
    %scan3A_218 = arith.constant 10 : i32
    %scan3A_219 = arith.addi %scan3A_217, %scan3A_218 : i32
    %scan3A_220 = arith.constant 1 : i32
    scf.for %scan3A_227 = %scan3A_217 to %scan3A_219 step %scan3A_220  : i32 {
      %mul3A_228 = arith.constant 4 : i32
      %mul3A_229 = arith.muli %mul3A_228, %scan3A_227 : i32
      %add3A_230 = arith.constant 0 : i32
      %add3A_231 = arith.addi %mul3A_229, %add3A_230 : i32
      %dma_wait3A = arith.constant 0 : i32
      %dma_wait3A_232 = tpu.memref_slice %arg5[%add3A_231, %dma_wait3A] : memref<40x64xi32, #tpu.memory_space<vmem>> -> memref<1x64xi32, #tpu.memory_space<vmem>>
      %dma_wait3A_233 = tpu.memref_squeeze %dma_wait3A_232 : memref<1x64xi32, #tpu.memory_space<vmem>> -> memref<64xi32, #tpu.memory_space<vmem>>
      %dma_wait3A_234 = arith.constant 0 : i32
      %dma_wait3A_235 = arith.constant 0 : i32
      %dma_wait3A_236 = tpu.memref_slice %arg2[%dma_wait3A_234, %dma_wait3A_235] : memref<80000x128xf32, #tpu.memory_space<hbm>> -> memref<80000x128xf32, #tpu.memory_space<hbm>>
      tpu.wait_indirect_dma semaphore(%arg11 : memref<!tpu.dma_semaphore, #tpu.memory_space<semaphore_mem>>) src(%dma_wait3A_236 : memref<80000x128xf32, #tpu.memory_space<hbm>>) dst(%arg7 : memref<64x128xf32, #tpu.memory_space<vmem>>)
      "tpu.region"() ({
        %run_scoped3A = tpu.sem_alloc : memref<!tpu.dma_semaphore, #tpu.memory_space<semaphore_mem>>
        %dma_start3A_286 = arith.constant 0 : i32
        %dma_start3A_287 = tpu.memref_slice %arg6[%add3A_231, %dma_start3A_286] : memref<40x64xi32, #tpu.memory_space<vmem>> -> memref<1x64xi32, #tpu.memory_space<vmem>>
        %dma_start3A_288 = tpu.memref_squeeze %dma_start3A_287 : memref<1x64xi32, #tpu.memory_space<vmem>> -> memref<64xi32, #tpu.memory_space<vmem>>
        %dma_start3A_289 = arith.constant 0 : i32
        %dma_start3A_290 = arith.constant 0 : i32
        %dma_start3A_291 = tpu.memref_slice %arg15[%dma_start3A_289, %dma_start3A_290] : memref<10240x128xf32, #tpu.memory_space<vmem_shared>> -> memref<10240x128xf32, #tpu.memory_space<vmem_shared>>
        tpu.enqueue_indirect_dma source(%arg7 : memref<64x128xf32, #tpu.memory_space<vmem>>) target(%dma_start3A_291 : memref<10240x128xf32, #tpu.memory_space<vmem_shared>>) offsets(%dma_start3A_288 : memref<64xi32, #tpu.memory_space<vmem>>) semaphore(%run_scoped3A : memref<!tpu.dma_semaphore, #tpu.memory_space<semaphore_mem>>) {add = true}
        %dma_wait3A_292 = arith.constant 0 : i32
        %dma_wait3A_293 = tpu.memref_slice %arg6[%add3A_231, %dma_wait3A_292] : memref<40x64xi32, #tpu.memory_space<vmem>> -> memref<1x64xi32, #tpu.memory_space<vmem>>
        %dma_wait3A_294 = tpu.memref_squeeze %dma_wait3A_293 : memref<1x64xi32, #tpu.memory_space<vmem>> -> memref<64xi32, #tpu.memory_space<vmem>>
        %dma_wait3A_295 = arith.constant 0 : i32
        %dma_wait3A_296 = arith.constant 0 : i32
        %dma_wait3A_297 = tpu.memref_slice %arg15[%dma_wait3A_295, %dma_wait3A_296] : memref<10240x128xf32, #tpu.memory_space<vmem_shared>> -> memref<10240x128xf32, #tpu.memory_space<vmem_shared>>
        tpu.wait_indirect_dma semaphore(%run_scoped3A : memref<!tpu.dma_semaphore, #tpu.memory_space<semaphore_mem>>) src(%arg7 : memref<64x128xf32, #tpu.memory_space<vmem>>) dst(%dma_wait3A_297 : memref<10240x128xf32, #tpu.memory_space<vmem_shared>>)
        tpu.yield
      }) : () -> ()
      %add3A_237 = arith.constant 4 : i32
      %add3A_238 = arith.addi %add3A_231, %add3A_237 : i32
      %lt3A = arith.constant 40 : i32
      %lt3A_239 = arith.cmpi slt, %add3A_238, %lt3A : i32
      %convert_element_type3A = arith.extui %lt3A_239 : i1 to i32
      %cond3A = arith.constant 0 : i32
      %cond3A_240 = arith.cmpi ne, %convert_element_type3A, %cond3A : i32
      scf.if %cond3A_240 {
        %add3A_286 = arith.constant 4 : i32
        %add3A_287 = arith.addi %add3A_231, %add3A_286 : i32
        %dma_start3A_288 = arith.constant 0 : i32
        %dma_start3A_289 = tpu.memref_slice %arg5[%add3A_287, %dma_start3A_288] : memref<40x64xi32, #tpu.memory_space<vmem>> -> memref<1x64xi32, #tpu.memory_space<vmem>>
        %dma_start3A_290 = tpu.memref_squeeze %dma_start3A_289 : memref<1x64xi32, #tpu.memory_space<vmem>> -> memref<64xi32, #tpu.memory_space<vmem>>
        %dma_start3A_291 = arith.constant 0 : i32
        %dma_start3A_292 = arith.constant 0 : i32
        %dma_start3A_293 = tpu.memref_slice %arg2[%dma_start3A_291, %dma_start3A_292] : memref<80000x128xf32, #tpu.memory_space<hbm>> -> memref<80000x128xf32, #tpu.memory_space<hbm>>
        tpu.enqueue_indirect_dma source(%dma_start3A_293 : memref<80000x128xf32, #tpu.memory_space<hbm>>) target(%arg7 : memref<64x128xf32, #tpu.memory_space<vmem>>) offsets(%dma_start3A_290 : memref<64xi32, #tpu.memory_space<vmem>>) semaphore(%arg11 : memref<!tpu.dma_semaphore, #tpu.memory_space<semaphore_mem>>)
      } else {
      }
      %add3A_241 = arith.constant 1 : i32
      %add3A_242 = arith.addi %mul3A_229, %add3A_241 : i32
      %dma_wait3A_243 = arith.constant 0 : i32
      %dma_wait3A_244 = tpu.memref_slice %arg5[%add3A_242, %dma_wait3A_243] : memref<40x64xi32, #tpu.memory_space<vmem>> -> memref<1x64xi32, #tpu.memory_space<vmem>>
      %dma_wait3A_245 = tpu.memref_squeeze %dma_wait3A_244 : memref<1x64xi32, #tpu.memory_space<vmem>> -> memref<64xi32, #tpu.memory_space<vmem>>
      %dma_wait3A_246 = arith.constant 0 : i32
      %dma_wait3A_247 = arith.constant 0 : i32
      %dma_wait3A_248 = tpu.memref_slice %arg2[%dma_wait3A_246, %dma_wait3A_247] : memref<80000x128xf32, #tpu.memory_space<hbm>> -> memref<80000x128xf32, #tpu.memory_space<hbm>>
      tpu.wait_indirect_dma semaphore(%arg12 : memref<!tpu.dma_semaphore, #tpu.memory_space<semaphore_mem>>) src(%dma_wait3A_248 : memref<80000x128xf32, #tpu.memory_space<hbm>>) dst(%arg8 : memref<64x128xf32, #tpu.memory_space<vmem>>)
      "tpu.region"() ({
        %run_scoped3A = tpu.sem_alloc : memref<!tpu.dma_semaphore, #tpu.memory_space<semaphore_mem>>
        %dma_start3A_286 = arith.constant 0 : i32
        %dma_start3A_287 = tpu.memref_slice %arg6[%add3A_242, %dma_start3A_286] : memref<40x64xi32, #tpu.memory_space<vmem>> -> memref<1x64xi32, #tpu.memory_space<vmem>>
        %dma_start3A_288 = tpu.memref_squeeze %dma_start3A_287 : memref<1x64xi32, #tpu.memory_space<vmem>> -> memref<64xi32, #tpu.memory_space<vmem>>
        %dma_start3A_289 = arith.constant 0 : i32
        %dma_start3A_290 = arith.constant 0 : i32
        %dma_start3A_291 = tpu.memref_slice %arg15[%dma_start3A_289, %dma_start3A_290] : memref<10240x128xf32, #tpu.memory_space<vmem_shared>> -> memref<10240x128xf32, #tpu.memory_space<vmem_shared>>
        tpu.enqueue_indirect_dma source(%arg8 : memref<64x128xf32, #tpu.memory_space<vmem>>) target(%dma_start3A_291 : memref<10240x128xf32, #tpu.memory_space<vmem_shared>>) offsets(%dma_start3A_288 : memref<64xi32, #tpu.memory_space<vmem>>) semaphore(%run_scoped3A : memref<!tpu.dma_semaphore, #tpu.memory_space<semaphore_mem>>) {add = true}
        %dma_wait3A_292 = arith.constant 0 : i32
        %dma_wait3A_293 = tpu.memref_slice %arg6[%add3A_242, %dma_wait3A_292] : memref<40x64xi32, #tpu.memory_space<vmem>> -> memref<1x64xi32, #tpu.memory_space<vmem>>
        %dma_wait3A_294 = tpu.memref_squeeze %dma_wait3A_293 : memref<1x64xi32, #tpu.memory_space<vmem>> -> memref<64xi32, #tpu.memory_space<vmem>>
        %dma_wait3A_295 = arith.constant 0 : i32
        %dma_wait3A_296 = arith.constant 0 : i32
        %dma_wait3A_297 = tpu.memref_slice %arg15[%dma_wait3A_295, %dma_wait3A_296] : memref<10240x128xf32, #tpu.memory_space<vmem_shared>> -> memref<10240x128xf32, #tpu.memory_space<vmem_shared>>
        tpu.wait_indirect_dma semaphore(%run_scoped3A : memref<!tpu.dma_semaphore, #tpu.memory_space<semaphore_mem>>) src(%arg8 : memref<64x128xf32, #tpu.memory_space<vmem>>) dst(%dma_wait3A_297 : memref<10240x128xf32, #tpu.memory_space<vmem_shared>>)
        tpu.yield
      }) : () -> ()
      %add3A_249 = arith.constant 4 : i32
      %add3A_250 = arith.addi %add3A_242, %add3A_249 : i32
      %lt3A_251 = arith.constant 40 : i32
      %lt3A_252 = arith.cmpi slt, %add3A_250, %lt3A_251 : i32
      %convert_element_type3A_253 = arith.extui %lt3A_252 : i1 to i32
      %cond3A_254 = arith.constant 0 : i32
      %cond3A_255 = arith.cmpi ne, %convert_element_type3A_253, %cond3A_254 : i32
      scf.if %cond3A_255 {
        %add3A_286 = arith.constant 4 : i32
        %add3A_287 = arith.addi %add3A_242, %add3A_286 : i32
        %dma_start3A_288 = arith.constant 0 : i32
        %dma_start3A_289 = tpu.memref_slice %arg5[%add3A_287, %dma_start3A_288] : memref<40x64xi32, #tpu.memory_space<vmem>> -> memref<1x64xi32, #tpu.memory_space<vmem>>
        %dma_start3A_290 = tpu.memref_squeeze %dma_start3A_289 : memref<1x64xi32, #tpu.memory_space<vmem>> -> memref<64xi32, #tpu.memory_space<vmem>>
        %dma_start3A_291 = arith.constant 0 : i32
        %dma_start3A_292 = arith.constant 0 : i32
        %dma_start3A_293 = tpu.memref_slice %arg2[%dma_start3A_291, %dma_start3A_292] : memref<80000x128xf32, #tpu.memory_space<hbm>> -> memref<80000x128xf32, #tpu.memory_space<hbm>>
        tpu.enqueue_indirect_dma source(%dma_start3A_293 : memref<80000x128xf32, #tpu.memory_space<hbm>>) target(%arg8 : memref<64x128xf32, #tpu.memory_space<vmem>>) offsets(%dma_start3A_290 : memref<64xi32, #tpu.memory_space<vmem>>) semaphore(%arg12 : memref<!tpu.dma_semaphore, #tpu.memory_space<semaphore_mem>>)
      } else {
      }
      %add3A_256 = arith.constant 2 : i32
      %add3A_257 = arith.addi %mul3A_229, %add3A_256 : i32
      %dma_wait3A_258 = arith.constant 0 : i32
      %dma_wait3A_259 = tpu.memref_slice %arg5[%add3A_257, %dma_wait3A_258] : memref<40x64xi32, #tpu.memory_space<vmem>> -> memref<1x64xi32, #tpu.memory_space<vmem>>
      %dma_wait3A_260 = tpu.memref_squeeze %dma_wait3A_259 : memref<1x64xi32, #tpu.memory_space<vmem>> -> memref<64xi32, #tpu.memory_space<vmem>>
      %dma_wait3A_261 = arith.constant 0 : i32
      %dma_wait3A_262 = arith.constant 0 : i32
      %dma_wait3A_263 = tpu.memref_slice %arg2[%dma_wait3A_261, %dma_wait3A_262] : memref<80000x128xf32, #tpu.memory_space<hbm>> -> memref<80000x128xf32, #tpu.memory_space<hbm>>
      tpu.wait_indirect_dma semaphore(%arg13 : memref<!tpu.dma_semaphore, #tpu.memory_space<semaphore_mem>>) src(%dma_wait3A_263 : memref<80000x128xf32, #tpu.memory_space<hbm>>) dst(%arg9 : memref<64x128xf32, #tpu.memory_space<vmem>>)
      "tpu.region"() ({
        %run_scoped3A = tpu.sem_alloc : memref<!tpu.dma_semaphore, #tpu.memory_space<semaphore_mem>>
        %dma_start3A_286 = arith.constant 0 : i32
        %dma_start3A_287 = tpu.memref_slice %arg6[%add3A_257, %dma_start3A_286] : memref<40x64xi32, #tpu.memory_space<vmem>> -> memref<1x64xi32, #tpu.memory_space<vmem>>
        %dma_start3A_288 = tpu.memref_squeeze %dma_start3A_287 : memref<1x64xi32, #tpu.memory_space<vmem>> -> memref<64xi32, #tpu.memory_space<vmem>>
        %dma_start3A_289 = arith.constant 0 : i32
        %dma_start3A_290 = arith.constant 0 : i32
        %dma_start3A_291 = tpu.memref_slice %arg15[%dma_start3A_289, %dma_start3A_290] : memref<10240x128xf32, #tpu.memory_space<vmem_shared>> -> memref<10240x128xf32, #tpu.memory_space<vmem_shared>>
        tpu.enqueue_indirect_dma source(%arg9 : memref<64x128xf32, #tpu.memory_space<vmem>>) target(%dma_start3A_291 : memref<10240x128xf32, #tpu.memory_space<vmem_shared>>) offsets(%dma_start3A_288 : memref<64xi32, #tpu.memory_space<vmem>>) semaphore(%run_scoped3A : memref<!tpu.dma_semaphore, #tpu.memory_space<semaphore_mem>>) {add = true}
        %dma_wait3A_292 = arith.constant 0 : i32
        %dma_wait3A_293 = tpu.memref_slice %arg6[%add3A_257, %dma_wait3A_292] : memref<40x64xi32, #tpu.memory_space<vmem>> -> memref<1x64xi32, #tpu.memory_space<vmem>>
        %dma_wait3A_294 = tpu.memref_squeeze %dma_wait3A_293 : memref<1x64xi32, #tpu.memory_space<vmem>> -> memref<64xi32, #tpu.memory_space<vmem>>
        %dma_wait3A_295 = arith.constant 0 : i32
        %dma_wait3A_296 = arith.constant 0 : i32
        %dma_wait3A_297 = tpu.memref_slice %arg15[%dma_wait3A_295, %dma_wait3A_296] : memref<10240x128xf32, #tpu.memory_space<vmem_shared>> -> memref<10240x128xf32, #tpu.memory_space<vmem_shared>>
        tpu.wait_indirect_dma semaphore(%run_scoped3A : memref<!tpu.dma_semaphore, #tpu.memory_space<semaphore_mem>>) src(%arg9 : memref<64x128xf32, #tpu.memory_space<vmem>>) dst(%dma_wait3A_297 : memref<10240x128xf32, #tpu.memory_space<vmem_shared>>)
        tpu.yield
      }) : () -> ()
      %add3A_264 = arith.constant 4 : i32
      %add3A_265 = arith.addi %add3A_257, %add3A_264 : i32
      %lt3A_266 = arith.constant 40 : i32
      %lt3A_267 = arith.cmpi slt, %add3A_265, %lt3A_266 : i32
      %convert_element_type3A_268 = arith.extui %lt3A_267 : i1 to i32
      %cond3A_269 = arith.constant 0 : i32
      %cond3A_270 = arith.cmpi ne, %convert_element_type3A_268, %cond3A_269 : i32
      scf.if %cond3A_270 {
        %add3A_286 = arith.constant 4 : i32
        %add3A_287 = arith.addi %add3A_257, %add3A_286 : i32
        %dma_start3A_288 = arith.constant 0 : i32
        %dma_start3A_289 = tpu.memref_slice %arg5[%add3A_287, %dma_start3A_288] : memref<40x64xi32, #tpu.memory_space<vmem>> -> memref<1x64xi32, #tpu.memory_space<vmem>>
        %dma_start3A_290 = tpu.memref_squeeze %dma_start3A_289 : memref<1x64xi32, #tpu.memory_space<vmem>> -> memref<64xi32, #tpu.memory_space<vmem>>
        %dma_start3A_291 = arith.constant 0 : i32
        %dma_start3A_292 = arith.constant 0 : i32
        %dma_start3A_293 = tpu.memref_slice %arg2[%dma_start3A_291, %dma_start3A_292] : memref<80000x128xf32, #tpu.memory_space<hbm>> -> memref<80000x128xf32, #tpu.memory_space<hbm>>
        tpu.enqueue_indirect_dma source(%dma_start3A_293 : memref<80000x128xf32, #tpu.memory_space<hbm>>) target(%arg9 : memref<64x128xf32, #tpu.memory_space<vmem>>) offsets(%dma_start3A_290 : memref<64xi32, #tpu.memory_space<vmem>>) semaphore(%arg13 : memref<!tpu.dma_semaphore, #tpu.memory_space<semaphore_mem>>)
      } else {
      }
      %add3A_271 = arith.constant 3 : i32
      %add3A_272 = arith.addi %mul3A_229, %add3A_271 : i32
      %dma_wait3A_273 = arith.constant 0 : i32
      %dma_wait3A_274 = tpu.memref_slice %arg5[%add3A_272, %dma_wait3A_273] : memref<40x64xi32, #tpu.memory_space<vmem>> -> memref<1x64xi32, #tpu.memory_space<vmem>>
      %dma_wait3A_275 = tpu.memref_squeeze %dma_wait3A_274 : memref<1x64xi32, #tpu.memory_space<vmem>> -> memref<64xi32, #tpu.memory_space<vmem>>
      %dma_wait3A_276 = arith.constant 0 : i32
      %dma_wait3A_277 = arith.constant 0 : i32
      %dma_wait3A_278 = tpu.memref_slice %arg2[%dma_wait3A_276, %dma_wait3A_277] : memref<80000x128xf32, #tpu.memory_space<hbm>> -> memref<80000x128xf32, #tpu.memory_space<hbm>>
      tpu.wait_indirect_dma semaphore(%arg14 : memref<!tpu.dma_semaphore, #tpu.memory_space<semaphore_mem>>) src(%dma_wait3A_278 : memref<80000x128xf32, #tpu.memory_space<hbm>>) dst(%arg10 : memref<64x128xf32, #tpu.memory_space<vmem>>)
      "tpu.region"() ({
        %run_scoped3A = tpu.sem_alloc : memref<!tpu.dma_semaphore, #tpu.memory_space<semaphore_mem>>
        %dma_start3A_286 = arith.constant 0 : i32
        %dma_start3A_287 = tpu.memref_slice %arg6[%add3A_272, %dma_start3A_286] : memref<40x64xi32, #tpu.memory_space<vmem>> -> memref<1x64xi32, #tpu.memory_space<vmem>>
        %dma_start3A_288 = tpu.memref_squeeze %dma_start3A_287 : memref<1x64xi32, #tpu.memory_space<vmem>> -> memref<64xi32, #tpu.memory_space<vmem>>
        %dma_start3A_289 = arith.constant 0 : i32
        %dma_start3A_290 = arith.constant 0 : i32
        %dma_start3A_291 = tpu.memref_slice %arg15[%dma_start3A_289, %dma_start3A_290] : memref<10240x128xf32, #tpu.memory_space<vmem_shared>> -> memref<10240x128xf32, #tpu.memory_space<vmem_shared>>
        tpu.enqueue_indirect_dma source(%arg10 : memref<64x128xf32, #tpu.memory_space<vmem>>) target(%dma_start3A_291 : memref<10240x128xf32, #tpu.memory_space<vmem_shared>>) offsets(%dma_start3A_288 : memref<64xi32, #tpu.memory_space<vmem>>) semaphore(%run_scoped3A : memref<!tpu.dma_semaphore, #tpu.memory_space<semaphore_mem>>) {add = true}
        %dma_wait3A_292 = arith.constant 0 : i32
        %dma_wait3A_293 = tpu.memref_slice %arg6[%add3A_272, %dma_wait3A_292] : memref<40x64xi32, #tpu.memory_space<vmem>> -> memref<1x64xi32, #tpu.memory_space<vmem>>
        %dma_wait3A_294 = tpu.memref_squeeze %dma_wait3A_293 : memref<1x64xi32, #tpu.memory_space<vmem>> -> memref<64xi32, #tpu.memory_space<vmem>>
        %dma_wait3A_295 = arith.constant 0 : i32
        %dma_wait3A_296 = arith.constant 0 : i32
        %dma_wait3A_297 = tpu.memref_slice %arg15[%dma_wait3A_295, %dma_wait3A_296] : memref<10240x128xf32, #tpu.memory_space<vmem_shared>> -> memref<10240x128xf32, #tpu.memory_space<vmem_shared>>
        tpu.wait_indirect_dma semaphore(%run_scoped3A : memref<!tpu.dma_semaphore, #tpu.memory_space<semaphore_mem>>) src(%arg10 : memref<64x128xf32, #tpu.memory_space<vmem>>) dst(%dma_wait3A_297 : memref<10240x128xf32, #tpu.memory_space<vmem_shared>>)
        tpu.yield
      }) : () -> ()
      %add3A_279 = arith.constant 4 : i32
      %add3A_280 = arith.addi %add3A_272, %add3A_279 : i32
      %lt3A_281 = arith.constant 40 : i32
      %lt3A_282 = arith.cmpi slt, %add3A_280, %lt3A_281 : i32
      %convert_element_type3A_283 = arith.extui %lt3A_282 : i1 to i32
      %cond3A_284 = arith.constant 0 : i32
      %cond3A_285 = arith.cmpi ne, %convert_element_type3A_283, %cond3A_284 : i32
      scf.if %cond3A_285 {
        %add3A_286 = arith.constant 4 : i32
        %add3A_287 = arith.addi %add3A_272, %add3A_286 : i32
        %dma_start3A_288 = arith.constant 0 : i32
        %dma_start3A_289 = tpu.memref_slice %arg5[%add3A_287, %dma_start3A_288] : memref<40x64xi32, #tpu.memory_space<vmem>> -> memref<1x64xi32, #tpu.memory_space<vmem>>
        %dma_start3A_290 = tpu.memref_squeeze %dma_start3A_289 : memref<1x64xi32, #tpu.memory_space<vmem>> -> memref<64xi32, #tpu.memory_space<vmem>>
        %dma_start3A_291 = arith.constant 0 : i32
        %dma_start3A_292 = arith.constant 0 : i32
        %dma_start3A_293 = tpu.memref_slice %arg2[%dma_start3A_291, %dma_start3A_292] : memref<80000x128xf32, #tpu.memory_space<hbm>> -> memref<80000x128xf32, #tpu.memory_space<hbm>>
        tpu.enqueue_indirect_dma source(%dma_start3A_293 : memref<80000x128xf32, #tpu.memory_space<hbm>>) target(%arg10 : memref<64x128xf32, #tpu.memory_space<vmem>>) offsets(%dma_start3A_290 : memref<64xi32, #tpu.memory_space<vmem>>) semaphore(%arg14 : memref<!tpu.dma_semaphore, #tpu.memory_space<semaphore_mem>>)
      } else {
      }
    }
    %scan3A_221 = arith.constant 10 : i32
    %barrier3A_222 = arith.constant 0 : index
    tpu.barrier barrier_id(%barrier3A_222)
    %mul3A_223 = arith.constant 640 : i32
    %mul3A_224 = arith.muli %arg1, %mul3A_223 : i32
    %mul3A_225 = arith.constant 640 : i32
    %mul3A_226 = arith.muli %arg1, %mul3A_225 : i32
    "tpu.region"() ({
      %run_scoped3A = tpu.sem_alloc : memref<!tpu.dma_semaphore, #tpu.memory_space<semaphore_mem>>
      %dma_start3A_227 = arith.constant 0 : i32
      %dma_start3A_228 = tpu.memref_slice %arg4[%arg0, %mul3A_226, %dma_start3A_227] : memref<2x10240x128xf32, #tpu.memory_space<hbm>> -> memref<1x640x128xf32, #tpu.memory_space<hbm>>
      %dma_start3A_229 = tpu.memref_squeeze %dma_start3A_228 : memref<1x640x128xf32, #tpu.memory_space<hbm>> -> memref<640x128xf32, #tpu.memory_space<hbm>>
      %dma_start3A_230 = arith.constant 0 : i32
      %dma_start3A_231 = tpu.memref_slice %arg15[%mul3A_224, %dma_start3A_230] : memref<10240x128xf32, #tpu.memory_space<vmem_shared>> -> memref<640x128xf32, #tpu.memory_space<vmem_shared>>
      tpu.enqueue_dma source(%dma_start3A_231 : memref<640x128xf32, #tpu.memory_space<vmem_shared>>) target(%dma_start3A_229 : memref<640x128xf32, #tpu.memory_space<hbm>>) target_semaphore(%run_scoped3A : memref<!tpu.dma_semaphore, #tpu.memory_space<semaphore_mem>>)
      %dma_wait3A = arith.constant 0 : i32
      %dma_wait3A_232 = tpu.memref_slice %arg4[%arg0, %mul3A_226, %dma_wait3A] : memref<2x10240x128xf32, #tpu.memory_space<hbm>> -> memref<1x640x128xf32, #tpu.memory_space<hbm>>
      %dma_wait3A_233 = tpu.memref_squeeze %dma_wait3A_232 : memref<1x640x128xf32, #tpu.memory_space<hbm>> -> memref<640x128xf32, #tpu.memory_space<hbm>>
      %dma_wait3A_234 = arith.constant 0 : i32
      %dma_wait3A_235 = tpu.memref_slice %arg15[%mul3A_224, %dma_wait3A_234] : memref<10240x128xf32, #tpu.memory_space<vmem_shared>> -> memref<640x128xf32, #tpu.memory_space<vmem_shared>>
      tpu.wait_dma2 semaphore(%run_scoped3A : memref<!tpu.dma_semaphore, #tpu.memory_space<semaphore_mem>>) src(%dma_wait3A_235 : memref<640x128xf32, #tpu.memory_space<vmem_shared>>) dst(%dma_wait3A_233 : memref<640x128xf32, #tpu.memory_space<hbm>>)
      tpu.yield
    }) : () -> ()
    return
  }
}

#map = affine_map<(d0, d1) -> (0, 0)>
#map1 = affine_map<(d0, d1) -> (0, 0, 0)>
module attributes {stable_mosaic.version = 14 : i64} {
  func.func @edge_agg(%arg0: i32, %arg1: i32, %arg2: memref<80000x128xf32, #tpu.memory_space<hbm>>, %arg3: memref<128x40x64xi32, #tpu.memory_space<hbm>>, %arg4: memref<2x10240x128xf32, #tpu.memory_space<hbm>>, %arg5: memref<40x64xi32, #tpu.memory_space<vmem>>, %arg6: memref<40x64xi32, #tpu.memory_space<vmem>>, %arg7: memref<64x128xf32, #tpu.memory_space<vmem>>, %arg8: memref<64x128xf32, #tpu.memory_space<vmem>>, %arg9: memref<64x128xf32, #tpu.memory_space<vmem>>, %arg10: memref<64x128xf32, #tpu.memory_space<vmem>>, %arg11: memref<!tpu.dma_semaphore, #tpu.memory_space<semaphore_mem>>, %arg12: memref<!tpu.dma_semaphore, #tpu.memory_space<semaphore_mem>>, %arg13: memref<!tpu.dma_semaphore, #tpu.memory_space<semaphore_mem>>, %arg14: memref<!tpu.dma_semaphore, #tpu.memory_space<semaphore_mem>>, %arg15: memref<10240x128xf32, #tpu.memory_space<vmem_shared>>) attributes {dimension_semantics = [#tpu.dimension_semantics<core_parallel>, #tpu.dimension_semantics<subcore_parallel>], iteration_bounds = array<i64: 2, 16>, scalar_prefetch = 0 : i64, scratch_operands = 11 : i64, tpu.core_type = #tpu.core_type<sc_vector_subcore>, window_params = [{transform_indices = #map}, {transform_indices = #map1}, {transform_indices = #map1}]} {
    %mul3A = arith.constant 2 : i32
    %mul3A_0 = arith.muli %arg1, %mul3A : i32
    %add3A = arith.addi %mul3A_0, %arg0 : i32
    %broadcast_in_dim3A = arith.constant 0.000000e+00 : f32
    %broadcast_in_dim3A_1 = vector.broadcast %broadcast_in_dim3A : f32 to vector<16xf32>
    %scan3A = arith.constant 0 : i32
    %scan3A_2 = arith.constant 0 : i32
    %scan3A_3 = arith.constant 64 : i32
    %scan3A_4 = arith.addi %scan3A_2, %scan3A_3 : i32
    %scan3A_5 = arith.constant 1 : i32
    scf.for %scan3A_227 = %scan3A_2 to %scan3A_4 step %scan3A_5  : i32 {
      %swap3A = arith.index_cast %scan3A_227 : i32 to index
      %swap3A_228 = arith.constant 0 : index
      %swap3A_229 = tpu.vector_load %arg7[%swap3A, %swap3A_228] {strides = array<i32>} : memref<64x128xf32, #tpu.memory_space<vmem>>, vector<1x16xf32>,
      %swap3A_230 = vector.shape_cast %swap3A_229 : vector<1x16xf32> to vector<16xf32>
      %swap3A_231 = vector.shape_cast %broadcast_in_dim3A_1 : vector<16xf32> to vector<1x16xf32>
      tpu.vector_store %arg7[%swap3A, %swap3A_228], %swap3A_231 {strides = array<i32>} : memref<64x128xf32, #tpu.memory_space<vmem>>, vector<1x16xf32>,
      %swap3A_232 = arith.index_cast %scan3A_227 : i32 to index
      %swap3A_233 = arith.constant 16 : index
      %swap3A_234 = tpu.vector_load %arg7[%swap3A_232, %swap3A_233] {strides = array<i32>} : memref<64x128xf32, #tpu.memory_space<vmem>>, vector<1x16xf32>,
      %swap3A_235 = vector.shape_cast %swap3A_234 : vector<1x16xf32> to vector<16xf32>
      %swap3A_236 = vector.shape_cast %broadcast_in_dim3A_1 : vector<16xf32> to vector<1x16xf32>
      tpu.vector_store %arg7[%swap3A_232, %swap3A_233], %swap3A_236 {strides = array<i32>} : memref<64x128xf32, #tpu.memory_space<vmem>>, vector<1x16xf32>,
      %swap3A_237 = arith.index_cast %scan3A_227 : i32 to index
      %swap3A_238 = arith.constant 32 : index
      %swap3A_239 = tpu.vector_load %arg7[%swap3A_237, %swap3A_238] {strides = array<i32>} : memref<64x128xf32, #tpu.memory_space<vmem>>, vector<1x16xf32>,
      %swap3A_240 = vector.shape_cast %swap3A_239 : vector<1x16xf32> to vector<16xf32>
      %swap3A_241 = vector.shape_cast %broadcast_in_dim3A_1 : vector<16xf32> to vector<1x16xf32>
      tpu.vector_store %arg7[%swap3A_237, %swap3A_238], %swap3A_241 {strides = array<i32>} : memref<64x128xf32, #tpu.memory_space<vmem>>, vector<1x16xf32>,
      %swap3A_242 = arith.index_cast %scan3A_227 : i32 to index
      %swap3A_243 = arith.constant 48 : index
      %swap3A_244 = tpu.vector_load %arg7[%swap3A_242, %swap3A_243] {strides = array<i32>} : memref<64x128xf32, #tpu.memory_space<vmem>>, vector<1x16xf32>,
      %swap3A_245 = vector.shape_cast %swap3A_244 : vector<1x16xf32> to vector<16xf32>
      %swap3A_246 = vector.shape_cast %broadcast_in_dim3A_1 : vector<16xf32> to vector<1x16xf32>
      tpu.vector_store %arg7[%swap3A_242, %swap3A_243], %swap3A_246 {strides = array<i32>} : memref<64x128xf32, #tpu.memory_space<vmem>>, vector<1x16xf32>,
      %swap3A_247 = arith.index_cast %scan3A_227 : i32 to index
      %swap3A_248 = arith.constant 64 : index
      %swap3A_249 = tpu.vector_load %arg7[%swap3A_247, %swap3A_248] {strides = array<i32>} : memref<64x128xf32, #tpu.memory_space<vmem>>, vector<1x16xf32>,
      %swap3A_250 = vector.shape_cast %swap3A_249 : vector<1x16xf32> to vector<16xf32>
      %swap3A_251 = vector.shape_cast %broadcast_in_dim3A_1 : vector<16xf32> to vector<1x16xf32>
      tpu.vector_store %arg7[%swap3A_247, %swap3A_248], %swap3A_251 {strides = array<i32>} : memref<64x128xf32, #tpu.memory_space<vmem>>, vector<1x16xf32>,
      %swap3A_252 = arith.index_cast %scan3A_227 : i32 to index
      %swap3A_253 = arith.constant 80 : index
      %swap3A_254 = tpu.vector_load %arg7[%swap3A_252, %swap3A_253] {strides = array<i32>} : memref<64x128xf32, #tpu.memory_space<vmem>>, vector<1x16xf32>,
      %swap3A_255 = vector.shape_cast %swap3A_254 : vector<1x16xf32> to vector<16xf32>
      %swap3A_256 = vector.shape_cast %broadcast_in_dim3A_1 : vector<16xf32> to vector<1x16xf32>
      tpu.vector_store %arg7[%swap3A_252, %swap3A_253], %swap3A_256 {strides = array<i32>} : memref<64x128xf32, #tpu.memory_space<vmem>>, vector<1x16xf32>,
      %swap3A_257 = arith.index_cast %scan3A_227 : i32 to index
      %swap3A_258 = arith.constant 96 : index
      %swap3A_259 = tpu.vector_load %arg7[%swap3A_257, %swap3A_258] {strides = array<i32>} : memref<64x128xf32, #tpu.memory_space<vmem>>, vector<1x16xf32>,
      %swap3A_260 = vector.shape_cast %swap3A_259 : vector<1x16xf32> to vector<16xf32>
      %swap3A_261 = vector.shape_cast %broadcast_in_dim3A_1 : vector<16xf32> to vector<1x16xf32>
      tpu.vector_store %arg7[%swap3A_257, %swap3A_258], %swap3A_261 {strides = array<i32>} : memref<64x128xf32, #tpu.memory_space<vmem>>, vector<1x16xf32>,
      %swap3A_262 = arith.index_cast %scan3A_227 : i32 to index
      %swap3A_263 = arith.constant 112 : index
      %swap3A_264 = tpu.vector_load %arg7[%swap3A_262, %swap3A_263] {strides = array<i32>} : memref<64x128xf32, #tpu.memory_space<vmem>>, vector<1x16xf32>,
      %swap3A_265 = vector.shape_cast %swap3A_264 : vector<1x16xf32> to vector<16xf32>
      %swap3A_266 = vector.shape_cast %broadcast_in_dim3A_1 : vector<16xf32> to vector<1x16xf32>
      tpu.vector_store %arg7[%swap3A_262, %swap3A_263], %swap3A_266 {strides = array<i32>} : memref<64x128xf32, #tpu.memory_space<vmem>>, vector<1x16xf32>,
    }
    %scan3A_6 = arith.constant 64 : i32
    %mul3A_7 = arith.constant 640 : i32
    %mul3A_8 = arith.muli %arg1, %mul3A_7 : i32
    %add3A_9 = arith.constant 0 : i32
    %add3A_10 = arith.addi %mul3A_8, %add3A_9 : i32
    "tpu.region"() ({
      %run_scoped3A = tpu.sem_alloc : memref<!tpu.dma_semaphore, #tpu.memory_space<semaphore_mem>>
      %dma_start3A_227 = arith.constant 0 : i32
      %dma_start3A_228 = tpu.memref_slice %arg15[%add3A_10, %dma_start3A_227] : memref<10240x128xf32, #tpu.memory_space<vmem_shared>> -> memref<64x128xf32, #tpu.memory_space<vmem_shared>>
      %dma_start3A_229 = arith.constant 0 : i32
      %dma_start3A_230 = tpu.memref_slice %arg15[%add3A_10, %dma_start3A_229] : memref<10240x128xf32, #tpu.memory_space<vmem_shared>> -> memref<64x128xf32, #tpu.memory_space<vmem_shared>>
      tpu.enqueue_dma source(%arg7 : memref<64x128xf32, #tpu.memory_space<vmem>>) target(%dma_start3A_230 : memref<64x128xf32, #tpu.memory_space<vmem_shared>>) target_semaphore(%run_scoped3A : memref<!tpu.dma_semaphore, #tpu.memory_space<semaphore_mem>>)
      %dma_wait3A = arith.constant 0 : i32
      %dma_wait3A_231 = tpu.memref_slice %arg15[%add3A_10, %dma_wait3A] : memref<10240x128xf32, #tpu.memory_space<vmem_shared>> -> memref<64x128xf32, #tpu.memory_space<vmem_shared>>
      %dma_wait3A_232 = arith.constant 0 : i32
      %dma_wait3A_233 = tpu.memref_slice %arg15[%add3A_10, %dma_wait3A_232] : memref<10240x128xf32, #tpu.memory_space<vmem_shared>> -> memref<64x128xf32, #tpu.memory_space<vmem_shared>>
      tpu.wait_dma2 semaphore(%run_scoped3A : memref<!tpu.dma_semaphore, #tpu.memory_space<semaphore_mem>>) src(%arg7 : memref<64x128xf32, #tpu.memory_space<vmem>>) dst(%dma_wait3A_233 : memref<64x128xf32, #tpu.memory_space<vmem_shared>>)
      tpu.yield
    }) : () -> ()
    %mul3A_11 = arith.constant 640 : i32
    %mul3A_12 = arith.muli %arg1, %mul3A_11 : i32
    %add3A_13 = arith.constant 64 : i32
    %add3A_14 = arith.addi %mul3A_12, %add3A_13 : i32
    "tpu.region"() ({
      %run_scoped3A = tpu.sem_alloc : memref<!tpu.dma_semaphore, #tpu.memory_space<semaphore_mem>>
      %dma_start3A_227 = arith.constant 0 : i32
      %dma_start3A_228 = tpu.memref_slice %arg15[%add3A_14, %dma_start3A_227] : memref<10240x128xf32, #tpu.memory_space<vmem_shared>> -> memref<64x128xf32, #tpu.memory_space<vmem_shared>>
      %dma_start3A_229 = arith.constant 0 : i32
      %dma_start3A_230 = tpu.memref_slice %arg15[%add3A_14, %dma_start3A_229] : memref<10240x128xf32, #tpu.memory_space<vmem_shared>> -> memref<64x128xf32, #tpu.memory_space<vmem_shared>>
      tpu.enqueue_dma source(%arg7 : memref<64x128xf32, #tpu.memory_space<vmem>>) target(%dma_start3A_230 : memref<64x128xf32, #tpu.memory_space<vmem_shared>>) target_semaphore(%run_scoped3A : memref<!tpu.dma_semaphore, #tpu.memory_space<semaphore_mem>>)
      %dma_wait3A = arith.constant 0 : i32
      %dma_wait3A_231 = tpu.memref_slice %arg15[%add3A_14, %dma_wait3A] : memref<10240x128xf32, #tpu.memory_space<vmem_shared>> -> memref<64x128xf32, #tpu.memory_space<vmem_shared>>
      %dma_wait3A_232 = arith.constant 0 : i32
      %dma_wait3A_233 = tpu.memref_slice %arg15[%add3A_14, %dma_wait3A_232] : memref<10240x128xf32, #tpu.memory_space<vmem_shared>> -> memref<64x128xf32, #tpu.memory_space<vmem_shared>>
      tpu.wait_dma2 semaphore(%run_scoped3A : memref<!tpu.dma_semaphore, #tpu.memory_space<semaphore_mem>>) src(%arg7 : memref<64x128xf32, #tpu.memory_space<vmem>>) dst(%dma_wait3A_233 : memref<64x128xf32, #tpu.memory_space<vmem_shared>>)
      tpu.yield
    }) : () -> ()
    %mul3A_15 = arith.constant 640 : i32
    %mul3A_16 = arith.muli %arg1, %mul3A_15 : i32
    %add3A_17 = arith.constant 128 : i32
    %add3A_18 = arith.addi %mul3A_16, %add3A_17 : i32
    "tpu.region"() ({
      %run_scoped3A = tpu.sem_alloc : memref<!tpu.dma_semaphore, #tpu.memory_space<semaphore_mem>>
      %dma_start3A_227 = arith.constant 0 : i32
      %dma_start3A_228 = tpu.memref_slice %arg15[%add3A_18, %dma_start3A_227] : memref<10240x128xf32, #tpu.memory_space<vmem_shared>> -> memref<64x128xf32, #tpu.memory_space<vmem_shared>>
      %dma_start3A_229 = arith.constant 0 : i32
      %dma_start3A_230 = tpu.memref_slice %arg15[%add3A_18, %dma_start3A_229] : memref<10240x128xf32, #tpu.memory_space<vmem_shared>> -> memref<64x128xf32, #tpu.memory_space<vmem_shared>>
      tpu.enqueue_dma source(%arg7 : memref<64x128xf32, #tpu.memory_space<vmem>>) target(%dma_start3A_230 : memref<64x128xf32, #tpu.memory_space<vmem_shared>>) target_semaphore(%run_scoped3A : memref<!tpu.dma_semaphore, #tpu.memory_space<semaphore_mem>>)
      %dma_wait3A = arith.constant 0 : i32
      %dma_wait3A_231 = tpu.memref_slice %arg15[%add3A_18, %dma_wait3A] : memref<10240x128xf32, #tpu.memory_space<vmem_shared>> -> memref<64x128xf32, #tpu.memory_space<vmem_shared>>
      %dma_wait3A_232 = arith.constant 0 : i32
      %dma_wait3A_233 = tpu.memref_slice %arg15[%add3A_18, %dma_wait3A_232] : memref<10240x128xf32, #tpu.memory_space<vmem_shared>> -> memref<64x128xf32, #tpu.memory_space<vmem_shared>>
      tpu.wait_dma2 semaphore(%run_scoped3A : memref<!tpu.dma_semaphore, #tpu.memory_space<semaphore_mem>>) src(%arg7 : memref<64x128xf32, #tpu.memory_space<vmem>>) dst(%dma_wait3A_233 : memref<64x128xf32, #tpu.memory_space<vmem_shared>>)
      tpu.yield
    }) : () -> ()
    %mul3A_19 = arith.constant 640 : i32
    %mul3A_20 = arith.muli %arg1, %mul3A_19 : i32
    %add3A_21 = arith.constant 192 : i32
    %add3A_22 = arith.addi %mul3A_20, %add3A_21 : i32
    "tpu.region"() ({
      %run_scoped3A = tpu.sem_alloc : memref<!tpu.dma_semaphore, #tpu.memory_space<semaphore_mem>>
      %dma_start3A_227 = arith.constant 0 : i32
      %dma_start3A_228 = tpu.memref_slice %arg15[%add3A_22, %dma_start3A_227] : memref<10240x128xf32, #tpu.memory_space<vmem_shared>> -> memref<64x128xf32, #tpu.memory_space<vmem_shared>>
      %dma_start3A_229 = arith.constant 0 : i32
      %dma_start3A_230 = tpu.memref_slice %arg15[%add3A_22, %dma_start3A_229] : memref<10240x128xf32, #tpu.memory_space<vmem_shared>> -> memref<64x128xf32, #tpu.memory_space<vmem_shared>>
      tpu.enqueue_dma source(%arg7 : memref<64x128xf32, #tpu.memory_space<vmem>>) target(%dma_start3A_230 : memref<64x128xf32, #tpu.memory_space<vmem_shared>>) target_semaphore(%run_scoped3A : memref<!tpu.dma_semaphore, #tpu.memory_space<semaphore_mem>>)
      %dma_wait3A = arith.constant 0 : i32
      %dma_wait3A_231 = tpu.memref_slice %arg15[%add3A_22, %dma_wait3A] : memref<10240x128xf32, #tpu.memory_space<vmem_shared>> -> memref<64x128xf32, #tpu.memory_space<vmem_shared>>
      %dma_wait3A_232 = arith.constant 0 : i32
      %dma_wait3A_233 = tpu.memref_slice %arg15[%add3A_22, %dma_wait3A_232] : memref<10240x128xf32, #tpu.memory_space<vmem_shared>> -> memref<64x128xf32, #tpu.memory_space<vmem_shared>>
      tpu.wait_dma2 semaphore(%run_scoped3A : memref<!tpu.dma_semaphore, #tpu.memory_space<semaphore_mem>>) src(%arg7 : memref<64x128xf32, #tpu.memory_space<vmem>>) dst(%dma_wait3A_233 : memref<64x128xf32, #tpu.memory_space<vmem_shared>>)
      tpu.yield
    }) : () -> ()
    %mul3A_23 = arith.constant 640 : i32
    %mul3A_24 = arith.muli %arg1, %mul3A_23 : i32
    %add3A_25 = arith.constant 256 : i32
    %add3A_26 = arith.addi %mul3A_24, %add3A_25 : i32
    "tpu.region"() ({
      %run_scoped3A = tpu.sem_alloc : memref<!tpu.dma_semaphore, #tpu.memory_space<semaphore_mem>>
      %dma_start3A_227 = arith.constant 0 : i32
      %dma_start3A_228 = tpu.memref_slice %arg15[%add3A_26, %dma_start3A_227] : memref<10240x128xf32, #tpu.memory_space<vmem_shared>> -> memref<64x128xf32, #tpu.memory_space<vmem_shared>>
      %dma_start3A_229 = arith.constant 0 : i32
      %dma_start3A_230 = tpu.memref_slice %arg15[%add3A_26, %dma_start3A_229] : memref<10240x128xf32, #tpu.memory_space<vmem_shared>> -> memref<64x128xf32, #tpu.memory_space<vmem_shared>>
      tpu.enqueue_dma source(%arg7 : memref<64x128xf32, #tpu.memory_space<vmem>>) target(%dma_start3A_230 : memref<64x128xf32, #tpu.memory_space<vmem_shared>>) target_semaphore(%run_scoped3A : memref<!tpu.dma_semaphore, #tpu.memory_space<semaphore_mem>>)
      %dma_wait3A = arith.constant 0 : i32
      %dma_wait3A_231 = tpu.memref_slice %arg15[%add3A_26, %dma_wait3A] : memref<10240x128xf32, #tpu.memory_space<vmem_shared>> -> memref<64x128xf32, #tpu.memory_space<vmem_shared>>
      %dma_wait3A_232 = arith.constant 0 : i32
      %dma_wait3A_233 = tpu.memref_slice %arg15[%add3A_26, %dma_wait3A_232] : memref<10240x128xf32, #tpu.memory_space<vmem_shared>> -> memref<64x128xf32, #tpu.memory_space<vmem_shared>>
      tpu.wait_dma2 semaphore(%run_scoped3A : memref<!tpu.dma_semaphore, #tpu.memory_space<semaphore_mem>>) src(%arg7 : memref<64x128xf32, #tpu.memory_space<vmem>>) dst(%dma_wait3A_233 : memref<64x128xf32, #tpu.memory_space<vmem_shared>>)
      tpu.yield
    }) : () -> ()
    %mul3A_27 = arith.constant 640 : i32
    %mul3A_28 = arith.muli %arg1, %mul3A_27 : i32
    %add3A_29 = arith.constant 320 : i32
    %add3A_30 = arith.addi %mul3A_28, %add3A_29 : i32
    "tpu.region"() ({
      %run_scoped3A = tpu.sem_alloc : memref<!tpu.dma_semaphore, #tpu.memory_space<semaphore_mem>>
      %dma_start3A_227 = arith.constant 0 : i32
      %dma_start3A_228 = tpu.memref_slice %arg15[%add3A_30, %dma_start3A_227] : memref<10240x128xf32, #tpu.memory_space<vmem_shared>> -> memref<64x128xf32, #tpu.memory_space<vmem_shared>>
      %dma_start3A_229 = arith.constant 0 : i32
      %dma_start3A_230 = tpu.memref_slice %arg15[%add3A_30, %dma_start3A_229] : memref<10240x128xf32, #tpu.memory_space<vmem_shared>> -> memref<64x128xf32, #tpu.memory_space<vmem_shared>>
      tpu.enqueue_dma source(%arg7 : memref<64x128xf32, #tpu.memory_space<vmem>>) target(%dma_start3A_230 : memref<64x128xf32, #tpu.memory_space<vmem_shared>>) target_semaphore(%run_scoped3A : memref<!tpu.dma_semaphore, #tpu.memory_space<semaphore_mem>>)
      %dma_wait3A = arith.constant 0 : i32
      %dma_wait3A_231 = tpu.memref_slice %arg15[%add3A_30, %dma_wait3A] : memref<10240x128xf32, #tpu.memory_space<vmem_shared>> -> memref<64x128xf32, #tpu.memory_space<vmem_shared>>
      %dma_wait3A_232 = arith.constant 0 : i32
      %dma_wait3A_233 = tpu.memref_slice %arg15[%add3A_30, %dma_wait3A_232] : memref<10240x128xf32, #tpu.memory_space<vmem_shared>> -> memref<64x128xf32, #tpu.memory_space<vmem_shared>>
      tpu.wait_dma2 semaphore(%run_scoped3A : memref<!tpu.dma_semaphore, #tpu.memory_space<semaphore_mem>>) src(%arg7 : memref<64x128xf32, #tpu.memory_space<vmem>>) dst(%dma_wait3A_233 : memref<64x128xf32, #tpu.memory_space<vmem_shared>>)
      tpu.yield
    }) : () -> ()
    %mul3A_31 = arith.constant 640 : i32
    %mul3A_32 = arith.muli %arg1, %mul3A_31 : i32
    %add3A_33 = arith.constant 384 : i32
    %add3A_34 = arith.addi %mul3A_32, %add3A_33 : i32
    "tpu.region"() ({
      %run_scoped3A = tpu.sem_alloc : memref<!tpu.dma_semaphore, #tpu.memory_space<semaphore_mem>>
      %dma_start3A_227 = arith.constant 0 : i32
      %dma_start3A_228 = tpu.memref_slice %arg15[%add3A_34, %dma_start3A_227] : memref<10240x128xf32, #tpu.memory_space<vmem_shared>> -> memref<64x128xf32, #tpu.memory_space<vmem_shared>>
      %dma_start3A_229 = arith.constant 0 : i32
      %dma_start3A_230 = tpu.memref_slice %arg15[%add3A_34, %dma_start3A_229] : memref<10240x128xf32, #tpu.memory_space<vmem_shared>> -> memref<64x128xf32, #tpu.memory_space<vmem_shared>>
      tpu.enqueue_dma source(%arg7 : memref<64x128xf32, #tpu.memory_space<vmem>>) target(%dma_start3A_230 : memref<64x128xf32, #tpu.memory_space<vmem_shared>>) target_semaphore(%run_scoped3A : memref<!tpu.dma_semaphore, #tpu.memory_space<semaphore_mem>>)
      %dma_wait3A = arith.constant 0 : i32
      %dma_wait3A_231 = tpu.memref_slice %arg15[%add3A_34, %dma_wait3A] : memref<10240x128xf32, #tpu.memory_space<vmem_shared>> -> memref<64x128xf32, #tpu.memory_space<vmem_shared>>
      %dma_wait3A_232 = arith.constant 0 : i32
      %dma_wait3A_233 = tpu.memref_slice %arg15[%add3A_34, %dma_wait3A_232] : memref<10240x128xf32, #tpu.memory_space<vmem_shared>> -> memref<64x128xf32, #tpu.memory_space<vmem_shared>>
      tpu.wait_dma2 semaphore(%run_scoped3A : memref<!tpu.dma_semaphore, #tpu.memory_space<semaphore_mem>>) src(%arg7 : memref<64x128xf32, #tpu.memory_space<vmem>>) dst(%dma_wait3A_233 : memref<64x128xf32, #tpu.memory_space<vmem_shared>>)
      tpu.yield
    }) : () -> ()
    %mul3A_35 = arith.constant 640 : i32
    %mul3A_36 = arith.muli %arg1, %mul3A_35 : i32
    %add3A_37 = arith.constant 448 : i32
    %add3A_38 = arith.addi %mul3A_36, %add3A_37 : i32
    "tpu.region"() ({
      %run_scoped3A = tpu.sem_alloc : memref<!tpu.dma_semaphore, #tpu.memory_space<semaphore_mem>>
      %dma_start3A_227 = arith.constant 0 : i32
      %dma_start3A_228 = tpu.memref_slice %arg15[%add3A_38, %dma_start3A_227] : memref<10240x128xf32, #tpu.memory_space<vmem_shared>> -> memref<64x128xf32, #tpu.memory_space<vmem_shared>>
      %dma_start3A_229 = arith.constant 0 : i32
      %dma_start3A_230 = tpu.memref_slice %arg15[%add3A_38, %dma_start3A_229] : memref<10240x128xf32, #tpu.memory_space<vmem_shared>> -> memref<64x128xf32, #tpu.memory_space<vmem_shared>>
      tpu.enqueue_dma source(%arg7 : memref<64x128xf32, #tpu.memory_space<vmem>>) target(%dma_start3A_230 : memref<64x128xf32, #tpu.memory_space<vmem_shared>>) target_semaphore(%run_scoped3A : memref<!tpu.dma_semaphore, #tpu.memory_space<semaphore_mem>>)
      %dma_wait3A = arith.constant 0 : i32
      %dma_wait3A_231 = tpu.memref_slice %arg15[%add3A_38, %dma_wait3A] : memref<10240x128xf32, #tpu.memory_space<vmem_shared>> -> memref<64x128xf32, #tpu.memory_space<vmem_shared>>
      %dma_wait3A_232 = arith.constant 0 : i32
      %dma_wait3A_233 = tpu.memref_slice %arg15[%add3A_38, %dma_wait3A_232] : memref<10240x128xf32, #tpu.memory_space<vmem_shared>> -> memref<64x128xf32, #tpu.memory_space<vmem_shared>>
      tpu.wait_dma2 semaphore(%run_scoped3A : memref<!tpu.dma_semaphore, #tpu.memory_space<semaphore_mem>>) src(%arg7 : memref<64x128xf32, #tpu.memory_space<vmem>>) dst(%dma_wait3A_233 : memref<64x128xf32, #tpu.memory_space<vmem_shared>>)
      tpu.yield
    }) : () -> ()
    %mul3A_39 = arith.constant 640 : i32
    %mul3A_40 = arith.muli %arg1, %mul3A_39 : i32
    %add3A_41 = arith.constant 512 : i32
    %add3A_42 = arith.addi %mul3A_40, %add3A_41 : i32
    "tpu.region"() ({
      %run_scoped3A = tpu.sem_alloc : memref<!tpu.dma_semaphore, #tpu.memory_space<semaphore_mem>>
      %dma_start3A_227 = arith.constant 0 : i32
      %dma_start3A_228 = tpu.memref_slice %arg15[%add3A_42, %dma_start3A_227] : memref<10240x128xf32, #tpu.memory_space<vmem_shared>> -> memref<64x128xf32, #tpu.memory_space<vmem_shared>>
      %dma_start3A_229 = arith.constant 0 : i32
      %dma_start3A_230 = tpu.memref_slice %arg15[%add3A_42, %dma_start3A_229] : memref<10240x128xf32, #tpu.memory_space<vmem_shared>> -> memref<64x128xf32, #tpu.memory_space<vmem_shared>>
      tpu.enqueue_dma source(%arg7 : memref<64x128xf32, #tpu.memory_space<vmem>>) target(%dma_start3A_230 : memref<64x128xf32, #tpu.memory_space<vmem_shared>>) target_semaphore(%run_scoped3A : memref<!tpu.dma_semaphore, #tpu.memory_space<semaphore_mem>>)
      %dma_wait3A = arith.constant 0 : i32
      %dma_wait3A_231 = tpu.memref_slice %arg15[%add3A_42, %dma_wait3A] : memref<10240x128xf32, #tpu.memory_space<vmem_shared>> -> memref<64x128xf32, #tpu.memory_space<vmem_shared>>
      %dma_wait3A_232 = arith.constant 0 : i32
      %dma_wait3A_233 = tpu.memref_slice %arg15[%add3A_42, %dma_wait3A_232] : memref<10240x128xf32, #tpu.memory_space<vmem_shared>> -> memref<64x128xf32, #tpu.memory_space<vmem_shared>>
      tpu.wait_dma2 semaphore(%run_scoped3A : memref<!tpu.dma_semaphore, #tpu.memory_space<semaphore_mem>>) src(%arg7 : memref<64x128xf32, #tpu.memory_space<vmem>>) dst(%dma_wait3A_233 : memref<64x128xf32, #tpu.memory_space<vmem_shared>>)
      tpu.yield
    }) : () -> ()
    %mul3A_43 = arith.constant 640 : i32
    %mul3A_44 = arith.muli %arg1, %mul3A_43 : i32
    %add3A_45 = arith.constant 576 : i32
    %add3A_46 = arith.addi %mul3A_44, %add3A_45 : i32
    "tpu.region"() ({
      %run_scoped3A = tpu.sem_alloc : memref<!tpu.dma_semaphore, #tpu.memory_space<semaphore_mem>>
      %dma_start3A_227 = arith.constant 0 : i32
      %dma_start3A_228 = tpu.memref_slice %arg15[%add3A_46, %dma_start3A_227] : memref<10240x128xf32, #tpu.memory_space<vmem_shared>> -> memref<64x128xf32, #tpu.memory_space<vmem_shared>>
      %dma_start3A_229 = arith.constant 0 : i32
      %dma_start3A_230 = tpu.memref_slice %arg15[%add3A_46, %dma_start3A_229] : memref<10240x128xf32, #tpu.memory_space<vmem_shared>> -> memref<64x128xf32, #tpu.memory_space<vmem_shared>>
      tpu.enqueue_dma source(%arg7 : memref<64x128xf32, #tpu.memory_space<vmem>>) target(%dma_start3A_230 : memref<64x128xf32, #tpu.memory_space<vmem_shared>>) target_semaphore(%run_scoped3A : memref<!tpu.dma_semaphore, #tpu.memory_space<semaphore_mem>>)
      %dma_wait3A = arith.constant 0 : i32
      %dma_wait3A_231 = tpu.memref_slice %arg15[%add3A_46, %dma_wait3A] : memref<10240x128xf32, #tpu.memory_space<vmem_shared>> -> memref<64x128xf32, #tpu.memory_space<vmem_shared>>
      %dma_wait3A_232 = arith.constant 0 : i32
      %dma_wait3A_233 = tpu.memref_slice %arg15[%add3A_46, %dma_wait3A_232] : memref<10240x128xf32, #tpu.memory_space<vmem_shared>> -> memref<64x128xf32, #tpu.memory_space<vmem_shared>>
      tpu.wait_dma2 semaphore(%run_scoped3A : memref<!tpu.dma_semaphore, #tpu.memory_space<semaphore_mem>>) src(%arg7 : memref<64x128xf32, #tpu.memory_space<vmem>>) dst(%dma_wait3A_233 : memref<64x128xf32, #tpu.memory_space<vmem_shared>>)
      tpu.yield
    }) : () -> ()
    %barrier3A = arith.constant 0 : index
    tpu.barrier barrier_id(%barrier3A)
    %mul3A_47 = arith.constant 4 : i32
    %mul3A_48 = arith.muli %add3A, %mul3A_47 : i32
    %add3A_49 = arith.constant 0 : i32
    %add3A_50 = arith.addi %mul3A_48, %add3A_49 : i32
    "tpu.region"() ({
      %run_scoped3A = tpu.sem_alloc : memref<!tpu.dma_semaphore, #tpu.memory_space<semaphore_mem>>
      %dma_start3A_227 = arith.constant 0 : i32
      %dma_start3A_228 = arith.constant 0 : i32
      %dma_start3A_229 = tpu.memref_slice %arg3[%add3A_50, %dma_start3A_227, %dma_start3A_228] : memref<128x40x64xi32, #tpu.memory_space<hbm>> -> memref<1x40x64xi32, #tpu.memory_space<hbm>>
      %dma_start3A_230 = tpu.memref_squeeze %dma_start3A_229 : memref<1x40x64xi32, #tpu.memory_space<hbm>> -> memref<40x64xi32, #tpu.memory_space<hbm>>
      %dma_start3A_231 = arith.constant 0 : i32
      %dma_start3A_232 = arith.constant 0 : i32
      %dma_start3A_233 = tpu.memref_slice %arg3[%add3A_50, %dma_start3A_231, %dma_start3A_232] : memref<128x40x64xi32, #tpu.memory_space<hbm>> -> memref<1x40x64xi32, #tpu.memory_space<hbm>>
      %dma_start3A_234 = tpu.memref_squeeze %dma_start3A_233 : memref<1x40x64xi32, #tpu.memory_space<hbm>> -> memref<40x64xi32, #tpu.memory_space<hbm>>
      tpu.enqueue_dma source(%dma_start3A_234 : memref<40x64xi32, #tpu.memory_space<hbm>>) target(%arg5 : memref<40x64xi32, #tpu.memory_space<vmem>>) target_semaphore(%run_scoped3A : memref<!tpu.dma_semaphore, #tpu.memory_space<semaphore_mem>>)
      %dma_wait3A = arith.constant 0 : i32
      %dma_wait3A_235 = arith.constant 0 : i32
      %dma_wait3A_236 = tpu.memref_slice %arg3[%add3A_50, %dma_wait3A, %dma_wait3A_235] : memref<128x40x64xi32, #tpu.memory_space<hbm>> -> memref<1x40x64xi32, #tpu.memory_space<hbm>>
      %dma_wait3A_237 = tpu.memref_squeeze %dma_wait3A_236 : memref<1x40x64xi32, #tpu.memory_space<hbm>> -> memref<40x64xi32, #tpu.memory_space<hbm>>
      %dma_wait3A_238 = arith.constant 0 : i32
      %dma_wait3A_239 = arith.constant 0 : i32
      %dma_wait3A_240 = tpu.memref_slice %arg3[%add3A_50, %dma_wait3A_238, %dma_wait3A_239] : memref<128x40x64xi32, #tpu.memory_space<hbm>> -> memref<1x40x64xi32, #tpu.memory_space<hbm>>
      %dma_wait3A_241 = tpu.memref_squeeze %dma_wait3A_240 : memref<1x40x64xi32, #tpu.memory_space<hbm>> -> memref<40x64xi32, #tpu.memory_space<hbm>>
      tpu.wait_dma2 semaphore(%run_scoped3A : memref<!tpu.dma_semaphore, #tpu.memory_space<semaphore_mem>>) src(%dma_wait3A_241 : memref<40x64xi32, #tpu.memory_space<hbm>>) dst(%arg5 : memref<40x64xi32, #tpu.memory_space<vmem>>)
      tpu.yield
    }) : () -> ()
    %scan3A_51 = arith.constant 0 : i32
    %scan3A_52 = arith.constant 0 : i32
    %scan3A_53 = arith.constant 40 : i32
    %scan3A_54 = arith.addi %scan3A_52, %scan3A_53 : i32
    %scan3A_55 = arith.constant 1 : i32
    scf.for %scan3A_227 = %scan3A_52 to %scan3A_54 step %scan3A_55  : i32 {
      %get3A = arith.index_cast %scan3A_227 : i32 to index
      %get3A_228 = arith.constant 0 : index
      %get3A_229 = tpu.vector_load %arg5[%get3A, %get3A_228] {strides = array<i32>} : memref<40x64xi32, #tpu.memory_space<vmem>>, vector<1x16xi32>,
      %get3A_230 = vector.shape_cast %get3A_229 : vector<1x16xi32> to vector<16xi32>
      %shift_right_arithmetic3A = arith.constant 14 : i32
      %shift_right_arithmetic3A_231 = vector.broadcast %shift_right_arithmetic3A : i32 to vector<16xi32>
      %shift_right_arithmetic3A_232 = arith.shrsi %get3A_230, %shift_right_arithmetic3A_231 : vector<16xi32>
      %swap3A = arith.index_cast %scan3A_227 : i32 to index
      %swap3A_233 = arith.constant 0 : index
      %swap3A_234 = tpu.vector_load %arg5[%swap3A, %swap3A_233] {strides = array<i32>} : memref<40x64xi32, #tpu.memory_space<vmem>>, vector<1x16xi32>,
      %swap3A_235 = vector.shape_cast %swap3A_234 : vector<1x16xi32> to vector<16xi32>
      %swap3A_236 = vector.shape_cast %shift_right_arithmetic3A_232 : vector<16xi32> to vector<1x16xi32>
      tpu.vector_store %arg5[%swap3A, %swap3A_233], %swap3A_236 {strides = array<i32>} : memref<40x64xi32, #tpu.memory_space<vmem>>, vector<1x16xi32>,
      %and3A = arith.constant 16383 : i32
      %and3A_237 = vector.broadcast %and3A : i32 to vector<16xi32>
      %and3A_238 = arith.andi %get3A_230, %and3A_237 : vector<16xi32>
      %swap3A_239 = arith.index_cast %scan3A_227 : i32 to index
      %swap3A_240 = arith.constant 0 : index
      %swap3A_241 = tpu.vector_load %arg6[%swap3A_239, %swap3A_240] {strides = array<i32>} : memref<40x64xi32, #tpu.memory_space<vmem>>, vector<1x16xi32>,
      %swap3A_242 = vector.shape_cast %swap3A_241 : vector<1x16xi32> to vector<16xi32>
      %swap3A_243 = vector.shape_cast %and3A_238 : vector<16xi32> to vector<1x16xi32>
      tpu.vector_store %arg6[%swap3A_239, %swap3A_240], %swap3A_243 {strides = array<i32>} : memref<40x64xi32, #tpu.memory_space<vmem>>, vector<1x16xi32>,
      %get3A_244 = arith.index_cast %scan3A_227 : i32 to index
      %get3A_245 = arith.constant 16 : index
      %get3A_246 = tpu.vector_load %arg5[%get3A_244, %get3A_245] {strides = array<i32>} : memref<40x64xi32, #tpu.memory_space<vmem>>, vector<1x16xi32>,
      %get3A_247 = vector.shape_cast %get3A_246 : vector<1x16xi32> to vector<16xi32>
      %shift_right_arithmetic3A_248 = arith.constant 14 : i32
      %shift_right_arithmetic3A_249 = vector.broadcast %shift_right_arithmetic3A_248 : i32 to vector<16xi32>
      %shift_right_arithmetic3A_250 = arith.shrsi %get3A_247, %shift_right_arithmetic3A_249 : vector<16xi32>
      %swap3A_251 = arith.index_cast %scan3A_227 : i32 to index
      %swap3A_252 = arith.constant 16 : index
      %swap3A_253 = tpu.vector_load %arg5[%swap3A_251, %swap3A_252] {strides = array<i32>} : memref<40x64xi32, #tpu.memory_space<vmem>>, vector<1x16xi32>,
      %swap3A_254 = vector.shape_cast %swap3A_253 : vector<1x16xi32> to vector<16xi32>
      %swap3A_255 = vector.shape_cast %shift_right_arithmetic3A_250 : vector<16xi32> to vector<1x16xi32>
      tpu.vector_store %arg5[%swap3A_251, %swap3A_252], %swap3A_255 {strides = array<i32>} : memref<40x64xi32, #tpu.memory_space<vmem>>, vector<1x16xi32>,
      %and3A_256 = arith.constant 16383 : i32
      %and3A_257 = vector.broadcast %and3A_256 : i32 to vector<16xi32>
      %and3A_258 = arith.andi %get3A_247, %and3A_257 : vector<16xi32>
      %swap3A_259 = arith.index_cast %scan3A_227 : i32 to index
      %swap3A_260 = arith.constant 16 : index
      %swap3A_261 = tpu.vector_load %arg6[%swap3A_259, %swap3A_260] {strides = array<i32>} : memref<40x64xi32, #tpu.memory_space<vmem>>, vector<1x16xi32>,
      %swap3A_262 = vector.shape_cast %swap3A_261 : vector<1x16xi32> to vector<16xi32>
      %swap3A_263 = vector.shape_cast %and3A_258 : vector<16xi32> to vector<1x16xi32>
      tpu.vector_store %arg6[%swap3A_259, %swap3A_260], %swap3A_263 {strides = array<i32>} : memref<40x64xi32, #tpu.memory_space<vmem>>, vector<1x16xi32>,
      %get3A_264 = arith.index_cast %scan3A_227 : i32 to index
      %get3A_265 = arith.constant 32 : index
      %get3A_266 = tpu.vector_load %arg5[%get3A_264, %get3A_265] {strides = array<i32>} : memref<40x64xi32, #tpu.memory_space<vmem>>, vector<1x16xi32>,
      %get3A_267 = vector.shape_cast %get3A_266 : vector<1x16xi32> to vector<16xi32>
      %shift_right_arithmetic3A_268 = arith.constant 14 : i32
      %shift_right_arithmetic3A_269 = vector.broadcast %shift_right_arithmetic3A_268 : i32 to vector<16xi32>
      %shift_right_arithmetic3A_270 = arith.shrsi %get3A_267, %shift_right_arithmetic3A_269 : vector<16xi32>
      %swap3A_271 = arith.index_cast %scan3A_227 : i32 to index
      %swap3A_272 = arith.constant 32 : index
      %swap3A_273 = tpu.vector_load %arg5[%swap3A_271, %swap3A_272] {strides = array<i32>} : memref<40x64xi32, #tpu.memory_space<vmem>>, vector<1x16xi32>,
      %swap3A_274 = vector.shape_cast %swap3A_273 : vector<1x16xi32> to vector<16xi32>
      %swap3A_275 = vector.shape_cast %shift_right_arithmetic3A_270 : vector<16xi32> to vector<1x16xi32>
      tpu.vector_store %arg5[%swap3A_271, %swap3A_272], %swap3A_275 {strides = array<i32>} : memref<40x64xi32, #tpu.memory_space<vmem>>, vector<1x16xi32>,
      %and3A_276 = arith.constant 16383 : i32
      %and3A_277 = vector.broadcast %and3A_276 : i32 to vector<16xi32>
      %and3A_278 = arith.andi %get3A_267, %and3A_277 : vector<16xi32>
      %swap3A_279 = arith.index_cast %scan3A_227 : i32 to index
      %swap3A_280 = arith.constant 32 : index
      %swap3A_281 = tpu.vector_load %arg6[%swap3A_279, %swap3A_280] {strides = array<i32>} : memref<40x64xi32, #tpu.memory_space<vmem>>, vector<1x16xi32>,
      %swap3A_282 = vector.shape_cast %swap3A_281 : vector<1x16xi32> to vector<16xi32>
      %swap3A_283 = vector.shape_cast %and3A_278 : vector<16xi32> to vector<1x16xi32>
      tpu.vector_store %arg6[%swap3A_279, %swap3A_280], %swap3A_283 {strides = array<i32>} : memref<40x64xi32, #tpu.memory_space<vmem>>, vector<1x16xi32>,
      %get3A_284 = arith.index_cast %scan3A_227 : i32 to index
      %get3A_285 = arith.constant 48 : index
      %get3A_286 = tpu.vector_load %arg5[%get3A_284, %get3A_285] {strides = array<i32>} : memref<40x64xi32, #tpu.memory_space<vmem>>, vector<1x16xi32>,
      %get3A_287 = vector.shape_cast %get3A_286 : vector<1x16xi32> to vector<16xi32>
      %shift_right_arithmetic3A_288 = arith.constant 14 : i32
      %shift_right_arithmetic3A_289 = vector.broadcast %shift_right_arithmetic3A_288 : i32 to vector<16xi32>
      %shift_right_arithmetic3A_290 = arith.shrsi %get3A_287, %shift_right_arithmetic3A_289 : vector<16xi32>
      %swap3A_291 = arith.index_cast %scan3A_227 : i32 to index
      %swap3A_292 = arith.constant 48 : index
      %swap3A_293 = tpu.vector_load %arg5[%swap3A_291, %swap3A_292] {strides = array<i32>} : memref<40x64xi32, #tpu.memory_space<vmem>>, vector<1x16xi32>,
      %swap3A_294 = vector.shape_cast %swap3A_293 : vector<1x16xi32> to vector<16xi32>
      %swap3A_295 = vector.shape_cast %shift_right_arithmetic3A_290 : vector<16xi32> to vector<1x16xi32>
      tpu.vector_store %arg5[%swap3A_291, %swap3A_292], %swap3A_295 {strides = array<i32>} : memref<40x64xi32, #tpu.memory_space<vmem>>, vector<1x16xi32>,
      %and3A_296 = arith.constant 16383 : i32
      %and3A_297 = vector.broadcast %and3A_296 : i32 to vector<16xi32>
      %and3A_298 = arith.andi %get3A_287, %and3A_297 : vector<16xi32>
      %swap3A_299 = arith.index_cast %scan3A_227 : i32 to index
      %swap3A_300 = arith.constant 48 : index
      %swap3A_301 = tpu.vector_load %arg6[%swap3A_299, %swap3A_300] {strides = array<i32>} : memref<40x64xi32, #tpu.memory_space<vmem>>, vector<1x16xi32>,
      %swap3A_302 = vector.shape_cast %swap3A_301 : vector<1x16xi32> to vector<16xi32>
      %swap3A_303 = vector.shape_cast %and3A_298 : vector<16xi32> to vector<1x16xi32>
      tpu.vector_store %arg6[%swap3A_299, %swap3A_300], %swap3A_303 {strides = array<i32>} : memref<40x64xi32, #tpu.memory_space<vmem>>, vector<1x16xi32>,
    }
    %scan3A_56 = arith.constant 40 : i32
    %dma_start3A = arith.constant 0 : i32
    %dma_start3A_57 = arith.constant 0 : i32
    %dma_start3A_58 = tpu.memref_slice %arg5[%dma_start3A, %dma_start3A_57] : memref<40x64xi32, #tpu.memory_space<vmem>> -> memref<1x64xi32, #tpu.memory_space<vmem>>
    %dma_start3A_59 = tpu.memref_squeeze %dma_start3A_58 : memref<1x64xi32, #tpu.memory_space<vmem>> -> memref<64xi32, #tpu.memory_space<vmem>>
    %dma_start3A_60 = arith.constant 0 : i32
    %dma_start3A_61 = arith.constant 0 : i32
    %dma_start3A_62 = tpu.memref_slice %arg2[%dma_start3A_60, %dma_start3A_61] : memref<80000x128xf32, #tpu.memory_space<hbm>> -> memref<80000x128xf32, #tpu.memory_space<hbm>>
    tpu.enqueue_indirect_dma source(%dma_start3A_62 : memref<80000x128xf32, #tpu.memory_space<hbm>>) target(%arg7 : memref<64x128xf32, #tpu.memory_space<vmem>>) offsets(%dma_start3A_59 : memref<64xi32, #tpu.memory_space<vmem>>) semaphore(%arg11 : memref<!tpu.dma_semaphore, #tpu.memory_space<semaphore_mem>>)
    %dma_start3A_63 = arith.constant 1 : i32
    %dma_start3A_64 = arith.constant 0 : i32
    %dma_start3A_65 = tpu.memref_slice %arg5[%dma_start3A_63, %dma_start3A_64] : memref<40x64xi32, #tpu.memory_space<vmem>> -> memref<1x64xi32, #tpu.memory_space<vmem>>
    %dma_start3A_66 = tpu.memref_squeeze %dma_start3A_65 : memref<1x64xi32, #tpu.memory_space<vmem>> -> memref<64xi32, #tpu.memory_space<vmem>>
    %dma_start3A_67 = arith.constant 0 : i32
    %dma_start3A_68 = arith.constant 0 : i32
    %dma_start3A_69 = tpu.memref_slice %arg2[%dma_start3A_67, %dma_start3A_68] : memref<80000x128xf32, #tpu.memory_space<hbm>> -> memref<80000x128xf32, #tpu.memory_space<hbm>>
    tpu.enqueue_indirect_dma source(%dma_start3A_69 : memref<80000x128xf32, #tpu.memory_space<hbm>>) target(%arg8 : memref<64x128xf32, #tpu.memory_space<vmem>>) offsets(%dma_start3A_66 : memref<64xi32, #tpu.memory_space<vmem>>) semaphore(%arg12 : memref<!tpu.dma_semaphore, #tpu.memory_space<semaphore_mem>>)
    %dma_start3A_70 = arith.constant 2 : i32
    %dma_start3A_71 = arith.constant 0 : i32
    %dma_start3A_72 = tpu.memref_slice %arg5[%dma_start3A_70, %dma_start3A_71] : memref<40x64xi32, #tpu.memory_space<vmem>> -> memref<1x64xi32, #tpu.memory_space<vmem>>
    %dma_start3A_73 = tpu.memref_squeeze %dma_start3A_72 : memref<1x64xi32, #tpu.memory_space<vmem>> -> memref<64xi32, #tpu.memory_space<vmem>>
    %dma_start3A_74 = arith.constant 0 : i32
    %dma_start3A_75 = arith.constant 0 : i32
    %dma_start3A_76 = tpu.memref_slice %arg2[%dma_start3A_74, %dma_start3A_75] : memref<80000x128xf32, #tpu.memory_space<hbm>> -> memref<80000x128xf32, #tpu.memory_space<hbm>>
    tpu.enqueue_indirect_dma source(%dma_start3A_76 : memref<80000x128xf32, #tpu.memory_space<hbm>>) target(%arg9 : memref<64x128xf32, #tpu.memory_space<vmem>>) offsets(%dma_start3A_73 : memref<64xi32, #tpu.memory_space<vmem>>) semaphore(%arg13 : memref<!tpu.dma_semaphore, #tpu.memory_space<semaphore_mem>>)
    %dma_start3A_77 = arith.constant 3 : i32
    %dma_start3A_78 = arith.constant 0 : i32
    %dma_start3A_79 = tpu.memref_slice %arg5[%dma_start3A_77, %dma_start3A_78] : memref<40x64xi32, #tpu.memory_space<vmem>> -> memref<1x64xi32, #tpu.memory_space<vmem>>
    %dma_start3A_80 = tpu.memref_squeeze %dma_start3A_79 : memref<1x64xi32, #tpu.memory_space<vmem>> -> memref<64xi32, #tpu.memory_space<vmem>>
    %dma_start3A_81 = arith.constant 0 : i32
    %dma_start3A_82 = arith.constant 0 : i32
    %dma_start3A_83 = tpu.memref_slice %arg2[%dma_start3A_81, %dma_start3A_82] : memref<80000x128xf32, #tpu.memory_space<hbm>> -> memref<80000x128xf32, #tpu.memory_space<hbm>>
    tpu.enqueue_indirect_dma source(%dma_start3A_83 : memref<80000x128xf32, #tpu.memory_space<hbm>>) target(%arg10 : memref<64x128xf32, #tpu.memory_space<vmem>>) offsets(%dma_start3A_80 : memref<64xi32, #tpu.memory_space<vmem>>) semaphore(%arg14 : memref<!tpu.dma_semaphore, #tpu.memory_space<semaphore_mem>>)
    %scan3A_84 = arith.constant 0 : i32
    %scan3A_85 = arith.constant 0 : i32
    %scan3A_86 = arith.constant 10 : i32
    %scan3A_87 = arith.addi %scan3A_85, %scan3A_86 : i32
    %scan3A_88 = arith.constant 1 : i32
    scf.for %scan3A_227 = %scan3A_85 to %scan3A_87 step %scan3A_88  : i32 {
      %mul3A_228 = arith.constant 4 : i32
      %mul3A_229 = arith.muli %mul3A_228, %scan3A_227 : i32
      %add3A_230 = arith.constant 0 : i32
      %add3A_231 = arith.addi %mul3A_229, %add3A_230 : i32
      %dma_wait3A = arith.constant 0 : i32
      %dma_wait3A_232 = tpu.memref_slice %arg5[%add3A_231, %dma_wait3A] : memref<40x64xi32, #tpu.memory_space<vmem>> -> memref<1x64xi32, #tpu.memory_space<vmem>>
      %dma_wait3A_233 = tpu.memref_squeeze %dma_wait3A_232 : memref<1x64xi32, #tpu.memory_space<vmem>> -> memref<64xi32, #tpu.memory_space<vmem>>
      %dma_wait3A_234 = arith.constant 0 : i32
      %dma_wait3A_235 = arith.constant 0 : i32
      %dma_wait3A_236 = tpu.memref_slice %arg2[%dma_wait3A_234, %dma_wait3A_235] : memref<80000x128xf32, #tpu.memory_space<hbm>> -> memref<80000x128xf32, #tpu.memory_space<hbm>>
      tpu.wait_indirect_dma semaphore(%arg11 : memref<!tpu.dma_semaphore, #tpu.memory_space<semaphore_mem>>) src(%dma_wait3A_236 : memref<80000x128xf32, #tpu.memory_space<hbm>>) dst(%arg7 : memref<64x128xf32, #tpu.memory_space<vmem>>)
      "tpu.region"() ({
        %run_scoped3A = tpu.sem_alloc : memref<!tpu.dma_semaphore, #tpu.memory_space<semaphore_mem>>
        %dma_start3A_286 = arith.constant 0 : i32
        %dma_start3A_287 = tpu.memref_slice %arg6[%add3A_231, %dma_start3A_286] : memref<40x64xi32, #tpu.memory_space<vmem>> -> memref<1x64xi32, #tpu.memory_space<vmem>>
        %dma_start3A_288 = tpu.memref_squeeze %dma_start3A_287 : memref<1x64xi32, #tpu.memory_space<vmem>> -> memref<64xi32, #tpu.memory_space<vmem>>
        %dma_start3A_289 = arith.constant 0 : i32
        %dma_start3A_290 = arith.constant 0 : i32
        %dma_start3A_291 = tpu.memref_slice %arg15[%dma_start3A_289, %dma_start3A_290] : memref<10240x128xf32, #tpu.memory_space<vmem_shared>> -> memref<10240x128xf32, #tpu.memory_space<vmem_shared>>
        tpu.enqueue_indirect_dma source(%arg7 : memref<64x128xf32, #tpu.memory_space<vmem>>) target(%dma_start3A_291 : memref<10240x128xf32, #tpu.memory_space<vmem_shared>>) offsets(%dma_start3A_288 : memref<64xi32, #tpu.memory_space<vmem>>) semaphore(%run_scoped3A : memref<!tpu.dma_semaphore, #tpu.memory_space<semaphore_mem>>) {add = true}
        %dma_wait3A_292 = arith.constant 0 : i32
        %dma_wait3A_293 = tpu.memref_slice %arg6[%add3A_231, %dma_wait3A_292] : memref<40x64xi32, #tpu.memory_space<vmem>> -> memref<1x64xi32, #tpu.memory_space<vmem>>
        %dma_wait3A_294 = tpu.memref_squeeze %dma_wait3A_293 : memref<1x64xi32, #tpu.memory_space<vmem>> -> memref<64xi32, #tpu.memory_space<vmem>>
        %dma_wait3A_295 = arith.constant 0 : i32
        %dma_wait3A_296 = arith.constant 0 : i32
        %dma_wait3A_297 = tpu.memref_slice %arg15[%dma_wait3A_295, %dma_wait3A_296] : memref<10240x128xf32, #tpu.memory_space<vmem_shared>> -> memref<10240x128xf32, #tpu.memory_space<vmem_shared>>
        tpu.wait_indirect_dma semaphore(%run_scoped3A : memref<!tpu.dma_semaphore, #tpu.memory_space<semaphore_mem>>) src(%arg7 : memref<64x128xf32, #tpu.memory_space<vmem>>) dst(%dma_wait3A_297 : memref<10240x128xf32, #tpu.memory_space<vmem_shared>>)
        tpu.yield
      }) : () -> ()
      %add3A_237 = arith.constant 4 : i32
      %add3A_238 = arith.addi %add3A_231, %add3A_237 : i32
      %lt3A = arith.constant 40 : i32
      %lt3A_239 = arith.cmpi slt, %add3A_238, %lt3A : i32
      %convert_element_type3A = arith.extui %lt3A_239 : i1 to i32
      %cond3A = arith.constant 0 : i32
      %cond3A_240 = arith.cmpi ne, %convert_element_type3A, %cond3A : i32
      scf.if %cond3A_240 {
        %add3A_286 = arith.constant 4 : i32
        %add3A_287 = arith.addi %add3A_231, %add3A_286 : i32
        %dma_start3A_288 = arith.constant 0 : i32
        %dma_start3A_289 = tpu.memref_slice %arg5[%add3A_287, %dma_start3A_288] : memref<40x64xi32, #tpu.memory_space<vmem>> -> memref<1x64xi32, #tpu.memory_space<vmem>>
        %dma_start3A_290 = tpu.memref_squeeze %dma_start3A_289 : memref<1x64xi32, #tpu.memory_space<vmem>> -> memref<64xi32, #tpu.memory_space<vmem>>
        %dma_start3A_291 = arith.constant 0 : i32
        %dma_start3A_292 = arith.constant 0 : i32
        %dma_start3A_293 = tpu.memref_slice %arg2[%dma_start3A_291, %dma_start3A_292] : memref<80000x128xf32, #tpu.memory_space<hbm>> -> memref<80000x128xf32, #tpu.memory_space<hbm>>
        tpu.enqueue_indirect_dma source(%dma_start3A_293 : memref<80000x128xf32, #tpu.memory_space<hbm>>) target(%arg7 : memref<64x128xf32, #tpu.memory_space<vmem>>) offsets(%dma_start3A_290 : memref<64xi32, #tpu.memory_space<vmem>>) semaphore(%arg11 : memref<!tpu.dma_semaphore, #tpu.memory_space<semaphore_mem>>)
      } else {
      }
      %add3A_241 = arith.constant 1 : i32
      %add3A_242 = arith.addi %mul3A_229, %add3A_241 : i32
      %dma_wait3A_243 = arith.constant 0 : i32
      %dma_wait3A_244 = tpu.memref_slice %arg5[%add3A_242, %dma_wait3A_243] : memref<40x64xi32, #tpu.memory_space<vmem>> -> memref<1x64xi32, #tpu.memory_space<vmem>>
      %dma_wait3A_245 = tpu.memref_squeeze %dma_wait3A_244 : memref<1x64xi32, #tpu.memory_space<vmem>> -> memref<64xi32, #tpu.memory_space<vmem>>
      %dma_wait3A_246 = arith.constant 0 : i32
      %dma_wait3A_247 = arith.constant 0 : i32
      %dma_wait3A_248 = tpu.memref_slice %arg2[%dma_wait3A_246, %dma_wait3A_247] : memref<80000x128xf32, #tpu.memory_space<hbm>> -> memref<80000x128xf32, #tpu.memory_space<hbm>>
      tpu.wait_indirect_dma semaphore(%arg12 : memref<!tpu.dma_semaphore, #tpu.memory_space<semaphore_mem>>) src(%dma_wait3A_248 : memref<80000x128xf32, #tpu.memory_space<hbm>>) dst(%arg8 : memref<64x128xf32, #tpu.memory_space<vmem>>)
      "tpu.region"() ({
        %run_scoped3A = tpu.sem_alloc : memref<!tpu.dma_semaphore, #tpu.memory_space<semaphore_mem>>
        %dma_start3A_286 = arith.constant 0 : i32
        %dma_start3A_287 = tpu.memref_slice %arg6[%add3A_242, %dma_start3A_286] : memref<40x64xi32, #tpu.memory_space<vmem>> -> memref<1x64xi32, #tpu.memory_space<vmem>>
        %dma_start3A_288 = tpu.memref_squeeze %dma_start3A_287 : memref<1x64xi32, #tpu.memory_space<vmem>> -> memref<64xi32, #tpu.memory_space<vmem>>
        %dma_start3A_289 = arith.constant 0 : i32
        %dma_start3A_290 = arith.constant 0 : i32
        %dma_start3A_291 = tpu.memref_slice %arg15[%dma_start3A_289, %dma_start3A_290] : memref<10240x128xf32, #tpu.memory_space<vmem_shared>> -> memref<10240x128xf32, #tpu.memory_space<vmem_shared>>
        tpu.enqueue_indirect_dma source(%arg8 : memref<64x128xf32, #tpu.memory_space<vmem>>) target(%dma_start3A_291 : memref<10240x128xf32, #tpu.memory_space<vmem_shared>>) offsets(%dma_start3A_288 : memref<64xi32, #tpu.memory_space<vmem>>) semaphore(%run_scoped3A : memref<!tpu.dma_semaphore, #tpu.memory_space<semaphore_mem>>) {add = true}
        %dma_wait3A_292 = arith.constant 0 : i32
        %dma_wait3A_293 = tpu.memref_slice %arg6[%add3A_242, %dma_wait3A_292] : memref<40x64xi32, #tpu.memory_space<vmem>> -> memref<1x64xi32, #tpu.memory_space<vmem>>
        %dma_wait3A_294 = tpu.memref_squeeze %dma_wait3A_293 : memref<1x64xi32, #tpu.memory_space<vmem>> -> memref<64xi32, #tpu.memory_space<vmem>>
        %dma_wait3A_295 = arith.constant 0 : i32
        %dma_wait3A_296 = arith.constant 0 : i32
        %dma_wait3A_297 = tpu.memref_slice %arg15[%dma_wait3A_295, %dma_wait3A_296] : memref<10240x128xf32, #tpu.memory_space<vmem_shared>> -> memref<10240x128xf32, #tpu.memory_space<vmem_shared>>
        tpu.wait_indirect_dma semaphore(%run_scoped3A : memref<!tpu.dma_semaphore, #tpu.memory_space<semaphore_mem>>) src(%arg8 : memref<64x128xf32, #tpu.memory_space<vmem>>) dst(%dma_wait3A_297 : memref<10240x128xf32, #tpu.memory_space<vmem_shared>>)
        tpu.yield
      }) : () -> ()
      %add3A_249 = arith.constant 4 : i32
      %add3A_250 = arith.addi %add3A_242, %add3A_249 : i32
      %lt3A_251 = arith.constant 40 : i32
      %lt3A_252 = arith.cmpi slt, %add3A_250, %lt3A_251 : i32
      %convert_element_type3A_253 = arith.extui %lt3A_252 : i1 to i32
      %cond3A_254 = arith.constant 0 : i32
      %cond3A_255 = arith.cmpi ne, %convert_element_type3A_253, %cond3A_254 : i32
      scf.if %cond3A_255 {
        %add3A_286 = arith.constant 4 : i32
        %add3A_287 = arith.addi %add3A_242, %add3A_286 : i32
        %dma_start3A_288 = arith.constant 0 : i32
        %dma_start3A_289 = tpu.memref_slice %arg5[%add3A_287, %dma_start3A_288] : memref<40x64xi32, #tpu.memory_space<vmem>> -> memref<1x64xi32, #tpu.memory_space<vmem>>
        %dma_start3A_290 = tpu.memref_squeeze %dma_start3A_289 : memref<1x64xi32, #tpu.memory_space<vmem>> -> memref<64xi32, #tpu.memory_space<vmem>>
        %dma_start3A_291 = arith.constant 0 : i32
        %dma_start3A_292 = arith.constant 0 : i32
        %dma_start3A_293 = tpu.memref_slice %arg2[%dma_start3A_291, %dma_start3A_292] : memref<80000x128xf32, #tpu.memory_space<hbm>> -> memref<80000x128xf32, #tpu.memory_space<hbm>>
        tpu.enqueue_indirect_dma source(%dma_start3A_293 : memref<80000x128xf32, #tpu.memory_space<hbm>>) target(%arg8 : memref<64x128xf32, #tpu.memory_space<vmem>>) offsets(%dma_start3A_290 : memref<64xi32, #tpu.memory_space<vmem>>) semaphore(%arg12 : memref<!tpu.dma_semaphore, #tpu.memory_space<semaphore_mem>>)
      } else {
      }
      %add3A_256 = arith.constant 2 : i32
      %add3A_257 = arith.addi %mul3A_229, %add3A_256 : i32
      %dma_wait3A_258 = arith.constant 0 : i32
      %dma_wait3A_259 = tpu.memref_slice %arg5[%add3A_257, %dma_wait3A_258] : memref<40x64xi32, #tpu.memory_space<vmem>> -> memref<1x64xi32, #tpu.memory_space<vmem>>
      %dma_wait3A_260 = tpu.memref_squeeze %dma_wait3A_259 : memref<1x64xi32, #tpu.memory_space<vmem>> -> memref<64xi32, #tpu.memory_space<vmem>>
      %dma_wait3A_261 = arith.constant 0 : i32
      %dma_wait3A_262 = arith.constant 0 : i32
      %dma_wait3A_263 = tpu.memref_slice %arg2[%dma_wait3A_261, %dma_wait3A_262] : memref<80000x128xf32, #tpu.memory_space<hbm>> -> memref<80000x128xf32, #tpu.memory_space<hbm>>
      tpu.wait_indirect_dma semaphore(%arg13 : memref<!tpu.dma_semaphore, #tpu.memory_space<semaphore_mem>>) src(%dma_wait3A_263 : memref<80000x128xf32, #tpu.memory_space<hbm>>) dst(%arg9 : memref<64x128xf32, #tpu.memory_space<vmem>>)
      "tpu.region"() ({
        %run_scoped3A = tpu.sem_alloc : memref<!tpu.dma_semaphore, #tpu.memory_space<semaphore_mem>>
        %dma_start3A_286 = arith.constant 0 : i32
        %dma_start3A_287 = tpu.memref_slice %arg6[%add3A_257, %dma_start3A_286] : memref<40x64xi32, #tpu.memory_space<vmem>> -> memref<1x64xi32, #tpu.memory_space<vmem>>
        %dma_start3A_288 = tpu.memref_squeeze %dma_start3A_287 : memref<1x64xi32, #tpu.memory_space<vmem>> -> memref<64xi32, #tpu.memory_space<vmem>>
        %dma_start3A_289 = arith.constant 0 : i32
        %dma_start3A_290 = arith.constant 0 : i32
        %dma_start3A_291 = tpu.memref_slice %arg15[%dma_start3A_289, %dma_start3A_290] : memref<10240x128xf32, #tpu.memory_space<vmem_shared>> -> memref<10240x128xf32, #tpu.memory_space<vmem_shared>>
        tpu.enqueue_indirect_dma source(%arg9 : memref<64x128xf32, #tpu.memory_space<vmem>>) target(%dma_start3A_291 : memref<10240x128xf32, #tpu.memory_space<vmem_shared>>) offsets(%dma_start3A_288 : memref<64xi32, #tpu.memory_space<vmem>>) semaphore(%run_scoped3A : memref<!tpu.dma_semaphore, #tpu.memory_space<semaphore_mem>>) {add = true}
        %dma_wait3A_292 = arith.constant 0 : i32
        %dma_wait3A_293 = tpu.memref_slice %arg6[%add3A_257, %dma_wait3A_292] : memref<40x64xi32, #tpu.memory_space<vmem>> -> memref<1x64xi32, #tpu.memory_space<vmem>>
        %dma_wait3A_294 = tpu.memref_squeeze %dma_wait3A_293 : memref<1x64xi32, #tpu.memory_space<vmem>> -> memref<64xi32, #tpu.memory_space<vmem>>
        %dma_wait3A_295 = arith.constant 0 : i32
        %dma_wait3A_296 = arith.constant 0 : i32
        %dma_wait3A_297 = tpu.memref_slice %arg15[%dma_wait3A_295, %dma_wait3A_296] : memref<10240x128xf32, #tpu.memory_space<vmem_shared>> -> memref<10240x128xf32, #tpu.memory_space<vmem_shared>>
        tpu.wait_indirect_dma semaphore(%run_scoped3A : memref<!tpu.dma_semaphore, #tpu.memory_space<semaphore_mem>>) src(%arg9 : memref<64x128xf32, #tpu.memory_space<vmem>>) dst(%dma_wait3A_297 : memref<10240x128xf32, #tpu.memory_space<vmem_shared>>)
        tpu.yield
      }) : () -> ()
      %add3A_264 = arith.constant 4 : i32
      %add3A_265 = arith.addi %add3A_257, %add3A_264 : i32
      %lt3A_266 = arith.constant 40 : i32
      %lt3A_267 = arith.cmpi slt, %add3A_265, %lt3A_266 : i32
      %convert_element_type3A_268 = arith.extui %lt3A_267 : i1 to i32
      %cond3A_269 = arith.constant 0 : i32
      %cond3A_270 = arith.cmpi ne, %convert_element_type3A_268, %cond3A_269 : i32
      scf.if %cond3A_270 {
        %add3A_286 = arith.constant 4 : i32
        %add3A_287 = arith.addi %add3A_257, %add3A_286 : i32
        %dma_start3A_288 = arith.constant 0 : i32
        %dma_start3A_289 = tpu.memref_slice %arg5[%add3A_287, %dma_start3A_288] : memref<40x64xi32, #tpu.memory_space<vmem>> -> memref<1x64xi32, #tpu.memory_space<vmem>>
        %dma_start3A_290 = tpu.memref_squeeze %dma_start3A_289 : memref<1x64xi32, #tpu.memory_space<vmem>> -> memref<64xi32, #tpu.memory_space<vmem>>
        %dma_start3A_291 = arith.constant 0 : i32
        %dma_start3A_292 = arith.constant 0 : i32
        %dma_start3A_293 = tpu.memref_slice %arg2[%dma_start3A_291, %dma_start3A_292] : memref<80000x128xf32, #tpu.memory_space<hbm>> -> memref<80000x128xf32, #tpu.memory_space<hbm>>
        tpu.enqueue_indirect_dma source(%dma_start3A_293 : memref<80000x128xf32, #tpu.memory_space<hbm>>) target(%arg9 : memref<64x128xf32, #tpu.memory_space<vmem>>) offsets(%dma_start3A_290 : memref<64xi32, #tpu.memory_space<vmem>>) semaphore(%arg13 : memref<!tpu.dma_semaphore, #tpu.memory_space<semaphore_mem>>)
      } else {
      }
      %add3A_271 = arith.constant 3 : i32
      %add3A_272 = arith.addi %mul3A_229, %add3A_271 : i32
      %dma_wait3A_273 = arith.constant 0 : i32
      %dma_wait3A_274 = tpu.memref_slice %arg5[%add3A_272, %dma_wait3A_273] : memref<40x64xi32, #tpu.memory_space<vmem>> -> memref<1x64xi32, #tpu.memory_space<vmem>>
      %dma_wait3A_275 = tpu.memref_squeeze %dma_wait3A_274 : memref<1x64xi32, #tpu.memory_space<vmem>> -> memref<64xi32, #tpu.memory_space<vmem>>
      %dma_wait3A_276 = arith.constant 0 : i32
      %dma_wait3A_277 = arith.constant 0 : i32
      %dma_wait3A_278 = tpu.memref_slice %arg2[%dma_wait3A_276, %dma_wait3A_277] : memref<80000x128xf32, #tpu.memory_space<hbm>> -> memref<80000x128xf32, #tpu.memory_space<hbm>>
      tpu.wait_indirect_dma semaphore(%arg14 : memref<!tpu.dma_semaphore, #tpu.memory_space<semaphore_mem>>) src(%dma_wait3A_278 : memref<80000x128xf32, #tpu.memory_space<hbm>>) dst(%arg10 : memref<64x128xf32, #tpu.memory_space<vmem>>)
      "tpu.region"() ({
        %run_scoped3A = tpu.sem_alloc : memref<!tpu.dma_semaphore, #tpu.memory_space<semaphore_mem>>
        %dma_start3A_286 = arith.constant 0 : i32
        %dma_start3A_287 = tpu.memref_slice %arg6[%add3A_272, %dma_start3A_286] : memref<40x64xi32, #tpu.memory_space<vmem>> -> memref<1x64xi32, #tpu.memory_space<vmem>>
        %dma_start3A_288 = tpu.memref_squeeze %dma_start3A_287 : memref<1x64xi32, #tpu.memory_space<vmem>> -> memref<64xi32, #tpu.memory_space<vmem>>
        %dma_start3A_289 = arith.constant 0 : i32
        %dma_start3A_290 = arith.constant 0 : i32
        %dma_start3A_291 = tpu.memref_slice %arg15[%dma_start3A_289, %dma_start3A_290] : memref<10240x128xf32, #tpu.memory_space<vmem_shared>> -> memref<10240x128xf32, #tpu.memory_space<vmem_shared>>
        tpu.enqueue_indirect_dma source(%arg10 : memref<64x128xf32, #tpu.memory_space<vmem>>) target(%dma_start3A_291 : memref<10240x128xf32, #tpu.memory_space<vmem_shared>>) offsets(%dma_start3A_288 : memref<64xi32, #tpu.memory_space<vmem>>) semaphore(%run_scoped3A : memref<!tpu.dma_semaphore, #tpu.memory_space<semaphore_mem>>) {add = true}
        %dma_wait3A_292 = arith.constant 0 : i32
        %dma_wait3A_293 = tpu.memref_slice %arg6[%add3A_272, %dma_wait3A_292] : memref<40x64xi32, #tpu.memory_space<vmem>> -> memref<1x64xi32, #tpu.memory_space<vmem>>
        %dma_wait3A_294 = tpu.memref_squeeze %dma_wait3A_293 : memref<1x64xi32, #tpu.memory_space<vmem>> -> memref<64xi32, #tpu.memory_space<vmem>>
        %dma_wait3A_295 = arith.constant 0 : i32
        %dma_wait3A_296 = arith.constant 0 : i32
        %dma_wait3A_297 = tpu.memref_slice %arg15[%dma_wait3A_295, %dma_wait3A_296] : memref<10240x128xf32, #tpu.memory_space<vmem_shared>> -> memref<10240x128xf32, #tpu.memory_space<vmem_shared>>
        tpu.wait_indirect_dma semaphore(%run_scoped3A : memref<!tpu.dma_semaphore, #tpu.memory_space<semaphore_mem>>) src(%arg10 : memref<64x128xf32, #tpu.memory_space<vmem>>) dst(%dma_wait3A_297 : memref<10240x128xf32, #tpu.memory_space<vmem_shared>>)
        tpu.yield
      }) : () -> ()
      %add3A_279 = arith.constant 4 : i32
      %add3A_280 = arith.addi %add3A_272, %add3A_279 : i32
      %lt3A_281 = arith.constant 40 : i32
      %lt3A_282 = arith.cmpi slt, %add3A_280, %lt3A_281 : i32
      %convert_element_type3A_283 = arith.extui %lt3A_282 : i1 to i32
      %cond3A_284 = arith.constant 0 : i32
      %cond3A_285 = arith.cmpi ne, %convert_element_type3A_283, %cond3A_284 : i32
      scf.if %cond3A_285 {
        %add3A_286 = arith.constant 4 : i32
        %add3A_287 = arith.addi %add3A_272, %add3A_286 : i32
        %dma_start3A_288 = arith.constant 0 : i32
        %dma_start3A_289 = tpu.memref_slice %arg5[%add3A_287, %dma_start3A_288] : memref<40x64xi32, #tpu.memory_space<vmem>> -> memref<1x64xi32, #tpu.memory_space<vmem>>
        %dma_start3A_290 = tpu.memref_squeeze %dma_start3A_289 : memref<1x64xi32, #tpu.memory_space<vmem>> -> memref<64xi32, #tpu.memory_space<vmem>>
        %dma_start3A_291 = arith.constant 0 : i32
        %dma_start3A_292 = arith.constant 0 : i32
        %dma_start3A_293 = tpu.memref_slice %arg2[%dma_start3A_291, %dma_start3A_292] : memref<80000x128xf32, #tpu.memory_space<hbm>> -> memref<80000x128xf32, #tpu.memory_space<hbm>>
        tpu.enqueue_indirect_dma source(%dma_start3A_293 : memref<80000x128xf32, #tpu.memory_space<hbm>>) target(%arg10 : memref<64x128xf32, #tpu.memory_space<vmem>>) offsets(%dma_start3A_290 : memref<64xi32, #tpu.memory_space<vmem>>) semaphore(%arg14 : memref<!tpu.dma_semaphore, #tpu.memory_space<semaphore_mem>>)
      } else {
      }
    }
    %scan3A_89 = arith.constant 10 : i32
    %mul3A_90 = arith.constant 4 : i32
    %mul3A_91 = arith.muli %add3A, %mul3A_90 : i32
    %add3A_92 = arith.constant 1 : i32
    %add3A_93 = arith.addi %mul3A_91, %add3A_92 : i32
    "tpu.region"() ({
      %run_scoped3A = tpu.sem_alloc : memref<!tpu.dma_semaphore, #tpu.memory_space<semaphore_mem>>
      %dma_start3A_227 = arith.constant 0 : i32
      %dma_start3A_228 = arith.constant 0 : i32
      %dma_start3A_229 = tpu.memref_slice %arg3[%add3A_93, %dma_start3A_227, %dma_start3A_228] : memref<128x40x64xi32, #tpu.memory_space<hbm>> -> memref<1x40x64xi32, #tpu.memory_space<hbm>>
      %dma_start3A_230 = tpu.memref_squeeze %dma_start3A_229 : memref<1x40x64xi32, #tpu.memory_space<hbm>> -> memref<40x64xi32, #tpu.memory_space<hbm>>
      %dma_start3A_231 = arith.constant 0 : i32
      %dma_start3A_232 = arith.constant 0 : i32
      %dma_start3A_233 = tpu.memref_slice %arg3[%add3A_93, %dma_start3A_231, %dma_start3A_232] : memref<128x40x64xi32, #tpu.memory_space<hbm>> -> memref<1x40x64xi32, #tpu.memory_space<hbm>>
      %dma_start3A_234 = tpu.memref_squeeze %dma_start3A_233 : memref<1x40x64xi32, #tpu.memory_space<hbm>> -> memref<40x64xi32, #tpu.memory_space<hbm>>
      tpu.enqueue_dma source(%dma_start3A_234 : memref<40x64xi32, #tpu.memory_space<hbm>>) target(%arg5 : memref<40x64xi32, #tpu.memory_space<vmem>>) target_semaphore(%run_scoped3A : memref<!tpu.dma_semaphore, #tpu.memory_space<semaphore_mem>>)
      %dma_wait3A = arith.constant 0 : i32
      %dma_wait3A_235 = arith.constant 0 : i32
      %dma_wait3A_236 = tpu.memref_slice %arg3[%add3A_93, %dma_wait3A, %dma_wait3A_235] : memref<128x40x64xi32, #tpu.memory_space<hbm>> -> memref<1x40x64xi32, #tpu.memory_space<hbm>>
      %dma_wait3A_237 = tpu.memref_squeeze %dma_wait3A_236 : memref<1x40x64xi32, #tpu.memory_space<hbm>> -> memref<40x64xi32, #tpu.memory_space<hbm>>
      %dma_wait3A_238 = arith.constant 0 : i32
      %dma_wait3A_239 = arith.constant 0 : i32
      %dma_wait3A_240 = tpu.memref_slice %arg3[%add3A_93, %dma_wait3A_238, %dma_wait3A_239] : memref<128x40x64xi32, #tpu.memory_space<hbm>> -> memref<1x40x64xi32, #tpu.memory_space<hbm>>
      %dma_wait3A_241 = tpu.memref_squeeze %dma_wait3A_240 : memref<1x40x64xi32, #tpu.memory_space<hbm>> -> memref<40x64xi32, #tpu.memory_space<hbm>>
      tpu.wait_dma2 semaphore(%run_scoped3A : memref<!tpu.dma_semaphore, #tpu.memory_space<semaphore_mem>>) src(%dma_wait3A_241 : memref<40x64xi32, #tpu.memory_space<hbm>>) dst(%arg5 : memref<40x64xi32, #tpu.memory_space<vmem>>)
      tpu.yield
    }) : () -> ()
    %scan3A_94 = arith.constant 0 : i32
    %scan3A_95 = arith.constant 0 : i32
    %scan3A_96 = arith.constant 40 : i32
    %scan3A_97 = arith.addi %scan3A_95, %scan3A_96 : i32
    %scan3A_98 = arith.constant 1 : i32
    scf.for %scan3A_227 = %scan3A_95 to %scan3A_97 step %scan3A_98  : i32 {
      %get3A = arith.index_cast %scan3A_227 : i32 to index
      %get3A_228 = arith.constant 0 : index
      %get3A_229 = tpu.vector_load %arg5[%get3A, %get3A_228] {strides = array<i32>} : memref<40x64xi32, #tpu.memory_space<vmem>>, vector<1x16xi32>,
      %get3A_230 = vector.shape_cast %get3A_229 : vector<1x16xi32> to vector<16xi32>
      %shift_right_arithmetic3A = arith.constant 14 : i32
      %shift_right_arithmetic3A_231 = vector.broadcast %shift_right_arithmetic3A : i32 to vector<16xi32>
      %shift_right_arithmetic3A_232 = arith.shrsi %get3A_230, %shift_right_arithmetic3A_231 : vector<16xi32>
      %swap3A = arith.index_cast %scan3A_227 : i32 to index
      %swap3A_233 = arith.constant 0 : index
      %swap3A_234 = tpu.vector_load %arg5[%swap3A, %swap3A_233] {strides = array<i32>} : memref<40x64xi32, #tpu.memory_space<vmem>>, vector<1x16xi32>,
      %swap3A_235 = vector.shape_cast %swap3A_234 : vector<1x16xi32> to vector<16xi32>
      %swap3A_236 = vector.shape_cast %shift_right_arithmetic3A_232 : vector<16xi32> to vector<1x16xi32>
      tpu.vector_store %arg5[%swap3A, %swap3A_233], %swap3A_236 {strides = array<i32>} : memref<40x64xi32, #tpu.memory_space<vmem>>, vector<1x16xi32>,
      %and3A = arith.constant 16383 : i32
      %and3A_237 = vector.broadcast %and3A : i32 to vector<16xi32>
      %and3A_238 = arith.andi %get3A_230, %and3A_237 : vector<16xi32>
      %swap3A_239 = arith.index_cast %scan3A_227 : i32 to index
      %swap3A_240 = arith.constant 0 : index
      %swap3A_241 = tpu.vector_load %arg6[%swap3A_239, %swap3A_240] {strides = array<i32>} : memref<40x64xi32, #tpu.memory_space<vmem>>, vector<1x16xi32>,
      %swap3A_242 = vector.shape_cast %swap3A_241 : vector<1x16xi32> to vector<16xi32>
      %swap3A_243 = vector.shape_cast %and3A_238 : vector<16xi32> to vector<1x16xi32>
      tpu.vector_store %arg6[%swap3A_239, %swap3A_240], %swap3A_243 {strides = array<i32>} : memref<40x64xi32, #tpu.memory_space<vmem>>, vector<1x16xi32>,
      %get3A_244 = arith.index_cast %scan3A_227 : i32 to index
      %get3A_245 = arith.constant 16 : index
      %get3A_246 = tpu.vector_load %arg5[%get3A_244, %get3A_245] {strides = array<i32>} : memref<40x64xi32, #tpu.memory_space<vmem>>, vector<1x16xi32>,
      %get3A_247 = vector.shape_cast %get3A_246 : vector<1x16xi32> to vector<16xi32>
      %shift_right_arithmetic3A_248 = arith.constant 14 : i32
      %shift_right_arithmetic3A_249 = vector.broadcast %shift_right_arithmetic3A_248 : i32 to vector<16xi32>
      %shift_right_arithmetic3A_250 = arith.shrsi %get3A_247, %shift_right_arithmetic3A_249 : vector<16xi32>
      %swap3A_251 = arith.index_cast %scan3A_227 : i32 to index
      %swap3A_252 = arith.constant 16 : index
      %swap3A_253 = tpu.vector_load %arg5[%swap3A_251, %swap3A_252] {strides = array<i32>} : memref<40x64xi32, #tpu.memory_space<vmem>>, vector<1x16xi32>,
      %swap3A_254 = vector.shape_cast %swap3A_253 : vector<1x16xi32> to vector<16xi32>
      %swap3A_255 = vector.shape_cast %shift_right_arithmetic3A_250 : vector<16xi32> to vector<1x16xi32>
      tpu.vector_store %arg5[%swap3A_251, %swap3A_252], %swap3A_255 {strides = array<i32>} : memref<40x64xi32, #tpu.memory_space<vmem>>, vector<1x16xi32>,
      %and3A_256 = arith.constant 16383 : i32
      %and3A_257 = vector.broadcast %and3A_256 : i32 to vector<16xi32>
      %and3A_258 = arith.andi %get3A_247, %and3A_257 : vector<16xi32>
      %swap3A_259 = arith.index_cast %scan3A_227 : i32 to index
      %swap3A_260 = arith.constant 16 : index
      %swap3A_261 = tpu.vector_load %arg6[%swap3A_259, %swap3A_260] {strides = array<i32>} : memref<40x64xi32, #tpu.memory_space<vmem>>, vector<1x16xi32>,
      %swap3A_262 = vector.shape_cast %swap3A_261 : vector<1x16xi32> to vector<16xi32>
      %swap3A_263 = vector.shape_cast %and3A_258 : vector<16xi32> to vector<1x16xi32>
      tpu.vector_store %arg6[%swap3A_259, %swap3A_260], %swap3A_263 {strides = array<i32>} : memref<40x64xi32, #tpu.memory_space<vmem>>, vector<1x16xi32>,
      %get3A_264 = arith.index_cast %scan3A_227 : i32 to index
      %get3A_265 = arith.constant 32 : index
      %get3A_266 = tpu.vector_load %arg5[%get3A_264, %get3A_265] {strides = array<i32>} : memref<40x64xi32, #tpu.memory_space<vmem>>, vector<1x16xi32>,
      %get3A_267 = vector.shape_cast %get3A_266 : vector<1x16xi32> to vector<16xi32>
      %shift_right_arithmetic3A_268 = arith.constant 14 : i32
      %shift_right_arithmetic3A_269 = vector.broadcast %shift_right_arithmetic3A_268 : i32 to vector<16xi32>
      %shift_right_arithmetic3A_270 = arith.shrsi %get3A_267, %shift_right_arithmetic3A_269 : vector<16xi32>
      %swap3A_271 = arith.index_cast %scan3A_227 : i32 to index
      %swap3A_272 = arith.constant 32 : index
      %swap3A_273 = tpu.vector_load %arg5[%swap3A_271, %swap3A_272] {strides = array<i32>} : memref<40x64xi32, #tpu.memory_space<vmem>>, vector<1x16xi32>,
      %swap3A_274 = vector.shape_cast %swap3A_273 : vector<1x16xi32> to vector<16xi32>
      %swap3A_275 = vector.shape_cast %shift_right_arithmetic3A_270 : vector<16xi32> to vector<1x16xi32>
      tpu.vector_store %arg5[%swap3A_271, %swap3A_272], %swap3A_275 {strides = array<i32>} : memref<40x64xi32, #tpu.memory_space<vmem>>, vector<1x16xi32>,
      %and3A_276 = arith.constant 16383 : i32
      %and3A_277 = vector.broadcast %and3A_276 : i32 to vector<16xi32>
      %and3A_278 = arith.andi %get3A_267, %and3A_277 : vector<16xi32>
      %swap3A_279 = arith.index_cast %scan3A_227 : i32 to index
      %swap3A_280 = arith.constant 32 : index
      %swap3A_281 = tpu.vector_load %arg6[%swap3A_279, %swap3A_280] {strides = array<i32>} : memref<40x64xi32, #tpu.memory_space<vmem>>, vector<1x16xi32>,
      %swap3A_282 = vector.shape_cast %swap3A_281 : vector<1x16xi32> to vector<16xi32>
      %swap3A_283 = vector.shape_cast %and3A_278 : vector<16xi32> to vector<1x16xi32>
      tpu.vector_store %arg6[%swap3A_279, %swap3A_280], %swap3A_283 {strides = array<i32>} : memref<40x64xi32, #tpu.memory_space<vmem>>, vector<1x16xi32>,
      %get3A_284 = arith.index_cast %scan3A_227 : i32 to index
      %get3A_285 = arith.constant 48 : index
      %get3A_286 = tpu.vector_load %arg5[%get3A_284, %get3A_285] {strides = array<i32>} : memref<40x64xi32, #tpu.memory_space<vmem>>, vector<1x16xi32>,
      %get3A_287 = vector.shape_cast %get3A_286 : vector<1x16xi32> to vector<16xi32>
      %shift_right_arithmetic3A_288 = arith.constant 14 : i32
      %shift_right_arithmetic3A_289 = vector.broadcast %shift_right_arithmetic3A_288 : i32 to vector<16xi32>
      %shift_right_arithmetic3A_290 = arith.shrsi %get3A_287, %shift_right_arithmetic3A_289 : vector<16xi32>
      %swap3A_291 = arith.index_cast %scan3A_227 : i32 to index
      %swap3A_292 = arith.constant 48 : index
      %swap3A_293 = tpu.vector_load %arg5[%swap3A_291, %swap3A_292] {strides = array<i32>} : memref<40x64xi32, #tpu.memory_space<vmem>>, vector<1x16xi32>,
      %swap3A_294 = vector.shape_cast %swap3A_293 : vector<1x16xi32> to vector<16xi32>
      %swap3A_295 = vector.shape_cast %shift_right_arithmetic3A_290 : vector<16xi32> to vector<1x16xi32>
      tpu.vector_store %arg5[%swap3A_291, %swap3A_292], %swap3A_295 {strides = array<i32>} : memref<40x64xi32, #tpu.memory_space<vmem>>, vector<1x16xi32>,
      %and3A_296 = arith.constant 16383 : i32
      %and3A_297 = vector.broadcast %and3A_296 : i32 to vector<16xi32>
      %and3A_298 = arith.andi %get3A_287, %and3A_297 : vector<16xi32>
      %swap3A_299 = arith.index_cast %scan3A_227 : i32 to index
      %swap3A_300 = arith.constant 48 : index
      %swap3A_301 = tpu.vector_load %arg6[%swap3A_299, %swap3A_300] {strides = array<i32>} : memref<40x64xi32, #tpu.memory_space<vmem>>, vector<1x16xi32>,
      %swap3A_302 = vector.shape_cast %swap3A_301 : vector<1x16xi32> to vector<16xi32>
      %swap3A_303 = vector.shape_cast %and3A_298 : vector<16xi32> to vector<1x16xi32>
      tpu.vector_store %arg6[%swap3A_299, %swap3A_300], %swap3A_303 {strides = array<i32>} : memref<40x64xi32, #tpu.memory_space<vmem>>, vector<1x16xi32>,
    }
    %scan3A_99 = arith.constant 40 : i32
    %dma_start3A_100 = arith.constant 0 : i32
    %dma_start3A_101 = arith.constant 0 : i32
    %dma_start3A_102 = tpu.memref_slice %arg5[%dma_start3A_100, %dma_start3A_101] : memref<40x64xi32, #tpu.memory_space<vmem>> -> memref<1x64xi32, #tpu.memory_space<vmem>>
    %dma_start3A_103 = tpu.memref_squeeze %dma_start3A_102 : memref<1x64xi32, #tpu.memory_space<vmem>> -> memref<64xi32, #tpu.memory_space<vmem>>
    %dma_start3A_104 = arith.constant 0 : i32
    %dma_start3A_105 = arith.constant 0 : i32
    %dma_start3A_106 = tpu.memref_slice %arg2[%dma_start3A_104, %dma_start3A_105] : memref<80000x128xf32, #tpu.memory_space<hbm>> -> memref<80000x128xf32, #tpu.memory_space<hbm>>
    tpu.enqueue_indirect_dma source(%dma_start3A_106 : memref<80000x128xf32, #tpu.memory_space<hbm>>) target(%arg7 : memref<64x128xf32, #tpu.memory_space<vmem>>) offsets(%dma_start3A_103 : memref<64xi32, #tpu.memory_space<vmem>>) semaphore(%arg11 : memref<!tpu.dma_semaphore, #tpu.memory_space<semaphore_mem>>)
    %dma_start3A_107 = arith.constant 1 : i32
    %dma_start3A_108 = arith.constant 0 : i32
    %dma_start3A_109 = tpu.memref_slice %arg5[%dma_start3A_107, %dma_start3A_108] : memref<40x64xi32, #tpu.memory_space<vmem>> -> memref<1x64xi32, #tpu.memory_space<vmem>>
    %dma_start3A_110 = tpu.memref_squeeze %dma_start3A_109 : memref<1x64xi32, #tpu.memory_space<vmem>> -> memref<64xi32, #tpu.memory_space<vmem>>
    %dma_start3A_111 = arith.constant 0 : i32
    %dma_start3A_112 = arith.constant 0 : i32
    %dma_start3A_113 = tpu.memref_slice %arg2[%dma_start3A_111, %dma_start3A_112] : memref<80000x128xf32, #tpu.memory_space<hbm>> -> memref<80000x128xf32, #tpu.memory_space<hbm>>
    tpu.enqueue_indirect_dma source(%dma_start3A_113 : memref<80000x128xf32, #tpu.memory_space<hbm>>) target(%arg8 : memref<64x128xf32, #tpu.memory_space<vmem>>) offsets(%dma_start3A_110 : memref<64xi32, #tpu.memory_space<vmem>>) semaphore(%arg12 : memref<!tpu.dma_semaphore, #tpu.memory_space<semaphore_mem>>)
    %dma_start3A_114 = arith.constant 2 : i32
    %dma_start3A_115 = arith.constant 0 : i32
    %dma_start3A_116 = tpu.memref_slice %arg5[%dma_start3A_114, %dma_start3A_115] : memref<40x64xi32, #tpu.memory_space<vmem>> -> memref<1x64xi32, #tpu.memory_space<vmem>>
    %dma_start3A_117 = tpu.memref_squeeze %dma_start3A_116 : memref<1x64xi32, #tpu.memory_space<vmem>> -> memref<64xi32, #tpu.memory_space<vmem>>
    %dma_start3A_118 = arith.constant 0 : i32
    %dma_start3A_119 = arith.constant 0 : i32
    %dma_start3A_120 = tpu.memref_slice %arg2[%dma_start3A_118, %dma_start3A_119] : memref<80000x128xf32, #tpu.memory_space<hbm>> -> memref<80000x128xf32, #tpu.memory_space<hbm>>
    tpu.enqueue_indirect_dma source(%dma_start3A_120 : memref<80000x128xf32, #tpu.memory_space<hbm>>) target(%arg9 : memref<64x128xf32, #tpu.memory_space<vmem>>) offsets(%dma_start3A_117 : memref<64xi32, #tpu.memory_space<vmem>>) semaphore(%arg13 : memref<!tpu.dma_semaphore, #tpu.memory_space<semaphore_mem>>)
    %dma_start3A_121 = arith.constant 3 : i32
    %dma_start3A_122 = arith.constant 0 : i32
    %dma_start3A_123 = tpu.memref_slice %arg5[%dma_start3A_121, %dma_start3A_122] : memref<40x64xi32, #tpu.memory_space<vmem>> -> memref<1x64xi32, #tpu.memory_space<vmem>>
    %dma_start3A_124 = tpu.memref_squeeze %dma_start3A_123 : memref<1x64xi32, #tpu.memory_space<vmem>> -> memref<64xi32, #tpu.memory_space<vmem>>
    %dma_start3A_125 = arith.constant 0 : i32
    %dma_start3A_126 = arith.constant 0 : i32
    %dma_start3A_127 = tpu.memref_slice %arg2[%dma_start3A_125, %dma_start3A_126] : memref<80000x128xf32, #tpu.memory_space<hbm>> -> memref<80000x128xf32, #tpu.memory_space<hbm>>
    tpu.enqueue_indirect_dma source(%dma_start3A_127 : memref<80000x128xf32, #tpu.memory_space<hbm>>) target(%arg10 : memref<64x128xf32, #tpu.memory_space<vmem>>) offsets(%dma_start3A_124 : memref<64xi32, #tpu.memory_space<vmem>>) semaphore(%arg14 : memref<!tpu.dma_semaphore, #tpu.memory_space<semaphore_mem>>)
    %scan3A_128 = arith.constant 0 : i32
    %scan3A_129 = arith.constant 0 : i32
    %scan3A_130 = arith.constant 10 : i32
    %scan3A_131 = arith.addi %scan3A_129, %scan3A_130 : i32
    %scan3A_132 = arith.constant 1 : i32
    scf.for %scan3A_227 = %scan3A_129 to %scan3A_131 step %scan3A_132  : i32 {
      %mul3A_228 = arith.constant 4 : i32
      %mul3A_229 = arith.muli %mul3A_228, %scan3A_227 : i32
      %add3A_230 = arith.constant 0 : i32
      %add3A_231 = arith.addi %mul3A_229, %add3A_230 : i32
      %dma_wait3A = arith.constant 0 : i32
      %dma_wait3A_232 = tpu.memref_slice %arg5[%add3A_231, %dma_wait3A] : memref<40x64xi32, #tpu.memory_space<vmem>> -> memref<1x64xi32, #tpu.memory_space<vmem>>
      %dma_wait3A_233 = tpu.memref_squeeze %dma_wait3A_232 : memref<1x64xi32, #tpu.memory_space<vmem>> -> memref<64xi32, #tpu.memory_space<vmem>>
      %dma_wait3A_234 = arith.constant 0 : i32
      %dma_wait3A_235 = arith.constant 0 : i32
      %dma_wait3A_236 = tpu.memref_slice %arg2[%dma_wait3A_234, %dma_wait3A_235] : memref<80000x128xf32, #tpu.memory_space<hbm>> -> memref<80000x128xf32, #tpu.memory_space<hbm>>
      tpu.wait_indirect_dma semaphore(%arg11 : memref<!tpu.dma_semaphore, #tpu.memory_space<semaphore_mem>>) src(%dma_wait3A_236 : memref<80000x128xf32, #tpu.memory_space<hbm>>) dst(%arg7 : memref<64x128xf32, #tpu.memory_space<vmem>>)
      "tpu.region"() ({
        %run_scoped3A = tpu.sem_alloc : memref<!tpu.dma_semaphore, #tpu.memory_space<semaphore_mem>>
        %dma_start3A_286 = arith.constant 0 : i32
        %dma_start3A_287 = tpu.memref_slice %arg6[%add3A_231, %dma_start3A_286] : memref<40x64xi32, #tpu.memory_space<vmem>> -> memref<1x64xi32, #tpu.memory_space<vmem>>
        %dma_start3A_288 = tpu.memref_squeeze %dma_start3A_287 : memref<1x64xi32, #tpu.memory_space<vmem>> -> memref<64xi32, #tpu.memory_space<vmem>>
        %dma_start3A_289 = arith.constant 0 : i32
        %dma_start3A_290 = arith.constant 0 : i32
        %dma_start3A_291 = tpu.memref_slice %arg15[%dma_start3A_289, %dma_start3A_290] : memref<10240x128xf32, #tpu.memory_space<vmem_shared>> -> memref<10240x128xf32, #tpu.memory_space<vmem_shared>>
        tpu.enqueue_indirect_dma source(%arg7 : memref<64x128xf32, #tpu.memory_space<vmem>>) target(%dma_start3A_291 : memref<10240x128xf32, #tpu.memory_space<vmem_shared>>) offsets(%dma_start3A_288 : memref<64xi32, #tpu.memory_space<vmem>>) semaphore(%run_scoped3A : memref<!tpu.dma_semaphore, #tpu.memory_space<semaphore_mem>>) {add = true}
        %dma_wait3A_292 = arith.constant 0 : i32
        %dma_wait3A_293 = tpu.memref_slice %arg6[%add3A_231, %dma_wait3A_292] : memref<40x64xi32, #tpu.memory_space<vmem>> -> memref<1x64xi32, #tpu.memory_space<vmem>>
        %dma_wait3A_294 = tpu.memref_squeeze %dma_wait3A_293 : memref<1x64xi32, #tpu.memory_space<vmem>> -> memref<64xi32, #tpu.memory_space<vmem>>
        %dma_wait3A_295 = arith.constant 0 : i32
        %dma_wait3A_296 = arith.constant 0 : i32
        %dma_wait3A_297 = tpu.memref_slice %arg15[%dma_wait3A_295, %dma_wait3A_296] : memref<10240x128xf32, #tpu.memory_space<vmem_shared>> -> memref<10240x128xf32, #tpu.memory_space<vmem_shared>>
        tpu.wait_indirect_dma semaphore(%run_scoped3A : memref<!tpu.dma_semaphore, #tpu.memory_space<semaphore_mem>>) src(%arg7 : memref<64x128xf32, #tpu.memory_space<vmem>>) dst(%dma_wait3A_297 : memref<10240x128xf32, #tpu.memory_space<vmem_shared>>)
        tpu.yield
      }) : () -> ()
      %add3A_237 = arith.constant 4 : i32
      %add3A_238 = arith.addi %add3A_231, %add3A_237 : i32
      %lt3A = arith.constant 40 : i32
      %lt3A_239 = arith.cmpi slt, %add3A_238, %lt3A : i32
      %convert_element_type3A = arith.extui %lt3A_239 : i1 to i32
      %cond3A = arith.constant 0 : i32
      %cond3A_240 = arith.cmpi ne, %convert_element_type3A, %cond3A : i32
      scf.if %cond3A_240 {
        %add3A_286 = arith.constant 4 : i32
        %add3A_287 = arith.addi %add3A_231, %add3A_286 : i32
        %dma_start3A_288 = arith.constant 0 : i32
        %dma_start3A_289 = tpu.memref_slice %arg5[%add3A_287, %dma_start3A_288] : memref<40x64xi32, #tpu.memory_space<vmem>> -> memref<1x64xi32, #tpu.memory_space<vmem>>
        %dma_start3A_290 = tpu.memref_squeeze %dma_start3A_289 : memref<1x64xi32, #tpu.memory_space<vmem>> -> memref<64xi32, #tpu.memory_space<vmem>>
        %dma_start3A_291 = arith.constant 0 : i32
        %dma_start3A_292 = arith.constant 0 : i32
        %dma_start3A_293 = tpu.memref_slice %arg2[%dma_start3A_291, %dma_start3A_292] : memref<80000x128xf32, #tpu.memory_space<hbm>> -> memref<80000x128xf32, #tpu.memory_space<hbm>>
        tpu.enqueue_indirect_dma source(%dma_start3A_293 : memref<80000x128xf32, #tpu.memory_space<hbm>>) target(%arg7 : memref<64x128xf32, #tpu.memory_space<vmem>>) offsets(%dma_start3A_290 : memref<64xi32, #tpu.memory_space<vmem>>) semaphore(%arg11 : memref<!tpu.dma_semaphore, #tpu.memory_space<semaphore_mem>>)
      } else {
      }
      %add3A_241 = arith.constant 1 : i32
      %add3A_242 = arith.addi %mul3A_229, %add3A_241 : i32
      %dma_wait3A_243 = arith.constant 0 : i32
      %dma_wait3A_244 = tpu.memref_slice %arg5[%add3A_242, %dma_wait3A_243] : memref<40x64xi32, #tpu.memory_space<vmem>> -> memref<1x64xi32, #tpu.memory_space<vmem>>
      %dma_wait3A_245 = tpu.memref_squeeze %dma_wait3A_244 : memref<1x64xi32, #tpu.memory_space<vmem>> -> memref<64xi32, #tpu.memory_space<vmem>>
      %dma_wait3A_246 = arith.constant 0 : i32
      %dma_wait3A_247 = arith.constant 0 : i32
      %dma_wait3A_248 = tpu.memref_slice %arg2[%dma_wait3A_246, %dma_wait3A_247] : memref<80000x128xf32, #tpu.memory_space<hbm>> -> memref<80000x128xf32, #tpu.memory_space<hbm>>
      tpu.wait_indirect_dma semaphore(%arg12 : memref<!tpu.dma_semaphore, #tpu.memory_space<semaphore_mem>>) src(%dma_wait3A_248 : memref<80000x128xf32, #tpu.memory_space<hbm>>) dst(%arg8 : memref<64x128xf32, #tpu.memory_space<vmem>>)
      "tpu.region"() ({
        %run_scoped3A = tpu.sem_alloc : memref<!tpu.dma_semaphore, #tpu.memory_space<semaphore_mem>>
        %dma_start3A_286 = arith.constant 0 : i32
        %dma_start3A_287 = tpu.memref_slice %arg6[%add3A_242, %dma_start3A_286] : memref<40x64xi32, #tpu.memory_space<vmem>> -> memref<1x64xi32, #tpu.memory_space<vmem>>
        %dma_start3A_288 = tpu.memref_squeeze %dma_start3A_287 : memref<1x64xi32, #tpu.memory_space<vmem>> -> memref<64xi32, #tpu.memory_space<vmem>>
        %dma_start3A_289 = arith.constant 0 : i32
        %dma_start3A_290 = arith.constant 0 : i32
        %dma_start3A_291 = tpu.memref_slice %arg15[%dma_start3A_289, %dma_start3A_290] : memref<10240x128xf32, #tpu.memory_space<vmem_shared>> -> memref<10240x128xf32, #tpu.memory_space<vmem_shared>>
        tpu.enqueue_indirect_dma source(%arg8 : memref<64x128xf32, #tpu.memory_space<vmem>>) target(%dma_start3A_291 : memref<10240x128xf32, #tpu.memory_space<vmem_shared>>) offsets(%dma_start3A_288 : memref<64xi32, #tpu.memory_space<vmem>>) semaphore(%run_scoped3A : memref<!tpu.dma_semaphore, #tpu.memory_space<semaphore_mem>>) {add = true}
        %dma_wait3A_292 = arith.constant 0 : i32
        %dma_wait3A_293 = tpu.memref_slice %arg6[%add3A_242, %dma_wait3A_292] : memref<40x64xi32, #tpu.memory_space<vmem>> -> memref<1x64xi32, #tpu.memory_space<vmem>>
        %dma_wait3A_294 = tpu.memref_squeeze %dma_wait3A_293 : memref<1x64xi32, #tpu.memory_space<vmem>> -> memref<64xi32, #tpu.memory_space<vmem>>
        %dma_wait3A_295 = arith.constant 0 : i32
        %dma_wait3A_296 = arith.constant 0 : i32
        %dma_wait3A_297 = tpu.memref_slice %arg15[%dma_wait3A_295, %dma_wait3A_296] : memref<10240x128xf32, #tpu.memory_space<vmem_shared>> -> memref<10240x128xf32, #tpu.memory_space<vmem_shared>>
        tpu.wait_indirect_dma semaphore(%run_scoped3A : memref<!tpu.dma_semaphore, #tpu.memory_space<semaphore_mem>>) src(%arg8 : memref<64x128xf32, #tpu.memory_space<vmem>>) dst(%dma_wait3A_297 : memref<10240x128xf32, #tpu.memory_space<vmem_shared>>)
        tpu.yield
      }) : () -> ()
      %add3A_249 = arith.constant 4 : i32
      %add3A_250 = arith.addi %add3A_242, %add3A_249 : i32
      %lt3A_251 = arith.constant 40 : i32
      %lt3A_252 = arith.cmpi slt, %add3A_250, %lt3A_251 : i32
      %convert_element_type3A_253 = arith.extui %lt3A_252 : i1 to i32
      %cond3A_254 = arith.constant 0 : i32
      %cond3A_255 = arith.cmpi ne, %convert_element_type3A_253, %cond3A_254 : i32
      scf.if %cond3A_255 {
        %add3A_286 = arith.constant 4 : i32
        %add3A_287 = arith.addi %add3A_242, %add3A_286 : i32
        %dma_start3A_288 = arith.constant 0 : i32
        %dma_start3A_289 = tpu.memref_slice %arg5[%add3A_287, %dma_start3A_288] : memref<40x64xi32, #tpu.memory_space<vmem>> -> memref<1x64xi32, #tpu.memory_space<vmem>>
        %dma_start3A_290 = tpu.memref_squeeze %dma_start3A_289 : memref<1x64xi32, #tpu.memory_space<vmem>> -> memref<64xi32, #tpu.memory_space<vmem>>
        %dma_start3A_291 = arith.constant 0 : i32
        %dma_start3A_292 = arith.constant 0 : i32
        %dma_start3A_293 = tpu.memref_slice %arg2[%dma_start3A_291, %dma_start3A_292] : memref<80000x128xf32, #tpu.memory_space<hbm>> -> memref<80000x128xf32, #tpu.memory_space<hbm>>
        tpu.enqueue_indirect_dma source(%dma_start3A_293 : memref<80000x128xf32, #tpu.memory_space<hbm>>) target(%arg8 : memref<64x128xf32, #tpu.memory_space<vmem>>) offsets(%dma_start3A_290 : memref<64xi32, #tpu.memory_space<vmem>>) semaphore(%arg12 : memref<!tpu.dma_semaphore, #tpu.memory_space<semaphore_mem>>)
      } else {
      }
      %add3A_256 = arith.constant 2 : i32
      %add3A_257 = arith.addi %mul3A_229, %add3A_256 : i32
      %dma_wait3A_258 = arith.constant 0 : i32
      %dma_wait3A_259 = tpu.memref_slice %arg5[%add3A_257, %dma_wait3A_258] : memref<40x64xi32, #tpu.memory_space<vmem>> -> memref<1x64xi32, #tpu.memory_space<vmem>>
      %dma_wait3A_260 = tpu.memref_squeeze %dma_wait3A_259 : memref<1x64xi32, #tpu.memory_space<vmem>> -> memref<64xi32, #tpu.memory_space<vmem>>
      %dma_wait3A_261 = arith.constant 0 : i32
      %dma_wait3A_262 = arith.constant 0 : i32
      %dma_wait3A_263 = tpu.memref_slice %arg2[%dma_wait3A_261, %dma_wait3A_262] : memref<80000x128xf32, #tpu.memory_space<hbm>> -> memref<80000x128xf32, #tpu.memory_space<hbm>>
      tpu.wait_indirect_dma semaphore(%arg13 : memref<!tpu.dma_semaphore, #tpu.memory_space<semaphore_mem>>) src(%dma_wait3A_263 : memref<80000x128xf32, #tpu.memory_space<hbm>>) dst(%arg9 : memref<64x128xf32, #tpu.memory_space<vmem>>)
      "tpu.region"() ({
        %run_scoped3A = tpu.sem_alloc : memref<!tpu.dma_semaphore, #tpu.memory_space<semaphore_mem>>
        %dma_start3A_286 = arith.constant 0 : i32
        %dma_start3A_287 = tpu.memref_slice %arg6[%add3A_257, %dma_start3A_286] : memref<40x64xi32, #tpu.memory_space<vmem>> -> memref<1x64xi32, #tpu.memory_space<vmem>>
        %dma_start3A_288 = tpu.memref_squeeze %dma_start3A_287 : memref<1x64xi32, #tpu.memory_space<vmem>> -> memref<64xi32, #tpu.memory_space<vmem>>
        %dma_start3A_289 = arith.constant 0 : i32
        %dma_start3A_290 = arith.constant 0 : i32
        %dma_start3A_291 = tpu.memref_slice %arg15[%dma_start3A_289, %dma_start3A_290] : memref<10240x128xf32, #tpu.memory_space<vmem_shared>> -> memref<10240x128xf32, #tpu.memory_space<vmem_shared>>
        tpu.enqueue_indirect_dma source(%arg9 : memref<64x128xf32, #tpu.memory_space<vmem>>) target(%dma_start3A_291 : memref<10240x128xf32, #tpu.memory_space<vmem_shared>>) offsets(%dma_start3A_288 : memref<64xi32, #tpu.memory_space<vmem>>) semaphore(%run_scoped3A : memref<!tpu.dma_semaphore, #tpu.memory_space<semaphore_mem>>) {add = true}
        %dma_wait3A_292 = arith.constant 0 : i32
        %dma_wait3A_293 = tpu.memref_slice %arg6[%add3A_257, %dma_wait3A_292] : memref<40x64xi32, #tpu.memory_space<vmem>> -> memref<1x64xi32, #tpu.memory_space<vmem>>
        %dma_wait3A_294 = tpu.memref_squeeze %dma_wait3A_293 : memref<1x64xi32, #tpu.memory_space<vmem>> -> memref<64xi32, #tpu.memory_space<vmem>>
        %dma_wait3A_295 = arith.constant 0 : i32
        %dma_wait3A_296 = arith.constant 0 : i32
        %dma_wait3A_297 = tpu.memref_slice %arg15[%dma_wait3A_295, %dma_wait3A_296] : memref<10240x128xf32, #tpu.memory_space<vmem_shared>> -> memref<10240x128xf32, #tpu.memory_space<vmem_shared>>
        tpu.wait_indirect_dma semaphore(%run_scoped3A : memref<!tpu.dma_semaphore, #tpu.memory_space<semaphore_mem>>) src(%arg9 : memref<64x128xf32, #tpu.memory_space<vmem>>) dst(%dma_wait3A_297 : memref<10240x128xf32, #tpu.memory_space<vmem_shared>>)
        tpu.yield
      }) : () -> ()
      %add3A_264 = arith.constant 4 : i32
      %add3A_265 = arith.addi %add3A_257, %add3A_264 : i32
      %lt3A_266 = arith.constant 40 : i32
      %lt3A_267 = arith.cmpi slt, %add3A_265, %lt3A_266 : i32
      %convert_element_type3A_268 = arith.extui %lt3A_267 : i1 to i32
      %cond3A_269 = arith.constant 0 : i32
      %cond3A_270 = arith.cmpi ne, %convert_element_type3A_268, %cond3A_269 : i32
      scf.if %cond3A_270 {
        %add3A_286 = arith.constant 4 : i32
        %add3A_287 = arith.addi %add3A_257, %add3A_286 : i32
        %dma_start3A_288 = arith.constant 0 : i32
        %dma_start3A_289 = tpu.memref_slice %arg5[%add3A_287, %dma_start3A_288] : memref<40x64xi32, #tpu.memory_space<vmem>> -> memref<1x64xi32, #tpu.memory_space<vmem>>
        %dma_start3A_290 = tpu.memref_squeeze %dma_start3A_289 : memref<1x64xi32, #tpu.memory_space<vmem>> -> memref<64xi32, #tpu.memory_space<vmem>>
        %dma_start3A_291 = arith.constant 0 : i32
        %dma_start3A_292 = arith.constant 0 : i32
        %dma_start3A_293 = tpu.memref_slice %arg2[%dma_start3A_291, %dma_start3A_292] : memref<80000x128xf32, #tpu.memory_space<hbm>> -> memref<80000x128xf32, #tpu.memory_space<hbm>>
        tpu.enqueue_indirect_dma source(%dma_start3A_293 : memref<80000x128xf32, #tpu.memory_space<hbm>>) target(%arg9 : memref<64x128xf32, #tpu.memory_space<vmem>>) offsets(%dma_start3A_290 : memref<64xi32, #tpu.memory_space<vmem>>) semaphore(%arg13 : memref<!tpu.dma_semaphore, #tpu.memory_space<semaphore_mem>>)
      } else {
      }
      %add3A_271 = arith.constant 3 : i32
      %add3A_272 = arith.addi %mul3A_229, %add3A_271 : i32
      %dma_wait3A_273 = arith.constant 0 : i32
      %dma_wait3A_274 = tpu.memref_slice %arg5[%add3A_272, %dma_wait3A_273] : memref<40x64xi32, #tpu.memory_space<vmem>> -> memref<1x64xi32, #tpu.memory_space<vmem>>
      %dma_wait3A_275 = tpu.memref_squeeze %dma_wait3A_274 : memref<1x64xi32, #tpu.memory_space<vmem>> -> memref<64xi32, #tpu.memory_space<vmem>>
      %dma_wait3A_276 = arith.constant 0 : i32
      %dma_wait3A_277 = arith.constant 0 : i32
      %dma_wait3A_278 = tpu.memref_slice %arg2[%dma_wait3A_276, %dma_wait3A_277] : memref<80000x128xf32, #tpu.memory_space<hbm>> -> memref<80000x128xf32, #tpu.memory_space<hbm>>
      tpu.wait_indirect_dma semaphore(%arg14 : memref<!tpu.dma_semaphore, #tpu.memory_space<semaphore_mem>>) src(%dma_wait3A_278 : memref<80000x128xf32, #tpu.memory_space<hbm>>) dst(%arg10 : memref<64x128xf32, #tpu.memory_space<vmem>>)
      "tpu.region"() ({
        %run_scoped3A = tpu.sem_alloc : memref<!tpu.dma_semaphore, #tpu.memory_space<semaphore_mem>>
        %dma_start3A_286 = arith.constant 0 : i32
        %dma_start3A_287 = tpu.memref_slice %arg6[%add3A_272, %dma_start3A_286] : memref<40x64xi32, #tpu.memory_space<vmem>> -> memref<1x64xi32, #tpu.memory_space<vmem>>
        %dma_start3A_288 = tpu.memref_squeeze %dma_start3A_287 : memref<1x64xi32, #tpu.memory_space<vmem>> -> memref<64xi32, #tpu.memory_space<vmem>>
        %dma_start3A_289 = arith.constant 0 : i32
        %dma_start3A_290 = arith.constant 0 : i32
        %dma_start3A_291 = tpu.memref_slice %arg15[%dma_start3A_289, %dma_start3A_290] : memref<10240x128xf32, #tpu.memory_space<vmem_shared>> -> memref<10240x128xf32, #tpu.memory_space<vmem_shared>>
        tpu.enqueue_indirect_dma source(%arg10 : memref<64x128xf32, #tpu.memory_space<vmem>>) target(%dma_start3A_291 : memref<10240x128xf32, #tpu.memory_space<vmem_shared>>) offsets(%dma_start3A_288 : memref<64xi32, #tpu.memory_space<vmem>>) semaphore(%run_scoped3A : memref<!tpu.dma_semaphore, #tpu.memory_space<semaphore_mem>>) {add = true}
        %dma_wait3A_292 = arith.constant 0 : i32
        %dma_wait3A_293 = tpu.memref_slice %arg6[%add3A_272, %dma_wait3A_292] : memref<40x64xi32, #tpu.memory_space<vmem>> -> memref<1x64xi32, #tpu.memory_space<vmem>>
        %dma_wait3A_294 = tpu.memref_squeeze %dma_wait3A_293 : memref<1x64xi32, #tpu.memory_space<vmem>> -> memref<64xi32, #tpu.memory_space<vmem>>
        %dma_wait3A_295 = arith.constant 0 : i32
        %dma_wait3A_296 = arith.constant 0 : i32
        %dma_wait3A_297 = tpu.memref_slice %arg15[%dma_wait3A_295, %dma_wait3A_296] : memref<10240x128xf32, #tpu.memory_space<vmem_shared>> -> memref<10240x128xf32, #tpu.memory_space<vmem_shared>>
        tpu.wait_indirect_dma semaphore(%run_scoped3A : memref<!tpu.dma_semaphore, #tpu.memory_space<semaphore_mem>>) src(%arg10 : memref<64x128xf32, #tpu.memory_space<vmem>>) dst(%dma_wait3A_297 : memref<10240x128xf32, #tpu.memory_space<vmem_shared>>)
        tpu.yield
      }) : () -> ()
      %add3A_279 = arith.constant 4 : i32
      %add3A_280 = arith.addi %add3A_272, %add3A_279 : i32
      %lt3A_281 = arith.constant 40 : i32
      %lt3A_282 = arith.cmpi slt, %add3A_280, %lt3A_281 : i32
      %convert_element_type3A_283 = arith.extui %lt3A_282 : i1 to i32
      %cond3A_284 = arith.constant 0 : i32
      %cond3A_285 = arith.cmpi ne, %convert_element_type3A_283, %cond3A_284 : i32
      scf.if %cond3A_285 {
        %add3A_286 = arith.constant 4 : i32
        %add3A_287 = arith.addi %add3A_272, %add3A_286 : i32
        %dma_start3A_288 = arith.constant 0 : i32
        %dma_start3A_289 = tpu.memref_slice %arg5[%add3A_287, %dma_start3A_288] : memref<40x64xi32, #tpu.memory_space<vmem>> -> memref<1x64xi32, #tpu.memory_space<vmem>>
        %dma_start3A_290 = tpu.memref_squeeze %dma_start3A_289 : memref<1x64xi32, #tpu.memory_space<vmem>> -> memref<64xi32, #tpu.memory_space<vmem>>
        %dma_start3A_291 = arith.constant 0 : i32
        %dma_start3A_292 = arith.constant 0 : i32
        %dma_start3A_293 = tpu.memref_slice %arg2[%dma_start3A_291, %dma_start3A_292] : memref<80000x128xf32, #tpu.memory_space<hbm>> -> memref<80000x128xf32, #tpu.memory_space<hbm>>
        tpu.enqueue_indirect_dma source(%dma_start3A_293 : memref<80000x128xf32, #tpu.memory_space<hbm>>) target(%arg10 : memref<64x128xf32, #tpu.memory_space<vmem>>) offsets(%dma_start3A_290 : memref<64xi32, #tpu.memory_space<vmem>>) semaphore(%arg14 : memref<!tpu.dma_semaphore, #tpu.memory_space<semaphore_mem>>)
      } else {
      }
    }
    %scan3A_133 = arith.constant 10 : i32
    %mul3A_134 = arith.constant 4 : i32
    %mul3A_135 = arith.muli %add3A, %mul3A_134 : i32
    %add3A_136 = arith.constant 2 : i32
    %add3A_137 = arith.addi %mul3A_135, %add3A_136 : i32
    "tpu.region"() ({
      %run_scoped3A = tpu.sem_alloc : memref<!tpu.dma_semaphore, #tpu.memory_space<semaphore_mem>>
      %dma_start3A_227 = arith.constant 0 : i32
      %dma_start3A_228 = arith.constant 0 : i32
      %dma_start3A_229 = tpu.memref_slice %arg3[%add3A_137, %dma_start3A_227, %dma_start3A_228] : memref<128x40x64xi32, #tpu.memory_space<hbm>> -> memref<1x40x64xi32, #tpu.memory_space<hbm>>
      %dma_start3A_230 = tpu.memref_squeeze %dma_start3A_229 : memref<1x40x64xi32, #tpu.memory_space<hbm>> -> memref<40x64xi32, #tpu.memory_space<hbm>>
      %dma_start3A_231 = arith.constant 0 : i32
      %dma_start3A_232 = arith.constant 0 : i32
      %dma_start3A_233 = tpu.memref_slice %arg3[%add3A_137, %dma_start3A_231, %dma_start3A_232] : memref<128x40x64xi32, #tpu.memory_space<hbm>> -> memref<1x40x64xi32, #tpu.memory_space<hbm>>
      %dma_start3A_234 = tpu.memref_squeeze %dma_start3A_233 : memref<1x40x64xi32, #tpu.memory_space<hbm>> -> memref<40x64xi32, #tpu.memory_space<hbm>>
      tpu.enqueue_dma source(%dma_start3A_234 : memref<40x64xi32, #tpu.memory_space<hbm>>) target(%arg5 : memref<40x64xi32, #tpu.memory_space<vmem>>) target_semaphore(%run_scoped3A : memref<!tpu.dma_semaphore, #tpu.memory_space<semaphore_mem>>)
      %dma_wait3A = arith.constant 0 : i32
      %dma_wait3A_235 = arith.constant 0 : i32
      %dma_wait3A_236 = tpu.memref_slice %arg3[%add3A_137, %dma_wait3A, %dma_wait3A_235] : memref<128x40x64xi32, #tpu.memory_space<hbm>> -> memref<1x40x64xi32, #tpu.memory_space<hbm>>
      %dma_wait3A_237 = tpu.memref_squeeze %dma_wait3A_236 : memref<1x40x64xi32, #tpu.memory_space<hbm>> -> memref<40x64xi32, #tpu.memory_space<hbm>>
      %dma_wait3A_238 = arith.constant 0 : i32
      %dma_wait3A_239 = arith.constant 0 : i32
      %dma_wait3A_240 = tpu.memref_slice %arg3[%add3A_137, %dma_wait3A_238, %dma_wait3A_239] : memref<128x40x64xi32, #tpu.memory_space<hbm>> -> memref<1x40x64xi32, #tpu.memory_space<hbm>>
      %dma_wait3A_241 = tpu.memref_squeeze %dma_wait3A_240 : memref<1x40x64xi32, #tpu.memory_space<hbm>> -> memref<40x64xi32, #tpu.memory_space<hbm>>
      tpu.wait_dma2 semaphore(%run_scoped3A : memref<!tpu.dma_semaphore, #tpu.memory_space<semaphore_mem>>) src(%dma_wait3A_241 : memref<40x64xi32, #tpu.memory_space<hbm>>) dst(%arg5 : memref<40x64xi32, #tpu.memory_space<vmem>>)
      tpu.yield
    }) : () -> ()
    %scan3A_138 = arith.constant 0 : i32
    %scan3A_139 = arith.constant 0 : i32
    %scan3A_140 = arith.constant 40 : i32
    %scan3A_141 = arith.addi %scan3A_139, %scan3A_140 : i32
    %scan3A_142 = arith.constant 1 : i32
    scf.for %scan3A_227 = %scan3A_139 to %scan3A_141 step %scan3A_142  : i32 {
      %get3A = arith.index_cast %scan3A_227 : i32 to index
      %get3A_228 = arith.constant 0 : index
      %get3A_229 = tpu.vector_load %arg5[%get3A, %get3A_228] {strides = array<i32>} : memref<40x64xi32, #tpu.memory_space<vmem>>, vector<1x16xi32>,
      %get3A_230 = vector.shape_cast %get3A_229 : vector<1x16xi32> to vector<16xi32>
      %shift_right_arithmetic3A = arith.constant 14 : i32
      %shift_right_arithmetic3A_231 = vector.broadcast %shift_right_arithmetic3A : i32 to vector<16xi32>
      %shift_right_arithmetic3A_232 = arith.shrsi %get3A_230, %shift_right_arithmetic3A_231 : vector<16xi32>
      %swap3A = arith.index_cast %scan3A_227 : i32 to index
      %swap3A_233 = arith.constant 0 : index
      %swap3A_234 = tpu.vector_load %arg5[%swap3A, %swap3A_233] {strides = array<i32>} : memref<40x64xi32, #tpu.memory_space<vmem>>, vector<1x16xi32>,
      %swap3A_235 = vector.shape_cast %swap3A_234 : vector<1x16xi32> to vector<16xi32>
      %swap3A_236 = vector.shape_cast %shift_right_arithmetic3A_232 : vector<16xi32> to vector<1x16xi32>
      tpu.vector_store %arg5[%swap3A, %swap3A_233], %swap3A_236 {strides = array<i32>} : memref<40x64xi32, #tpu.memory_space<vmem>>, vector<1x16xi32>,
      %and3A = arith.constant 16383 : i32
      %and3A_237 = vector.broadcast %and3A : i32 to vector<16xi32>
      %and3A_238 = arith.andi %get3A_230, %and3A_237 : vector<16xi32>
      %swap3A_239 = arith.index_cast %scan3A_227 : i32 to index
      %swap3A_240 = arith.constant 0 : index
      %swap3A_241 = tpu.vector_load %arg6[%swap3A_239, %swap3A_240] {strides = array<i32>} : memref<40x64xi32, #tpu.memory_space<vmem>>, vector<1x16xi32>,
      %swap3A_242 = vector.shape_cast %swap3A_241 : vector<1x16xi32> to vector<16xi32>
      %swap3A_243 = vector.shape_cast %and3A_238 : vector<16xi32> to vector<1x16xi32>
      tpu.vector_store %arg6[%swap3A_239, %swap3A_240], %swap3A_243 {strides = array<i32>} : memref<40x64xi32, #tpu.memory_space<vmem>>, vector<1x16xi32>,
      %get3A_244 = arith.index_cast %scan3A_227 : i32 to index
      %get3A_245 = arith.constant 16 : index
      %get3A_246 = tpu.vector_load %arg5[%get3A_244, %get3A_245] {strides = array<i32>} : memref<40x64xi32, #tpu.memory_space<vmem>>, vector<1x16xi32>,
      %get3A_247 = vector.shape_cast %get3A_246 : vector<1x16xi32> to vector<16xi32>
      %shift_right_arithmetic3A_248 = arith.constant 14 : i32
      %shift_right_arithmetic3A_249 = vector.broadcast %shift_right_arithmetic3A_248 : i32 to vector<16xi32>
      %shift_right_arithmetic3A_250 = arith.shrsi %get3A_247, %shift_right_arithmetic3A_249 : vector<16xi32>
      %swap3A_251 = arith.index_cast %scan3A_227 : i32 to index
      %swap3A_252 = arith.constant 16 : index
      %swap3A_253 = tpu.vector_load %arg5[%swap3A_251, %swap3A_252] {strides = array<i32>} : memref<40x64xi32, #tpu.memory_space<vmem>>, vector<1x16xi32>,
      %swap3A_254 = vector.shape_cast %swap3A_253 : vector<1x16xi32> to vector<16xi32>
      %swap3A_255 = vector.shape_cast %shift_right_arithmetic3A_250 : vector<16xi32> to vector<1x16xi32>
      tpu.vector_store %arg5[%swap3A_251, %swap3A_252], %swap3A_255 {strides = array<i32>} : memref<40x64xi32, #tpu.memory_space<vmem>>, vector<1x16xi32>,
      %and3A_256 = arith.constant 16383 : i32
      %and3A_257 = vector.broadcast %and3A_256 : i32 to vector<16xi32>
      %and3A_258 = arith.andi %get3A_247, %and3A_257 : vector<16xi32>
      %swap3A_259 = arith.index_cast %scan3A_227 : i32 to index
      %swap3A_260 = arith.constant 16 : index
      %swap3A_261 = tpu.vector_load %arg6[%swap3A_259, %swap3A_260] {strides = array<i32>} : memref<40x64xi32, #tpu.memory_space<vmem>>, vector<1x16xi32>,
      %swap3A_262 = vector.shape_cast %swap3A_261 : vector<1x16xi32> to vector<16xi32>
      %swap3A_263 = vector.shape_cast %and3A_258 : vector<16xi32> to vector<1x16xi32>
      tpu.vector_store %arg6[%swap3A_259, %swap3A_260], %swap3A_263 {strides = array<i32>} : memref<40x64xi32, #tpu.memory_space<vmem>>, vector<1x16xi32>,
      %get3A_264 = arith.index_cast %scan3A_227 : i32 to index
      %get3A_265 = arith.constant 32 : index
      %get3A_266 = tpu.vector_load %arg5[%get3A_264, %get3A_265] {strides = array<i32>} : memref<40x64xi32, #tpu.memory_space<vmem>>, vector<1x16xi32>,
      %get3A_267 = vector.shape_cast %get3A_266 : vector<1x16xi32> to vector<16xi32>
      %shift_right_arithmetic3A_268 = arith.constant 14 : i32
      %shift_right_arithmetic3A_269 = vector.broadcast %shift_right_arithmetic3A_268 : i32 to vector<16xi32>
      %shift_right_arithmetic3A_270 = arith.shrsi %get3A_267, %shift_right_arithmetic3A_269 : vector<16xi32>
      %swap3A_271 = arith.index_cast %scan3A_227 : i32 to index
      %swap3A_272 = arith.constant 32 : index
      %swap3A_273 = tpu.vector_load %arg5[%swap3A_271, %swap3A_272] {strides = array<i32>} : memref<40x64xi32, #tpu.memory_space<vmem>>, vector<1x16xi32>,
      %swap3A_274 = vector.shape_cast %swap3A_273 : vector<1x16xi32> to vector<16xi32>
      %swap3A_275 = vector.shape_cast %shift_right_arithmetic3A_270 : vector<16xi32> to vector<1x16xi32>
      tpu.vector_store %arg5[%swap3A_271, %swap3A_272], %swap3A_275 {strides = array<i32>} : memref<40x64xi32, #tpu.memory_space<vmem>>, vector<1x16xi32>,
      %and3A_276 = arith.constant 16383 : i32
      %and3A_277 = vector.broadcast %and3A_276 : i32 to vector<16xi32>
      %and3A_278 = arith.andi %get3A_267, %and3A_277 : vector<16xi32>
      %swap3A_279 = arith.index_cast %scan3A_227 : i32 to index
      %swap3A_280 = arith.constant 32 : index
      %swap3A_281 = tpu.vector_load %arg6[%swap3A_279, %swap3A_280] {strides = array<i32>} : memref<40x64xi32, #tpu.memory_space<vmem>>, vector<1x16xi32>,
      %swap3A_282 = vector.shape_cast %swap3A_281 : vector<1x16xi32> to vector<16xi32>
      %swap3A_283 = vector.shape_cast %and3A_278 : vector<16xi32> to vector<1x16xi32>
      tpu.vector_store %arg6[%swap3A_279, %swap3A_280], %swap3A_283 {strides = array<i32>} : memref<40x64xi32, #tpu.memory_space<vmem>>, vector<1x16xi32>,
      %get3A_284 = arith.index_cast %scan3A_227 : i32 to index
      %get3A_285 = arith.constant 48 : index
      %get3A_286 = tpu.vector_load %arg5[%get3A_284, %get3A_285] {strides = array<i32>} : memref<40x64xi32, #tpu.memory_space<vmem>>, vector<1x16xi32>,
      %get3A_287 = vector.shape_cast %get3A_286 : vector<1x16xi32> to vector<16xi32>
      %shift_right_arithmetic3A_288 = arith.constant 14 : i32
      %shift_right_arithmetic3A_289 = vector.broadcast %shift_right_arithmetic3A_288 : i32 to vector<16xi32>
      %shift_right_arithmetic3A_290 = arith.shrsi %get3A_287, %shift_right_arithmetic3A_289 : vector<16xi32>
      %swap3A_291 = arith.index_cast %scan3A_227 : i32 to index
      %swap3A_292 = arith.constant 48 : index
      %swap3A_293 = tpu.vector_load %arg5[%swap3A_291, %swap3A_292] {strides = array<i32>} : memref<40x64xi32, #tpu.memory_space<vmem>>, vector<1x16xi32>,
      %swap3A_294 = vector.shape_cast %swap3A_293 : vector<1x16xi32> to vector<16xi32>
      %swap3A_295 = vector.shape_cast %shift_right_arithmetic3A_290 : vector<16xi32> to vector<1x16xi32>
      tpu.vector_store %arg5[%swap3A_291, %swap3A_292], %swap3A_295 {strides = array<i32>} : memref<40x64xi32, #tpu.memory_space<vmem>>, vector<1x16xi32>,
      %and3A_296 = arith.constant 16383 : i32
      %and3A_297 = vector.broadcast %and3A_296 : i32 to vector<16xi32>
      %and3A_298 = arith.andi %get3A_287, %and3A_297 : vector<16xi32>
      %swap3A_299 = arith.index_cast %scan3A_227 : i32 to index
      %swap3A_300 = arith.constant 48 : index
      %swap3A_301 = tpu.vector_load %arg6[%swap3A_299, %swap3A_300] {strides = array<i32>} : memref<40x64xi32, #tpu.memory_space<vmem>>, vector<1x16xi32>,
      %swap3A_302 = vector.shape_cast %swap3A_301 : vector<1x16xi32> to vector<16xi32>
      %swap3A_303 = vector.shape_cast %and3A_298 : vector<16xi32> to vector<1x16xi32>
      tpu.vector_store %arg6[%swap3A_299, %swap3A_300], %swap3A_303 {strides = array<i32>} : memref<40x64xi32, #tpu.memory_space<vmem>>, vector<1x16xi32>,
    }
    %scan3A_143 = arith.constant 40 : i32
    %dma_start3A_144 = arith.constant 0 : i32
    %dma_start3A_145 = arith.constant 0 : i32
    %dma_start3A_146 = tpu.memref_slice %arg5[%dma_start3A_144, %dma_start3A_145] : memref<40x64xi32, #tpu.memory_space<vmem>> -> memref<1x64xi32, #tpu.memory_space<vmem>>
    %dma_start3A_147 = tpu.memref_squeeze %dma_start3A_146 : memref<1x64xi32, #tpu.memory_space<vmem>> -> memref<64xi32, #tpu.memory_space<vmem>>
    %dma_start3A_148 = arith.constant 0 : i32
    %dma_start3A_149 = arith.constant 0 : i32
    %dma_start3A_150 = tpu.memref_slice %arg2[%dma_start3A_148, %dma_start3A_149] : memref<80000x128xf32, #tpu.memory_space<hbm>> -> memref<80000x128xf32, #tpu.memory_space<hbm>>
    tpu.enqueue_indirect_dma source(%dma_start3A_150 : memref<80000x128xf32, #tpu.memory_space<hbm>>) target(%arg7 : memref<64x128xf32, #tpu.memory_space<vmem>>) offsets(%dma_start3A_147 : memref<64xi32, #tpu.memory_space<vmem>>) semaphore(%arg11 : memref<!tpu.dma_semaphore, #tpu.memory_space<semaphore_mem>>)
    %dma_start3A_151 = arith.constant 1 : i32
    %dma_start3A_152 = arith.constant 0 : i32
    %dma_start3A_153 = tpu.memref_slice %arg5[%dma_start3A_151, %dma_start3A_152] : memref<40x64xi32, #tpu.memory_space<vmem>> -> memref<1x64xi32, #tpu.memory_space<vmem>>
    %dma_start3A_154 = tpu.memref_squeeze %dma_start3A_153 : memref<1x64xi32, #tpu.memory_space<vmem>> -> memref<64xi32, #tpu.memory_space<vmem>>
    %dma_start3A_155 = arith.constant 0 : i32
    %dma_start3A_156 = arith.constant 0 : i32
    %dma_start3A_157 = tpu.memref_slice %arg2[%dma_start3A_155, %dma_start3A_156] : memref<80000x128xf32, #tpu.memory_space<hbm>> -> memref<80000x128xf32, #tpu.memory_space<hbm>>
    tpu.enqueue_indirect_dma source(%dma_start3A_157 : memref<80000x128xf32, #tpu.memory_space<hbm>>) target(%arg8 : memref<64x128xf32, #tpu.memory_space<vmem>>) offsets(%dma_start3A_154 : memref<64xi32, #tpu.memory_space<vmem>>) semaphore(%arg12 : memref<!tpu.dma_semaphore, #tpu.memory_space<semaphore_mem>>)
    %dma_start3A_158 = arith.constant 2 : i32
    %dma_start3A_159 = arith.constant 0 : i32
    %dma_start3A_160 = tpu.memref_slice %arg5[%dma_start3A_158, %dma_start3A_159] : memref<40x64xi32, #tpu.memory_space<vmem>> -> memref<1x64xi32, #tpu.memory_space<vmem>>
    %dma_start3A_161 = tpu.memref_squeeze %dma_start3A_160 : memref<1x64xi32, #tpu.memory_space<vmem>> -> memref<64xi32, #tpu.memory_space<vmem>>
    %dma_start3A_162 = arith.constant 0 : i32
    %dma_start3A_163 = arith.constant 0 : i32
    %dma_start3A_164 = tpu.memref_slice %arg2[%dma_start3A_162, %dma_start3A_163] : memref<80000x128xf32, #tpu.memory_space<hbm>> -> memref<80000x128xf32, #tpu.memory_space<hbm>>
    tpu.enqueue_indirect_dma source(%dma_start3A_164 : memref<80000x128xf32, #tpu.memory_space<hbm>>) target(%arg9 : memref<64x128xf32, #tpu.memory_space<vmem>>) offsets(%dma_start3A_161 : memref<64xi32, #tpu.memory_space<vmem>>) semaphore(%arg13 : memref<!tpu.dma_semaphore, #tpu.memory_space<semaphore_mem>>)
    %dma_start3A_165 = arith.constant 3 : i32
    %dma_start3A_166 = arith.constant 0 : i32
    %dma_start3A_167 = tpu.memref_slice %arg5[%dma_start3A_165, %dma_start3A_166] : memref<40x64xi32, #tpu.memory_space<vmem>> -> memref<1x64xi32, #tpu.memory_space<vmem>>
    %dma_start3A_168 = tpu.memref_squeeze %dma_start3A_167 : memref<1x64xi32, #tpu.memory_space<vmem>> -> memref<64xi32, #tpu.memory_space<vmem>>
    %dma_start3A_169 = arith.constant 0 : i32
    %dma_start3A_170 = arith.constant 0 : i32
    %dma_start3A_171 = tpu.memref_slice %arg2[%dma_start3A_169, %dma_start3A_170] : memref<80000x128xf32, #tpu.memory_space<hbm>> -> memref<80000x128xf32, #tpu.memory_space<hbm>>
    tpu.enqueue_indirect_dma source(%dma_start3A_171 : memref<80000x128xf32, #tpu.memory_space<hbm>>) target(%arg10 : memref<64x128xf32, #tpu.memory_space<vmem>>) offsets(%dma_start3A_168 : memref<64xi32, #tpu.memory_space<vmem>>) semaphore(%arg14 : memref<!tpu.dma_semaphore, #tpu.memory_space<semaphore_mem>>)
    %scan3A_172 = arith.constant 0 : i32
    %scan3A_173 = arith.constant 0 : i32
    %scan3A_174 = arith.constant 10 : i32
    %scan3A_175 = arith.addi %scan3A_173, %scan3A_174 : i32
    %scan3A_176 = arith.constant 1 : i32
    scf.for %scan3A_227 = %scan3A_173 to %scan3A_175 step %scan3A_176  : i32 {
      %mul3A_228 = arith.constant 4 : i32
      %mul3A_229 = arith.muli %mul3A_228, %scan3A_227 : i32
      %add3A_230 = arith.constant 0 : i32
      %add3A_231 = arith.addi %mul3A_229, %add3A_230 : i32
      %dma_wait3A = arith.constant 0 : i32
      %dma_wait3A_232 = tpu.memref_slice %arg5[%add3A_231, %dma_wait3A] : memref<40x64xi32, #tpu.memory_space<vmem>> -> memref<1x64xi32, #tpu.memory_space<vmem>>
      %dma_wait3A_233 = tpu.memref_squeeze %dma_wait3A_232 : memref<1x64xi32, #tpu.memory_space<vmem>> -> memref<64xi32, #tpu.memory_space<vmem>>
      %dma_wait3A_234 = arith.constant 0 : i32
      %dma_wait3A_235 = arith.constant 0 : i32
      %dma_wait3A_236 = tpu.memref_slice %arg2[%dma_wait3A_234, %dma_wait3A_235] : memref<80000x128xf32, #tpu.memory_space<hbm>> -> memref<80000x128xf32, #tpu.memory_space<hbm>>
      tpu.wait_indirect_dma semaphore(%arg11 : memref<!tpu.dma_semaphore, #tpu.memory_space<semaphore_mem>>) src(%dma_wait3A_236 : memref<80000x128xf32, #tpu.memory_space<hbm>>) dst(%arg7 : memref<64x128xf32, #tpu.memory_space<vmem>>)
      "tpu.region"() ({
        %run_scoped3A = tpu.sem_alloc : memref<!tpu.dma_semaphore, #tpu.memory_space<semaphore_mem>>
        %dma_start3A_286 = arith.constant 0 : i32
        %dma_start3A_287 = tpu.memref_slice %arg6[%add3A_231, %dma_start3A_286] : memref<40x64xi32, #tpu.memory_space<vmem>> -> memref<1x64xi32, #tpu.memory_space<vmem>>
        %dma_start3A_288 = tpu.memref_squeeze %dma_start3A_287 : memref<1x64xi32, #tpu.memory_space<vmem>> -> memref<64xi32, #tpu.memory_space<vmem>>
        %dma_start3A_289 = arith.constant 0 : i32
        %dma_start3A_290 = arith.constant 0 : i32
        %dma_start3A_291 = tpu.memref_slice %arg15[%dma_start3A_289, %dma_start3A_290] : memref<10240x128xf32, #tpu.memory_space<vmem_shared>> -> memref<10240x128xf32, #tpu.memory_space<vmem_shared>>
        tpu.enqueue_indirect_dma source(%arg7 : memref<64x128xf32, #tpu.memory_space<vmem>>) target(%dma_start3A_291 : memref<10240x128xf32, #tpu.memory_space<vmem_shared>>) offsets(%dma_start3A_288 : memref<64xi32, #tpu.memory_space<vmem>>) semaphore(%run_scoped3A : memref<!tpu.dma_semaphore, #tpu.memory_space<semaphore_mem>>) {add = true}
        %dma_wait3A_292 = arith.constant 0 : i32
        %dma_wait3A_293 = tpu.memref_slice %arg6[%add3A_231, %dma_wait3A_292] : memref<40x64xi32, #tpu.memory_space<vmem>> -> memref<1x64xi32, #tpu.memory_space<vmem>>
        %dma_wait3A_294 = tpu.memref_squeeze %dma_wait3A_293 : memref<1x64xi32, #tpu.memory_space<vmem>> -> memref<64xi32, #tpu.memory_space<vmem>>
        %dma_wait3A_295 = arith.constant 0 : i32
        %dma_wait3A_296 = arith.constant 0 : i32
        %dma_wait3A_297 = tpu.memref_slice %arg15[%dma_wait3A_295, %dma_wait3A_296] : memref<10240x128xf32, #tpu.memory_space<vmem_shared>> -> memref<10240x128xf32, #tpu.memory_space<vmem_shared>>
        tpu.wait_indirect_dma semaphore(%run_scoped3A : memref<!tpu.dma_semaphore, #tpu.memory_space<semaphore_mem>>) src(%arg7 : memref<64x128xf32, #tpu.memory_space<vmem>>) dst(%dma_wait3A_297 : memref<10240x128xf32, #tpu.memory_space<vmem_shared>>)
        tpu.yield
      }) : () -> ()
      %add3A_237 = arith.constant 4 : i32
      %add3A_238 = arith.addi %add3A_231, %add3A_237 : i32
      %lt3A = arith.constant 40 : i32
      %lt3A_239 = arith.cmpi slt, %add3A_238, %lt3A : i32
      %convert_element_type3A = arith.extui %lt3A_239 : i1 to i32
      %cond3A = arith.constant 0 : i32
      %cond3A_240 = arith.cmpi ne, %convert_element_type3A, %cond3A : i32
      scf.if %cond3A_240 {
        %add3A_286 = arith.constant 4 : i32
        %add3A_287 = arith.addi %add3A_231, %add3A_286 : i32
        %dma_start3A_288 = arith.constant 0 : i32
        %dma_start3A_289 = tpu.memref_slice %arg5[%add3A_287, %dma_start3A_288] : memref<40x64xi32, #tpu.memory_space<vmem>> -> memref<1x64xi32, #tpu.memory_space<vmem>>
        %dma_start3A_290 = tpu.memref_squeeze %dma_start3A_289 : memref<1x64xi32, #tpu.memory_space<vmem>> -> memref<64xi32, #tpu.memory_space<vmem>>
        %dma_start3A_291 = arith.constant 0 : i32
        %dma_start3A_292 = arith.constant 0 : i32
        %dma_start3A_293 = tpu.memref_slice %arg2[%dma_start3A_291, %dma_start3A_292] : memref<80000x128xf32, #tpu.memory_space<hbm>> -> memref<80000x128xf32, #tpu.memory_space<hbm>>
        tpu.enqueue_indirect_dma source(%dma_start3A_293 : memref<80000x128xf32, #tpu.memory_space<hbm>>) target(%arg7 : memref<64x128xf32, #tpu.memory_space<vmem>>) offsets(%dma_start3A_290 : memref<64xi32, #tpu.memory_space<vmem>>) semaphore(%arg11 : memref<!tpu.dma_semaphore, #tpu.memory_space<semaphore_mem>>)
      } else {
      }
      %add3A_241 = arith.constant 1 : i32
      %add3A_242 = arith.addi %mul3A_229, %add3A_241 : i32
      %dma_wait3A_243 = arith.constant 0 : i32
      %dma_wait3A_244 = tpu.memref_slice %arg5[%add3A_242, %dma_wait3A_243] : memref<40x64xi32, #tpu.memory_space<vmem>> -> memref<1x64xi32, #tpu.memory_space<vmem>>
      %dma_wait3A_245 = tpu.memref_squeeze %dma_wait3A_244 : memref<1x64xi32, #tpu.memory_space<vmem>> -> memref<64xi32, #tpu.memory_space<vmem>>
      %dma_wait3A_246 = arith.constant 0 : i32
      %dma_wait3A_247 = arith.constant 0 : i32
      %dma_wait3A_248 = tpu.memref_slice %arg2[%dma_wait3A_246, %dma_wait3A_247] : memref<80000x128xf32, #tpu.memory_space<hbm>> -> memref<80000x128xf32, #tpu.memory_space<hbm>>
      tpu.wait_indirect_dma semaphore(%arg12 : memref<!tpu.dma_semaphore, #tpu.memory_space<semaphore_mem>>) src(%dma_wait3A_248 : memref<80000x128xf32, #tpu.memory_space<hbm>>) dst(%arg8 : memref<64x128xf32, #tpu.memory_space<vmem>>)
      "tpu.region"() ({
        %run_scoped3A = tpu.sem_alloc : memref<!tpu.dma_semaphore, #tpu.memory_space<semaphore_mem>>
        %dma_start3A_286 = arith.constant 0 : i32
        %dma_start3A_287 = tpu.memref_slice %arg6[%add3A_242, %dma_start3A_286] : memref<40x64xi32, #tpu.memory_space<vmem>> -> memref<1x64xi32, #tpu.memory_space<vmem>>
        %dma_start3A_288 = tpu.memref_squeeze %dma_start3A_287 : memref<1x64xi32, #tpu.memory_space<vmem>> -> memref<64xi32, #tpu.memory_space<vmem>>
        %dma_start3A_289 = arith.constant 0 : i32
        %dma_start3A_290 = arith.constant 0 : i32
        %dma_start3A_291 = tpu.memref_slice %arg15[%dma_start3A_289, %dma_start3A_290] : memref<10240x128xf32, #tpu.memory_space<vmem_shared>> -> memref<10240x128xf32, #tpu.memory_space<vmem_shared>>
        tpu.enqueue_indirect_dma source(%arg8 : memref<64x128xf32, #tpu.memory_space<vmem>>) target(%dma_start3A_291 : memref<10240x128xf32, #tpu.memory_space<vmem_shared>>) offsets(%dma_start3A_288 : memref<64xi32, #tpu.memory_space<vmem>>) semaphore(%run_scoped3A : memref<!tpu.dma_semaphore, #tpu.memory_space<semaphore_mem>>) {add = true}
        %dma_wait3A_292 = arith.constant 0 : i32
        %dma_wait3A_293 = tpu.memref_slice %arg6[%add3A_242, %dma_wait3A_292] : memref<40x64xi32, #tpu.memory_space<vmem>> -> memref<1x64xi32, #tpu.memory_space<vmem>>
        %dma_wait3A_294 = tpu.memref_squeeze %dma_wait3A_293 : memref<1x64xi32, #tpu.memory_space<vmem>> -> memref<64xi32, #tpu.memory_space<vmem>>
        %dma_wait3A_295 = arith.constant 0 : i32
        %dma_wait3A_296 = arith.constant 0 : i32
        %dma_wait3A_297 = tpu.memref_slice %arg15[%dma_wait3A_295, %dma_wait3A_296] : memref<10240x128xf32, #tpu.memory_space<vmem_shared>> -> memref<10240x128xf32, #tpu.memory_space<vmem_shared>>
        tpu.wait_indirect_dma semaphore(%run_scoped3A : memref<!tpu.dma_semaphore, #tpu.memory_space<semaphore_mem>>) src(%arg8 : memref<64x128xf32, #tpu.memory_space<vmem>>) dst(%dma_wait3A_297 : memref<10240x128xf32, #tpu.memory_space<vmem_shared>>)
        tpu.yield
      }) : () -> ()
      %add3A_249 = arith.constant 4 : i32
      %add3A_250 = arith.addi %add3A_242, %add3A_249 : i32
      %lt3A_251 = arith.constant 40 : i32
      %lt3A_252 = arith.cmpi slt, %add3A_250, %lt3A_251 : i32
      %convert_element_type3A_253 = arith.extui %lt3A_252 : i1 to i32
      %cond3A_254 = arith.constant 0 : i32
      %cond3A_255 = arith.cmpi ne, %convert_element_type3A_253, %cond3A_254 : i32
      scf.if %cond3A_255 {
        %add3A_286 = arith.constant 4 : i32
        %add3A_287 = arith.addi %add3A_242, %add3A_286 : i32
        %dma_start3A_288 = arith.constant 0 : i32
        %dma_start3A_289 = tpu.memref_slice %arg5[%add3A_287, %dma_start3A_288] : memref<40x64xi32, #tpu.memory_space<vmem>> -> memref<1x64xi32, #tpu.memory_space<vmem>>
        %dma_start3A_290 = tpu.memref_squeeze %dma_start3A_289 : memref<1x64xi32, #tpu.memory_space<vmem>> -> memref<64xi32, #tpu.memory_space<vmem>>
        %dma_start3A_291 = arith.constant 0 : i32
        %dma_start3A_292 = arith.constant 0 : i32
        %dma_start3A_293 = tpu.memref_slice %arg2[%dma_start3A_291, %dma_start3A_292] : memref<80000x128xf32, #tpu.memory_space<hbm>> -> memref<80000x128xf32, #tpu.memory_space<hbm>>
        tpu.enqueue_indirect_dma source(%dma_start3A_293 : memref<80000x128xf32, #tpu.memory_space<hbm>>) target(%arg8 : memref<64x128xf32, #tpu.memory_space<vmem>>) offsets(%dma_start3A_290 : memref<64xi32, #tpu.memory_space<vmem>>) semaphore(%arg12 : memref<!tpu.dma_semaphore, #tpu.memory_space<semaphore_mem>>)
      } else {
      }
      %add3A_256 = arith.constant 2 : i32
      %add3A_257 = arith.addi %mul3A_229, %add3A_256 : i32
      %dma_wait3A_258 = arith.constant 0 : i32
      %dma_wait3A_259 = tpu.memref_slice %arg5[%add3A_257, %dma_wait3A_258] : memref<40x64xi32, #tpu.memory_space<vmem>> -> memref<1x64xi32, #tpu.memory_space<vmem>>
      %dma_wait3A_260 = tpu.memref_squeeze %dma_wait3A_259 : memref<1x64xi32, #tpu.memory_space<vmem>> -> memref<64xi32, #tpu.memory_space<vmem>>
      %dma_wait3A_261 = arith.constant 0 : i32
      %dma_wait3A_262 = arith.constant 0 : i32
      %dma_wait3A_263 = tpu.memref_slice %arg2[%dma_wait3A_261, %dma_wait3A_262] : memref<80000x128xf32, #tpu.memory_space<hbm>> -> memref<80000x128xf32, #tpu.memory_space<hbm>>
      tpu.wait_indirect_dma semaphore(%arg13 : memref<!tpu.dma_semaphore, #tpu.memory_space<semaphore_mem>>) src(%dma_wait3A_263 : memref<80000x128xf32, #tpu.memory_space<hbm>>) dst(%arg9 : memref<64x128xf32, #tpu.memory_space<vmem>>)
      "tpu.region"() ({
        %run_scoped3A = tpu.sem_alloc : memref<!tpu.dma_semaphore, #tpu.memory_space<semaphore_mem>>
        %dma_start3A_286 = arith.constant 0 : i32
        %dma_start3A_287 = tpu.memref_slice %arg6[%add3A_257, %dma_start3A_286] : memref<40x64xi32, #tpu.memory_space<vmem>> -> memref<1x64xi32, #tpu.memory_space<vmem>>
        %dma_start3A_288 = tpu.memref_squeeze %dma_start3A_287 : memref<1x64xi32, #tpu.memory_space<vmem>> -> memref<64xi32, #tpu.memory_space<vmem>>
        %dma_start3A_289 = arith.constant 0 : i32
        %dma_start3A_290 = arith.constant 0 : i32
        %dma_start3A_291 = tpu.memref_slice %arg15[%dma_start3A_289, %dma_start3A_290] : memref<10240x128xf32, #tpu.memory_space<vmem_shared>> -> memref<10240x128xf32, #tpu.memory_space<vmem_shared>>
        tpu.enqueue_indirect_dma source(%arg9 : memref<64x128xf32, #tpu.memory_space<vmem>>) target(%dma_start3A_291 : memref<10240x128xf32, #tpu.memory_space<vmem_shared>>) offsets(%dma_start3A_288 : memref<64xi32, #tpu.memory_space<vmem>>) semaphore(%run_scoped3A : memref<!tpu.dma_semaphore, #tpu.memory_space<semaphore_mem>>) {add = true}
        %dma_wait3A_292 = arith.constant 0 : i32
        %dma_wait3A_293 = tpu.memref_slice %arg6[%add3A_257, %dma_wait3A_292] : memref<40x64xi32, #tpu.memory_space<vmem>> -> memref<1x64xi32, #tpu.memory_space<vmem>>
        %dma_wait3A_294 = tpu.memref_squeeze %dma_wait3A_293 : memref<1x64xi32, #tpu.memory_space<vmem>> -> memref<64xi32, #tpu.memory_space<vmem>>
        %dma_wait3A_295 = arith.constant 0 : i32
        %dma_wait3A_296 = arith.constant 0 : i32
        %dma_wait3A_297 = tpu.memref_slice %arg15[%dma_wait3A_295, %dma_wait3A_296] : memref<10240x128xf32, #tpu.memory_space<vmem_shared>> -> memref<10240x128xf32, #tpu.memory_space<vmem_shared>>
        tpu.wait_indirect_dma semaphore(%run_scoped3A : memref<!tpu.dma_semaphore, #tpu.memory_space<semaphore_mem>>) src(%arg9 : memref<64x128xf32, #tpu.memory_space<vmem>>) dst(%dma_wait3A_297 : memref<10240x128xf32, #tpu.memory_space<vmem_shared>>)
        tpu.yield
      }) : () -> ()
      %add3A_264 = arith.constant 4 : i32
      %add3A_265 = arith.addi %add3A_257, %add3A_264 : i32
      %lt3A_266 = arith.constant 40 : i32
      %lt3A_267 = arith.cmpi slt, %add3A_265, %lt3A_266 : i32
      %convert_element_type3A_268 = arith.extui %lt3A_267 : i1 to i32
      %cond3A_269 = arith.constant 0 : i32
      %cond3A_270 = arith.cmpi ne, %convert_element_type3A_268, %cond3A_269 : i32
      scf.if %cond3A_270 {
        %add3A_286 = arith.constant 4 : i32
        %add3A_287 = arith.addi %add3A_257, %add3A_286 : i32
        %dma_start3A_288 = arith.constant 0 : i32
        %dma_start3A_289 = tpu.memref_slice %arg5[%add3A_287, %dma_start3A_288] : memref<40x64xi32, #tpu.memory_space<vmem>> -> memref<1x64xi32, #tpu.memory_space<vmem>>
        %dma_start3A_290 = tpu.memref_squeeze %dma_start3A_289 : memref<1x64xi32, #tpu.memory_space<vmem>> -> memref<64xi32, #tpu.memory_space<vmem>>
        %dma_start3A_291 = arith.constant 0 : i32
        %dma_start3A_292 = arith.constant 0 : i32
        %dma_start3A_293 = tpu.memref_slice %arg2[%dma_start3A_291, %dma_start3A_292] : memref<80000x128xf32, #tpu.memory_space<hbm>> -> memref<80000x128xf32, #tpu.memory_space<hbm>>
        tpu.enqueue_indirect_dma source(%dma_start3A_293 : memref<80000x128xf32, #tpu.memory_space<hbm>>) target(%arg9 : memref<64x128xf32, #tpu.memory_space<vmem>>) offsets(%dma_start3A_290 : memref<64xi32, #tpu.memory_space<vmem>>) semaphore(%arg13 : memref<!tpu.dma_semaphore, #tpu.memory_space<semaphore_mem>>)
      } else {
      }
      %add3A_271 = arith.constant 3 : i32
      %add3A_272 = arith.addi %mul3A_229, %add3A_271 : i32
      %dma_wait3A_273 = arith.constant 0 : i32
      %dma_wait3A_274 = tpu.memref_slice %arg5[%add3A_272, %dma_wait3A_273] : memref<40x64xi32, #tpu.memory_space<vmem>> -> memref<1x64xi32, #tpu.memory_space<vmem>>
      %dma_wait3A_275 = tpu.memref_squeeze %dma_wait3A_274 : memref<1x64xi32, #tpu.memory_space<vmem>> -> memref<64xi32, #tpu.memory_space<vmem>>
      %dma_wait3A_276 = arith.constant 0 : i32
      %dma_wait3A_277 = arith.constant 0 : i32
      %dma_wait3A_278 = tpu.memref_slice %arg2[%dma_wait3A_276, %dma_wait3A_277] : memref<80000x128xf32, #tpu.memory_space<hbm>> -> memref<80000x128xf32, #tpu.memory_space<hbm>>
      tpu.wait_indirect_dma semaphore(%arg14 : memref<!tpu.dma_semaphore, #tpu.memory_space<semaphore_mem>>) src(%dma_wait3A_278 : memref<80000x128xf32, #tpu.memory_space<hbm>>) dst(%arg10 : memref<64x128xf32, #tpu.memory_space<vmem>>)
      "tpu.region"() ({
        %run_scoped3A = tpu.sem_alloc : memref<!tpu.dma_semaphore, #tpu.memory_space<semaphore_mem>>
        %dma_start3A_286 = arith.constant 0 : i32
        %dma_start3A_287 = tpu.memref_slice %arg6[%add3A_272, %dma_start3A_286] : memref<40x64xi32, #tpu.memory_space<vmem>> -> memref<1x64xi32, #tpu.memory_space<vmem>>
        %dma_start3A_288 = tpu.memref_squeeze %dma_start3A_287 : memref<1x64xi32, #tpu.memory_space<vmem>> -> memref<64xi32, #tpu.memory_space<vmem>>
        %dma_start3A_289 = arith.constant 0 : i32
        %dma_start3A_290 = arith.constant 0 : i32
        %dma_start3A_291 = tpu.memref_slice %arg15[%dma_start3A_289, %dma_start3A_290] : memref<10240x128xf32, #tpu.memory_space<vmem_shared>> -> memref<10240x128xf32, #tpu.memory_space<vmem_shared>>
        tpu.enqueue_indirect_dma source(%arg10 : memref<64x128xf32, #tpu.memory_space<vmem>>) target(%dma_start3A_291 : memref<10240x128xf32, #tpu.memory_space<vmem_shared>>) offsets(%dma_start3A_288 : memref<64xi32, #tpu.memory_space<vmem>>) semaphore(%run_scoped3A : memref<!tpu.dma_semaphore, #tpu.memory_space<semaphore_mem>>) {add = true}
        %dma_wait3A_292 = arith.constant 0 : i32
        %dma_wait3A_293 = tpu.memref_slice %arg6[%add3A_272, %dma_wait3A_292] : memref<40x64xi32, #tpu.memory_space<vmem>> -> memref<1x64xi32, #tpu.memory_space<vmem>>
        %dma_wait3A_294 = tpu.memref_squeeze %dma_wait3A_293 : memref<1x64xi32, #tpu.memory_space<vmem>> -> memref<64xi32, #tpu.memory_space<vmem>>
        %dma_wait3A_295 = arith.constant 0 : i32
        %dma_wait3A_296 = arith.constant 0 : i32
        %dma_wait3A_297 = tpu.memref_slice %arg15[%dma_wait3A_295, %dma_wait3A_296] : memref<10240x128xf32, #tpu.memory_space<vmem_shared>> -> memref<10240x128xf32, #tpu.memory_space<vmem_shared>>
        tpu.wait_indirect_dma semaphore(%run_scoped3A : memref<!tpu.dma_semaphore, #tpu.memory_space<semaphore_mem>>) src(%arg10 : memref<64x128xf32, #tpu.memory_space<vmem>>) dst(%dma_wait3A_297 : memref<10240x128xf32, #tpu.memory_space<vmem_shared>>)
        tpu.yield
      }) : () -> ()
      %add3A_279 = arith.constant 4 : i32
      %add3A_280 = arith.addi %add3A_272, %add3A_279 : i32
      %lt3A_281 = arith.constant 40 : i32
      %lt3A_282 = arith.cmpi slt, %add3A_280, %lt3A_281 : i32
      %convert_element_type3A_283 = arith.extui %lt3A_282 : i1 to i32
      %cond3A_284 = arith.constant 0 : i32
      %cond3A_285 = arith.cmpi ne, %convert_element_type3A_283, %cond3A_284 : i32
      scf.if %cond3A_285 {
        %add3A_286 = arith.constant 4 : i32
        %add3A_287 = arith.addi %add3A_272, %add3A_286 : i32
        %dma_start3A_288 = arith.constant 0 : i32
        %dma_start3A_289 = tpu.memref_slice %arg5[%add3A_287, %dma_start3A_288] : memref<40x64xi32, #tpu.memory_space<vmem>> -> memref<1x64xi32, #tpu.memory_space<vmem>>
        %dma_start3A_290 = tpu.memref_squeeze %dma_start3A_289 : memref<1x64xi32, #tpu.memory_space<vmem>> -> memref<64xi32, #tpu.memory_space<vmem>>
        %dma_start3A_291 = arith.constant 0 : i32
        %dma_start3A_292 = arith.constant 0 : i32
        %dma_start3A_293 = tpu.memref_slice %arg2[%dma_start3A_291, %dma_start3A_292] : memref<80000x128xf32, #tpu.memory_space<hbm>> -> memref<80000x128xf32, #tpu.memory_space<hbm>>
        tpu.enqueue_indirect_dma source(%dma_start3A_293 : memref<80000x128xf32, #tpu.memory_space<hbm>>) target(%arg10 : memref<64x128xf32, #tpu.memory_space<vmem>>) offsets(%dma_start3A_290 : memref<64xi32, #tpu.memory_space<vmem>>) semaphore(%arg14 : memref<!tpu.dma_semaphore, #tpu.memory_space<semaphore_mem>>)
      } else {
      }
    }
    %scan3A_177 = arith.constant 10 : i32
    %mul3A_178 = arith.constant 4 : i32
    %mul3A_179 = arith.muli %add3A, %mul3A_178 : i32
    %add3A_180 = arith.constant 3 : i32
    %add3A_181 = arith.addi %mul3A_179, %add3A_180 : i32
    "tpu.region"() ({
      %run_scoped3A = tpu.sem_alloc : memref<!tpu.dma_semaphore, #tpu.memory_space<semaphore_mem>>
      %dma_start3A_227 = arith.constant 0 : i32
      %dma_start3A_228 = arith.constant 0 : i32
      %dma_start3A_229 = tpu.memref_slice %arg3[%add3A_181, %dma_start3A_227, %dma_start3A_228] : memref<128x40x64xi32, #tpu.memory_space<hbm>> -> memref<1x40x64xi32, #tpu.memory_space<hbm>>
      %dma_start3A_230 = tpu.memref_squeeze %dma_start3A_229 : memref<1x40x64xi32, #tpu.memory_space<hbm>> -> memref<40x64xi32, #tpu.memory_space<hbm>>
      %dma_start3A_231 = arith.constant 0 : i32
      %dma_start3A_232 = arith.constant 0 : i32
      %dma_start3A_233 = tpu.memref_slice %arg3[%add3A_181, %dma_start3A_231, %dma_start3A_232] : memref<128x40x64xi32, #tpu.memory_space<hbm>> -> memref<1x40x64xi32, #tpu.memory_space<hbm>>
      %dma_start3A_234 = tpu.memref_squeeze %dma_start3A_233 : memref<1x40x64xi32, #tpu.memory_space<hbm>> -> memref<40x64xi32, #tpu.memory_space<hbm>>
      tpu.enqueue_dma source(%dma_start3A_234 : memref<40x64xi32, #tpu.memory_space<hbm>>) target(%arg5 : memref<40x64xi32, #tpu.memory_space<vmem>>) target_semaphore(%run_scoped3A : memref<!tpu.dma_semaphore, #tpu.memory_space<semaphore_mem>>)
      %dma_wait3A = arith.constant 0 : i32
      %dma_wait3A_235 = arith.constant 0 : i32
      %dma_wait3A_236 = tpu.memref_slice %arg3[%add3A_181, %dma_wait3A, %dma_wait3A_235] : memref<128x40x64xi32, #tpu.memory_space<hbm>> -> memref<1x40x64xi32, #tpu.memory_space<hbm>>
      %dma_wait3A_237 = tpu.memref_squeeze %dma_wait3A_236 : memref<1x40x64xi32, #tpu.memory_space<hbm>> -> memref<40x64xi32, #tpu.memory_space<hbm>>
      %dma_wait3A_238 = arith.constant 0 : i32
      %dma_wait3A_239 = arith.constant 0 : i32
      %dma_wait3A_240 = tpu.memref_slice %arg3[%add3A_181, %dma_wait3A_238, %dma_wait3A_239] : memref<128x40x64xi32, #tpu.memory_space<hbm>> -> memref<1x40x64xi32, #tpu.memory_space<hbm>>
      %dma_wait3A_241 = tpu.memref_squeeze %dma_wait3A_240 : memref<1x40x64xi32, #tpu.memory_space<hbm>> -> memref<40x64xi32, #tpu.memory_space<hbm>>
      tpu.wait_dma2 semaphore(%run_scoped3A : memref<!tpu.dma_semaphore, #tpu.memory_space<semaphore_mem>>) src(%dma_wait3A_241 : memref<40x64xi32, #tpu.memory_space<hbm>>) dst(%arg5 : memref<40x64xi32, #tpu.memory_space<vmem>>)
      tpu.yield
    }) : () -> ()
    %scan3A_182 = arith.constant 0 : i32
    %scan3A_183 = arith.constant 0 : i32
    %scan3A_184 = arith.constant 40 : i32
    %scan3A_185 = arith.addi %scan3A_183, %scan3A_184 : i32
    %scan3A_186 = arith.constant 1 : i32
    scf.for %scan3A_227 = %scan3A_183 to %scan3A_185 step %scan3A_186  : i32 {
      %get3A = arith.index_cast %scan3A_227 : i32 to index
      %get3A_228 = arith.constant 0 : index
      %get3A_229 = tpu.vector_load %arg5[%get3A, %get3A_228] {strides = array<i32>} : memref<40x64xi32, #tpu.memory_space<vmem>>, vector<1x16xi32>,
      %get3A_230 = vector.shape_cast %get3A_229 : vector<1x16xi32> to vector<16xi32>
      %shift_right_arithmetic3A = arith.constant 14 : i32
      %shift_right_arithmetic3A_231 = vector.broadcast %shift_right_arithmetic3A : i32 to vector<16xi32>
      %shift_right_arithmetic3A_232 = arith.shrsi %get3A_230, %shift_right_arithmetic3A_231 : vector<16xi32>
      %swap3A = arith.index_cast %scan3A_227 : i32 to index
      %swap3A_233 = arith.constant 0 : index
      %swap3A_234 = tpu.vector_load %arg5[%swap3A, %swap3A_233] {strides = array<i32>} : memref<40x64xi32, #tpu.memory_space<vmem>>, vector<1x16xi32>,
      %swap3A_235 = vector.shape_cast %swap3A_234 : vector<1x16xi32> to vector<16xi32>
      %swap3A_236 = vector.shape_cast %shift_right_arithmetic3A_232 : vector<16xi32> to vector<1x16xi32>
      tpu.vector_store %arg5[%swap3A, %swap3A_233], %swap3A_236 {strides = array<i32>} : memref<40x64xi32, #tpu.memory_space<vmem>>, vector<1x16xi32>,
      %and3A = arith.constant 16383 : i32
      %and3A_237 = vector.broadcast %and3A : i32 to vector<16xi32>
      %and3A_238 = arith.andi %get3A_230, %and3A_237 : vector<16xi32>
      %swap3A_239 = arith.index_cast %scan3A_227 : i32 to index
      %swap3A_240 = arith.constant 0 : index
      %swap3A_241 = tpu.vector_load %arg6[%swap3A_239, %swap3A_240] {strides = array<i32>} : memref<40x64xi32, #tpu.memory_space<vmem>>, vector<1x16xi32>,
      %swap3A_242 = vector.shape_cast %swap3A_241 : vector<1x16xi32> to vector<16xi32>
      %swap3A_243 = vector.shape_cast %and3A_238 : vector<16xi32> to vector<1x16xi32>
      tpu.vector_store %arg6[%swap3A_239, %swap3A_240], %swap3A_243 {strides = array<i32>} : memref<40x64xi32, #tpu.memory_space<vmem>>, vector<1x16xi32>,
      %get3A_244 = arith.index_cast %scan3A_227 : i32 to index
      %get3A_245 = arith.constant 16 : index
      %get3A_246 = tpu.vector_load %arg5[%get3A_244, %get3A_245] {strides = array<i32>} : memref<40x64xi32, #tpu.memory_space<vmem>>, vector<1x16xi32>,
      %get3A_247 = vector.shape_cast %get3A_246 : vector<1x16xi32> to vector<16xi32>
      %shift_right_arithmetic3A_248 = arith.constant 14 : i32
      %shift_right_arithmetic3A_249 = vector.broadcast %shift_right_arithmetic3A_248 : i32 to vector<16xi32>
      %shift_right_arithmetic3A_250 = arith.shrsi %get3A_247, %shift_right_arithmetic3A_249 : vector<16xi32>
      %swap3A_251 = arith.index_cast %scan3A_227 : i32 to index
      %swap3A_252 = arith.constant 16 : index
      %swap3A_253 = tpu.vector_load %arg5[%swap3A_251, %swap3A_252] {strides = array<i32>} : memref<40x64xi32, #tpu.memory_space<vmem>>, vector<1x16xi32>,
      %swap3A_254 = vector.shape_cast %swap3A_253 : vector<1x16xi32> to vector<16xi32>
      %swap3A_255 = vector.shape_cast %shift_right_arithmetic3A_250 : vector<16xi32> to vector<1x16xi32>
      tpu.vector_store %arg5[%swap3A_251, %swap3A_252], %swap3A_255 {strides = array<i32>} : memref<40x64xi32, #tpu.memory_space<vmem>>, vector<1x16xi32>,
      %and3A_256 = arith.constant 16383 : i32
      %and3A_257 = vector.broadcast %and3A_256 : i32 to vector<16xi32>
      %and3A_258 = arith.andi %get3A_247, %and3A_257 : vector<16xi32>
      %swap3A_259 = arith.index_cast %scan3A_227 : i32 to index
      %swap3A_260 = arith.constant 16 : index
      %swap3A_261 = tpu.vector_load %arg6[%swap3A_259, %swap3A_260] {strides = array<i32>} : memref<40x64xi32, #tpu.memory_space<vmem>>, vector<1x16xi32>,
      %swap3A_262 = vector.shape_cast %swap3A_261 : vector<1x16xi32> to vector<16xi32>
      %swap3A_263 = vector.shape_cast %and3A_258 : vector<16xi32> to vector<1x16xi32>
      tpu.vector_store %arg6[%swap3A_259, %swap3A_260], %swap3A_263 {strides = array<i32>} : memref<40x64xi32, #tpu.memory_space<vmem>>, vector<1x16xi32>,
      %get3A_264 = arith.index_cast %scan3A_227 : i32 to index
      %get3A_265 = arith.constant 32 : index
      %get3A_266 = tpu.vector_load %arg5[%get3A_264, %get3A_265] {strides = array<i32>} : memref<40x64xi32, #tpu.memory_space<vmem>>, vector<1x16xi32>,
      %get3A_267 = vector.shape_cast %get3A_266 : vector<1x16xi32> to vector<16xi32>
      %shift_right_arithmetic3A_268 = arith.constant 14 : i32
      %shift_right_arithmetic3A_269 = vector.broadcast %shift_right_arithmetic3A_268 : i32 to vector<16xi32>
      %shift_right_arithmetic3A_270 = arith.shrsi %get3A_267, %shift_right_arithmetic3A_269 : vector<16xi32>
      %swap3A_271 = arith.index_cast %scan3A_227 : i32 to index
      %swap3A_272 = arith.constant 32 : index
      %swap3A_273 = tpu.vector_load %arg5[%swap3A_271, %swap3A_272] {strides = array<i32>} : memref<40x64xi32, #tpu.memory_space<vmem>>, vector<1x16xi32>,
      %swap3A_274 = vector.shape_cast %swap3A_273 : vector<1x16xi32> to vector<16xi32>
      %swap3A_275 = vector.shape_cast %shift_right_arithmetic3A_270 : vector<16xi32> to vector<1x16xi32>
      tpu.vector_store %arg5[%swap3A_271, %swap3A_272], %swap3A_275 {strides = array<i32>} : memref<40x64xi32, #tpu.memory_space<vmem>>, vector<1x16xi32>,
      %and3A_276 = arith.constant 16383 : i32
      %and3A_277 = vector.broadcast %and3A_276 : i32 to vector<16xi32>
      %and3A_278 = arith.andi %get3A_267, %and3A_277 : vector<16xi32>
      %swap3A_279 = arith.index_cast %scan3A_227 : i32 to index
      %swap3A_280 = arith.constant 32 : index
      %swap3A_281 = tpu.vector_load %arg6[%swap3A_279, %swap3A_280] {strides = array<i32>} : memref<40x64xi32, #tpu.memory_space<vmem>>, vector<1x16xi32>,
      %swap3A_282 = vector.shape_cast %swap3A_281 : vector<1x16xi32> to vector<16xi32>
      %swap3A_283 = vector.shape_cast %and3A_278 : vector<16xi32> to vector<1x16xi32>
      tpu.vector_store %arg6[%swap3A_279, %swap3A_280], %swap3A_283 {strides = array<i32>} : memref<40x64xi32, #tpu.memory_space<vmem>>, vector<1x16xi32>,
      %get3A_284 = arith.index_cast %scan3A_227 : i32 to index
      %get3A_285 = arith.constant 48 : index
      %get3A_286 = tpu.vector_load %arg5[%get3A_284, %get3A_285] {strides = array<i32>} : memref<40x64xi32, #tpu.memory_space<vmem>>, vector<1x16xi32>,
      %get3A_287 = vector.shape_cast %get3A_286 : vector<1x16xi32> to vector<16xi32>
      %shift_right_arithmetic3A_288 = arith.constant 14 : i32
      %shift_right_arithmetic3A_289 = vector.broadcast %shift_right_arithmetic3A_288 : i32 to vector<16xi32>
      %shift_right_arithmetic3A_290 = arith.shrsi %get3A_287, %shift_right_arithmetic3A_289 : vector<16xi32>
      %swap3A_291 = arith.index_cast %scan3A_227 : i32 to index
      %swap3A_292 = arith.constant 48 : index
      %swap3A_293 = tpu.vector_load %arg5[%swap3A_291, %swap3A_292] {strides = array<i32>} : memref<40x64xi32, #tpu.memory_space<vmem>>, vector<1x16xi32>,
      %swap3A_294 = vector.shape_cast %swap3A_293 : vector<1x16xi32> to vector<16xi32>
      %swap3A_295 = vector.shape_cast %shift_right_arithmetic3A_290 : vector<16xi32> to vector<1x16xi32>
      tpu.vector_store %arg5[%swap3A_291, %swap3A_292], %swap3A_295 {strides = array<i32>} : memref<40x64xi32, #tpu.memory_space<vmem>>, vector<1x16xi32>,
      %and3A_296 = arith.constant 16383 : i32
      %and3A_297 = vector.broadcast %and3A_296 : i32 to vector<16xi32>
      %and3A_298 = arith.andi %get3A_287, %and3A_297 : vector<16xi32>
      %swap3A_299 = arith.index_cast %scan3A_227 : i32 to index
      %swap3A_300 = arith.constant 48 : index
      %swap3A_301 = tpu.vector_load %arg6[%swap3A_299, %swap3A_300] {strides = array<i32>} : memref<40x64xi32, #tpu.memory_space<vmem>>, vector<1x16xi32>,
      %swap3A_302 = vector.shape_cast %swap3A_301 : vector<1x16xi32> to vector<16xi32>
      %swap3A_303 = vector.shape_cast %and3A_298 : vector<16xi32> to vector<1x16xi32>
      tpu.vector_store %arg6[%swap3A_299, %swap3A_300], %swap3A_303 {strides = array<i32>} : memref<40x64xi32, #tpu.memory_space<vmem>>, vector<1x16xi32>,
    }
    %scan3A_187 = arith.constant 40 : i32
    %dma_start3A_188 = arith.constant 0 : i32
    %dma_start3A_189 = arith.constant 0 : i32
    %dma_start3A_190 = tpu.memref_slice %arg5[%dma_start3A_188, %dma_start3A_189] : memref<40x64xi32, #tpu.memory_space<vmem>> -> memref<1x64xi32, #tpu.memory_space<vmem>>
    %dma_start3A_191 = tpu.memref_squeeze %dma_start3A_190 : memref<1x64xi32, #tpu.memory_space<vmem>> -> memref<64xi32, #tpu.memory_space<vmem>>
    %dma_start3A_192 = arith.constant 0 : i32
    %dma_start3A_193 = arith.constant 0 : i32
    %dma_start3A_194 = tpu.memref_slice %arg2[%dma_start3A_192, %dma_start3A_193] : memref<80000x128xf32, #tpu.memory_space<hbm>> -> memref<80000x128xf32, #tpu.memory_space<hbm>>
    tpu.enqueue_indirect_dma source(%dma_start3A_194 : memref<80000x128xf32, #tpu.memory_space<hbm>>) target(%arg7 : memref<64x128xf32, #tpu.memory_space<vmem>>) offsets(%dma_start3A_191 : memref<64xi32, #tpu.memory_space<vmem>>) semaphore(%arg11 : memref<!tpu.dma_semaphore, #tpu.memory_space<semaphore_mem>>)
    %dma_start3A_195 = arith.constant 1 : i32
    %dma_start3A_196 = arith.constant 0 : i32
    %dma_start3A_197 = tpu.memref_slice %arg5[%dma_start3A_195, %dma_start3A_196] : memref<40x64xi32, #tpu.memory_space<vmem>> -> memref<1x64xi32, #tpu.memory_space<vmem>>
    %dma_start3A_198 = tpu.memref_squeeze %dma_start3A_197 : memref<1x64xi32, #tpu.memory_space<vmem>> -> memref<64xi32, #tpu.memory_space<vmem>>
    %dma_start3A_199 = arith.constant 0 : i32
    %dma_start3A_200 = arith.constant 0 : i32
    %dma_start3A_201 = tpu.memref_slice %arg2[%dma_start3A_199, %dma_start3A_200] : memref<80000x128xf32, #tpu.memory_space<hbm>> -> memref<80000x128xf32, #tpu.memory_space<hbm>>
    tpu.enqueue_indirect_dma source(%dma_start3A_201 : memref<80000x128xf32, #tpu.memory_space<hbm>>) target(%arg8 : memref<64x128xf32, #tpu.memory_space<vmem>>) offsets(%dma_start3A_198 : memref<64xi32, #tpu.memory_space<vmem>>) semaphore(%arg12 : memref<!tpu.dma_semaphore, #tpu.memory_space<semaphore_mem>>)
    %dma_start3A_202 = arith.constant 2 : i32
    %dma_start3A_203 = arith.constant 0 : i32
    %dma_start3A_204 = tpu.memref_slice %arg5[%dma_start3A_202, %dma_start3A_203] : memref<40x64xi32, #tpu.memory_space<vmem>> -> memref<1x64xi32, #tpu.memory_space<vmem>>
    %dma_start3A_205 = tpu.memref_squeeze %dma_start3A_204 : memref<1x64xi32, #tpu.memory_space<vmem>> -> memref<64xi32, #tpu.memory_space<vmem>>
    %dma_start3A_206 = arith.constant 0 : i32
    %dma_start3A_207 = arith.constant 0 : i32
    %dma_start3A_208 = tpu.memref_slice %arg2[%dma_start3A_206, %dma_start3A_207] : memref<80000x128xf32, #tpu.memory_space<hbm>> -> memref<80000x128xf32, #tpu.memory_space<hbm>>
    tpu.enqueue_indirect_dma source(%dma_start3A_208 : memref<80000x128xf32, #tpu.memory_space<hbm>>) target(%arg9 : memref<64x128xf32, #tpu.memory_space<vmem>>) offsets(%dma_start3A_205 : memref<64xi32, #tpu.memory_space<vmem>>) semaphore(%arg13 : memref<!tpu.dma_semaphore, #tpu.memory_space<semaphore_mem>>)
    %dma_start3A_209 = arith.constant 3 : i32
    %dma_start3A_210 = arith.constant 0 : i32
    %dma_start3A_211 = tpu.memref_slice %arg5[%dma_start3A_209, %dma_start3A_210] : memref<40x64xi32, #tpu.memory_space<vmem>> -> memref<1x64xi32, #tpu.memory_space<vmem>>
    %dma_start3A_212 = tpu.memref_squeeze %dma_start3A_211 : memref<1x64xi32, #tpu.memory_space<vmem>> -> memref<64xi32, #tpu.memory_space<vmem>>
    %dma_start3A_213 = arith.constant 0 : i32
    %dma_start3A_214 = arith.constant 0 : i32
    %dma_start3A_215 = tpu.memref_slice %arg2[%dma_start3A_213, %dma_start3A_214] : memref<80000x128xf32, #tpu.memory_space<hbm>> -> memref<80000x128xf32, #tpu.memory_space<hbm>>
    tpu.enqueue_indirect_dma source(%dma_start3A_215 : memref<80000x128xf32, #tpu.memory_space<hbm>>) target(%arg10 : memref<64x128xf32, #tpu.memory_space<vmem>>) offsets(%dma_start3A_212 : memref<64xi32, #tpu.memory_space<vmem>>) semaphore(%arg14 : memref<!tpu.dma_semaphore, #tpu.memory_space<semaphore_mem>>)
    %scan3A_216 = arith.constant 0 : i32
    %scan3A_217 = arith.constant 0 : i32
    %scan3A_218 = arith.constant 10 : i32
    %scan3A_219 = arith.addi %scan3A_217, %scan3A_218 : i32
    %scan3A_220 = arith.constant 1 : i32
    scf.for %scan3A_227 = %scan3A_217 to %scan3A_219 step %scan3A_220  : i32 {
      %mul3A_228 = arith.constant 4 : i32
      %mul3A_229 = arith.muli %mul3A_228, %scan3A_227 : i32
      %add3A_230 = arith.constant 0 : i32
      %add3A_231 = arith.addi %mul3A_229, %add3A_230 : i32
      %dma_wait3A = arith.constant 0 : i32
      %dma_wait3A_232 = tpu.memref_slice %arg5[%add3A_231, %dma_wait3A] : memref<40x64xi32, #tpu.memory_space<vmem>> -> memref<1x64xi32, #tpu.memory_space<vmem>>
      %dma_wait3A_233 = tpu.memref_squeeze %dma_wait3A_232 : memref<1x64xi32, #tpu.memory_space<vmem>> -> memref<64xi32, #tpu.memory_space<vmem>>
      %dma_wait3A_234 = arith.constant 0 : i32
      %dma_wait3A_235 = arith.constant 0 : i32
      %dma_wait3A_236 = tpu.memref_slice %arg2[%dma_wait3A_234, %dma_wait3A_235] : memref<80000x128xf32, #tpu.memory_space<hbm>> -> memref<80000x128xf32, #tpu.memory_space<hbm>>
      tpu.wait_indirect_dma semaphore(%arg11 : memref<!tpu.dma_semaphore, #tpu.memory_space<semaphore_mem>>) src(%dma_wait3A_236 : memref<80000x128xf32, #tpu.memory_space<hbm>>) dst(%arg7 : memref<64x128xf32, #tpu.memory_space<vmem>>)
      "tpu.region"() ({
        %run_scoped3A = tpu.sem_alloc : memref<!tpu.dma_semaphore, #tpu.memory_space<semaphore_mem>>
        %dma_start3A_286 = arith.constant 0 : i32
        %dma_start3A_287 = tpu.memref_slice %arg6[%add3A_231, %dma_start3A_286] : memref<40x64xi32, #tpu.memory_space<vmem>> -> memref<1x64xi32, #tpu.memory_space<vmem>>
        %dma_start3A_288 = tpu.memref_squeeze %dma_start3A_287 : memref<1x64xi32, #tpu.memory_space<vmem>> -> memref<64xi32, #tpu.memory_space<vmem>>
        %dma_start3A_289 = arith.constant 0 : i32
        %dma_start3A_290 = arith.constant 0 : i32
        %dma_start3A_291 = tpu.memref_slice %arg15[%dma_start3A_289, %dma_start3A_290] : memref<10240x128xf32, #tpu.memory_space<vmem_shared>> -> memref<10240x128xf32, #tpu.memory_space<vmem_shared>>
        tpu.enqueue_indirect_dma source(%arg7 : memref<64x128xf32, #tpu.memory_space<vmem>>) target(%dma_start3A_291 : memref<10240x128xf32, #tpu.memory_space<vmem_shared>>) offsets(%dma_start3A_288 : memref<64xi32, #tpu.memory_space<vmem>>) semaphore(%run_scoped3A : memref<!tpu.dma_semaphore, #tpu.memory_space<semaphore_mem>>) {add = true}
        %dma_wait3A_292 = arith.constant 0 : i32
        %dma_wait3A_293 = tpu.memref_slice %arg6[%add3A_231, %dma_wait3A_292] : memref<40x64xi32, #tpu.memory_space<vmem>> -> memref<1x64xi32, #tpu.memory_space<vmem>>
        %dma_wait3A_294 = tpu.memref_squeeze %dma_wait3A_293 : memref<1x64xi32, #tpu.memory_space<vmem>> -> memref<64xi32, #tpu.memory_space<vmem>>
        %dma_wait3A_295 = arith.constant 0 : i32
        %dma_wait3A_296 = arith.constant 0 : i32
        %dma_wait3A_297 = tpu.memref_slice %arg15[%dma_wait3A_295, %dma_wait3A_296] : memref<10240x128xf32, #tpu.memory_space<vmem_shared>> -> memref<10240x128xf32, #tpu.memory_space<vmem_shared>>
        tpu.wait_indirect_dma semaphore(%run_scoped3A : memref<!tpu.dma_semaphore, #tpu.memory_space<semaphore_mem>>) src(%arg7 : memref<64x128xf32, #tpu.memory_space<vmem>>) dst(%dma_wait3A_297 : memref<10240x128xf32, #tpu.memory_space<vmem_shared>>)
        tpu.yield
      }) : () -> ()
      %add3A_237 = arith.constant 4 : i32
      %add3A_238 = arith.addi %add3A_231, %add3A_237 : i32
      %lt3A = arith.constant 40 : i32
      %lt3A_239 = arith.cmpi slt, %add3A_238, %lt3A : i32
      %convert_element_type3A = arith.extui %lt3A_239 : i1 to i32
      %cond3A = arith.constant 0 : i32
      %cond3A_240 = arith.cmpi ne, %convert_element_type3A, %cond3A : i32
      scf.if %cond3A_240 {
        %add3A_286 = arith.constant 4 : i32
        %add3A_287 = arith.addi %add3A_231, %add3A_286 : i32
        %dma_start3A_288 = arith.constant 0 : i32
        %dma_start3A_289 = tpu.memref_slice %arg5[%add3A_287, %dma_start3A_288] : memref<40x64xi32, #tpu.memory_space<vmem>> -> memref<1x64xi32, #tpu.memory_space<vmem>>
        %dma_start3A_290 = tpu.memref_squeeze %dma_start3A_289 : memref<1x64xi32, #tpu.memory_space<vmem>> -> memref<64xi32, #tpu.memory_space<vmem>>
        %dma_start3A_291 = arith.constant 0 : i32
        %dma_start3A_292 = arith.constant 0 : i32
        %dma_start3A_293 = tpu.memref_slice %arg2[%dma_start3A_291, %dma_start3A_292] : memref<80000x128xf32, #tpu.memory_space<hbm>> -> memref<80000x128xf32, #tpu.memory_space<hbm>>
        tpu.enqueue_indirect_dma source(%dma_start3A_293 : memref<80000x128xf32, #tpu.memory_space<hbm>>) target(%arg7 : memref<64x128xf32, #tpu.memory_space<vmem>>) offsets(%dma_start3A_290 : memref<64xi32, #tpu.memory_space<vmem>>) semaphore(%arg11 : memref<!tpu.dma_semaphore, #tpu.memory_space<semaphore_mem>>)
      } else {
      }
      %add3A_241 = arith.constant 1 : i32
      %add3A_242 = arith.addi %mul3A_229, %add3A_241 : i32
      %dma_wait3A_243 = arith.constant 0 : i32
      %dma_wait3A_244 = tpu.memref_slice %arg5[%add3A_242, %dma_wait3A_243] : memref<40x64xi32, #tpu.memory_space<vmem>> -> memref<1x64xi32, #tpu.memory_space<vmem>>
      %dma_wait3A_245 = tpu.memref_squeeze %dma_wait3A_244 : memref<1x64xi32, #tpu.memory_space<vmem>> -> memref<64xi32, #tpu.memory_space<vmem>>
      %dma_wait3A_246 = arith.constant 0 : i32
      %dma_wait3A_247 = arith.constant 0 : i32
      %dma_wait3A_248 = tpu.memref_slice %arg2[%dma_wait3A_246, %dma_wait3A_247] : memref<80000x128xf32, #tpu.memory_space<hbm>> -> memref<80000x128xf32, #tpu.memory_space<hbm>>
      tpu.wait_indirect_dma semaphore(%arg12 : memref<!tpu.dma_semaphore, #tpu.memory_space<semaphore_mem>>) src(%dma_wait3A_248 : memref<80000x128xf32, #tpu.memory_space<hbm>>) dst(%arg8 : memref<64x128xf32, #tpu.memory_space<vmem>>)
      "tpu.region"() ({
        %run_scoped3A = tpu.sem_alloc : memref<!tpu.dma_semaphore, #tpu.memory_space<semaphore_mem>>
        %dma_start3A_286 = arith.constant 0 : i32
        %dma_start3A_287 = tpu.memref_slice %arg6[%add3A_242, %dma_start3A_286] : memref<40x64xi32, #tpu.memory_space<vmem>> -> memref<1x64xi32, #tpu.memory_space<vmem>>
        %dma_start3A_288 = tpu.memref_squeeze %dma_start3A_287 : memref<1x64xi32, #tpu.memory_space<vmem>> -> memref<64xi32, #tpu.memory_space<vmem>>
        %dma_start3A_289 = arith.constant 0 : i32
        %dma_start3A_290 = arith.constant 0 : i32
        %dma_start3A_291 = tpu.memref_slice %arg15[%dma_start3A_289, %dma_start3A_290] : memref<10240x128xf32, #tpu.memory_space<vmem_shared>> -> memref<10240x128xf32, #tpu.memory_space<vmem_shared>>
        tpu.enqueue_indirect_dma source(%arg8 : memref<64x128xf32, #tpu.memory_space<vmem>>) target(%dma_start3A_291 : memref<10240x128xf32, #tpu.memory_space<vmem_shared>>) offsets(%dma_start3A_288 : memref<64xi32, #tpu.memory_space<vmem>>) semaphore(%run_scoped3A : memref<!tpu.dma_semaphore, #tpu.memory_space<semaphore_mem>>) {add = true}
        %dma_wait3A_292 = arith.constant 0 : i32
        %dma_wait3A_293 = tpu.memref_slice %arg6[%add3A_242, %dma_wait3A_292] : memref<40x64xi32, #tpu.memory_space<vmem>> -> memref<1x64xi32, #tpu.memory_space<vmem>>
        %dma_wait3A_294 = tpu.memref_squeeze %dma_wait3A_293 : memref<1x64xi32, #tpu.memory_space<vmem>> -> memref<64xi32, #tpu.memory_space<vmem>>
        %dma_wait3A_295 = arith.constant 0 : i32
        %dma_wait3A_296 = arith.constant 0 : i32
        %dma_wait3A_297 = tpu.memref_slice %arg15[%dma_wait3A_295, %dma_wait3A_296] : memref<10240x128xf32, #tpu.memory_space<vmem_shared>> -> memref<10240x128xf32, #tpu.memory_space<vmem_shared>>
        tpu.wait_indirect_dma semaphore(%run_scoped3A : memref<!tpu.dma_semaphore, #tpu.memory_space<semaphore_mem>>) src(%arg8 : memref<64x128xf32, #tpu.memory_space<vmem>>) dst(%dma_wait3A_297 : memref<10240x128xf32, #tpu.memory_space<vmem_shared>>)
        tpu.yield
      }) : () -> ()
      %add3A_249 = arith.constant 4 : i32
      %add3A_250 = arith.addi %add3A_242, %add3A_249 : i32
      %lt3A_251 = arith.constant 40 : i32
      %lt3A_252 = arith.cmpi slt, %add3A_250, %lt3A_251 : i32
      %convert_element_type3A_253 = arith.extui %lt3A_252 : i1 to i32
      %cond3A_254 = arith.constant 0 : i32
      %cond3A_255 = arith.cmpi ne, %convert_element_type3A_253, %cond3A_254 : i32
      scf.if %cond3A_255 {
        %add3A_286 = arith.constant 4 : i32
        %add3A_287 = arith.addi %add3A_242, %add3A_286 : i32
        %dma_start3A_288 = arith.constant 0 : i32
        %dma_start3A_289 = tpu.memref_slice %arg5[%add3A_287, %dma_start3A_288] : memref<40x64xi32, #tpu.memory_space<vmem>> -> memref<1x64xi32, #tpu.memory_space<vmem>>
        %dma_start3A_290 = tpu.memref_squeeze %dma_start3A_289 : memref<1x64xi32, #tpu.memory_space<vmem>> -> memref<64xi32, #tpu.memory_space<vmem>>
        %dma_start3A_291 = arith.constant 0 : i32
        %dma_start3A_292 = arith.constant 0 : i32
        %dma_start3A_293 = tpu.memref_slice %arg2[%dma_start3A_291, %dma_start3A_292] : memref<80000x128xf32, #tpu.memory_space<hbm>> -> memref<80000x128xf32, #tpu.memory_space<hbm>>
        tpu.enqueue_indirect_dma source(%dma_start3A_293 : memref<80000x128xf32, #tpu.memory_space<hbm>>) target(%arg8 : memref<64x128xf32, #tpu.memory_space<vmem>>) offsets(%dma_start3A_290 : memref<64xi32, #tpu.memory_space<vmem>>) semaphore(%arg12 : memref<!tpu.dma_semaphore, #tpu.memory_space<semaphore_mem>>)
      } else {
      }
      %add3A_256 = arith.constant 2 : i32
      %add3A_257 = arith.addi %mul3A_229, %add3A_256 : i32
      %dma_wait3A_258 = arith.constant 0 : i32
      %dma_wait3A_259 = tpu.memref_slice %arg5[%add3A_257, %dma_wait3A_258] : memref<40x64xi32, #tpu.memory_space<vmem>> -> memref<1x64xi32, #tpu.memory_space<vmem>>
      %dma_wait3A_260 = tpu.memref_squeeze %dma_wait3A_259 : memref<1x64xi32, #tpu.memory_space<vmem>> -> memref<64xi32, #tpu.memory_space<vmem>>
      %dma_wait3A_261 = arith.constant 0 : i32
      %dma_wait3A_262 = arith.constant 0 : i32
      %dma_wait3A_263 = tpu.memref_slice %arg2[%dma_wait3A_261, %dma_wait3A_262] : memref<80000x128xf32, #tpu.memory_space<hbm>> -> memref<80000x128xf32, #tpu.memory_space<hbm>>
      tpu.wait_indirect_dma semaphore(%arg13 : memref<!tpu.dma_semaphore, #tpu.memory_space<semaphore_mem>>) src(%dma_wait3A_263 : memref<80000x128xf32, #tpu.memory_space<hbm>>) dst(%arg9 : memref<64x128xf32, #tpu.memory_space<vmem>>)
      "tpu.region"() ({
        %run_scoped3A = tpu.sem_alloc : memref<!tpu.dma_semaphore, #tpu.memory_space<semaphore_mem>>
        %dma_start3A_286 = arith.constant 0 : i32
        %dma_start3A_287 = tpu.memref_slice %arg6[%add3A_257, %dma_start3A_286] : memref<40x64xi32, #tpu.memory_space<vmem>> -> memref<1x64xi32, #tpu.memory_space<vmem>>
        %dma_start3A_288 = tpu.memref_squeeze %dma_start3A_287 : memref<1x64xi32, #tpu.memory_space<vmem>> -> memref<64xi32, #tpu.memory_space<vmem>>
        %dma_start3A_289 = arith.constant 0 : i32
        %dma_start3A_290 = arith.constant 0 : i32
        %dma_start3A_291 = tpu.memref_slice %arg15[%dma_start3A_289, %dma_start3A_290] : memref<10240x128xf32, #tpu.memory_space<vmem_shared>> -> memref<10240x128xf32, #tpu.memory_space<vmem_shared>>
        tpu.enqueue_indirect_dma source(%arg9 : memref<64x128xf32, #tpu.memory_space<vmem>>) target(%dma_start3A_291 : memref<10240x128xf32, #tpu.memory_space<vmem_shared>>) offsets(%dma_start3A_288 : memref<64xi32, #tpu.memory_space<vmem>>) semaphore(%run_scoped3A : memref<!tpu.dma_semaphore, #tpu.memory_space<semaphore_mem>>) {add = true}
        %dma_wait3A_292 = arith.constant 0 : i32
        %dma_wait3A_293 = tpu.memref_slice %arg6[%add3A_257, %dma_wait3A_292] : memref<40x64xi32, #tpu.memory_space<vmem>> -> memref<1x64xi32, #tpu.memory_space<vmem>>
        %dma_wait3A_294 = tpu.memref_squeeze %dma_wait3A_293 : memref<1x64xi32, #tpu.memory_space<vmem>> -> memref<64xi32, #tpu.memory_space<vmem>>
        %dma_wait3A_295 = arith.constant 0 : i32
        %dma_wait3A_296 = arith.constant 0 : i32
        %dma_wait3A_297 = tpu.memref_slice %arg15[%dma_wait3A_295, %dma_wait3A_296] : memref<10240x128xf32, #tpu.memory_space<vmem_shared>> -> memref<10240x128xf32, #tpu.memory_space<vmem_shared>>
        tpu.wait_indirect_dma semaphore(%run_scoped3A : memref<!tpu.dma_semaphore, #tpu.memory_space<semaphore_mem>>) src(%arg9 : memref<64x128xf32, #tpu.memory_space<vmem>>) dst(%dma_wait3A_297 : memref<10240x128xf32, #tpu.memory_space<vmem_shared>>)
        tpu.yield
      }) : () -> ()
      %add3A_264 = arith.constant 4 : i32
      %add3A_265 = arith.addi %add3A_257, %add3A_264 : i32
      %lt3A_266 = arith.constant 40 : i32
      %lt3A_267 = arith.cmpi slt, %add3A_265, %lt3A_266 : i32
      %convert_element_type3A_268 = arith.extui %lt3A_267 : i1 to i32
      %cond3A_269 = arith.constant 0 : i32
      %cond3A_270 = arith.cmpi ne, %convert_element_type3A_268, %cond3A_269 : i32
      scf.if %cond3A_270 {
        %add3A_286 = arith.constant 4 : i32
        %add3A_287 = arith.addi %add3A_257, %add3A_286 : i32
        %dma_start3A_288 = arith.constant 0 : i32
        %dma_start3A_289 = tpu.memref_slice %arg5[%add3A_287, %dma_start3A_288] : memref<40x64xi32, #tpu.memory_space<vmem>> -> memref<1x64xi32, #tpu.memory_space<vmem>>
        %dma_start3A_290 = tpu.memref_squeeze %dma_start3A_289 : memref<1x64xi32, #tpu.memory_space<vmem>> -> memref<64xi32, #tpu.memory_space<vmem>>
        %dma_start3A_291 = arith.constant 0 : i32
        %dma_start3A_292 = arith.constant 0 : i32
        %dma_start3A_293 = tpu.memref_slice %arg2[%dma_start3A_291, %dma_start3A_292] : memref<80000x128xf32, #tpu.memory_space<hbm>> -> memref<80000x128xf32, #tpu.memory_space<hbm>>
        tpu.enqueue_indirect_dma source(%dma_start3A_293 : memref<80000x128xf32, #tpu.memory_space<hbm>>) target(%arg9 : memref<64x128xf32, #tpu.memory_space<vmem>>) offsets(%dma_start3A_290 : memref<64xi32, #tpu.memory_space<vmem>>) semaphore(%arg13 : memref<!tpu.dma_semaphore, #tpu.memory_space<semaphore_mem>>)
      } else {
      }
      %add3A_271 = arith.constant 3 : i32
      %add3A_272 = arith.addi %mul3A_229, %add3A_271 : i32
      %dma_wait3A_273 = arith.constant 0 : i32
      %dma_wait3A_274 = tpu.memref_slice %arg5[%add3A_272, %dma_wait3A_273] : memref<40x64xi32, #tpu.memory_space<vmem>> -> memref<1x64xi32, #tpu.memory_space<vmem>>
      %dma_wait3A_275 = tpu.memref_squeeze %dma_wait3A_274 : memref<1x64xi32, #tpu.memory_space<vmem>> -> memref<64xi32, #tpu.memory_space<vmem>>
      %dma_wait3A_276 = arith.constant 0 : i32
      %dma_wait3A_277 = arith.constant 0 : i32
      %dma_wait3A_278 = tpu.memref_slice %arg2[%dma_wait3A_276, %dma_wait3A_277] : memref<80000x128xf32, #tpu.memory_space<hbm>> -> memref<80000x128xf32, #tpu.memory_space<hbm>>
      tpu.wait_indirect_dma semaphore(%arg14 : memref<!tpu.dma_semaphore, #tpu.memory_space<semaphore_mem>>) src(%dma_wait3A_278 : memref<80000x128xf32, #tpu.memory_space<hbm>>) dst(%arg10 : memref<64x128xf32, #tpu.memory_space<vmem>>)
      "tpu.region"() ({
        %run_scoped3A = tpu.sem_alloc : memref<!tpu.dma_semaphore, #tpu.memory_space<semaphore_mem>>
        %dma_start3A_286 = arith.constant 0 : i32
        %dma_start3A_287 = tpu.memref_slice %arg6[%add3A_272, %dma_start3A_286] : memref<40x64xi32, #tpu.memory_space<vmem>> -> memref<1x64xi32, #tpu.memory_space<vmem>>
        %dma_start3A_288 = tpu.memref_squeeze %dma_start3A_287 : memref<1x64xi32, #tpu.memory_space<vmem>> -> memref<64xi32, #tpu.memory_space<vmem>>
        %dma_start3A_289 = arith.constant 0 : i32
        %dma_start3A_290 = arith.constant 0 : i32
        %dma_start3A_291 = tpu.memref_slice %arg15[%dma_start3A_289, %dma_start3A_290] : memref<10240x128xf32, #tpu.memory_space<vmem_shared>> -> memref<10240x128xf32, #tpu.memory_space<vmem_shared>>
        tpu.enqueue_indirect_dma source(%arg10 : memref<64x128xf32, #tpu.memory_space<vmem>>) target(%dma_start3A_291 : memref<10240x128xf32, #tpu.memory_space<vmem_shared>>) offsets(%dma_start3A_288 : memref<64xi32, #tpu.memory_space<vmem>>) semaphore(%run_scoped3A : memref<!tpu.dma_semaphore, #tpu.memory_space<semaphore_mem>>) {add = true}
        %dma_wait3A_292 = arith.constant 0 : i32
        %dma_wait3A_293 = tpu.memref_slice %arg6[%add3A_272, %dma_wait3A_292] : memref<40x64xi32, #tpu.memory_space<vmem>> -> memref<1x64xi32, #tpu.memory_space<vmem>>
        %dma_wait3A_294 = tpu.memref_squeeze %dma_wait3A_293 : memref<1x64xi32, #tpu.memory_space<vmem>> -> memref<64xi32, #tpu.memory_space<vmem>>
        %dma_wait3A_295 = arith.constant 0 : i32
        %dma_wait3A_296 = arith.constant 0 : i32
        %dma_wait3A_297 = tpu.memref_slice %arg15[%dma_wait3A_295, %dma_wait3A_296] : memref<10240x128xf32, #tpu.memory_space<vmem_shared>> -> memref<10240x128xf32, #tpu.memory_space<vmem_shared>>
        tpu.wait_indirect_dma semaphore(%run_scoped3A : memref<!tpu.dma_semaphore, #tpu.memory_space<semaphore_mem>>) src(%arg10 : memref<64x128xf32, #tpu.memory_space<vmem>>) dst(%dma_wait3A_297 : memref<10240x128xf32, #tpu.memory_space<vmem_shared>>)
        tpu.yield
      }) : () -> ()
      %add3A_279 = arith.constant 4 : i32
      %add3A_280 = arith.addi %add3A_272, %add3A_279 : i32
      %lt3A_281 = arith.constant 40 : i32
      %lt3A_282 = arith.cmpi slt, %add3A_280, %lt3A_281 : i32
      %convert_element_type3A_283 = arith.extui %lt3A_282 : i1 to i32
      %cond3A_284 = arith.constant 0 : i32
      %cond3A_285 = arith.cmpi ne, %convert_element_type3A_283, %cond3A_284 : i32
      scf.if %cond3A_285 {
        %add3A_286 = arith.constant 4 : i32
        %add3A_287 = arith.addi %add3A_272, %add3A_286 : i32
        %dma_start3A_288 = arith.constant 0 : i32
        %dma_start3A_289 = tpu.memref_slice %arg5[%add3A_287, %dma_start3A_288] : memref<40x64xi32, #tpu.memory_space<vmem>> -> memref<1x64xi32, #tpu.memory_space<vmem>>
        %dma_start3A_290 = tpu.memref_squeeze %dma_start3A_289 : memref<1x64xi32, #tpu.memory_space<vmem>> -> memref<64xi32, #tpu.memory_space<vmem>>
        %dma_start3A_291 = arith.constant 0 : i32
        %dma_start3A_292 = arith.constant 0 : i32
        %dma_start3A_293 = tpu.memref_slice %arg2[%dma_start3A_291, %dma_start3A_292] : memref<80000x128xf32, #tpu.memory_space<hbm>> -> memref<80000x128xf32, #tpu.memory_space<hbm>>
        tpu.enqueue_indirect_dma source(%dma_start3A_293 : memref<80000x128xf32, #tpu.memory_space<hbm>>) target(%arg10 : memref<64x128xf32, #tpu.memory_space<vmem>>) offsets(%dma_start3A_290 : memref<64xi32, #tpu.memory_space<vmem>>) semaphore(%arg14 : memref<!tpu.dma_semaphore, #tpu.memory_space<semaphore_mem>>)
      } else {
      }
    }
    %scan3A_221 = arith.constant 10 : i32
    %barrier3A_222 = arith.constant 0 : index
    tpu.barrier barrier_id(%barrier3A_222)
    %mul3A_223 = arith.constant 640 : i32
    %mul3A_224 = arith.muli %arg1, %mul3A_223 : i32
    %mul3A_225 = arith.constant 640 : i32
    %mul3A_226 = arith.muli %arg1, %mul3A_225 : i32
    "tpu.region"() ({
      %run_scoped3A = tpu.sem_alloc : memref<!tpu.dma_semaphore, #tpu.memory_space<semaphore_mem>>
      %dma_start3A_227 = arith.constant 0 : i32
      %dma_start3A_228 = tpu.memref_slice %arg4[%arg0, %mul3A_226, %dma_start3A_227] : memref<2x10240x128xf32, #tpu.memory_space<hbm>> -> memref<1x640x128xf32, #tpu.memory_space<hbm>>
      %dma_start3A_229 = tpu.memref_squeeze %dma_start3A_228 : memref<1x640x128xf32, #tpu.memory_space<hbm>> -> memref<640x128xf32, #tpu.memory_space<hbm>>
      %dma_start3A_230 = arith.constant 0 : i32
      %dma_start3A_231 = tpu.memref_slice %arg15[%mul3A_224, %dma_start3A_230] : memref<10240x128xf32, #tpu.memory_space<vmem_shared>> -> memref<640x128xf32, #tpu.memory_space<vmem_shared>>
      tpu.enqueue_dma source(%dma_start3A_231 : memref<640x128xf32, #tpu.memory_space<vmem_shared>>) target(%dma_start3A_229 : memref<640x128xf32, #tpu.memory_space<hbm>>) target_semaphore(%run_scoped3A : memref<!tpu.dma_semaphore, #tpu.memory_space<semaphore_mem>>)
      %dma_wait3A = arith.constant 0 : i32
      %dma_wait3A_232 = tpu.memref_slice %arg4[%arg0, %mul3A_226, %dma_wait3A] : memref<2x10240x128xf32, #tpu.memory_space<hbm>> -> memref<1x640x128xf32, #tpu.memory_space<hbm>>
      %dma_wait3A_233 = tpu.memref_squeeze %dma_wait3A_232 : memref<1x640x128xf32, #tpu.memory_space<hbm>> -> memref<640x128xf32, #tpu.memory_space<hbm>>
      %dma_wait3A_234 = arith.constant 0 : i32
      %dma_wait3A_235 = tpu.memref_slice %arg15[%mul3A_224, %dma_wait3A_234] : memref<10240x128xf32, #tpu.memory_space<vmem_shared>> -> memref<640x128xf32, #tpu.memory_space<vmem_shared>>
      tpu.wait_dma2 semaphore(%run_scoped3A : memref<!tpu.dma_semaphore, #tpu.memory_space<semaphore_mem>>) src(%dma_wait3A_235 : memref<640x128xf32, #tpu.memory_space<vmem_shared>>) dst(%dma_wait3A_233 : memref<640x128xf32, #tpu.memory_space<hbm>>)
      tpu.yield
    }) : () -> ()
    return
  }
}

module attributes {stable_mosaic.version = 14 : i64} {
  func.func @_wcomb_body(%arg0: memref<8x8xf32, #tpu.memory_space<vmem>>, %arg1: memref<8x16384xf32, #tpu.memory_space<vmem>>, %arg2: memref<8x16384xf32, #tpu.memory_space<vmem>>) attributes {dimension_semantics = [], scalar_prefetch = 0 : i64, scratch_operands = 0 : i64, tpu.core_type = #tpu.core_type<tc>} {
    %get3A = arith.constant 0 : index
    %get3A_0 = arith.constant 0 : index
    %get3A_1 = vector.load %arg0[%get3A, %get3A_0] : memref<8x8xf32, #tpu.memory_space<vmem>>, vector<8x8xf32>
    %get3A_2 = arith.constant 0 : index
    %get3A_3 = arith.constant 0 : index
    %get3A_4 = vector.load %arg1[%get3A_2, %get3A_3] : memref<8x16384xf32, #tpu.memory_space<vmem>>, vector<8x16384xf32>
    %dot_general3A = arith.constant dense<0.000000e+00> : vector<8x16384xf32>
    %dot_general3A_5 = tpu.matmul %get3A_1, %get3A_4, %dot_general3A {dimension_numbers = #tpu.dot_dimension_numbers<[1], [0], [0], [1], [0, 0, 1, 1], [], []>, transpose_lhs_hint = false} : vector<8x8xf32>, vector<8x16384xf32>, vector<8x16384xf32> -> vector<8x16384xf32>
    %swap3A = arith.constant 0 : index
    %swap3A_6 = arith.constant 0 : index
    %swap3A_7 = vector.load %arg2[%swap3A, %swap3A_6] : memref<8x16384xf32, #tpu.memory_space<vmem>>, vector<8x16384xf32>
    tpu.vector_store %arg2[%swap3A, %swap3A_6], %dot_general3A_5 {strides = array<i32>} : memref<8x16384xf32, #tpu.memory_space<vmem>>, vector<8x16384xf32>,
    return
  }
}

module attributes {stable_mosaic.version = 14 : i64} {
  func.func @_hall_body(%arg0: i32, %arg1: memref<2000x128xf32, #tpu.memory_space<vmem>>, %arg2: memref<8x128x128xf32, #tpu.memory_space<vmem>>, %arg3: memref<8x2000x128xf32, #tpu.memory_space<vmem>>) attributes {dimension_semantics = [#tpu.dimension_semantics<arbitrary>], iteration_bounds = array<i64: 5>, scalar_prefetch = 0 : i64, scratch_operands = 0 : i64, tpu.core_type = #tpu.core_type<tc>, window_params = [{transform_indices = @transform_0, window_bounds = array<i64: 2000, 128>}, {pipeline_mode = #tpu.pipeline_mode<synchronous>, transform_indices = @transform_1, window_bounds = array<i64: 8, 128, 128>}, {transform_indices = @transform_2, window_bounds = array<i64: 8, 2000, 128>}]} {
    %get3A = arith.constant 0 : index
    %get3A_0 = arith.constant 0 : index
    %get3A_1 = vector.load %arg1[%get3A, %get3A_0] : memref<2000x128xf32, #tpu.memory_space<vmem>>, vector<2000x128xf32>
    %get3A_2 = arith.constant 0 : index
    %get3A_3 = arith.constant 0 : index
    %get3A_4 = arith.constant 0 : index
    %get3A_5 = vector.load %arg2[%get3A_2, %get3A_3, %get3A_4] : memref<8x128x128xf32, #tpu.memory_space<vmem>>, vector<1x128x128xf32>
    %get3A_6 = vector.shape_cast %get3A_5 : vector<1x128x128xf32> to vector<128x128xf32>
    %dot_general3A = arith.constant dense<0.000000e+00> : vector<2000x128xf32>
    %dot_general3A_7 = tpu.matmul %get3A_1, %get3A_6, %dot_general3A {dimension_numbers = #tpu.dot_dimension_numbers<[1], [0], [0], [1], [0, 0, 1, 1], [], []>, transpose_lhs_hint = false} : vector<2000x128xf32>, vector<128x128xf32>, vector<2000x128xf32> -> vector<2000x128xf32>
    %swap3A = arith.constant 0 : index
    %swap3A_8 = arith.constant 0 : index
    %swap3A_9 = arith.constant 0 : index
    %swap3A_10 = vector.load %arg3[%swap3A, %swap3A_8, %swap3A_9] : memref<8x2000x128xf32, #tpu.memory_space<vmem>>, vector<1x2000x128xf32>
    %swap3A_11 = vector.shape_cast %swap3A_10 : vector<1x2000x128xf32> to vector<2000x128xf32>
    %swap3A_12 = vector.shape_cast %dot_general3A_7 : vector<2000x128xf32> to vector<1x2000x128xf32>
    tpu.vector_store %arg3[%swap3A, %swap3A_8, %swap3A_9], %swap3A_12 {strides = array<i32>} : memref<8x2000x128xf32, #tpu.memory_space<vmem>>, vector<1x2000x128xf32>,
    %get3A_13 = arith.constant 1 : index
    %get3A_14 = arith.constant 0 : index
    %get3A_15 = arith.constant 0 : index
    %get3A_16 = vector.load %arg2[%get3A_13, %get3A_14, %get3A_15] : memref<8x128x128xf32, #tpu.memory_space<vmem>>, vector<1x128x128xf32>
    %get3A_17 = vector.shape_cast %get3A_16 : vector<1x128x128xf32> to vector<128x128xf32>
    %dot_general3A_18 = arith.constant dense<0.000000e+00> : vector<2000x128xf32>
    %dot_general3A_19 = tpu.matmul %get3A_1, %get3A_17, %dot_general3A_18 {dimension_numbers = #tpu.dot_dimension_numbers<[1], [0], [0], [1], [0, 0, 1, 1], [], []>, transpose_lhs_hint = false} : vector<2000x128xf32>, vector<128x128xf32>, vector<2000x128xf32> -> vector<2000x128xf32>
    %swap3A_20 = arith.constant 1 : index
    %swap3A_21 = arith.constant 0 : index
    %swap3A_22 = arith.constant 0 : index
    %swap3A_23 = vector.load %arg3[%swap3A_20, %swap3A_21, %swap3A_22] : memref<8x2000x128xf32, #tpu.memory_space<vmem>>, vector<1x2000x128xf32>
    %swap3A_24 = vector.shape_cast %swap3A_23 : vector<1x2000x128xf32> to vector<2000x128xf32>
    %swap3A_25 = vector.shape_cast %dot_general3A_19 : vector<2000x128xf32> to vector<1x2000x128xf32>
    tpu.vector_store %arg3[%swap3A_20, %swap3A_21, %swap3A_22], %swap3A_25 {strides = array<i32>} : memref<8x2000x128xf32, #tpu.memory_space<vmem>>, vector<1x2000x128xf32>,
    %get3A_26 = arith.constant 2 : index
    %get3A_27 = arith.constant 0 : index
    %get3A_28 = arith.constant 0 : index
    %get3A_29 = vector.load %arg2[%get3A_26, %get3A_27, %get3A_28] : memref<8x128x128xf32, #tpu.memory_space<vmem>>, vector<1x128x128xf32>
    %get3A_30 = vector.shape_cast %get3A_29 : vector<1x128x128xf32> to vector<128x128xf32>
    %dot_general3A_31 = arith.constant dense<0.000000e+00> : vector<2000x128xf32>
    %dot_general3A_32 = tpu.matmul %get3A_1, %get3A_30, %dot_general3A_31 {dimension_numbers = #tpu.dot_dimension_numbers<[1], [0], [0], [1], [0, 0, 1, 1], [], []>, transpose_lhs_hint = false} : vector<2000x128xf32>, vector<128x128xf32>, vector<2000x128xf32> -> vector<2000x128xf32>
    %swap3A_33 = arith.constant 2 : index
    %swap3A_34 = arith.constant 0 : index
    %swap3A_35 = arith.constant 0 : index
    %swap3A_36 = vector.load %arg3[%swap3A_33, %swap3A_34, %swap3A_35] : memref<8x2000x128xf32, #tpu.memory_space<vmem>>, vector<1x2000x128xf32>
    %swap3A_37 = vector.shape_cast %swap3A_36 : vector<1x2000x128xf32> to vector<2000x128xf32>
    %swap3A_38 = vector.shape_cast %dot_general3A_32 : vector<2000x128xf32> to vector<1x2000x128xf32>
    tpu.vector_store %arg3[%swap3A_33, %swap3A_34, %swap3A_35], %swap3A_38 {strides = array<i32>} : memref<8x2000x128xf32, #tpu.memory_space<vmem>>, vector<1x2000x128xf32>,
    %get3A_39 = arith.constant 3 : index
    %get3A_40 = arith.constant 0 : index
    %get3A_41 = arith.constant 0 : index
    %get3A_42 = vector.load %arg2[%get3A_39, %get3A_40, %get3A_41] : memref<8x128x128xf32, #tpu.memory_space<vmem>>, vector<1x128x128xf32>
    %get3A_43 = vector.shape_cast %get3A_42 : vector<1x128x128xf32> to vector<128x128xf32>
    %dot_general3A_44 = arith.constant dense<0.000000e+00> : vector<2000x128xf32>
    %dot_general3A_45 = tpu.matmul %get3A_1, %get3A_43, %dot_general3A_44 {dimension_numbers = #tpu.dot_dimension_numbers<[1], [0], [0], [1], [0, 0, 1, 1], [], []>, transpose_lhs_hint = false} : vector<2000x128xf32>, vector<128x128xf32>, vector<2000x128xf32> -> vector<2000x128xf32>
    %swap3A_46 = arith.constant 3 : index
    %swap3A_47 = arith.constant 0 : index
    %swap3A_48 = arith.constant 0 : index
    %swap3A_49 = vector.load %arg3[%swap3A_46, %swap3A_47, %swap3A_48] : memref<8x2000x128xf32, #tpu.memory_space<vmem>>, vector<1x2000x128xf32>
    %swap3A_50 = vector.shape_cast %swap3A_49 : vector<1x2000x128xf32> to vector<2000x128xf32>
    %swap3A_51 = vector.shape_cast %dot_general3A_45 : vector<2000x128xf32> to vector<1x2000x128xf32>
    tpu.vector_store %arg3[%swap3A_46, %swap3A_47, %swap3A_48], %swap3A_51 {strides = array<i32>} : memref<8x2000x128xf32, #tpu.memory_space<vmem>>, vector<1x2000x128xf32>,
    %get3A_52 = arith.constant 4 : index
    %get3A_53 = arith.constant 0 : index
    %get3A_54 = arith.constant 0 : index
    %get3A_55 = vector.load %arg2[%get3A_52, %get3A_53, %get3A_54] : memref<8x128x128xf32, #tpu.memory_space<vmem>>, vector<1x128x128xf32>
    %get3A_56 = vector.shape_cast %get3A_55 : vector<1x128x128xf32> to vector<128x128xf32>
    %dot_general3A_57 = arith.constant dense<0.000000e+00> : vector<2000x128xf32>
    %dot_general3A_58 = tpu.matmul %get3A_1, %get3A_56, %dot_general3A_57 {dimension_numbers = #tpu.dot_dimension_numbers<[1], [0], [0], [1], [0, 0, 1, 1], [], []>, transpose_lhs_hint = false} : vector<2000x128xf32>, vector<128x128xf32>, vector<2000x128xf32> -> vector<2000x128xf32>
    %swap3A_59 = arith.constant 4 : index
    %swap3A_60 = arith.constant 0 : index
    %swap3A_61 = arith.constant 0 : index
    %swap3A_62 = vector.load %arg3[%swap3A_59, %swap3A_60, %swap3A_61] : memref<8x2000x128xf32, #tpu.memory_space<vmem>>, vector<1x2000x128xf32>
    %swap3A_63 = vector.shape_cast %swap3A_62 : vector<1x2000x128xf32> to vector<2000x128xf32>
    %swap3A_64 = vector.shape_cast %dot_general3A_58 : vector<2000x128xf32> to vector<1x2000x128xf32>
    tpu.vector_store %arg3[%swap3A_59, %swap3A_60, %swap3A_61], %swap3A_64 {strides = array<i32>} : memref<8x2000x128xf32, #tpu.memory_space<vmem>>, vector<1x2000x128xf32>,
    %get3A_65 = arith.constant 5 : index
    %get3A_66 = arith.constant 0 : index
    %get3A_67 = arith.constant 0 : index
    %get3A_68 = vector.load %arg2[%get3A_65, %get3A_66, %get3A_67] : memref<8x128x128xf32, #tpu.memory_space<vmem>>, vector<1x128x128xf32>
    %get3A_69 = vector.shape_cast %get3A_68 : vector<1x128x128xf32> to vector<128x128xf32>
    %dot_general3A_70 = arith.constant dense<0.000000e+00> : vector<2000x128xf32>
    %dot_general3A_71 = tpu.matmul %get3A_1, %get3A_69, %dot_general3A_70 {dimension_numbers = #tpu.dot_dimension_numbers<[1], [0], [0], [1], [0, 0, 1, 1], [], []>, transpose_lhs_hint = false} : vector<2000x128xf32>, vector<128x128xf32>, vector<2000x128xf32> -> vector<2000x128xf32>
    %swap3A_72 = arith.constant 5 : index
    %swap3A_73 = arith.constant 0 : index
    %swap3A_74 = arith.constant 0 : index
    %swap3A_75 = vector.load %arg3[%swap3A_72, %swap3A_73, %swap3A_74] : memref<8x2000x128xf32, #tpu.memory_space<vmem>>, vector<1x2000x128xf32>
    %swap3A_76 = vector.shape_cast %swap3A_75 : vector<1x2000x128xf32> to vector<2000x128xf32>
    %swap3A_77 = vector.shape_cast %dot_general3A_71 : vector<2000x128xf32> to vector<1x2000x128xf32>
    tpu.vector_store %arg3[%swap3A_72, %swap3A_73, %swap3A_74], %swap3A_77 {strides = array<i32>} : memref<8x2000x128xf32, #tpu.memory_space<vmem>>, vector<1x2000x128xf32>,
    %get3A_78 = arith.constant 6 : index
    %get3A_79 = arith.constant 0 : index
    %get3A_80 = arith.constant 0 : index
    %get3A_81 = vector.load %arg2[%get3A_78, %get3A_79, %get3A_80] : memref<8x128x128xf32, #tpu.memory_space<vmem>>, vector<1x128x128xf32>
    %get3A_82 = vector.shape_cast %get3A_81 : vector<1x128x128xf32> to vector<128x128xf32>
    %dot_general3A_83 = arith.constant dense<0.000000e+00> : vector<2000x128xf32>
    %dot_general3A_84 = tpu.matmul %get3A_1, %get3A_82, %dot_general3A_83 {dimension_numbers = #tpu.dot_dimension_numbers<[1], [0], [0], [1], [0, 0, 1, 1], [], []>, transpose_lhs_hint = false} : vector<2000x128xf32>, vector<128x128xf32>, vector<2000x128xf32> -> vector<2000x128xf32>
    %swap3A_85 = arith.constant 6 : index
    %swap3A_86 = arith.constant 0 : index
    %swap3A_87 = arith.constant 0 : index
    %swap3A_88 = vector.load %arg3[%swap3A_85, %swap3A_86, %swap3A_87] : memref<8x2000x128xf32, #tpu.memory_space<vmem>>, vector<1x2000x128xf32>
    %swap3A_89 = vector.shape_cast %swap3A_88 : vector<1x2000x128xf32> to vector<2000x128xf32>
    %swap3A_90 = vector.shape_cast %dot_general3A_84 : vector<2000x128xf32> to vector<1x2000x128xf32>
    tpu.vector_store %arg3[%swap3A_85, %swap3A_86, %swap3A_87], %swap3A_90 {strides = array<i32>} : memref<8x2000x128xf32, #tpu.memory_space<vmem>>, vector<1x2000x128xf32>,
    %get3A_91 = arith.constant 7 : index
    %get3A_92 = arith.constant 0 : index
    %get3A_93 = arith.constant 0 : index
    %get3A_94 = vector.load %arg2[%get3A_91, %get3A_92, %get3A_93] : memref<8x128x128xf32, #tpu.memory_space<vmem>>, vector<1x128x128xf32>
    %get3A_95 = vector.shape_cast %get3A_94 : vector<1x128x128xf32> to vector<128x128xf32>
    %dot_general3A_96 = arith.constant dense<0.000000e+00> : vector<2000x128xf32>
    %dot_general3A_97 = tpu.matmul %get3A_1, %get3A_95, %dot_general3A_96 {dimension_numbers = #tpu.dot_dimension_numbers<[1], [0], [0], [1], [0, 0, 1, 1], [], []>, transpose_lhs_hint = false} : vector<2000x128xf32>, vector<128x128xf32>, vector<2000x128xf32> -> vector<2000x128xf32>
    %swap3A_98 = arith.constant 7 : index
    %swap3A_99 = arith.constant 0 : index
    %swap3A_100 = arith.constant 0 : index
    %swap3A_101 = vector.load %arg3[%swap3A_98, %swap3A_99, %swap3A_100] : memref<8x2000x128xf32, #tpu.memory_space<vmem>>, vector<1x2000x128xf32>
    %swap3A_102 = vector.shape_cast %swap3A_101 : vector<1x2000x128xf32> to vector<2000x128xf32>
    %swap3A_103 = vector.shape_cast %dot_general3A_97 : vector<2000x128xf32> to vector<1x2000x128xf32>
    tpu.vector_store %arg3[%swap3A_98, %swap3A_99, %swap3A_100], %swap3A_103 {strides = array<i32>} : memref<8x2000x128xf32, #tpu.memory_space<vmem>>, vector<1x2000x128xf32>,
    return
  }
  func.func @transform_0(%arg0: i32) -> (i32, i32) {
    %c0_i32 = arith.constant 0 : i32
    %c0_i32_0 = arith.constant 0 : i32
    return %arg0, %c0_i32 : i32, i32
  }
  func.func @transform_1(%arg0: i32) -> (i32, i32, i32) {
    %c0_i32 = arith.constant 0 : i32
    %c0_i32_0 = arith.constant 0 : i32
    %c0_i32_1 = arith.constant 0 : i32
    %c0_i32_2 = arith.constant 0 : i32
    return %c0_i32, %c0_i32_0, %c0_i32_1 : i32, i32, i32
  }
  func.func @transform_2(%arg0: i32) -> (i32, i32, i32) {
    %c0_i32 = arith.constant 0 : i32
    %c0_i32_0 = arith.constant 0 : i32
    %c0_i32_1 = arith.constant 0 : i32
    return %c0_i32, %arg0, %c0_i32_0 : i32, i32, i32
  }
}

module attributes {stable_mosaic.version = 14 : i64} {
  func.func @_stage1_body(%arg0: i32, %arg1: memref<2x2000x128xf32, #tpu.memory_space<vmem>>, %arg2: memref<128xf32, #tpu.memory_space<vmem>>, %arg3: memref<128x128xf32, #tpu.memory_space<vmem>>, %arg4: memref<128xf32, #tpu.memory_space<vmem>>, %arg5: memref<2000x128xf32, #tpu.memory_space<vmem>>, %arg6: memref<2x128xf32, #tpu.memory_space<vmem>>) attributes {dimension_semantics = [#tpu.dimension_semantics<arbitrary>], iteration_bounds = array<i64: 5>, scalar_prefetch = 0 : i64, scratch_operands = 0 : i64, tpu.core_type = #tpu.core_type<tc>, window_params = [{transform_indices = @transform_0, window_bounds = array<i64: 2, 2000, 128>}, {pipeline_mode = #tpu.pipeline_mode<synchronous>, transform_indices = @transform_1, window_bounds = array<i64: 128>}, {pipeline_mode = #tpu.pipeline_mode<synchronous>, transform_indices = @transform_2, window_bounds = array<i64: 128, 128>}, {pipeline_mode = #tpu.pipeline_mode<synchronous>, transform_indices = @transform_3, window_bounds = array<i64: 128>}, {transform_indices = @transform_4, window_bounds = array<i64: 2000, 128>}, {pipeline_mode = #tpu.pipeline_mode<synchronous>, transform_indices = @transform_5, window_bounds = array<i64: 2, 128>}]} {
    %get3A = arith.constant 0 : index
    %get3A_0 = arith.constant 0 : index
    %get3A_1 = arith.constant 0 : index
    %get3A_2 = vector.load %arg1[%get3A, %get3A_0, %get3A_1] : memref<2x2000x128xf32, #tpu.memory_space<vmem>>, vector<1x2000x128xf32>
    %get3A_3 = vector.shape_cast %get3A_2 : vector<1x2000x128xf32> to vector<2000x128xf32>
    %get3A_4 = arith.constant 1 : index
    %get3A_5 = arith.constant 0 : index
    %get3A_6 = arith.constant 0 : index
    %get3A_7 = vector.load %arg1[%get3A_4, %get3A_5, %get3A_6] : memref<2x2000x128xf32, #tpu.memory_space<vmem>>, vector<1x2000x128xf32>
    %get3A_8 = vector.shape_cast %get3A_7 : vector<1x2000x128xf32> to vector<2000x128xf32>
    %add3A = arith.addf %get3A_3, %get3A_8 : vector<2000x128xf32>
    %get3A_9 = arith.constant 0 : index
    %get3A_10 = vector.load %arg2[%get3A_9] : memref<128xf32, #tpu.memory_space<vmem>>, vector<128xf32>
    %broadcast_in_dim3A = vector.shape_cast %get3A_10 : vector<128xf32> to vector<1x128xf32>
    %add3A_11 = vector.broadcast %broadcast_in_dim3A : vector<1x128xf32> to vector<2000x128xf32>
    %add3A_12 = arith.addf %add3A, %add3A_11 : vector<2000x128xf32>
    %get3A_13 = arith.constant 0 : index
    %get3A_14 = arith.constant 0 : index
    %get3A_15 = vector.load %arg3[%get3A_13, %get3A_14] : memref<128x128xf32, #tpu.memory_space<vmem>>, vector<128x128xf32>
    %dot_general3A = arith.constant dense<0.000000e+00> : vector<2000x128xf32>
    %dot_general3A_16 = tpu.matmul %add3A_12, %get3A_15, %dot_general3A {dimension_numbers = #tpu.dot_dimension_numbers<[1], [0], [0], [1], [0, 0, 1, 1], [], []>, transpose_lhs_hint = false} : vector<2000x128xf32>, vector<128x128xf32>, vector<2000x128xf32> -> vector<2000x128xf32>
    %get3A_17 = arith.constant 0 : index
    %get3A_18 = vector.load %arg4[%get3A_17] : memref<128xf32, #tpu.memory_space<vmem>>, vector<128xf32>
    %broadcast_in_dim3A_19 = vector.shape_cast %get3A_18 : vector<128xf32> to vector<1x128xf32>
    %add3A_20 = vector.broadcast %broadcast_in_dim3A_19 : vector<1x128xf32> to vector<2000x128xf32>
    %add3A_21 = arith.addf %dot_general3A_16, %add3A_20 : vector<2000x128xf32>
    %swap3A = arith.constant 0 : index
    %swap3A_22 = arith.constant 0 : index
    %swap3A_23 = vector.load %arg5[%swap3A, %swap3A_22] : memref<2000x128xf32, #tpu.memory_space<vmem>>, vector<2000x128xf32>
    tpu.vector_store %arg5[%swap3A, %swap3A_22], %add3A_21 {strides = array<i32>} : memref<2000x128xf32, #tpu.memory_space<vmem>>, vector<2000x128xf32>,
    %reduce_sum3A = arith.constant dense<0.000000e+00> : vector<128xf32>
    %reduce_sum3A_24 = vector.multi_reduction <add>, %add3A_21, %reduce_sum3A [0] : vector<2000x128xf32> to vector<128xf32>
    %broadcast_in_dim3A_25 = vector.shape_cast %reduce_sum3A_24 : vector<128xf32> to vector<1x128xf32>
    %mul3A = arith.mulf %add3A_21, %add3A_21 : vector<2000x128xf32>
    %reduce_sum3A_26 = arith.constant dense<0.000000e+00> : vector<128xf32>
    %reduce_sum3A_27 = vector.multi_reduction <add>, %mul3A, %reduce_sum3A_26 [0] : vector<2000x128xf32> to vector<128xf32>
    %broadcast_in_dim3A_28 = vector.shape_cast %reduce_sum3A_27 : vector<128xf32> to vector<1x128xf32>
    %concatenate3A = tpu.concatenate %broadcast_in_dim3A_25, %broadcast_in_dim3A_28 in 0 : vector<1x128xf32>, vector<1x128xf32> -> vector<2x128xf32>
    %eq3A = arith.constant 0 : i32
    %eq3A_29 = arith.cmpi eq, %arg0, %eq3A : i32
    %convert_element_type3A = arith.extui %eq3A_29 : i1 to i32
    %cond3A = arith.constant 0 : i32
    %cond3A_30 = arith.cmpi ne, %convert_element_type3A, %cond3A : i32
    scf.if %cond3A_30 {
      %broadcast_in_dim3A_38 = arith.constant 0.000000e+00 : f32
      %broadcast_in_dim3A_39 = vector.broadcast %broadcast_in_dim3A_38 : f32 to vector<2x128xf32>
      %swap3A_40 = arith.constant 0 : index
      %swap3A_41 = arith.constant 0 : index
      %swap3A_42 = vector.load %arg6[%swap3A_40, %swap3A_41] : memref<2x128xf32, #tpu.memory_space<vmem>>, vector<2x128xf32>
      tpu.vector_store %arg6[%swap3A_40, %swap3A_41], %broadcast_in_dim3A_39 {strides = array<i32>} : memref<2x128xf32, #tpu.memory_space<vmem>>, vector<2x128xf32>,
    } else {
    }
    %get3A_31 = arith.constant 0 : index
    %get3A_32 = arith.constant 0 : index
    %get3A_33 = vector.load %arg6[%get3A_31, %get3A_32] : memref<2x128xf32, #tpu.memory_space<vmem>>, vector<2x128xf32>
    %add3A_34 = arith.addf %get3A_33, %concatenate3A : vector<2x128xf32>
    %swap3A_35 = arith.constant 0 : index
    %swap3A_36 = arith.constant 0 : index
    %swap3A_37 = vector.load %arg6[%swap3A_35, %swap3A_36] : memref<2x128xf32, #tpu.memory_space<vmem>>, vector<2x128xf32>
    tpu.vector_store %arg6[%swap3A_35, %swap3A_36], %add3A_34 {strides = array<i32>} : memref<2x128xf32, #tpu.memory_space<vmem>>, vector<2x128xf32>,
    return
  }
  func.func @transform_0(%arg0: i32) -> (i32, i32, i32) {
    %c0_i32 = arith.constant 0 : i32
    %c0_i32_0 = arith.constant 0 : i32
    %c0_i32_1 = arith.constant 0 : i32
    return %c0_i32, %arg0, %c0_i32_0 : i32, i32, i32
  }
  func.func @transform_1(%arg0: i32) -> i32 {
    %c0_i32 = arith.constant 0 : i32
    %c0_i32_0 = arith.constant 0 : i32
    return %c0_i32 : i32
  }
  func.func @transform_2(%arg0: i32) -> (i32, i32) {
    %c0_i32 = arith.constant 0 : i32
    %c0_i32_0 = arith.constant 0 : i32
    %c0_i32_1 = arith.constant 0 : i32
    return %c0_i32, %c0_i32_0 : i32, i32
  }
  func.func @transform_3(%arg0: i32) -> i32 {
    %c0_i32 = arith.constant 0 : i32
    %c0_i32_0 = arith.constant 0 : i32
    return %c0_i32 : i32
  }
  func.func @transform_4(%arg0: i32) -> (i32, i32) {
    %c0_i32 = arith.constant 0 : i32
    %c0_i32_0 = arith.constant 0 : i32
    return %arg0, %c0_i32 : i32, i32
  }
  func.func @transform_5(%arg0: i32) -> (i32, i32) {
    %c0_i32 = arith.constant 0 : i32
    %c0_i32_0 = arith.constant 0 : i32
    %c0_i32_1 = arith.constant 0 : i32
    return %c0_i32, %c0_i32_0 : i32, i32
  }
}

module attributes {stable_mosaic.version = 14 : i64} {
  func.func @_stage2_body(%arg0: i32, %arg1: memref<2000x128xf32, #tpu.memory_space<vmem>>, %arg2: memref<2x128xf32, #tpu.memory_space<vmem>>, %arg3: memref<128xf32, #tpu.memory_space<vmem>>, %arg4: memref<128xf32, #tpu.memory_space<vmem>>, %arg5: memref<128x128xf32, #tpu.memory_space<vmem>>, %arg6: memref<128xf32, #tpu.memory_space<vmem>>, %arg7: memref<2000x128xf32, #tpu.memory_space<vmem>>, %arg8: memref<2x128xf32, #tpu.memory_space<vmem>>) attributes {dimension_semantics = [#tpu.dimension_semantics<arbitrary>], iteration_bounds = array<i64: 5>, scalar_prefetch = 0 : i64, scratch_operands = 0 : i64, tpu.core_type = #tpu.core_type<tc>, window_params = [{transform_indices = @transform_0, window_bounds = array<i64: 2000, 128>}, {pipeline_mode = #tpu.pipeline_mode<synchronous>, transform_indices = @transform_1, window_bounds = array<i64: 2, 128>}, {pipeline_mode = #tpu.pipeline_mode<synchronous>, transform_indices = @transform_2, window_bounds = array<i64: 128>}, {pipeline_mode = #tpu.pipeline_mode<synchronous>, transform_indices = @transform_3, window_bounds = array<i64: 128>}, {pipeline_mode = #tpu.pipeline_mode<synchronous>, transform_indices = @transform_4, window_bounds = array<i64: 128, 128>}, {pipeline_mode = #tpu.pipeline_mode<synchronous>, transform_indices = @transform_5, window_bounds = array<i64: 128>}, {transform_indices = @transform_6, window_bounds = array<i64: 2000, 128>}, {pipeline_mode = #tpu.pipeline_mode<synchronous>, transform_indices = @transform_7, window_bounds = array<i64: 2, 128>}]} {
    %get3A = arith.constant 0 : index
    %get3A_0 = arith.constant 0 : index
    %get3A_1 = vector.load %arg2[%get3A, %get3A_0] : memref<2x128xf32, #tpu.memory_space<vmem>>, vector<1x128xf32>
    %get3A_2 = vector.shape_cast %get3A_1 : vector<1x128xf32> to vector<128xf32>
    %mul3A = arith.constant 9.99999974E-5 : f32
    %mul3A_3 = vector.broadcast %mul3A : f32 to vector<128xf32>
    %mul3A_4 = arith.mulf %get3A_2, %mul3A_3 : vector<128xf32>
    %get3A_5 = arith.constant 1 : index
    %get3A_6 = arith.constant 0 : index
    %get3A_7 = vector.load %arg2[%get3A_5, %get3A_6] : memref<2x128xf32, #tpu.memory_space<vmem>>, vector<1x128xf32>
    %get3A_8 = vector.shape_cast %get3A_7 : vector<1x128xf32> to vector<128xf32>
    %mul3A_9 = arith.constant 9.99999974E-5 : f32
    %mul3A_10 = vector.broadcast %mul3A_9 : f32 to vector<128xf32>
    %mul3A_11 = arith.mulf %get3A_8, %mul3A_10 : vector<128xf32>
    %mul3A_12 = arith.mulf %mul3A_4, %mul3A_4 : vector<128xf32>
    %sub3A = arith.subf %mul3A_11, %mul3A_12 : vector<128xf32>
    %add3A = arith.constant 9.99999974E-6 : f32
    %add3A_13 = vector.broadcast %add3A : f32 to vector<128xf32>
    %add3A_14 = arith.addf %sub3A, %add3A_13 : vector<128xf32>
    %rsqrt3A = math.rsqrt %add3A_14 : vector<128xf32>
    %get3A_15 = arith.constant 0 : index
    %get3A_16 = vector.load %arg3[%get3A_15] : memref<128xf32, #tpu.memory_space<vmem>>, vector<128xf32>
    %mul3A_17 = arith.mulf %rsqrt3A, %get3A_16 : vector<128xf32>
    %get3A_18 = arith.constant 0 : index
    %get3A_19 = vector.load %arg4[%get3A_18] : memref<128xf32, #tpu.memory_space<vmem>>, vector<128xf32>
    %mul3A_20 = arith.mulf %mul3A_4, %mul3A_17 : vector<128xf32>
    %sub3A_21 = arith.subf %get3A_19, %mul3A_20 : vector<128xf32>
    %get3A_22 = arith.constant 0 : index
    %get3A_23 = arith.constant 0 : index
    %get3A_24 = vector.load %arg1[%get3A_22, %get3A_23] : memref<2000x128xf32, #tpu.memory_space<vmem>>, vector<2000x128xf32>
    %broadcast_in_dim3A = vector.shape_cast %mul3A_17 : vector<128xf32> to vector<1x128xf32>
    %mul3A_25 = vector.broadcast %broadcast_in_dim3A : vector<1x128xf32> to vector<2000x128xf32>
    %mul3A_26 = arith.mulf %get3A_24, %mul3A_25 : vector<2000x128xf32>
    %broadcast_in_dim3A_27 = vector.shape_cast %sub3A_21 : vector<128xf32> to vector<1x128xf32>
    %add3A_28 = vector.broadcast %broadcast_in_dim3A_27 : vector<1x128xf32> to vector<2000x128xf32>
    %add3A_29 = arith.addf %mul3A_26, %add3A_28 : vector<2000x128xf32>
    %max3A = arith.constant 0.000000e+00 : f32
    %max3A_30 = vector.broadcast %max3A : f32 to vector<2000x128xf32>
    %max3A_31 = arith.maximumf %add3A_29, %max3A_30 : vector<2000x128xf32>
    %get3A_32 = arith.constant 0 : index
    %get3A_33 = arith.constant 0 : index
    %get3A_34 = vector.load %arg5[%get3A_32, %get3A_33] : memref<128x128xf32, #tpu.memory_space<vmem>>, vector<128x128xf32>
    %dot_general3A = arith.constant dense<0.000000e+00> : vector<2000x128xf32>
    %dot_general3A_35 = tpu.matmul %max3A_31, %get3A_34, %dot_general3A {dimension_numbers = #tpu.dot_dimension_numbers<[1], [0], [0], [1], [0, 0, 1, 1], [], []>, transpose_lhs_hint = false} : vector<2000x128xf32>, vector<128x128xf32>, vector<2000x128xf32> -> vector<2000x128xf32>
    %get3A_36 = arith.constant 0 : index
    %get3A_37 = vector.load %arg6[%get3A_36] : memref<128xf32, #tpu.memory_space<vmem>>, vector<128xf32>
    %broadcast_in_dim3A_38 = vector.shape_cast %get3A_37 : vector<128xf32> to vector<1x128xf32>
    %add3A_39 = vector.broadcast %broadcast_in_dim3A_38 : vector<1x128xf32> to vector<2000x128xf32>
    %add3A_40 = arith.addf %dot_general3A_35, %add3A_39 : vector<2000x128xf32>
    %swap3A = arith.constant 0 : index
    %swap3A_41 = arith.constant 0 : index
    %swap3A_42 = vector.load %arg7[%swap3A, %swap3A_41] : memref<2000x128xf32, #tpu.memory_space<vmem>>, vector<2000x128xf32>
    tpu.vector_store %arg7[%swap3A, %swap3A_41], %add3A_40 {strides = array<i32>} : memref<2000x128xf32, #tpu.memory_space<vmem>>, vector<2000x128xf32>,
    %reduce_sum3A = arith.constant dense<0.000000e+00> : vector<128xf32>
    %reduce_sum3A_43 = vector.multi_reduction <add>, %add3A_40, %reduce_sum3A [0] : vector<2000x128xf32> to vector<128xf32>
    %broadcast_in_dim3A_44 = vector.shape_cast %reduce_sum3A_43 : vector<128xf32> to vector<1x128xf32>
    %mul3A_45 = arith.mulf %add3A_40, %add3A_40 : vector<2000x128xf32>
    %reduce_sum3A_46 = arith.constant dense<0.000000e+00> : vector<128xf32>
    %reduce_sum3A_47 = vector.multi_reduction <add>, %mul3A_45, %reduce_sum3A_46 [0] : vector<2000x128xf32> to vector<128xf32>
    %broadcast_in_dim3A_48 = vector.shape_cast %reduce_sum3A_47 : vector<128xf32> to vector<1x128xf32>
    %concatenate3A = tpu.concatenate %broadcast_in_dim3A_44, %broadcast_in_dim3A_48 in 0 : vector<1x128xf32>, vector<1x128xf32> -> vector<2x128xf32>
    %eq3A = arith.constant 0 : i32
    %eq3A_49 = arith.cmpi eq, %arg0, %eq3A : i32
    %convert_element_type3A = arith.extui %eq3A_49 : i1 to i32
    %cond3A = arith.constant 0 : i32
    %cond3A_50 = arith.cmpi ne, %convert_element_type3A, %cond3A : i32
    scf.if %cond3A_50 {
      %broadcast_in_dim3A_58 = arith.constant 0.000000e+00 : f32
      %broadcast_in_dim3A_59 = vector.broadcast %broadcast_in_dim3A_58 : f32 to vector<2x128xf32>
      %swap3A_60 = arith.constant 0 : index
      %swap3A_61 = arith.constant 0 : index
      %swap3A_62 = vector.load %arg8[%swap3A_60, %swap3A_61] : memref<2x128xf32, #tpu.memory_space<vmem>>, vector<2x128xf32>
      tpu.vector_store %arg8[%swap3A_60, %swap3A_61], %broadcast_in_dim3A_59 {strides = array<i32>} : memref<2x128xf32, #tpu.memory_space<vmem>>, vector<2x128xf32>,
    } else {
    }
    %get3A_51 = arith.constant 0 : index
    %get3A_52 = arith.constant 0 : index
    %get3A_53 = vector.load %arg8[%get3A_51, %get3A_52] : memref<2x128xf32, #tpu.memory_space<vmem>>, vector<2x128xf32>
    %add3A_54 = arith.addf %get3A_53, %concatenate3A : vector<2x128xf32>
    %swap3A_55 = arith.constant 0 : index
    %swap3A_56 = arith.constant 0 : index
    %swap3A_57 = vector.load %arg8[%swap3A_55, %swap3A_56] : memref<2x128xf32, #tpu.memory_space<vmem>>, vector<2x128xf32>
    tpu.vector_store %arg8[%swap3A_55, %swap3A_56], %add3A_54 {strides = array<i32>} : memref<2x128xf32, #tpu.memory_space<vmem>>, vector<2x128xf32>,
    return
  }
  func.func @transform_0(%arg0: i32) -> (i32, i32) {
    %c0_i32 = arith.constant 0 : i32
    %c0_i32_0 = arith.constant 0 : i32
    return %arg0, %c0_i32 : i32, i32
  }
  func.func @transform_1(%arg0: i32) -> (i32, i32) {
    %c0_i32 = arith.constant 0 : i32
    %c0_i32_0 = arith.constant 0 : i32
    %c0_i32_1 = arith.constant 0 : i32
    return %c0_i32, %c0_i32_0 : i32, i32
  }
  func.func @transform_2(%arg0: i32) -> i32 {
    %c0_i32 = arith.constant 0 : i32
    %c0_i32_0 = arith.constant 0 : i32
    return %c0_i32 : i32
  }
  func.func @transform_3(%arg0: i32) -> i32 {
    %c0_i32 = arith.constant 0 : i32
    %c0_i32_0 = arith.constant 0 : i32
    return %c0_i32 : i32
  }
  func.func @transform_4(%arg0: i32) -> (i32, i32) {
    %c0_i32 = arith.constant 0 : i32
    %c0_i32_0 = arith.constant 0 : i32
    %c0_i32_1 = arith.constant 0 : i32
    return %c0_i32, %c0_i32_0 : i32, i32
  }
  func.func @transform_5(%arg0: i32) -> i32 {
    %c0_i32 = arith.constant 0 : i32
    %c0_i32_0 = arith.constant 0 : i32
    return %c0_i32 : i32
  }
  func.func @transform_6(%arg0: i32) -> (i32, i32) {
    %c0_i32 = arith.constant 0 : i32
    %c0_i32_0 = arith.constant 0 : i32
    return %arg0, %c0_i32 : i32, i32
  }
  func.func @transform_7(%arg0: i32) -> (i32, i32) {
    %c0_i32 = arith.constant 0 : i32
    %c0_i32_0 = arith.constant 0 : i32
    %c0_i32_1 = arith.constant 0 : i32
    return %c0_i32, %c0_i32_0 : i32, i32
  }
}

module attributes {stable_mosaic.version = 14 : i64} {
  func.func @_hall_bn_body(%arg0: i32, %arg1: memref<2000x128xf32, #tpu.memory_space<vmem>>, %arg2: memref<2x128xf32, #tpu.memory_space<vmem>>, %arg3: memref<128xf32, #tpu.memory_space<vmem>>, %arg4: memref<128xf32, #tpu.memory_space<vmem>>, %arg5: memref<8x128x128xf32, #tpu.memory_space<vmem>>, %arg6: memref<8x2000x128xf32, #tpu.memory_space<vmem>>, %arg7: memref<2000x128xf32, #tpu.memory_space<vmem>>) attributes {dimension_semantics = [#tpu.dimension_semantics<arbitrary>], iteration_bounds = array<i64: 5>, scalar_prefetch = 0 : i64, scratch_operands = 0 : i64, tpu.core_type = #tpu.core_type<tc>, window_params = [{transform_indices = @transform_0, window_bounds = array<i64: 2000, 128>}, {pipeline_mode = #tpu.pipeline_mode<synchronous>, transform_indices = @transform_1, window_bounds = array<i64: 2, 128>}, {pipeline_mode = #tpu.pipeline_mode<synchronous>, transform_indices = @transform_2, window_bounds = array<i64: 128>}, {pipeline_mode = #tpu.pipeline_mode<synchronous>, transform_indices = @transform_3, window_bounds = array<i64: 128>}, {pipeline_mode = #tpu.pipeline_mode<synchronous>, transform_indices = @transform_4, window_bounds = array<i64: 8, 128, 128>}, {transform_indices = @transform_5, window_bounds = array<i64: 8, 2000, 128>}, {transform_indices = @transform_6, window_bounds = array<i64: 2000, 128>}]} {
    %get3A = arith.constant 0 : index
    %get3A_0 = arith.constant 0 : index
    %get3A_1 = vector.load %arg2[%get3A, %get3A_0] : memref<2x128xf32, #tpu.memory_space<vmem>>, vector<1x128xf32>
    %get3A_2 = vector.shape_cast %get3A_1 : vector<1x128xf32> to vector<128xf32>
    %mul3A = arith.constant 9.99999974E-5 : f32
    %mul3A_3 = vector.broadcast %mul3A : f32 to vector<128xf32>
    %mul3A_4 = arith.mulf %get3A_2, %mul3A_3 : vector<128xf32>
    %get3A_5 = arith.constant 1 : index
    %get3A_6 = arith.constant 0 : index
    %get3A_7 = vector.load %arg2[%get3A_5, %get3A_6] : memref<2x128xf32, #tpu.memory_space<vmem>>, vector<1x128xf32>
    %get3A_8 = vector.shape_cast %get3A_7 : vector<1x128xf32> to vector<128xf32>
    %mul3A_9 = arith.constant 9.99999974E-5 : f32
    %mul3A_10 = vector.broadcast %mul3A_9 : f32 to vector<128xf32>
    %mul3A_11 = arith.mulf %get3A_8, %mul3A_10 : vector<128xf32>
    %mul3A_12 = arith.mulf %mul3A_4, %mul3A_4 : vector<128xf32>
    %sub3A = arith.subf %mul3A_11, %mul3A_12 : vector<128xf32>
    %add3A = arith.constant 9.99999974E-6 : f32
    %add3A_13 = vector.broadcast %add3A : f32 to vector<128xf32>
    %add3A_14 = arith.addf %sub3A, %add3A_13 : vector<128xf32>
    %rsqrt3A = math.rsqrt %add3A_14 : vector<128xf32>
    %get3A_15 = arith.constant 0 : index
    %get3A_16 = vector.load %arg3[%get3A_15] : memref<128xf32, #tpu.memory_space<vmem>>, vector<128xf32>
    %mul3A_17 = arith.mulf %rsqrt3A, %get3A_16 : vector<128xf32>
    %get3A_18 = arith.constant 0 : index
    %get3A_19 = vector.load %arg4[%get3A_18] : memref<128xf32, #tpu.memory_space<vmem>>, vector<128xf32>
    %mul3A_20 = arith.mulf %mul3A_4, %mul3A_17 : vector<128xf32>
    %sub3A_21 = arith.subf %get3A_19, %mul3A_20 : vector<128xf32>
    %get3A_22 = arith.constant 0 : index
    %get3A_23 = arith.constant 0 : index
    %get3A_24 = vector.load %arg1[%get3A_22, %get3A_23] : memref<2000x128xf32, #tpu.memory_space<vmem>>, vector<2000x128xf32>
    %broadcast_in_dim3A = vector.shape_cast %mul3A_17 : vector<128xf32> to vector<1x128xf32>
    %mul3A_25 = vector.broadcast %broadcast_in_dim3A : vector<1x128xf32> to vector<2000x128xf32>
    %mul3A_26 = arith.mulf %get3A_24, %mul3A_25 : vector<2000x128xf32>
    %broadcast_in_dim3A_27 = vector.shape_cast %sub3A_21 : vector<128xf32> to vector<1x128xf32>
    %add3A_28 = vector.broadcast %broadcast_in_dim3A_27 : vector<1x128xf32> to vector<2000x128xf32>
    %add3A_29 = arith.addf %mul3A_26, %add3A_28 : vector<2000x128xf32>
    %max3A = arith.constant 0.000000e+00 : f32
    %max3A_30 = vector.broadcast %max3A : f32 to vector<2000x128xf32>
    %max3A_31 = arith.maximumf %add3A_29, %max3A_30 : vector<2000x128xf32>
    %swap3A = arith.constant 0 : index
    %swap3A_32 = arith.constant 0 : index
    %swap3A_33 = vector.load %arg7[%swap3A, %swap3A_32] : memref<2000x128xf32, #tpu.memory_space<vmem>>, vector<2000x128xf32>
    tpu.vector_store %arg7[%swap3A, %swap3A_32], %max3A_31 {strides = array<i32>} : memref<2000x128xf32, #tpu.memory_space<vmem>>, vector<2000x128xf32>,
    %get3A_34 = arith.constant 0 : index
    %get3A_35 = arith.constant 0 : index
    %get3A_36 = arith.constant 0 : index
    %get3A_37 = vector.load %arg5[%get3A_34, %get3A_35, %get3A_36] : memref<8x128x128xf32, #tpu.memory_space<vmem>>, vector<1x128x128xf32>
    %get3A_38 = vector.shape_cast %get3A_37 : vector<1x128x128xf32> to vector<128x128xf32>
    %dot_general3A = arith.constant dense<0.000000e+00> : vector<2000x128xf32>
    %dot_general3A_39 = tpu.matmul %max3A_31, %get3A_38, %dot_general3A {dimension_numbers = #tpu.dot_dimension_numbers<[1], [0], [0], [1], [0, 0, 1, 1], [], []>, transpose_lhs_hint = false} : vector<2000x128xf32>, vector<128x128xf32>, vector<2000x128xf32> -> vector<2000x128xf32>
    %swap3A_40 = arith.constant 0 : index
    %swap3A_41 = arith.constant 0 : index
    %swap3A_42 = arith.constant 0 : index
    %swap3A_43 = vector.load %arg6[%swap3A_40, %swap3A_41, %swap3A_42] : memref<8x2000x128xf32, #tpu.memory_space<vmem>>, vector<1x2000x128xf32>
    %swap3A_44 = vector.shape_cast %swap3A_43 : vector<1x2000x128xf32> to vector<2000x128xf32>
    %swap3A_45 = vector.shape_cast %dot_general3A_39 : vector<2000x128xf32> to vector<1x2000x128xf32>
    tpu.vector_store %arg6[%swap3A_40, %swap3A_41, %swap3A_42], %swap3A_45 {strides = array<i32>} : memref<8x2000x128xf32, #tpu.memory_space<vmem>>, vector<1x2000x128xf32>,
    %get3A_46 = arith.constant 1 : index
    %get3A_47 = arith.constant 0 : index
    %get3A_48 = arith.constant 0 : index
    %get3A_49 = vector.load %arg5[%get3A_46, %get3A_47, %get3A_48] : memref<8x128x128xf32, #tpu.memory_space<vmem>>, vector<1x128x128xf32>
    %get3A_50 = vector.shape_cast %get3A_49 : vector<1x128x128xf32> to vector<128x128xf32>
    %dot_general3A_51 = arith.constant dense<0.000000e+00> : vector<2000x128xf32>
    %dot_general3A_52 = tpu.matmul %max3A_31, %get3A_50, %dot_general3A_51 {dimension_numbers = #tpu.dot_dimension_numbers<[1], [0], [0], [1], [0, 0, 1, 1], [], []>, transpose_lhs_hint = false} : vector<2000x128xf32>, vector<128x128xf32>, vector<2000x128xf32> -> vector<2000x128xf32>
    %swap3A_53 = arith.constant 1 : index
    %swap3A_54 = arith.constant 0 : index
    %swap3A_55 = arith.constant 0 : index
    %swap3A_56 = vector.load %arg6[%swap3A_53, %swap3A_54, %swap3A_55] : memref<8x2000x128xf32, #tpu.memory_space<vmem>>, vector<1x2000x128xf32>
    %swap3A_57 = vector.shape_cast %swap3A_56 : vector<1x2000x128xf32> to vector<2000x128xf32>
    %swap3A_58 = vector.shape_cast %dot_general3A_52 : vector<2000x128xf32> to vector<1x2000x128xf32>
    tpu.vector_store %arg6[%swap3A_53, %swap3A_54, %swap3A_55], %swap3A_58 {strides = array<i32>} : memref<8x2000x128xf32, #tpu.memory_space<vmem>>, vector<1x2000x128xf32>,
    %get3A_59 = arith.constant 2 : index
    %get3A_60 = arith.constant 0 : index
    %get3A_61 = arith.constant 0 : index
    %get3A_62 = vector.load %arg5[%get3A_59, %get3A_60, %get3A_61] : memref<8x128x128xf32, #tpu.memory_space<vmem>>, vector<1x128x128xf32>
    %get3A_63 = vector.shape_cast %get3A_62 : vector<1x128x128xf32> to vector<128x128xf32>
    %dot_general3A_64 = arith.constant dense<0.000000e+00> : vector<2000x128xf32>
    %dot_general3A_65 = tpu.matmul %max3A_31, %get3A_63, %dot_general3A_64 {dimension_numbers = #tpu.dot_dimension_numbers<[1], [0], [0], [1], [0, 0, 1, 1], [], []>, transpose_lhs_hint = false} : vector<2000x128xf32>, vector<128x128xf32>, vector<2000x128xf32> -> vector<2000x128xf32>
    %swap3A_66 = arith.constant 2 : index
    %swap3A_67 = arith.constant 0 : index
    %swap3A_68 = arith.constant 0 : index
    %swap3A_69 = vector.load %arg6[%swap3A_66, %swap3A_67, %swap3A_68] : memref<8x2000x128xf32, #tpu.memory_space<vmem>>, vector<1x2000x128xf32>
    %swap3A_70 = vector.shape_cast %swap3A_69 : vector<1x2000x128xf32> to vector<2000x128xf32>
    %swap3A_71 = vector.shape_cast %dot_general3A_65 : vector<2000x128xf32> to vector<1x2000x128xf32>
    tpu.vector_store %arg6[%swap3A_66, %swap3A_67, %swap3A_68], %swap3A_71 {strides = array<i32>} : memref<8x2000x128xf32, #tpu.memory_space<vmem>>, vector<1x2000x128xf32>,
    %get3A_72 = arith.constant 3 : index
    %get3A_73 = arith.constant 0 : index
    %get3A_74 = arith.constant 0 : index
    %get3A_75 = vector.load %arg5[%get3A_72, %get3A_73, %get3A_74] : memref<8x128x128xf32, #tpu.memory_space<vmem>>, vector<1x128x128xf32>
    %get3A_76 = vector.shape_cast %get3A_75 : vector<1x128x128xf32> to vector<128x128xf32>
    %dot_general3A_77 = arith.constant dense<0.000000e+00> : vector<2000x128xf32>
    %dot_general3A_78 = tpu.matmul %max3A_31, %get3A_76, %dot_general3A_77 {dimension_numbers = #tpu.dot_dimension_numbers<[1], [0], [0], [1], [0, 0, 1, 1], [], []>, transpose_lhs_hint = false} : vector<2000x128xf32>, vector<128x128xf32>, vector<2000x128xf32> -> vector<2000x128xf32>
    %swap3A_79 = arith.constant 3 : index
    %swap3A_80 = arith.constant 0 : index
    %swap3A_81 = arith.constant 0 : index
    %swap3A_82 = vector.load %arg6[%swap3A_79, %swap3A_80, %swap3A_81] : memref<8x2000x128xf32, #tpu.memory_space<vmem>>, vector<1x2000x128xf32>
    %swap3A_83 = vector.shape_cast %swap3A_82 : vector<1x2000x128xf32> to vector<2000x128xf32>
    %swap3A_84 = vector.shape_cast %dot_general3A_78 : vector<2000x128xf32> to vector<1x2000x128xf32>
    tpu.vector_store %arg6[%swap3A_79, %swap3A_80, %swap3A_81], %swap3A_84 {strides = array<i32>} : memref<8x2000x128xf32, #tpu.memory_space<vmem>>, vector<1x2000x128xf32>,
    %get3A_85 = arith.constant 4 : index
    %get3A_86 = arith.constant 0 : index
    %get3A_87 = arith.constant 0 : index
    %get3A_88 = vector.load %arg5[%get3A_85, %get3A_86, %get3A_87] : memref<8x128x128xf32, #tpu.memory_space<vmem>>, vector<1x128x128xf32>
    %get3A_89 = vector.shape_cast %get3A_88 : vector<1x128x128xf32> to vector<128x128xf32>
    %dot_general3A_90 = arith.constant dense<0.000000e+00> : vector<2000x128xf32>
    %dot_general3A_91 = tpu.matmul %max3A_31, %get3A_89, %dot_general3A_90 {dimension_numbers = #tpu.dot_dimension_numbers<[1], [0], [0], [1], [0, 0, 1, 1], [], []>, transpose_lhs_hint = false} : vector<2000x128xf32>, vector<128x128xf32>, vector<2000x128xf32> -> vector<2000x128xf32>
    %swap3A_92 = arith.constant 4 : index
    %swap3A_93 = arith.constant 0 : index
    %swap3A_94 = arith.constant 0 : index
    %swap3A_95 = vector.load %arg6[%swap3A_92, %swap3A_93, %swap3A_94] : memref<8x2000x128xf32, #tpu.memory_space<vmem>>, vector<1x2000x128xf32>
    %swap3A_96 = vector.shape_cast %swap3A_95 : vector<1x2000x128xf32> to vector<2000x128xf32>
    %swap3A_97 = vector.shape_cast %dot_general3A_91 : vector<2000x128xf32> to vector<1x2000x128xf32>
    tpu.vector_store %arg6[%swap3A_92, %swap3A_93, %swap3A_94], %swap3A_97 {strides = array<i32>} : memref<8x2000x128xf32, #tpu.memory_space<vmem>>, vector<1x2000x128xf32>,
    %get3A_98 = arith.constant 5 : index
    %get3A_99 = arith.constant 0 : index
    %get3A_100 = arith.constant 0 : index
    %get3A_101 = vector.load %arg5[%get3A_98, %get3A_99, %get3A_100] : memref<8x128x128xf32, #tpu.memory_space<vmem>>, vector<1x128x128xf32>
    %get3A_102 = vector.shape_cast %get3A_101 : vector<1x128x128xf32> to vector<128x128xf32>
    %dot_general3A_103 = arith.constant dense<0.000000e+00> : vector<2000x128xf32>
    %dot_general3A_104 = tpu.matmul %max3A_31, %get3A_102, %dot_general3A_103 {dimension_numbers = #tpu.dot_dimension_numbers<[1], [0], [0], [1], [0, 0, 1, 1], [], []>, transpose_lhs_hint = false} : vector<2000x128xf32>, vector<128x128xf32>, vector<2000x128xf32> -> vector<2000x128xf32>
    %swap3A_105 = arith.constant 5 : index
    %swap3A_106 = arith.constant 0 : index
    %swap3A_107 = arith.constant 0 : index
    %swap3A_108 = vector.load %arg6[%swap3A_105, %swap3A_106, %swap3A_107] : memref<8x2000x128xf32, #tpu.memory_space<vmem>>, vector<1x2000x128xf32>
    %swap3A_109 = vector.shape_cast %swap3A_108 : vector<1x2000x128xf32> to vector<2000x128xf32>
    %swap3A_110 = vector.shape_cast %dot_general3A_104 : vector<2000x128xf32> to vector<1x2000x128xf32>
    tpu.vector_store %arg6[%swap3A_105, %swap3A_106, %swap3A_107], %swap3A_110 {strides = array<i32>} : memref<8x2000x128xf32, #tpu.memory_space<vmem>>, vector<1x2000x128xf32>,
    %get3A_111 = arith.constant 6 : index
    %get3A_112 = arith.constant 0 : index
    %get3A_113 = arith.constant 0 : index
    %get3A_114 = vector.load %arg5[%get3A_111, %get3A_112, %get3A_113] : memref<8x128x128xf32, #tpu.memory_space<vmem>>, vector<1x128x128xf32>
    %get3A_115 = vector.shape_cast %get3A_114 : vector<1x128x128xf32> to vector<128x128xf32>
    %dot_general3A_116 = arith.constant dense<0.000000e+00> : vector<2000x128xf32>
    %dot_general3A_117 = tpu.matmul %max3A_31, %get3A_115, %dot_general3A_116 {dimension_numbers = #tpu.dot_dimension_numbers<[1], [0], [0], [1], [0, 0, 1, 1], [], []>, transpose_lhs_hint = false} : vector<2000x128xf32>, vector<128x128xf32>, vector<2000x128xf32> -> vector<2000x128xf32>
    %swap3A_118 = arith.constant 6 : index
    %swap3A_119 = arith.constant 0 : index
    %swap3A_120 = arith.constant 0 : index
    %swap3A_121 = vector.load %arg6[%swap3A_118, %swap3A_119, %swap3A_120] : memref<8x2000x128xf32, #tpu.memory_space<vmem>>, vector<1x2000x128xf32>
    %swap3A_122 = vector.shape_cast %swap3A_121 : vector<1x2000x128xf32> to vector<2000x128xf32>
    %swap3A_123 = vector.shape_cast %dot_general3A_117 : vector<2000x128xf32> to vector<1x2000x128xf32>
    tpu.vector_store %arg6[%swap3A_118, %swap3A_119, %swap3A_120], %swap3A_123 {strides = array<i32>} : memref<8x2000x128xf32, #tpu.memory_space<vmem>>, vector<1x2000x128xf32>,
    %get3A_124 = arith.constant 7 : index
    %get3A_125 = arith.constant 0 : index
    %get3A_126 = arith.constant 0 : index
    %get3A_127 = vector.load %arg5[%get3A_124, %get3A_125, %get3A_126] : memref<8x128x128xf32, #tpu.memory_space<vmem>>, vector<1x128x128xf32>
    %get3A_128 = vector.shape_cast %get3A_127 : vector<1x128x128xf32> to vector<128x128xf32>
    %dot_general3A_129 = arith.constant dense<0.000000e+00> : vector<2000x128xf32>
    %dot_general3A_130 = tpu.matmul %max3A_31, %get3A_128, %dot_general3A_129 {dimension_numbers = #tpu.dot_dimension_numbers<[1], [0], [0], [1], [0, 0, 1, 1], [], []>, transpose_lhs_hint = false} : vector<2000x128xf32>, vector<128x128xf32>, vector<2000x128xf32> -> vector<2000x128xf32>
    %swap3A_131 = arith.constant 7 : index
    %swap3A_132 = arith.constant 0 : index
    %swap3A_133 = arith.constant 0 : index
    %swap3A_134 = vector.load %arg6[%swap3A_131, %swap3A_132, %swap3A_133] : memref<8x2000x128xf32, #tpu.memory_space<vmem>>, vector<1x2000x128xf32>
    %swap3A_135 = vector.shape_cast %swap3A_134 : vector<1x2000x128xf32> to vector<2000x128xf32>
    %swap3A_136 = vector.shape_cast %dot_general3A_130 : vector<2000x128xf32> to vector<1x2000x128xf32>
    tpu.vector_store %arg6[%swap3A_131, %swap3A_132, %swap3A_133], %swap3A_136 {strides = array<i32>} : memref<8x2000x128xf32, #tpu.memory_space<vmem>>, vector<1x2000x128xf32>,
    return
  }
  func.func @transform_0(%arg0: i32) -> (i32, i32) {
    %c0_i32 = arith.constant 0 : i32
    %c0_i32_0 = arith.constant 0 : i32
    return %arg0, %c0_i32 : i32, i32
  }
  func.func @transform_1(%arg0: i32) -> (i32, i32) {
    %c0_i32 = arith.constant 0 : i32
    %c0_i32_0 = arith.constant 0 : i32
    %c0_i32_1 = arith.constant 0 : i32
    return %c0_i32, %c0_i32_0 : i32, i32
  }
  func.func @transform_2(%arg0: i32) -> i32 {
    %c0_i32 = arith.constant 0 : i32
    %c0_i32_0 = arith.constant 0 : i32
    return %c0_i32 : i32
  }
  func.func @transform_3(%arg0: i32) -> i32 {
    %c0_i32 = arith.constant 0 : i32
    %c0_i32_0 = arith.constant 0 : i32
    return %c0_i32 : i32
  }
  func.func @transform_4(%arg0: i32) -> (i32, i32, i32) {
    %c0_i32 = arith.constant 0 : i32
    %c0_i32_0 = arith.constant 0 : i32
    %c0_i32_1 = arith.constant 0 : i32
    %c0_i32_2 = arith.constant 0 : i32
    return %c0_i32, %c0_i32_0, %c0_i32_1 : i32, i32, i32
  }
  func.func @transform_5(%arg0: i32) -> (i32, i32, i32) {
    %c0_i32 = arith.constant 0 : i32
    %c0_i32_0 = arith.constant 0 : i32
    %c0_i32_1 = arith.constant 0 : i32
    return %c0_i32, %arg0, %c0_i32_0 : i32, i32, i32
  }
  func.func @transform_6(%arg0: i32) -> (i32, i32) {
    %c0_i32 = arith.constant 0 : i32
    %c0_i32_0 = arith.constant 0 : i32
    return %arg0, %c0_i32 : i32, i32
  }
}

module attributes {stable_mosaic.version = 14 : i64} {
  func.func @_stage3_body(%arg0: i32, %arg1: memref<2000x128xf32, #tpu.memory_space<vmem>>, %arg2: memref<2000x128xf32, #tpu.memory_space<vmem>>, %arg3: memref<2000x128xf32, #tpu.memory_space<vmem>>, %arg4: memref<2x128xf32, #tpu.memory_space<vmem>>, %arg5: memref<128xf32, #tpu.memory_space<vmem>>, %arg6: memref<128xf32, #tpu.memory_space<vmem>>, %arg7: memref<3x2000x128xf32, #tpu.memory_space<vmem>>) attributes {dimension_semantics = [#tpu.dimension_semantics<arbitrary>], iteration_bounds = array<i64: 5>, scalar_prefetch = 0 : i64, scratch_operands = 0 : i64, tpu.core_type = #tpu.core_type<tc>, window_params = [{transform_indices = @transform_0, window_bounds = array<i64: 2000, 128>}, {transform_indices = @transform_1, window_bounds = array<i64: 2000, 128>}, {transform_indices = @transform_2, window_bounds = array<i64: 2000, 128>}, {pipeline_mode = #tpu.pipeline_mode<synchronous>, transform_indices = @transform_3, window_bounds = array<i64: 2, 128>}, {pipeline_mode = #tpu.pipeline_mode<synchronous>, transform_indices = @transform_4, window_bounds = array<i64: 128>}, {pipeline_mode = #tpu.pipeline_mode<synchronous>, transform_indices = @transform_5, window_bounds = array<i64: 128>}, {transform_indices = @transform_6, window_bounds = array<i64: 3, 2000, 128>}]} {
    %get3A = arith.constant 0 : index
    %get3A_0 = arith.constant 0 : index
    %get3A_1 = vector.load %arg4[%get3A, %get3A_0] : memref<2x128xf32, #tpu.memory_space<vmem>>, vector<1x128xf32>
    %get3A_2 = vector.shape_cast %get3A_1 : vector<1x128xf32> to vector<128xf32>
    %mul3A = arith.constant 9.99999974E-5 : f32
    %mul3A_3 = vector.broadcast %mul3A : f32 to vector<128xf32>
    %mul3A_4 = arith.mulf %get3A_2, %mul3A_3 : vector<128xf32>
    %get3A_5 = arith.constant 1 : index
    %get3A_6 = arith.constant 0 : index
    %get3A_7 = vector.load %arg4[%get3A_5, %get3A_6] : memref<2x128xf32, #tpu.memory_space<vmem>>, vector<1x128xf32>
    %get3A_8 = vector.shape_cast %get3A_7 : vector<1x128xf32> to vector<128xf32>
    %mul3A_9 = arith.constant 9.99999974E-5 : f32
    %mul3A_10 = vector.broadcast %mul3A_9 : f32 to vector<128xf32>
    %mul3A_11 = arith.mulf %get3A_8, %mul3A_10 : vector<128xf32>
    %mul3A_12 = arith.mulf %mul3A_4, %mul3A_4 : vector<128xf32>
    %sub3A = arith.subf %mul3A_11, %mul3A_12 : vector<128xf32>
    %add3A = arith.constant 9.99999974E-6 : f32
    %add3A_13 = vector.broadcast %add3A : f32 to vector<128xf32>
    %add3A_14 = arith.addf %sub3A, %add3A_13 : vector<128xf32>
    %rsqrt3A = math.rsqrt %add3A_14 : vector<128xf32>
    %get3A_15 = arith.constant 0 : index
    %get3A_16 = vector.load %arg5[%get3A_15] : memref<128xf32, #tpu.memory_space<vmem>>, vector<128xf32>
    %mul3A_17 = arith.mulf %rsqrt3A, %get3A_16 : vector<128xf32>
    %get3A_18 = arith.constant 0 : index
    %get3A_19 = vector.load %arg6[%get3A_18] : memref<128xf32, #tpu.memory_space<vmem>>, vector<128xf32>
    %mul3A_20 = arith.mulf %mul3A_4, %mul3A_17 : vector<128xf32>
    %sub3A_21 = arith.subf %get3A_19, %mul3A_20 : vector<128xf32>
    %get3A_22 = arith.constant 0 : index
    %get3A_23 = arith.constant 0 : index
    %get3A_24 = vector.load %arg1[%get3A_22, %get3A_23] : memref<2000x128xf32, #tpu.memory_space<vmem>>, vector<2000x128xf32>
    %swap3A = arith.constant 0 : index
    %swap3A_25 = arith.constant 0 : index
    %swap3A_26 = arith.constant 0 : index
    %swap3A_27 = vector.load %arg7[%swap3A, %swap3A_25, %swap3A_26] : memref<3x2000x128xf32, #tpu.memory_space<vmem>>, vector<1x2000x128xf32>
    %swap3A_28 = vector.shape_cast %swap3A_27 : vector<1x2000x128xf32> to vector<2000x128xf32>
    %swap3A_29 = vector.shape_cast %get3A_24 : vector<2000x128xf32> to vector<1x2000x128xf32>
    tpu.vector_store %arg7[%swap3A, %swap3A_25, %swap3A_26], %swap3A_29 {strides = array<i32>} : memref<3x2000x128xf32, #tpu.memory_space<vmem>>, vector<1x2000x128xf32>,
    %get3A_30 = arith.constant 0 : index
    %get3A_31 = arith.constant 0 : index
    %get3A_32 = vector.load %arg2[%get3A_30, %get3A_31] : memref<2000x128xf32, #tpu.memory_space<vmem>>, vector<2000x128xf32>
    %swap3A_33 = arith.constant 1 : index
    %swap3A_34 = arith.constant 0 : index
    %swap3A_35 = arith.constant 0 : index
    %swap3A_36 = vector.load %arg7[%swap3A_33, %swap3A_34, %swap3A_35] : memref<3x2000x128xf32, #tpu.memory_space<vmem>>, vector<1x2000x128xf32>
    %swap3A_37 = vector.shape_cast %swap3A_36 : vector<1x2000x128xf32> to vector<2000x128xf32>
    %swap3A_38 = vector.shape_cast %get3A_32 : vector<2000x128xf32> to vector<1x2000x128xf32>
    tpu.vector_store %arg7[%swap3A_33, %swap3A_34, %swap3A_35], %swap3A_38 {strides = array<i32>} : memref<3x2000x128xf32, #tpu.memory_space<vmem>>, vector<1x2000x128xf32>,
    %get3A_39 = arith.constant 0 : index
    %get3A_40 = arith.constant 0 : index
    %get3A_41 = vector.load %arg3[%get3A_39, %get3A_40] : memref<2000x128xf32, #tpu.memory_space<vmem>>, vector<2000x128xf32>
    %broadcast_in_dim3A = vector.shape_cast %mul3A_17 : vector<128xf32> to vector<1x128xf32>
    %mul3A_42 = vector.broadcast %broadcast_in_dim3A : vector<1x128xf32> to vector<2000x128xf32>
    %mul3A_43 = arith.mulf %get3A_41, %mul3A_42 : vector<2000x128xf32>
    %broadcast_in_dim3A_44 = vector.shape_cast %sub3A_21 : vector<128xf32> to vector<1x128xf32>
    %add3A_45 = vector.broadcast %broadcast_in_dim3A_44 : vector<1x128xf32> to vector<2000x128xf32>
    %add3A_46 = arith.addf %mul3A_43, %add3A_45 : vector<2000x128xf32>
    %max3A = arith.constant 0.000000e+00 : f32
    %max3A_47 = vector.broadcast %max3A : f32 to vector<2000x128xf32>
    %max3A_48 = arith.maximumf %add3A_46, %max3A_47 : vector<2000x128xf32>
    %swap3A_49 = arith.constant 2 : index
    %swap3A_50 = arith.constant 0 : index
    %swap3A_51 = arith.constant 0 : index
    %swap3A_52 = vector.load %arg7[%swap3A_49, %swap3A_50, %swap3A_51] : memref<3x2000x128xf32, #tpu.memory_space<vmem>>, vector<1x2000x128xf32>
    %swap3A_53 = vector.shape_cast %swap3A_52 : vector<1x2000x128xf32> to vector<2000x128xf32>
    %swap3A_54 = vector.shape_cast %max3A_48 : vector<2000x128xf32> to vector<1x2000x128xf32>
    tpu.vector_store %arg7[%swap3A_49, %swap3A_50, %swap3A_51], %swap3A_54 {strides = array<i32>} : memref<3x2000x128xf32, #tpu.memory_space<vmem>>, vector<1x2000x128xf32>,
    return
  }
  func.func @transform_0(%arg0: i32) -> (i32, i32) {
    %c0_i32 = arith.constant 0 : i32
    %c0_i32_0 = arith.constant 0 : i32
    return %arg0, %c0_i32 : i32, i32
  }
  func.func @transform_1(%arg0: i32) -> (i32, i32) {
    %c0_i32 = arith.constant 0 : i32
    %c0_i32_0 = arith.constant 0 : i32
    return %arg0, %c0_i32 : i32, i32
  }
  func.func @transform_2(%arg0: i32) -> (i32, i32) {
    %c0_i32 = arith.constant 0 : i32
    %c0_i32_0 = arith.constant 0 : i32
    return %arg0, %c0_i32 : i32, i32
  }
  func.func @transform_3(%arg0: i32) -> (i32, i32) {
    %c0_i32 = arith.constant 0 : i32
    %c0_i32_0 = arith.constant 0 : i32
    %c0_i32_1 = arith.constant 0 : i32
    return %c0_i32, %c0_i32_0 : i32, i32
  }
  func.func @transform_4(%arg0: i32) -> i32 {
    %c0_i32 = arith.constant 0 : i32
    %c0_i32_0 = arith.constant 0 : i32
    return %c0_i32 : i32
  }
  func.func @transform_5(%arg0: i32) -> i32 {
    %c0_i32 = arith.constant 0 : i32
    %c0_i32_0 = arith.constant 0 : i32
    return %c0_i32 : i32
  }
  func.func @transform_6(%arg0: i32) -> (i32, i32, i32) {
    %c0_i32 = arith.constant 0 : i32
    %c0_i32_0 = arith.constant 0 : i32
    %c0_i32_1 = arith.constant 0 : i32
    return %c0_i32, %arg0, %c0_i32_0 : i32, i32, i32
  }
}

</mosaic_0001>

<sc_bundles>
// kernel: edge_agg.4.cloned.1.call-start
scs
__scs_entry_jumppad:
0x0: {  	(pc) =	sbr.rel $0x88, $3  }
0x1: {  	(tag) =	ssettag $0x0;
	lr =	simm.s32 $0x1  }
0x2: {  	[smem:$0x3F88] =	sst lr;
	_ =	strace $0xD0000000  }
0x3: {  	_ = 	snop  }
0x4: {  	_ = 	snop  }
0x5: {  	_ = 	snop  }
0x6: {  	_ = 	snop  }
0x7: {  	_ = 	snop  }
__scs_overlays_trampoline_lowered:
0x8: {  	[smem:$0x3F97] =	sst s0  }
0x9: {  	[smem:$0x3F98] =	sst s1  }
0xa: {  	[smem:$0x3F99] =	sst s2  }
0xb: {  	[smem:$0x3F9A] =	sst s3  }
0xc: {  	[smem:$0x3F9B] =	sst s4  }
0xd: {  	[smem:$0x3F9C] =	sst s5  }
0xe: {  	[smem:$0x3F9D] =	sst s6  }
0xf: {  	[smem:$0x3F9E] =	sst s7  }
0x10: {  	[smem:$0x3F9F] =	sst s8  }
0x11: {  	[smem:$0x3FA0] =	sst s9;
	s0 =	simm.s32 @!p0 $0x0  }
0x12: {  	s1 =	sld [smem:$0x3F86];
	s0 =	simm.s32 @p0 $0x1  }
0x13: {  	[smem:$0x3FA1] =	sst s0;
	s0 =	simm.s32 @!p1 $0x0  }
0x14: {  	s2 =	sld [smem:$0x3F85];
	s0 =	simm.s32 @p1 $0x1  }
0x15: {  	[smem:$0x3FA2] =	sst s0;
	s0 =	simm.s32 @!p2 $0x0  }
0x16: {  	s3 =	sld [smem:$0x3FDB];
	s0 =	simm.s32 @p2 $0x1  }
0x17: {  	s4 =	simm.s32 $0x1BF5;
	[smem:$0x3FA4] =	sst s0  }
0x18: {  	s0 =	sld [smem:$0x3F87];
	_ =	swait.ge [sflag:s4], $0x0  }
0x19: {  	s7 =	sld [smem:$0x3F88]  }
0x1a: {  	s8 =	sadd.s32 $0xFFFFE003, lr  }
0x1b: {  	s9 =	sadd.s32 $0xFFFFFEF7, lr;
	s5 =	simm.s32 $0xFFFFFFFF;
	p2 =	slt.u32 s8, $0xFFFFF086  }
0x1c: {  	p1 =	slt.u32 s9, $0xF7A;
	s5 =	simm.s32 @!p2 $0x0  }
0x1d: {  	s5 =	simm.s32 @p1 $0x1;
	p0 =	seq.s32 s7, s2  }
0x1e: {  	s7 =	smul.u32 @!p0 $0xF7A, s2;
	p2 =	seq.s32 @!p0 s5, $0x0  }
0x1f: {  	s9 =	smul.u32 $0xF7A, s1;
	s8 =	simm.s32 @!p0 $0x1BF5;
	p2 =	por !p2, p0  }
0x20: {  	[sflag:s8] =	ssyncset.s32 @!p0 $0xFFFFF086;
	s6 =	sadd.s32 @!p0 s3, s7;
	s7 =	simm.s32 @!p0 $0x108  }
0x21: {  	s3 =	sadd.s32 s3, s9;
	s6 =	sadd.s32 @!p0 $0x88, s6;
	s7 =	simm.s32 @p2 $0x1082  }
0x22: {  	[simem:s7], [sflag:s8] =	dma.local @!p0 [hbm:s6], $0xF7A  }
0x23: {  	s9 =	sor.u32 $0xD0000000, s2;
	s6 =	simm.s32 $0x108;
	_ =	swait.ge @!p0 [sflag:s8], $0x0  }
0x24: {  	s3 =	sadd.s32 $0x88, s3;
	s6 =	simm.s32 @!p1 $0x1082;
	[sflag:s4] =	ssyncset.s32 $0xFFFFF086  }
0x25: {  	[simem:s6], [sflag:s4] =	dma.local [hbm:s3], $0xF7A  }
0x26: {  	[smem:$0x3F88] =	sst s1;
	(tag) =	ssettag s2;
	_ =	strace s9  }
0x27: {  	s1 =	sld [smem:$0x3F98]  }
0x28: {  	s2 =	sld [smem:$0x3F99]  }
0x29: {  	s4 =	sld [smem:$0x3F9B]  }
0x2a: {  	p0 =	seq.s32 s5, $0x0;
	s5 =	sld [smem:$0x3F9C]  }
0x2b: {  	s6 =	sld [smem:$0x3F9D]  }
0x2c: {  	s7 =	sld [smem:$0x3F9E]  }
0x2d: {  	s3 =	simm.s32 $0x108;
	s8 =	sld [smem:$0x3F9F]  }
0x2e: {  	s3 =	simm.s32 @!p0 $0x1082;
	s9 =	sld [smem:$0x3FA0]  }
0x2f: {  	lr =	sadd.s32 s0, s3;
	s0 =	sld [smem:$0x3F97]  }
0x30: {  	s3 =	sld [smem:$0x3F9A]  }
0x31: {  	[smem:$0x3FA3] =	sst s10  }
0x32: {  	s10 =	sld [smem:$0x3FA1];
	_ =	sdelay $0x3  }
0x33: {  	p0 =	seq.s32 s10, $0x1;
	s10 =	sld [smem:$0x3FA3];
	_ =	sdelay $0x3  }
0x34: {  	[smem:$0x3FA3] =	sst s10  }
0x35: {  	s10 =	sld [smem:$0x3FA2];
	_ =	sdelay $0x3  }
0x36: {  	p1 =	seq.s32 s10, $0x1;
	s10 =	sld [smem:$0x3FA3];
	_ =	sdelay $0x3  }
0x37: {  	[smem:$0x3FA3] =	sst s10  }
0x38: {  	s10 =	sld [smem:$0x3FA4]  }
0x39: {  	_ = 	snop;
	(pc) =	sbr.ind lr, $3  }
0x3a: {  	_ = 	snop  }
0x3b: {  	_ = 	snop  }
0x3c: {  	p2 =	seq.s32 s10, $0x1;
	s10 =	sld [smem:$0x3FA3]  }
0x3d: {  	_ =	shalt  }
0x3e: {  	_ =	shalt  }
0x3f: {  	_ =	shalt  }
0x40: {  	_ =	shalt  }
0x41: {  	_ =	shalt  }
0x42: {  	_ =	shalt  }
0x43: {  	_ =	shalt  }
0x44: {  	_ =	shalt  }
0x45: {  	_ =	shalt  }
0x46: {  	_ =	shalt  }
0x47: {  	_ =	shalt  }
0x48: {  	_ =	shalt  }
0x49: {  	_ =	shalt  }
0x4a: {  	_ =	shalt  }
0x4b: {  	_ =	shalt  }
0x4c: {  	_ =	shalt  }
0x4d: {  	_ =	shalt  }
0x4e: {  	_ =	shalt  }
0x4f: {  	_ =	shalt  }
0x50: {  	_ =	shalt  }
0x51: {  	_ =	shalt  }
0x52: {  	_ =	shalt  }
0x53: {  	_ =	shalt  }
0x54: {  	_ =	shalt  }
0x55: {  	_ =	shalt  }
0x56: {  	_ =	shalt  }
0x57: {  	_ =	shalt  }
0x58: {  	_ =	shalt  }
0x59: {  	_ =	shalt  }
0x5a: {  	_ =	shalt  }
0x5b: {  	_ =	shalt  }
0x5c: {  	_ =	shalt  }
0x5d: {  	_ =	shalt  }
0x5e: {  	_ =	shalt  }
0x5f: {  	_ =	shalt  }
0x60: {  	_ =	shalt  }
0x61: {  	_ =	shalt  }
0x62: {  	_ =	shalt  }
0x63: {  	_ =	shalt  }
0x64: {  	_ =	shalt  }
0x65: {  	_ =	shalt  }
0x66: {  	_ =	shalt  }
0x67: {  	_ =	shalt  }
0x68: {  	_ =	shalt  }
0x69: {  	_ =	shalt  }
0x6a: {  	_ =	shalt  }
0x6b: {  	_ =	shalt  }
0x6c: {  	_ =	shalt  }
0x6d: {  	_ =	shalt  }
0x6e: {  	_ =	shalt  }
0x6f: {  	_ =	shalt  }
0x70: {  	_ =	shalt  }
0x71: {  	_ =	shalt  }
0x72: {  	_ =	shalt  }
0x73: {  	_ =	shalt  }
0x74: {  	_ =	shalt  }
0x75: {  	_ =	shalt  }
0x76: {  	_ =	shalt  }
0x77: {  	_ =	shalt  }
0x78: {  	_ =	shalt  }
0x79: {  	_ =	shalt  }
0x7a: {  	_ =	shalt  }
0x7b: {  	_ =	shalt  }
0x7c: {  	_ =	shalt  }
0x7d: {  	_ =	shalt  }
0x7e: {  	_ =	shalt  }
0x7f: {  	_ =	shalt  }
0x80: {  	_ =	shalt  }
0x81: {  	_ =	shalt  }
0x82: {  	_ =	shalt  }
0x83: {  	_ =	shalt  }
0x84: {  	_ =	shalt  }
0x85: {  	_ =	shalt  }
0x86: {  	_ =	shalt  }
0x87: {  	_ =	shalt  }
.Lfunc_end0:
.L_simem_size_0:
called_computation_lowered:
.L_overlay_start_0:
0x88: {  	s2 =	sld [smem:$0x3FD9]  }
0x89: {  	s3 =	sld [smem:$0x3FFE];
	_ =	sdelay $0x1  }
0x8a: {  	s1 =	srdreg.scid  }
0x8b: {  	s0 =	sand.u32 $0x1, s1  }
0x8c: {  	s17 =	sshll.u32 s0, $0xA;
	s2 =	sadd.s32 s3, s2  }
0x8d: {  	s2 =	sadd.s32 s2, s17  }
0x8e: {  	[smem:$0x3FAF] =	sst s2  }
0x8f: {  	_ = 	snop  }
0x90: {  	s2 =	sld [smem:$0x3FD0];
	(tm) =	ssettm $0x1  }
0x91: {  	s18 =	sld [smem:$0x3FFB];
	_ =	sdelay $0x3  }
0x92: {  	_ =	strace s18  }
0x93: {  	s3 =	sld [smem:$0x3FFC];
	_ =	sdelay $0x3  }
0x94: {  	_ =	strace s3  }
0x95: {  	s3 =	sld [smem:$0x3FFD];
	_ =	sdelay $0x3  }
0x96: {  	_ =	strace s3  }
0x97: {  	_ =	strace $0x8FFFFFFF  }
0x98: {  	s19 =	sld [smem:$0x3FDB];
	_ =	sdelay $0x1  }
0x99: {  	s4 =	simm.s32 $_scs_section_size  }
0x9a: {  	s5 =	simm.s32 $_size__tile_overlayer_lowered;
	s6 =	simm.s32 $_tile_overlayer_lowered  }
0x9b: {  	s22 =	simm.s32 $0x1BFF;
	s21 =	sshll.u32 s6, $0x1;
	s3 =	sadd.s32 s4, s19  }
0x9c: {  	s7 =	simm.s32 $0x0;
	s20 =	sshll.u32 s5, $0x1;
	s5 =	sadd.s32 s21, s3  }
0x9d: {  	[timem:s7], [sflag:s22] =	dma.local [hbm:s5], s20  }
0x9e: {  	_ =	swait.ge [sflag:s22], s20  }
0x9f: {  	s4 =	ssub.s32 $0x0, s20;
	[sflag:s22] =	ssyncset.done $0x0  }
0xa0: {  	[sflag:s22] =	ssyncadd.s32 s4;
	_ =	sdelay $0x1  }
0xa1: {  	s23 =	simm.s32 $0x1B8B  }
0xa2: {  	_ =	swait.ge [sflag:s23], $0x1  }
0xa3: {  	[sflag:s23] =	ssyncset.done $0x0  }
0xa4: {  	s25 =	simm.s32 $0x1B8E;
	s24 =	sld [smem:$0x3FFE];
	[sflag:s23] =	ssyncadd.s32 $0xFFFFFFFF  }
0xa5: {  	s26 =	simm.s32 $execute0_lowered;
	[smem:$0x3FD2] =	sst s25  }
0xa6: {  	s5 =	sshll.u32 s26, $0x1;
	_ =	strace $0x80000046;
	[dreg:$0x1] =	wrdreg $0xFFFFFFFF  }
0xa7: {  	s28 =	simm.s32 $_size_execute0_lowered;
	s3 =	sadd.s32 s3, s5;
	[dreg:$0x0] =	wrdreg $0x0  }
0xa8: {  	s5 =	sshll.u32 s28, $0x1;
	[dreg:$0x2] =	wrdreg s3  }
0xa9: {  	[dreg:$0x3] =	wrdreg s5  }
0xaa: {  	[dreg:$0x4] =	wrdreg $0xC0  }
0xab: {  	_ =	task [dreg:s7], $0x5FFFF  }
0xac: {  	[dreg:$0x1] =	wrdreg $0xFFFFFFFF  }
0xad: {  	[dreg:$0x0] =	wrdreg $0x60  }
0xae: {  	[dreg:$0x2] =	wrdreg s24  }
0xaf: {  	[dreg:$0x3] =	wrdreg s2  }
0xb0: {  	[dreg:$0x4] =	wrdreg $0xA8000  }
0xb1: {  	[dreg:$0x5] =	wrdreg $0x9  }
0xb2: {  	_ =	task.clear_ibuf [dreg:s7], $0x6FFFF;
	_ =	strace $0x90000046  }
0xb3: {  	s29 =	simm.s32 $0x9;
	_ =	strace $0x80000048  }
0xb4: {  	_ =	swait.ge [sflag:s29], $0x1  }
0xb5: {  	[sflag:s29] =	ssyncadd.s32 $0xFFFFFFFF  }
0xb6: {  	_ =	strace $0x90000048  }
0xb7: {  	_ =	sfence  }
0xb8: {  	s30 =	sld [smem:$0x0];
	_ =	sdelay $0x2  }
0xb9: {  	s31 =	sshll.u32 s1, $0xD;
	s1 =	sshrl.u32 s1, $0x2  }
0xba: {  	s3 =	sand.u32 $0x4000, s31;
	s1 =	sadd.s32 s1, s30  }
0xbb: {  	s0 =	sor.u32 s3, s0;
	s1 =	sshll.u32 s1, $0x11  }
0xbc: {  	s0 =	sor.u32 s1, s0  }
0xbd: {  	s0 =	sadd.s32 $0x8F2B, s0  }
0xbe: {  	[sflag:s0] =	ssyncadd.remote.s32 $0x1  }
0xbf: {  	_ =	sfence.sel $0xFFFF  }
0xc0: {  	[dreg:$0x0] =	wrdreg $0xFFFFFFFF;
	(pc) =	sbr.abs _section_cstart, $3  }
0xc1: {  	[dreg:$0x1] =	wrdreg $0xFFFFFFFF  }
0xc2: {  	_ =	task.clear_ibuf [dreg:s7], $0x2FFFF;
	_ =	strace $0x9FFFFFFF  }
0xc3: {  	(tm) =	ssettm $0x7FFFFFFF  }
tec
execute0_lowered:
.L_overlay_start_1:
0x0: {  	(tag) =	ssettag $0x1  }
0x1: {  	s0 =	rddreg [dreg:$0x0]  }
0x2: {  	s1 =	rddreg [dreg:$0x1]  }
0x3: {  	s2 =	rddreg [dreg:$0x2];
	s3 =	simm.s32 $0x0;
	s4 =	srdreg.scid  }
0x4: {  	s11 =	stileid.u32;
	s28 =	simm.s32 $0x6800;
	s29 =	simm.s32 $0x180  }
0x5: {  	s30 =	simm.s32 $0x8800;
	s31 =	simm.s32 $0x1;
	[smem:$0x7FF] =	sst s3  }
0x6: {  	s6 =	sand.u32 $0x1, s4;
	s5 =	smul.u32 $0x50000, s11;
	s4 =	sadd.s32 $0x18200, s0  }
0x7: {  	s0 =	sadd.s32 $0x4200, s0;
	s9 =	sshll.u32 s11, $0x3;
	s24 =	smul.u32 $0x14000, s11  }
0x8: {  	_ =	strace $0x80000047;
	s7 =	ssub.s32 $0x2, s6;
	s5 =	sshrl.u32 s5, $0x2  }
0x9: {  	s10 =	sshll.u32 s6, $0x2;
	s6 =	smul.u32 $0x140000, s6;
	s5 =	sadd.s32 s5, s2  }
0xa: {  	s8 =	sshrl.u32 s7, $0x1;
	s16 =	sor.u32 s10, s9;
	s15 =	sadd.s32 $0x2000, s5  }
0xb: {  	s10 =	simm.s32 $0x2780;
	s17 =	sadd.s32 $0x4000, s5;
	[dreg:$0x4] =	wrdreg s15  }
0xc: {  	s7 =	ssub.s32 s7, s8;
	s18 =	sadd.s32 $0x6000, s5;
	[dreg:$0x5] =	wrdreg s17  }
0xd: {  	s19 =	smul.u32 $0x1400, s16;
	s20 =	sadd.s32 $0x8000, s5;
	[dreg:$0x6] =	wrdreg s18  }
0xe: {  	s8 =	smul.u32 $0x280, s16;
	s21 =	sadd.s32 $0xA000, s5;
	[dreg:$0x7] =	wrdreg s20  }
0xf: {  	s6 =	sadd.s32 s24, s6;
	s22 =	sadd.s32 $0xC000, s5;
	[dreg:$0x8] =	wrdreg s21  }
0x10: {  	s24 =	simm.s32 $0x80;
	s23 =	sadd.s32 $0xE000, s5;
	[dreg:$0x9] =	wrdreg s22  }
0x11: {  	s25 =	sadd.s32 $0x10000, s5;
	s14 =	sadd.s32 $0x12000, s5;
	[dreg:$0xa] =	wrdreg s23  }
0x12: {  	s26 =	sshrl.u32 s6, $0x3;
	s6 =	simm.s32 $0x4;
	[dreg:$0xb] =	wrdreg s25  }
0x13: {  	s9 =	sshrl.u32 s19, $0x3;
	s15 =	sadd.s32 s0, s8;
	s19 =	sadd.s32 s1, s26  }
0x14: {  	s20 =	smax.u32 s7, $0x1;
	s21 =	simm.s32 $0x2800;
	s22 =	simm.s32 $0x5  }
0x15: {  	s23 =	simm.s32 $0x40;
	s25 =	simm.s32 $0x4800;
	s26 =	simm.s32 $0x100  }
0x16: {  	s1 =	simm.s32 $0x3;
	s7 =	simm.s32 $0x2600;
	s9 =	sadd.s32 s0, s9  }
0x17: {  	s8 =	simm.s32 $0x2680;
	s0 =	simm.s32 $0x2;
	s16 =	sadd.s32 $0x280, s9  }
0x18: {  	v0 =	vimm.f32 $0.0e+00;
	s17 =	sadd.s32 $0x500, s9;
	s18 =	sadd.s32 $0x780, s9;
	s9 =	simm.s32 $0x2700  }
.LBB2_1:
0x19: {  	s11 =	simm.s32 $0x0;
	s12 =	simm.s32 $0x200  }
.LBB2_2:
0x1a: {  	p0 =	sne.s32 s12, $0x7E00;
	[tilespmem:s11+$0x2870] =	vst v0  }
0x1b: {  	[tilespmem:s11+$0x2800] =	vst v0  }
0x1c: {  	[tilespmem:s11+$0x2810] =	vst v0  }
.Ltmp0:
0x1d: {  	[tilespmem:s11+$0x2820] =	vst v0;
	(pc) =	sbr.rel @p0 .LBB2_2-.Ltmp0, $4  }
0x1e: {  	[tilespmem:s11+$0x2830] =	vst v0  }
0x1f: {  	[tilespmem:s11+$0x2840] =	vst v0  }
0x20: {  	[tilespmem:s11+$0x2850] =	vst v0  }
0x21: {  	[tilespmem:s11+$0x2860] =	vst v0;
	s11 =	sshra.s32 s12, $0x2;
	s12 =	sadd.s32 $0x200, s12  }
0x22: {  	[tilespmem:s11+$0x2870] =	vst v0  }
0x23: {  	[tilespmem:s11+$0x2800] =	vst v0  }
0x24: {  	[tilespmem:s11+$0x2810] =	vst v0  }
0x25: {  	[tilespmem:s11+$0x2820] =	vst v0  }
0x26: {  	[tilespmem:s11+$0x2830] =	vst v0  }
0x27: {  	[tilespmem:s11+$0x2840] =	vst v0  }
0x28: {  	[tilespmem:s11+$0x2850] =	vst v0  }
0x29: {  	[tilespmem:s11+$0x2860] =	vst v0  }
0x2a: {  	[spmem:s5] =	stream.linear.scatter [tilespmem:s21], [sflag:$0x5], $0x2000, $0x38;
	[tilespmem:$0x1E800] =	vst v63  }
0x2b: {  	_ =	swait.ge [sflag:s22], $0x2000  }
0x2c: {  	[sflag:s22] =	ssyncset.done $0x0  }
0x2d: {  	s13 =	rddreg [dreg:$0x4];
	[sflag:s22] =	ssyncadd.s32 $0xFFFFE000  }
0x2e: {  	[spmem:s13] =	stream.linear.scatter [tilespmem:s21], [sflag:$0x5], $0x2000, $0x38;
	[tilespmem:$0x1E800] =	vst v63  }
0x2f: {  	_ =	swait.ge [sflag:s22], $0x2000  }
0x30: {  	[sflag:s22] =	ssyncset.done $0x0  }
0x31: {  	s12 =	rddreg [dreg:$0x5];
	[sflag:s22] =	ssyncadd.s32 $0xFFFFE000  }
0x32: {  	[spmem:s12] =	stream.linear.scatter [tilespmem:s21], [sflag:$0x5], $0x2000, $0x38;
	[tilespmem:$0x1E800] =	vst v63  }
0x33: {  	_ =	swait.ge [sflag:s22], $0x2000  }
0x34: {  	[sflag:s22] =	ssyncset.done $0x0  }
0x35: {  	s13 =	rddreg [dreg:$0x6];
	[sflag:s22] =	ssyncadd.s32 $0xFFFFE000  }
0x36: {  	[spmem:s13] =	stream.linear.scatter [tilespmem:s21], [sflag:$0x5], $0x2000, $0x38;
	[tilespmem:$0x1E800] =	vst v63  }
0x37: {  	_ =	swait.ge [sflag:s22], $0x2000  }
0x38: {  	[sflag:s22] =	ssyncset.done $0x0  }
0x39: {  	s12 =	rddreg [dreg:$0x7];
	[sflag:s22] =	ssyncadd.s32 $0xFFFFE000  }
0x3a: {  	[spmem:s12] =	stream.linear.scatter [tilespmem:s21], [sflag:$0x5], $0x2000, $0x38;
	[tilespmem:$0x1E800] =	vst v63  }
0x3b: {  	_ =	swait.ge [sflag:s22], $0x2000  }
0x3c: {  	[sflag:s22] =	ssyncset.done $0x0  }
0x3d: {  	s13 =	rddreg [dreg:$0x8];
	[sflag:s22] =	ssyncadd.s32 $0xFFFFE000  }
0x3e: {  	[spmem:s13] =	stream.linear.scatter [tilespmem:s21], [sflag:$0x5], $0x2000, $0x38;
	[tilespmem:$0x1E800] =	vst v63  }
0x3f: {  	_ =	swait.ge [sflag:s22], $0x2000  }
0x40: {  	[sflag:s22] =	ssyncset.done $0x0  }
0x41: {  	s12 =	rddreg [dreg:$0x9];
	[sflag:s22] =	ssyncadd.s32 $0xFFFFE000  }
0x42: {  	[spmem:s12] =	stream.linear.scatter [tilespmem:s21], [sflag:$0x5], $0x2000, $0x38;
	[tilespmem:$0x1E800] =	vst v63  }
0x43: {  	_ =	swait.ge [sflag:s22], $0x2000  }
0x44: {  	[sflag:s22] =	ssyncset.done $0x0  }
0x45: {  	s13 =	rddreg [dreg:$0xa];
	[sflag:s22] =	ssyncadd.s32 $0xFFFFE000  }
0x46: {  	[spmem:s13] =	stream.linear.scatter [tilespmem:s21], [sflag:$0x5], $0x2000, $0x38;
	[tilespmem:$0x1E800] =	vst v63  }
0x47: {  	_ =	swait.ge [sflag:s22], $0x2000  }
0x48: {  	[sflag:s22] =	ssyncset.done $0x0  }
0x49: {  	s12 =	rddreg [dreg:$0xb];
	[sflag:s22] =	ssyncadd.s32 $0xFFFFE000  }
0x4a: {  	[spmem:s12] =	stream.linear.scatter [tilespmem:s21], [sflag:$0x5], $0x2000, $0x38;
	[tilespmem:$0x1E800] =	vst v63  }
0x4b: {  	_ =	swait.ge [sflag:s22], $0x2000  }
0x4c: {  	[sflag:s22] =	ssyncset.done $0x0  }
0x4d: {  	[sflag:s22] =	ssyncadd.s32 $0xFFFFE000  }
0x4e: {  	[spmem:s14] =	stream.linear.scatter [tilespmem:s21], [sflag:$0x5], $0x2000, $0x38;
	[tilespmem:$0x1E800] =	vst v63  }
0x4f: {  	_ =	swait.ge [sflag:s22], $0x2000  }
0x50: {  	[sflag:s22] =	ssyncset.done $0x0  }
0x51: {  	[sflag:s22] =	ssyncadd.s32 $0xFFFFE000  }
0x52: {  	s13 =	simm.s32 $0x0;
	[bflag:$0x0] =	sbarrier.arrive $0xFFFF  }
0x53: {  	[tilespmem:s13], [sflag:$0x5] =	stream.linear.gather [hbm4b:s15+s13], $0x1400, $0x38;
	[tilespmem:$0x1E800] =	vst v63  }
0x54: {  	_ =	swait.ge [sflag:s22], $0x1400  }
0x55: {  	[sflag:s22] =	ssyncset.done $0x0  }
0x56: {  	s12 =	simm.s32 $0x0;
	[sflag:s22] =	ssyncadd.s32 $0xFFFFEC00  }
0x57: {  	v1 =	vld [tilespmem:s12+$0x0]  }
0x58: {  	v4 =	vld [tilespmem:s12+$0x10]  }
0x59: {  	v5 =	vld [tilespmem:s12+$0x20]  }
0x5a: {  	v6 =	vld [tilespmem:s12+$0x30];
	_ =	sdelay $0x1  }
0x5b: {  	v2 =	vshra.s32 v1, $0xE  }
0x5c: {  	[tilespmem:s12+$0x0] =	vst v2;
	v2 =	vshra.s32 v4, $0xE  }
0x5d: {  	s11 =	simm.s32 $0x80;
	v3 =	vshra.s32 v5, $0xE;
	[tilespmem:s12+$0x10] =	vst v2  }
0x5e: {  	v7 =	vshra.s32 v6, $0xE;
	v2 =	vld [tilespmem:s11+$0x0];
	[tilespmem:s12+$0x20] =	vst v3  }
0x5f: {  	v3 =	vld [tilespmem:s11+$0x10];
	[tilespmem:s12+$0x30] =	vst v7;
	v7 =	vand.u32 $0x3FFF, v1  }
0x60: {  	s13 =	simm.s32 $0x400;
	v5 =	vand.u32 $0x3FFF, v5;
	v6 =	vand.u32 $0x3FFF, v6;
	v4 =	vand.u32 $0x3FFF, v4;
	v1 =	vld [tilespmem:s11+$0x20];
	[tilespmem:s12+$0x1400] =	vst v7  }
.LBB2_4:
0x61: {  	p0 =	sne.s32 s13, $0x4E00;
	v7 =	vld [tilespmem:s11+$0x30];
	[tilespmem:s12+$0x1410] =	vst v4  }
0x62: {  	[tilespmem:s12+$0x1420] =	vst v5  }
0x63: {  	v4 =	vshra.s32 v2, $0xE;
	v8 =	vand.u32 $0x3FFF, v2;
	[tilespmem:s12+$0x1430] =	vst v6;
	s12 =	smov.u32 s11  }
.Ltmp1:
0x64: {  	[tilespmem:s12+$0x0] =	vst v4;
	v2 =	vshra.s32 v3, $0xE;
	v4 =	vand.u32 $0x3FFF, v3;
	(pc) =	sbr.rel @p0 .LBB2_4-.Ltmp1, $4  }
0x65: {  	s11 =	sshra.s32 s13, $0x2;
	[tilespmem:s12+$0x10] =	vst v2;
	v3 =	vshra.s32 v1, $0xE;
	v5 =	vand.u32 $0x3FFF, v1  }
0x66: {  	v2 =	vld [tilespmem:s11+$0x0];
	[tilespmem:s12+$0x20] =	vst v3;
	v1 =	vshra.s32 v7, $0xE;
	v6 =	vand.u32 $0x3FFF, v7  }
0x67: {  	v3 =	vld [tilespmem:s11+$0x10];
	[tilespmem:s12+$0x30] =	vst v1  }
0x68: {  	s13 =	sadd.s32 $0x200, s13;
	v1 =	vld [tilespmem:s11+$0x20];
	[tilespmem:s12+$0x1400] =	vst v8  }
0x69: {  	v7 =	vld [tilespmem:s11+$0x30];
	[tilespmem:s12+$0x1410] =	vst v4  }
0x6a: {  	[tilespmem:s12+$0x1420] =	vst v5  }
0x6b: {  	[tilespmem:s12+$0x1430] =	vst v6;
	v60 =	vshra.s32 v2, $0xE  }
0x6c: {  	v2 =	vand.u32 $0x3FFF, v2;
	[tilespmem:s11+$0x0] =	vst v60  }
0x6d: {  	v61 =	vshra.s32 v3, $0xE;
	[tilespmem:s11+$0x1400] =	vst v2  }
0x6e: {  	v3 =	vand.u32 $0x3FFF, v3;
	[tilespmem:s11+$0x10] =	vst v61  }
0x6f: {  	v62 =	vshra.s32 v1, $0xE;
	[tilespmem:s11+$0x1410] =	vst v3  }
0x70: {  	v1 =	vand.u32 $0x3FFF, v1;
	[tilespmem:s11+$0x20] =	vst v62  }
0x71: {  	v63 =	vshra.s32 v7, $0xE;
	[tilespmem:s11+$0x1420] =	vst v1  }
0x72: {  	v2 =	vand.u32 $0x3FFF, v7;
	[tilespmem:s11+$0x30] =	vst v63  }
0x73: {  	s12 =	simm.s32 $0x0;
	[tilespmem:s11+$0x1430] =	vst v2  }
0x74: {  	[tilespmem:s21], [sflag:$0x1] =	stream.indirect.gather [hbm4b:s4+s23], $0x80, s12, s23, $0xb8;
	[tilespmem:$0x1E800] =	vst v63  }
0x75: {  	_ = 	snop  }
0x76: {  	[tilespmem:s25], [sflag:$0x2] =	stream.indirect.gather [hbm4b:s4+s23], $0x80, s24, s23, $0xb8;
	[tilespmem:$0x1E800] =	vst v63  }
0x77: {  	_ = 	snop  }
0x78: {  	[tilespmem:s28], [sflag:$0x3] =	stream.indirect.gather [hbm4b:s4+s23], $0x80, s26, s23, $0xb8;
	[tilespmem:$0x1E800] =	vst v63  }
0x79: {  	_ = 	snop  }
0x7a: {  	[tilespmem:s30], [sflag:$0x4] =	stream.indirect.gather [hbm4b:s4+s23], $0x80, s29, s23, $0xb8;
	[tilespmem:$0x1E800] =	vst v63  }
0x7b: {  	_ =	swait.ge [sflag:s31], $0x2000  }
0x7c: {  	[sflag:s31] =	ssyncset.done $0x0  }
0x7d: {  	s13 =	simm.s32 $0x1400;
	[sflag:s31] =	ssyncadd.s32 $0xFFFFE000  }
0x7e: {  	[spmem:s2] =	stream.indirect.scatter.add.f32 [tilespmem:s21], [sflag:$0x5], $0x80, s13, s23, $0xb8;
	[tilespmem:$0x1E800] =	vst v63  }
0x7f: {  	_ =	swait.ge [sflag:s22], $0x2000  }
0x80: {  	[sflag:s22] =	ssyncset.done $0x0  }
0x81: {  	s12 =	simm.s32 $0x200;
	[sflag:s22] =	ssyncadd.s32 $0xFFFFE000  }
0x82: {  	[tilespmem:s21], [sflag:$0x1] =	stream.indirect.gather [hbm4b:s4+s23], $0x80, s12, s23, $0xb8;
	[tilespmem:$0x1E800] =	vst v63  }
0x83: {  	_ =	swait.ge [sflag:s0], $0x2000  }
0x84: {  	[sflag:s0] =	ssyncset.done $0x0  }
0x85: {  	s13 =	simm.s32 $0x1480;
	[sflag:s0] =	ssyncadd.s32 $0xFFFFE000  }
0x86: {  	[spmem:s2] =	stream.indirect.scatter.add.f32 [tilespmem:s25], [sflag:$0x5], $0x80, s13, s23, $0xb8;
	[tilespmem:$0x1E800] =	vst v63  }
0x87: {  	_ =	swait.ge [sflag:s22], $0x2000  }
0x88: {  	[sflag:s22] =	ssyncset.done $0x0  }
0x89: {  	s12 =	simm.s32 $0x280;
	[sflag:s22] =	ssyncadd.s32 $0xFFFFE000  }
0x8a: {  	[tilespmem:s25], [sflag:$0x2] =	stream.indirect.gather [hbm4b:s4+s23], $0x80, s12, s23, $0xb8;
	[tilespmem:$0x1E800] =	vst v63  }
0x8b: {  	_ =	swait.ge [sflag:s1], $0x2000  }
0x8c: {  	[sflag:s1] =	ssyncset.done $0x0  }
0x8d: {  	s13 =	simm.s32 $0x1500;
	[sflag:s1] =	ssyncadd.s32 $0xFFFFE000  }
0x8e: {  	[spmem:s2] =	stream.indirect.scatter.add.f32 [tilespmem:s28], [sflag:$0x5], $0x80, s13, s23, $0xb8;
	[tilespmem:$0x1E800] =	vst v63  }
0x8f: {  	_ =	swait.ge [sflag:s22], $0x2000  }
0x90: {  	[sflag:s22] =	ssyncset.done $0x0  }
0x91: {  	s12 =	simm.s32 $0x300;
	[sflag:s22] =	ssyncadd.s32 $0xFFFFE000  }
0x92: {  	[tilespmem:s28], [sflag:$0x3] =	stream.indirect.gather [hbm4b:s4+s23], $0x80, s12, s23, $0xb8;
	[tilespmem:$0x1E800] =	vst v63  }
0x93: {  	_ =	swait.ge [sflag:s6], $0x2000  }
0x94: {  	[sflag:s6] =	ssyncset.done $0x0  }
0x95: {  	s13 =	simm.s32 $0x1580;
	[sflag:s6] =	ssyncadd.s32 $0xFFFFE000  }
0x96: {  	[spmem:s2] =	stream.indirect.scatter.add.f32 [tilespmem:s30], [sflag:$0x5], $0x80, s13, s23, $0xb8;
	[tilespmem:$0x1E800] =	vst v63  }
0x97: {  	_ =	swait.ge [sflag:s22], $0x2000  }
0x98: {  	[sflag:s22] =	ssyncset.done $0x0  }
0x99: {  	s11 =	simm.s32 $0x800;
	s12 =	simm.s32 $0x380;
	[sflag:s22] =	ssyncadd.s32 $0xFFFFE000  }
.LBB2_6:
0x9a: {  	[tilespmem:s30], [sflag:$0x4] =	stream.indirect.gather [hbm4b:s4+s23], $0x80, s12, s23, $0xb8;
	[tilespmem:$0x1E800] =	vst v63  }
0x9b: {  	s12 =	smov.u32 s11  }
0x9c: {  	p0 =	sne.s32 s11, $0x4000;
	s11 =	sadd.s32 $0x800, s11;
	_ =	swait.ge [sflag:s31], $0x2000  }
0x9d: {  	s12 =	sshra.s32 s12, $0x2;
	[sflag:s31] =	ssyncset.done $0x0  }
0x9e: {  	s13 =	sadd.s32 $0x1400, s12;
	[sflag:s31] =	ssyncadd.s32 $0xFFFFE000  }
0x9f: {  	[spmem:s2] =	stream.indirect.scatter.add.f32 [tilespmem:s21], [sflag:$0x5], $0x80, s13, s23, $0xb8;
	[tilespmem:$0x1E800] =	vst v63  }
0xa0: {  	_ =	swait.ge [sflag:s22], $0x2000  }
0xa1: {  	[sflag:s22] =	ssyncset.done $0x0  }
0xa2: {  	s13 =	sadd.s32 $0x200, s12;
	[sflag:s22] =	ssyncadd.s32 $0xFFFFE000  }
0xa3: {  	[tilespmem:s21], [sflag:$0x1] =	stream.indirect.gather [hbm4b:s4+s23], $0x80, s13, s23, $0xb8;
	[tilespmem:$0x1E800] =	vst v63  }
0xa4: {  	_ =	swait.ge [sflag:s0], $0x2000  }
0xa5: {  	[sflag:s0] =	ssyncset.done $0x0  }
0xa6: {  	s13 =	sadd.s32 $0x1480, s12;
	[sflag:s0] =	ssyncadd.s32 $0xFFFFE000  }
0xa7: {  	[spmem:s2] =	stream.indirect.scatter.add.f32 [tilespmem:s25], [sflag:$0x5], $0x80, s13, s23, $0xb8;
	[tilespmem:$0x1E800] =	vst v63  }
0xa8: {  	_ =	swait.ge [sflag:s22], $0x2000  }
0xa9: {  	[sflag:s22] =	ssyncset.done $0x0  }
0xaa: {  	s13 =	sadd.s32 $0x280, s12;
	[sflag:s22] =	ssyncadd.s32 $0xFFFFE000  }
0xab: {  	[tilespmem:s25], [sflag:$0x2] =	stream.indirect.gather [hbm4b:s4+s23], $0x80, s13, s23, $0xb8;
	[tilespmem:$0x1E800] =	vst v63  }
0xac: {  	_ =	swait.ge [sflag:s1], $0x2000  }
0xad: {  	[sflag:s1] =	ssyncset.done $0x0  }
0xae: {  	s13 =	sadd.s32 $0x1500, s12;
	[sflag:s1] =	ssyncadd.s32 $0xFFFFE000  }
0xaf: {  	[spmem:s2] =	stream.indirect.scatter.add.f32 [tilespmem:s28], [sflag:$0x5], $0x80, s13, s23, $0xb8;
	[tilespmem:$0x1E800] =	vst v63  }
0xb0: {  	_ =	swait.ge [sflag:s22], $0x2000  }
0xb1: {  	[sflag:s22] =	ssyncset.done $0x0  }
0xb2: {  	s13 =	sadd.s32 $0x300, s12;
	[sflag:s22] =	ssyncadd.s32 $0xFFFFE000  }
0xb3: {  	[tilespmem:s28], [sflag:$0x3] =	stream.indirect.gather [hbm4b:s4+s23], $0x80, s13, s23, $0xb8;
	[tilespmem:$0x1E800] =	vst v63  }
0xb4: {  	_ =	swait.ge [sflag:s6], $0x2000  }
0xb5: {  	[sflag:s6] =	ssyncset.done $0x0  }
.Ltmp2:
0xb6: {  	s13 =	sadd.s32 $0x1580, s12;
	[sflag:s6] =	ssyncadd.s32 $0xFFFFE000;
	(pc) =	sbr.rel @p0 .LBB2_6-.Ltmp2, $4  }
0xb7: {  	[spmem:s2] =	stream.indirect.scatter.add.f32 [tilespmem:s30], [sflag:$0x5], $0x80, s13, s23, $0xb8;
	[tilespmem:$0x1E800] =	vst v63  }
0xb8: {  	_ =	swait.ge [sflag:s22], $0x2000  }
0xb9: {  	[sflag:s22] =	ssyncset.done $0x0  }
0xba: {  	s12 =	sadd.s32 $0x380, s12;
	[sflag:s22] =	ssyncadd.s32 $0xFFFFE000  }
0xbb: {  	[tilespmem:s30], [sflag:$0x4] =	stream.indirect.gather [hbm4b:s4+s23], $0x80, s12, s23, $0xb8;
	[tilespmem:$0x1E800] =	vst v63  }
0xbc: {  	_ =	swait.ge [sflag:s31], $0x2000  }
0xbd: {  	[sflag:s31] =	ssyncset.done $0x0  }
0xbe: {  	[sflag:s31] =	ssyncadd.s32 $0xFFFFE000  }
0xbf: {  	[spmem:s2] =	stream.indirect.scatter.add.f32 [tilespmem:s21], [sflag:$0x5], $0x80, s7, s23, $0xb8;
	[tilespmem:$0x1E800] =	vst v63  }
0xc0: {  	_ =	swait.ge [sflag:s22], $0x2000  }
0xc1: {  	[sflag:s22] =	ssyncset.done $0x0  }
0xc2: {  	[sflag:s22] =	ssyncadd.s32 $0xFFFFE000  }
0xc3: {  	_ =	swait.ge [sflag:s0], $0x2000  }
0xc4: {  	[sflag:s0] =	ssyncset.done $0x0  }
0xc5: {  	[sflag:s0] =	ssyncadd.s32 $0xFFFFE000  }
0xc6: {  	[spmem:s2] =	stream.indirect.scatter.add.f32 [tilespmem:s25], [sflag:$0x5], $0x80, s8, s23, $0xb8;
	[tilespmem:$0x1E800] =	vst v63  }
0xc7: {  	_ =	swait.ge [sflag:s22], $0x2000  }
0xc8: {  	[sflag:s22] =	ssyncset.done $0x0  }
0xc9: {  	[sflag:s22] =	ssyncadd.s32 $0xFFFFE000  }
0xca: {  	_ =	swait.ge [sflag:s1], $0x2000  }
0xcb: {  	[sflag:s1] =	ssyncset.done $0x0  }
0xcc: {  	[sflag:s1] =	ssyncadd.s32 $0xFFFFE000  }
0xcd: {  	[spmem:s2] =	stream.indirect.scatter.add.f32 [tilespmem:s28], [sflag:$0x5], $0x80, s9, s23, $0xb8;
	[tilespmem:$0x1E800] =	vst v63  }
0xce: {  	_ =	swait.ge [sflag:s22], $0x2000  }
0xcf: {  	[sflag:s22] =	ssyncset.done $0x0  }
0xd0: {  	[sflag:s22] =	ssyncadd.s32 $0xFFFFE000  }
0xd1: {  	_ =	swait.ge [sflag:s6], $0x2000  }
0xd2: {  	[sflag:s6] =	ssyncset.done $0x0  }
0xd3: {  	[sflag:s6] =	ssyncadd.s32 $0xFFFFE000  }
0xd4: {  	[spmem:s2] =	stream.indirect.scatter.add.f32 [tilespmem:s30], [sflag:$0x5], $0x80, s10, s23, $0xb8;
	[tilespmem:$0x1E800] =	vst v63  }
0xd5: {  	_ =	swait.ge [sflag:s22], $0x2000  }
0xd6: {  	[sflag:s22] =	ssyncset.done $0x0  }
0xd7: {  	s11 =	simm.s32 $0x0;
	[sflag:s22] =	ssyncadd.s32 $0xFFFFE000  }
0xd8: {  	[tilespmem:s11], [sflag:$0x5] =	stream.linear.gather [hbm4b:s16+s11], $0x1400, $0x38;
	[tilespmem:$0x1E800] =	vst v63  }
0xd9: {  	_ =	swait.ge [sflag:s22], $0x1400  }
0xda: {  	[sflag:s22] =	ssyncset.done $0x0  }
0xdb: {  	s12 =	simm.s32 $0x0;
	[sflag:s22] =	ssyncadd.s32 $0xFFFFEC00  }
0xdc: {  	v1 =	vld [tilespmem:s12+$0x0]  }
0xdd: {  	v4 =	vld [tilespmem:s12+$0x10]  }
0xde: {  	v5 =	vld [tilespmem:s12+$0x20]  }
0xdf: {  	v6 =	vld [tilespmem:s12+$0x30];
	_ =	sdelay $0x1  }
0xe0: {  	v2 =	vshra.s32 v1, $0xE  }
0xe1: {  	[tilespmem:s12+$0x0] =	vst v2;
	v2 =	vshra.s32 v4, $0xE  }
0xe2: {  	s11 =	simm.s32 $0x80;
	v3 =	vshra.s32 v5, $0xE;
	[tilespmem:s12+$0x10] =	vst v2  }
0xe3: {  	v7 =	vshra.s32 v6, $0xE;
	v2 =	vld [tilespmem:s11+$0x0];
	[tilespmem:s12+$0x20] =	vst v3  }
0xe4: {  	v3 =	vld [tilespmem:s11+$0x10];
	[tilespmem:s12+$0x30] =	vst v7;
	v7 =	vand.u32 $0x3FFF, v1  }
0xe5: {  	s13 =	simm.s32 $0x400;
	v5 =	vand.u32 $0x3FFF, v5;
	v6 =	vand.u32 $0x3FFF, v6;
	v4 =	vand.u32 $0x3FFF, v4;
	v1 =	vld [tilespmem:s11+$0x20];
	[tilespmem:s12+$0x1400] =	vst v7  }
.LBB2_8:
0xe6: {  	p0 =	sne.s32 s13, $0x4E00;
	v7 =	vld [tilespmem:s11+$0x30];
	[tilespmem:s12+$0x1410] =	vst v4  }
0xe7: {  	[tilespmem:s12+$0x1420] =	vst v5  }
0xe8: {  	v4 =	vshra.s32 v2, $0xE;
	v8 =	vand.u32 $0x3FFF, v2;
	[tilespmem:s12+$0x1430] =	vst v6;
	s12 =	smov.u32 s11  }
.Ltmp3:
0xe9: {  	[tilespmem:s12+$0x0] =	vst v4;
	v2 =	vshra.s32 v3, $0xE;
	v4 =	vand.u32 $0x3FFF, v3;
	(pc) =	sbr.rel @p0 .LBB2_8-.Ltmp3, $4  }
0xea: {  	s11 =	sshra.s32 s13, $0x2;
	[tilespmem:s12+$0x10] =	vst v2;
	v3 =	vshra.s32 v1, $0xE;
	v5 =	vand.u32 $0x3FFF, v1  }
0xeb: {  	v2 =	vld [tilespmem:s11+$0x0];
	[tilespmem:s12+$0x20] =	vst v3;
	v1 =	vshra.s32 v7, $0xE;
	v6 =	vand.u32 $0x3FFF, v7  }
0xec: {  	v3 =	vld [tilespmem:s11+$0x10];
	[tilespmem:s12+$0x30] =	vst v1  }
0xed: {  	s13 =	sadd.s32 $0x200, s13;
	v1 =	vld [tilespmem:s11+$0x20];
	[tilespmem:s12+$0x1400] =	vst v8  }
0xee: {  	v7 =	vld [tilespmem:s11+$0x30];
	[tilespmem:s12+$0x1410] =	vst v4  }
0xef: {  	[tilespmem:s12+$0x1420] =	vst v5  }
0xf0: {  	[tilespmem:s12+$0x1430] =	vst v6;
	v60 =	vshra.s32 v2, $0xE  }
0xf1: {  	v2 =	vand.u32 $0x3FFF, v2;
	[tilespmem:s11+$0x0] =	vst v60  }
0xf2: {  	v61 =	vshra.s32 v3, $0xE;
	[tilespmem:s11+$0x1400] =	vst v2  }
0xf3: {  	v3 =	vand.u32 $0x3FFF, v3;
	[tilespmem:s11+$0x10] =	vst v61  }
0xf4: {  	v62 =	vshra.s32 v1, $0xE;
	[tilespmem:s11+$0x1410] =	vst v3  }
0xf5: {  	v1 =	vand.u32 $0x3FFF, v1;
	[tilespmem:s11+$0x20] =	vst v62  }
0xf6: {  	v63 =	vshra.s32 v7, $0xE;
	[tilespmem:s11+$0x1420] =	vst v1  }
0xf7: {  	v2 =	vand.u32 $0x3FFF, v7;
	[tilespmem:s11+$0x30] =	vst v63  }
0xf8: {  	s12 =	simm.s32 $0x0;
	[tilespmem:s11+$0x1430] =	vst v2  }
0xf9: {  	[tilespmem:s21], [sflag:$0x1] =	stream.indirect.gather [hbm4b:s4+s23], $0x80, s12, s23, $0xb8;
	[tilespmem:$0x1E800] =	vst v63  }
0xfa: {  	_ = 	snop  }
0xfb: {  	[tilespmem:s25], [sflag:$0x2] =	stream.indirect.gather [hbm4b:s4+s23], $0x80, s24, s23, $0xb8;
	[tilespmem:$0x1E800] =	vst v63  }
0xfc: {  	_ = 	snop  }
0xfd: {  	[tilespmem:s28], [sflag:$0x3] =	stream.indirect.gather [hbm4b:s4+s23], $0x80, s26, s23, $0xb8;
	[tilespmem:$0x1E800] =	vst v63  }
0xfe: {  	_ = 	snop  }
0xff: {  	[tilespmem:s30], [sflag:$0x4] =	stream.indirect.gather [hbm4b:s4+s23], $0x80, s29, s23, $0xb8;
	[tilespmem:$0x1E800] =	vst v63  }
0x100: {  	_ =	swait.ge [sflag:s31], $0x2000  }
0x101: {  	[sflag:s31] =	ssyncset.done $0x0  }
0x102: {  	s13 =	simm.s32 $0x1400;
	[sflag:s31] =	ssyncadd.s32 $0xFFFFE000  }
0x103: {  	[spmem:s2] =	stream.indirect.scatter.add.f32 [tilespmem:s21], [sflag:$0x5], $0x80, s13, s23, $0xb8;
	[tilespmem:$0x1E800] =	vst v63  }
0x104: {  	_ =	swait.ge [sflag:s22], $0x2000  }
0x105: {  	[sflag:s22] =	ssyncset.done $0x0  }
0x106: {  	s12 =	simm.s32 $0x200;
	[sflag:s22] =	ssyncadd.s32 $0xFFFFE000  }
0x107: {  	[tilespmem:s21], [sflag:$0x1] =	stream.indirect.gather [hbm4b:s4+s23], $0x80, s12, s23, $0xb8;
	[tilespmem:$0x1E800] =	vst v63  }
0x108: {  	_ =	swait.ge [sflag:s0], $0x2000  }
0x109: {  	[sflag:s0] =	ssyncset.done $0x0  }
0x10a: {  	s13 =	simm.s32 $0x1480;
	[sflag:s0] =	ssyncadd.s32 $0xFFFFE000  }
0x10b: {  	[spmem:s2] =	stream.indirect.scatter.add.f32 [tilespmem:s25], [sflag:$0x5], $0x80, s13, s23, $0xb8;
	[tilespmem:$0x1E800] =	vst v63  }
0x10c: {  	_ =	swait.ge [sflag:s22], $0x2000  }
0x10d: {  	[sflag:s22] =	ssyncset.done $0x0  }
0x10e: {  	s12 =	simm.s32 $0x280;
	[sflag:s22] =	ssyncadd.s32 $0xFFFFE000  }
0x10f: {  	[tilespmem:s25], [sflag:$0x2] =	stream.indirect.gather [hbm4b:s4+s23], $0x80, s12, s23, $0xb8;
	[tilespmem:$0x1E800] =	vst v63  }
0x110: {  	_ =	swait.ge [sflag:s1], $0x2000  }
0x111: {  	[sflag:s1] =	ssyncset.done $0x0  }
0x112: {  	s13 =	simm.s32 $0x1500;
	[sflag:s1] =	ssyncadd.s32 $0xFFFFE000  }
0x113: {  	[spmem:s2] =	stream.indirect.scatter.add.f32 [tilespmem:s28], [sflag:$0x5], $0x80, s13, s23, $0xb8;
	[tilespmem:$0x1E800] =	vst v63  }
0x114: {  	_ =	swait.ge [sflag:s22], $0x2000  }
0x115: {  	[sflag:s22] =	ssyncset.done $0x0  }
0x116: {  	s12 =	simm.s32 $0x300;
	[sflag:s22] =	ssyncadd.s32 $0xFFFFE000  }
0x117: {  	[tilespmem:s28], [sflag:$0x3] =	stream.indirect.gather [hbm4b:s4+s23], $0x80, s12, s23, $0xb8;
	[tilespmem:$0x1E800] =	vst v63  }
0x118: {  	_ =	swait.ge [sflag:s6], $0x2000  }
0x119: {  	[sflag:s6] =	ssyncset.done $0x0  }
0x11a: {  	s13 =	simm.s32 $0x1580;
	[sflag:s6] =	ssyncadd.s32 $0xFFFFE000  }
0x11b: {  	[spmem:s2] =	stream.indirect.scatter.add.f32 [tilespmem:s30], [sflag:$0x5], $0x80, s13, s23, $0xb8;
	[tilespmem:$0x1E800] =	vst v63  }
0x11c: {  	_ =	swait.ge [sflag:s22], $0x2000  }
0x11d: {  	[sflag:s22] =	ssyncset.done $0x0  }
0x11e: {  	s11 =	simm.s32 $0x800;
	s12 =	simm.s32 $0x380;
	[sflag:s22] =	ssyncadd.s32 $0xFFFFE000  }
.LBB2_10:
0x11f: {  	[tilespmem:s30], [sflag:$0x4] =	stream.indirect.gather [hbm4b:s4+s23], $0x80, s12, s23, $0xb8;
	[tilespmem:$0x1E800] =	vst v63  }
0x120: {  	s12 =	smov.u32 s11  }
0x121: {  	p0 =	sne.s32 s11, $0x4000;
	s11 =	sadd.s32 $0x800, s11;
	_ =	swait.ge [sflag:s31], $0x2000  }
0x122: {  	s12 =	sshra.s32 s12, $0x2;
	[sflag:s31] =	ssyncset.done $0x0  }
0x123: {  	s13 =	sadd.s32 $0x1400, s12;
	[sflag:s31] =	ssyncadd.s32 $0xFFFFE000  }
0x124: {  	[spmem:s2] =	stream.indirect.scatter.add.f32 [tilespmem:s21], [sflag:$0x5], $0x80, s13, s23, $0xb8;
	[tilespmem:$0x1E800] =	vst v63  }
0x125: {  	_ =	swait.ge [sflag:s22], $0x2000  }
0x126: {  	[sflag:s22] =	ssyncset.done $0x0  }
0x127: {  	s13 =	sadd.s32 $0x200, s12;
	[sflag:s22] =	ssyncadd.s32 $0xFFFFE000  }
0x128: {  	[tilespmem:s21], [sflag:$0x1] =	stream.indirect.gather [hbm4b:s4+s23], $0x80, s13, s23, $0xb8;
	[tilespmem:$0x1E800] =	vst v63  }
0x129: {  	_ =	swait.ge [sflag:s0], $0x2000  }
0x12a: {  	[sflag:s0] =	ssyncset.done $0x0  }
0x12b: {  	s13 =	sadd.s32 $0x1480, s12;
	[sflag:s0] =	ssyncadd.s32 $0xFFFFE000  }
0x12c: {  	[spmem:s2] =	stream.indirect.scatter.add.f32 [tilespmem:s25], [sflag:$0x5], $0x80, s13, s23, $0xb8;
	[tilespmem:$0x1E800] =	vst v63  }
0x12d: {  	_ =	swait.ge [sflag:s22], $0x2000  }
0x12e: {  	[sflag:s22] =	ssyncset.done $0x0  }
0x12f: {  	s13 =	sadd.s32 $0x280, s12;
	[sflag:s22] =	ssyncadd.s32 $0xFFFFE000  }
0x130: {  	[tilespmem:s25], [sflag:$0x2] =	stream.indirect.gather [hbm4b:s4+s23], $0x80, s13, s23, $0xb8;
	[tilespmem:$0x1E800] =	vst v63  }
0x131: {  	_ =	swait.ge [sflag:s1], $0x2000  }
0x132: {  	[sflag:s1] =	ssyncset.done $0x0  }
0x133: {  	s13 =	sadd.s32 $0x1500, s12;
	[sflag:s1] =	ssyncadd.s32 $0xFFFFE000  }
0x134: {  	[spmem:s2] =	stream.indirect.scatter.add.f32 [tilespmem:s28], [sflag:$0x5], $0x80, s13, s23, $0xb8;
	[tilespmem:$0x1E800] =	vst v63  }
0x135: {  	_ =	swait.ge [sflag:s22], $0x2000  }
0x136: {  	[sflag:s22] =	ssyncset.done $0x0  }
0x137: {  	s13 =	sadd.s32 $0x300, s12;
	[sflag:s22] =	ssyncadd.s32 $0xFFFFE000  }
0x138: {  	[tilespmem:s28], [sflag:$0x3] =	stream.indirect.gather [hbm4b:s4+s23], $0x80, s13, s23, $0xb8;
	[tilespmem:$0x1E800] =	vst v63  }
0x139: {  	_ =	swait.ge [sflag:s6], $0x2000  }
0x13a: {  	[sflag:s6] =	ssyncset.done $0x0  }
.Ltmp4:
0x13b: {  	s13 =	sadd.s32 $0x1580, s12;
	[sflag:s6] =	ssyncadd.s32 $0xFFFFE000;
	(pc) =	sbr.rel @p0 .LBB2_10-.Ltmp4, $4  }
0x13c: {  	[spmem:s2] =	stream.indirect.scatter.add.f32 [tilespmem:s30], [sflag:$0x5], $0x80, s13, s23, $0xb8;
	[tilespmem:$0x1E800] =	vst v63  }
0x13d: {  	_ =	swait.ge [sflag:s22], $0x2000  }
0x13e: {  	[sflag:s22] =	ssyncset.done $0x0  }
0x13f: {  	s12 =	sadd.s32 $0x380, s12;
	[sflag:s22] =	ssyncadd.s32 $0xFFFFE000  }
0x140: {  	[tilespmem:s30], [sflag:$0x4] =	stream.indirect.gather [hbm4b:s4+s23], $0x80, s12, s23, $0xb8;
	[tilespmem:$0x1E800] =	vst v63  }
0x141: {  	_ =	swait.ge [sflag:s31], $0x2000  }
0x142: {  	[sflag:s31] =	ssyncset.done $0x0  }
0x143: {  	[sflag:s31] =	ssyncadd.s32 $0xFFFFE000  }
0x144: {  	[spmem:s2] =	stream.indirect.scatter.add.f32 [tilespmem:s21], [sflag:$0x5], $0x80, s7, s23, $0xb8;
	[tilespmem:$0x1E800] =	vst v63  }
0x145: {  	_ =	swait.ge [sflag:s22], $0x2000  }
0x146: {  	[sflag:s22] =	ssyncset.done $0x0  }
0x147: {  	[sflag:s22] =	ssyncadd.s32 $0xFFFFE000  }
0x148: {  	_ =	swait.ge [sflag:s0], $0x2000  }
0x149: {  	[sflag:s0] =	ssyncset.done $0x0  }
0x14a: {  	[sflag:s0] =	ssyncadd.s32 $0xFFFFE000  }
0x14b: {  	[spmem:s2] =	stream.indirect.scatter.add.f32 [tilespmem:s25], [sflag:$0x5], $0x80, s8, s23, $0xb8;
	[tilespmem:$0x1E800] =	vst v63  }
0x14c: {  	_ =	swait.ge [sflag:s22], $0x2000  }
0x14d: {  	[sflag:s22] =	ssyncset.done $0x0  }
0x14e: {  	[sflag:s22] =	ssyncadd.s32 $0xFFFFE000  }
0x14f: {  	_ =	swait.ge [sflag:s1], $0x2000  }
0x150: {  	[sflag:s1] =	ssyncset.done $0x0  }
0x151: {  	[sflag:s1] =	ssyncadd.s32 $0xFFFFE000  }
0x152: {  	[spmem:s2] =	stream.indirect.scatter.add.f32 [tilespmem:s28], [sflag:$0x5], $0x80, s9, s23, $0xb8;
	[tilespmem:$0x1E800] =	vst v63  }
0x153: {  	_ =	swait.ge [sflag:s22], $0x2000  }
0x154: {  	[sflag:s22] =	ssyncset.done $0x0  }
0x155: {  	[sflag:s22] =	ssyncadd.s32 $0xFFFFE000  }
0x156: {  	_ =	swait.ge [sflag:s6], $0x2000  }
0x157: {  	[sflag:s6] =	ssyncset.done $0x0  }
0x158: {  	[sflag:s6] =	ssyncadd.s32 $0xFFFFE000  }
0x159: {  	[spmem:s2] =	stream.indirect.scatter.add.f32 [tilespmem:s30], [sflag:$0x5], $0x80, s10, s23, $0xb8;
	[tilespmem:$0x1E800] =	vst v63  }
0x15a: {  	_ =	swait.ge [sflag:s22], $0x2000  }
0x15b: {  	[sflag:s22] =	ssyncset.done $0x0  }
0x15c: {  	s11 =	simm.s32 $0x0;
	[sflag:s22] =	ssyncadd.s32 $0xFFFFE000  }
0x15d: {  	[tilespmem:s11], [sflag:$0x5] =	stream.linear.gather [hbm4b:s17+s11], $0x1400, $0x38;
	[tilespmem:$0x1E800] =	vst v63  }
0x15e: {  	_ =	swait.ge [sflag:s22], $0x1400  }
0x15f: {  	[sflag:s22] =	ssyncset.done $0x0  }
0x160: {  	s12 =	simm.s32 $0x0;
	[sflag:s22] =	ssyncadd.s32 $0xFFFFEC00  }
0x161: {  	v1 =	vld [tilespmem:s12+$0x0]  }
0x162: {  	v4 =	vld [tilespmem:s12+$0x10]  }
0x163: {  	v5 =	vld [tilespmem:s12+$0x20]  }
0x164: {  	v6 =	vld [tilespmem:s12+$0x30];
	_ =	sdelay $0x1  }
0x165: {  	v2 =	vshra.s32 v1, $0xE  }
0x166: {  	[tilespmem:s12+$0x0] =	vst v2;
	v2 =	vshra.s32 v4, $0xE  }
0x167: {  	s11 =	simm.s32 $0x80;
	v3 =	vshra.s32 v5, $0xE;
	[tilespmem:s12+$0x10] =	vst v2  }
0x168: {  	v7 =	vshra.s32 v6, $0xE;
	v2 =	vld [tilespmem:s11+$0x0];
	[tilespmem:s12+$0x20] =	vst v3  }
0x169: {  	v3 =	vld [tilespmem:s11+$0x10];
	[tilespmem:s12+$0x30] =	vst v7;
	v7 =	vand.u32 $0x3FFF, v1  }
0x16a: {  	s13 =	simm.s32 $0x400;
	v5 =	vand.u32 $0x3FFF, v5;
	v6 =	vand.u32 $0x3FFF, v6;
	v4 =	vand.u32 $0x3FFF, v4;
	v1 =	vld [tilespmem:s11+$0x20];
	[tilespmem:s12+$0x1400] =	vst v7  }
.LBB2_12:
0x16b: {  	p0 =	sne.s32 s13, $0x4E00;
	v7 =	vld [tilespmem:s11+$0x30];
	[tilespmem:s12+$0x1410] =	vst v4  }
0x16c: {  	[tilespmem:s12+$0x1420] =	vst v5  }
0x16d: {  	v4 =	vshra.s32 v2, $0xE;
	v8 =	vand.u32 $0x3FFF, v2;
	[tilespmem:s12+$0x1430] =	vst v6;
	s12 =	smov.u32 s11  }
.Ltmp5:
0x16e: {  	[tilespmem:s12+$0x0] =	vst v4;
	v2 =	vshra.s32 v3, $0xE;
	v4 =	vand.u32 $0x3FFF, v3;
	(pc) =	sbr.rel @p0 .LBB2_12-.Ltmp5, $4  }
0x16f: {  	s11 =	sshra.s32 s13, $0x2;
	[tilespmem:s12+$0x10] =	vst v2;
	v3 =	vshra.s32 v1, $0xE;
	v5 =	vand.u32 $0x3FFF, v1  }
0x170: {  	v2 =	vld [tilespmem:s11+$0x0];
	[tilespmem:s12+$0x20] =	vst v3;
	v1 =	vshra.s32 v7, $0xE;
	v6 =	vand.u32 $0x3FFF, v7  }
0x171: {  	v3 =	vld [tilespmem:s11+$0x10];
	[tilespmem:s12+$0x30] =	vst v1  }
0x172: {  	s13 =	sadd.s32 $0x200, s13;
	v1 =	vld [tilespmem:s11+$0x20];
	[tilespmem:s12+$0x1400] =	vst v8  }
0x173: {  	v7 =	vld [tilespmem:s11+$0x30];
	[tilespmem:s12+$0x1410] =	vst v4  }
0x174: {  	[tilespmem:s12+$0x1420] =	vst v5  }
0x175: {  	[tilespmem:s12+$0x1430] =	vst v6;
	v60 =	vshra.s32 v2, $0xE  }
0x176: {  	v2 =	vand.u32 $0x3FFF, v2;
	[tilespmem:s11+$0x0] =	vst v60  }
0x177: {  	v61 =	vshra.s32 v3, $0xE;
	[tilespmem:s11+$0x1400] =	vst v2  }
0x178: {  	v3 =	vand.u32 $0x3FFF, v3;
	[tilespmem:s11+$0x10] =	vst v61  }
0x179: {  	v62 =	vshra.s32 v1, $0xE;
	[tilespmem:s11+$0x1410] =	vst v3  }
0x17a: {  	v1 =	vand.u32 $0x3FFF, v1;
	[tilespmem:s11+$0x20] =	vst v62  }
0x17b: {  	v63 =	vshra.s32 v7, $0xE;
	[tilespmem:s11+$0x1420] =	vst v1  }
0x17c: {  	v2 =	vand.u32 $0x3FFF, v7;
	[tilespmem:s11+$0x30] =	vst v63  }
0x17d: {  	s12 =	simm.s32 $0x0;
	[tilespmem:s11+$0x1430] =	vst v2  }
0x17e: {  	[tilespmem:s21], [sflag:$0x1] =	stream.indirect.gather [hbm4b:s4+s23], $0x80, s12, s23, $0xb8;
	[tilespmem:$0x1E800] =	vst v63  }
0x17f: {  	_ = 	snop  }
0x180: {  	[tilespmem:s25], [sflag:$0x2] =	stream.indirect.gather [hbm4b:s4+s23], $0x80, s24, s23, $0xb8;
	[tilespmem:$0x1E800] =	vst v63  }
0x181: {  	_ = 	snop  }
0x182: {  	[tilespmem:s28], [sflag:$0x3] =	stream.indirect.gather [hbm4b:s4+s23], $0x80, s26, s23, $0xb8;
	[tilespmem:$0x1E800] =	vst v63  }
0x183: {  	_ = 	snop  }
0x184: {  	[tilespmem:s30], [sflag:$0x4] =	stream.indirect.gather [hbm4b:s4+s23], $0x80, s29, s23, $0xb8;
	[tilespmem:$0x1E800] =	vst v63  }
0x185: {  	_ =	swait.ge [sflag:s31], $0x2000  }
0x186: {  	[sflag:s31] =	ssyncset.done $0x0  }
0x187: {  	s13 =	simm.s32 $0x1400;
	[sflag:s31] =	ssyncadd.s32 $0xFFFFE000  }
0x188: {  	[spmem:s2] =	stream.indirect.scatter.add.f32 [tilespmem:s21], [sflag:$0x5], $0x80, s13, s23, $0xb8;
	[tilespmem:$0x1E800] =	vst v63  }
0x189: {  	_ =	swait.ge [sflag:s22], $0x2000  }
0x18a: {  	[sflag:s22] =	ssyncset.done $0x0  }
0x18b: {  	s12 =	simm.s32 $0x200;
	[sflag:s22] =	ssyncadd.s32 $0xFFFFE000  }
0x18c: {  	[tilespmem:s21], [sflag:$0x1] =	stream.indirect.gather [hbm4b:s4+s23], $0x80, s12, s23, $0xb8;
	[tilespmem:$0x1E800] =	vst v63  }
0x18d: {  	_ =	swait.ge [sflag:s0], $0x2000  }
0x18e: {  	[sflag:s0] =	ssyncset.done $0x0  }
0x18f: {  	s13 =	simm.s32 $0x1480;
	[sflag:s0] =	ssyncadd.s32 $0xFFFFE000  }
0x190: {  	[spmem:s2] =	stream.indirect.scatter.add.f32 [tilespmem:s25], [sflag:$0x5], $0x80, s13, s23, $0xb8;
	[tilespmem:$0x1E800] =	vst v63  }
0x191: {  	_ =	swait.ge [sflag:s22], $0x2000  }
0x192: {  	[sflag:s22] =	ssyncset.done $0x0  }
0x193: {  	s12 =	simm.s32 $0x280;
	[sflag:s22] =	ssyncadd.s32 $0xFFFFE000  }
0x194: {  	[tilespmem:s25], [sflag:$0x2] =	stream.indirect.gather [hbm4b:s4+s23], $0x80, s12, s23, $0xb8;
	[tilespmem:$0x1E800] =	vst v63  }
0x195: {  	_ =	swait.ge [sflag:s1], $0x2000  }
0x196: {  	[sflag:s1] =	ssyncset.done $0x0  }
0x197: {  	s13 =	simm.s32 $0x1500;
	[sflag:s1] =	ssyncadd.s32 $0xFFFFE000  }
0x198: {  	[spmem:s2] =	stream.indirect.scatter.add.f32 [tilespmem:s28], [sflag:$0x5], $0x80, s13, s23, $0xb8;
	[tilespmem:$0x1E800] =	vst v63  }
0x199: {  	_ =	swait.ge [sflag:s22], $0x2000  }
0x19a: {  	[sflag:s22] =	ssyncset.done $0x0  }
0x19b: {  	s12 =	simm.s32 $0x300;
	[sflag:s22] =	ssyncadd.s32 $0xFFFFE000  }
0x19c: {  	[tilespmem:s28], [sflag:$0x3] =	stream.indirect.gather [hbm4b:s4+s23], $0x80, s12, s23, $0xb8;
	[tilespmem:$0x1E800] =	vst v63  }
0x19d: {  	_ =	swait.ge [sflag:s6], $0x2000  }
0x19e: {  	[sflag:s6] =	ssyncset.done $0x0  }
0x19f: {  	s13 =	simm.s32 $0x1580;
	[sflag:s6] =	ssyncadd.s32 $0xFFFFE000  }
0x1a0: {  	[spmem:s2] =	stream.indirect.scatter.add.f32 [tilespmem:s30], [sflag:$0x5], $0x80, s13, s23, $0xb8;
	[tilespmem:$0x1E800] =	vst v63  }
0x1a1: {  	_ =	swait.ge [sflag:s22], $0x2000  }
0x1a2: {  	[sflag:s22] =	ssyncset.done $0x0  }
0x1a3: {  	s11 =	simm.s32 $0x800;
	s12 =	simm.s32 $0x380;
	[sflag:s22] =	ssyncadd.s32 $0xFFFFE000  }
.LBB2_14:
0x1a4: {  	[tilespmem:s30], [sflag:$0x4] =	stream.indirect.gather [hbm4b:s4+s23], $0x80, s12, s23, $0xb8;
	[tilespmem:$0x1E800] =	vst v63  }
0x1a5: {  	s12 =	smov.u32 s11  }
0x1a6: {  	p0 =	sne.s32 s11, $0x4000;
	s11 =	sadd.s32 $0x800, s11;
	_ =	swait.ge [sflag:s31], $0x2000  }
0x1a7: {  	s12 =	sshra.s32 s12, $0x2;
	[sflag:s31] =	ssyncset.done $0x0  }
0x1a8: {  	s13 =	sadd.s32 $0x1400, s12;
	[sflag:s31] =	ssyncadd.s32 $0xFFFFE000  }
0x1a9: {  	[spmem:s2] =	stream.indirect.scatter.add.f32 [tilespmem:s21], [sflag:$0x5], $0x80, s13, s23, $0xb8;
	[tilespmem:$0x1E800] =	vst v63  }
0x1aa: {  	_ =	swait.ge [sflag:s22], $0x2000  }
0x1ab: {  	[sflag:s22] =	ssyncset.done $0x0  }
0x1ac: {  	s13 =	sadd.s32 $0x200, s12;
	[sflag:s22] =	ssyncadd.s32 $0xFFFFE000  }
0x1ad: {  	[tilespmem:s21], [sflag:$0x1] =	stream.indirect.gather [hbm4b:s4+s23], $0x80, s13, s23, $0xb8;
	[tilespmem:$0x1E800] =	vst v63  }
0x1ae: {  	_ =	swait.ge [sflag:s0], $0x2000  }
0x1af: {  	[sflag:s0] =	ssyncset.done $0x0  }
0x1b0: {  	s13 =	sadd.s32 $0x1480, s12;
	[sflag:s0] =	ssyncadd.s32 $0xFFFFE000  }
0x1b1: {  	[spmem:s2] =	stream.indirect.scatter.add.f32 [tilespmem:s25], [sflag:$0x5], $0x80, s13, s23, $0xb8;
	[tilespmem:$0x1E800] =	vst v63  }
0x1b2: {  	_ =	swait.ge [sflag:s22], $0x2000  }
0x1b3: {  	[sflag:s22] =	ssyncset.done $0x0  }
0x1b4: {  	s13 =	sadd.s32 $0x280, s12;
	[sflag:s22] =	ssyncadd.s32 $0xFFFFE000  }
0x1b5: {  	[tilespmem:s25], [sflag:$0x2] =	stream.indirect.gather [hbm4b:s4+s23], $0x80, s13, s23, $0xb8;
	[tilespmem:$0x1E800] =	vst v63  }
0x1b6: {  	_ =	swait.ge [sflag:s1], $0x2000  }
0x1b7: {  	[sflag:s1] =	ssyncset.done $0x0  }
0x1b8: {  	s13 =	sadd.s32 $0x1500, s12;
	[sflag:s1] =	ssyncadd.s32 $0xFFFFE000  }
0x1b9: {  	[spmem:s2] =	stream.indirect.scatter.add.f32 [tilespmem:s28], [sflag:$0x5], $0x80, s13, s23, $0xb8;
	[tilespmem:$0x1E800] =	vst v63  }
0x1ba: {  	_ =	swait.ge [sflag:s22], $0x2000  }
0x1bb: {  	[sflag:s22] =	ssyncset.done $0x0  }
0x1bc: {  	s13 =	sadd.s32 $0x300, s12;
	[sflag:s22] =	ssyncadd.s32 $0xFFFFE000  }
0x1bd: {  	[tilespmem:s28], [sflag:$0x3] =	stream.indirect.gather [hbm4b:s4+s23], $0x80, s13, s23, $0xb8;
	[tilespmem:$0x1E800] =	vst v63  }
0x1be: {  	_ =	swait.ge [sflag:s6], $0x2000  }
0x1bf: {  	[sflag:s6] =	ssyncset.done $0x0  }
.Ltmp6:
0x1c0: {  	s13 =	sadd.s32 $0x1580, s12;
	[sflag:s6] =	ssyncadd.s32 $0xFFFFE000;
	(pc) =	sbr.rel @p0 .LBB2_14-.Ltmp6, $4  }
0x1c1: {  	[spmem:s2] =	stream.indirect.scatter.add.f32 [tilespmem:s30], [sflag:$0x5], $0x80, s13, s23, $0xb8;
	[tilespmem:$0x1E800] =	vst v63  }
0x1c2: {  	_ =	swait.ge [sflag:s22], $0x2000  }
0x1c3: {  	[sflag:s22] =	ssyncset.done $0x0  }
0x1c4: {  	s12 =	sadd.s32 $0x380, s12;
	[sflag:s22] =	ssyncadd.s32 $0xFFFFE000  }
0x1c5: {  	[tilespmem:s30], [sflag:$0x4] =	stream.indirect.gather [hbm4b:s4+s23], $0x80, s12, s23, $0xb8;
	[tilespmem:$0x1E800] =	vst v63  }
0x1c6: {  	_ =	swait.ge [sflag:s31], $0x2000  }
0x1c7: {  	[sflag:s31] =	ssyncset.done $0x0  }
0x1c8: {  	[sflag:s31] =	ssyncadd.s32 $0xFFFFE000  }
0x1c9: {  	[spmem:s2] =	stream.indirect.scatter.add.f32 [tilespmem:s21], [sflag:$0x5], $0x80, s7, s23, $0xb8;
	[tilespmem:$0x1E800] =	vst v63  }
0x1ca: {  	_ =	swait.ge [sflag:s22], $0x2000  }
0x1cb: {  	[sflag:s22] =	ssyncset.done $0x0  }
0x1cc: {  	[sflag:s22] =	ssyncadd.s32 $0xFFFFE000  }
0x1cd: {  	_ =	swait.ge [sflag:s0], $0x2000  }
0x1ce: {  	[sflag:s0] =	ssyncset.done $0x0  }
0x1cf: {  	[sflag:s0] =	ssyncadd.s32 $0xFFFFE000  }
0x1d0: {  	[spmem:s2] =	stream.indirect.scatter.add.f32 [tilespmem:s25], [sflag:$0x5], $0x80, s8, s23, $0xb8;
	[tilespmem:$0x1E800] =	vst v63  }
0x1d1: {  	_ =	swait.ge [sflag:s22], $0x2000  }
0x1d2: {  	[sflag:s22] =	ssyncset.done $0x0  }
0x1d3: {  	[sflag:s22] =	ssyncadd.s32 $0xFFFFE000  }
0x1d4: {  	_ =	swait.ge [sflag:s1], $0x2000  }
0x1d5: {  	[sflag:s1] =	ssyncset.done $0x0  }
0x1d6: {  	[sflag:s1] =	ssyncadd.s32 $0xFFFFE000  }
0x1d7: {  	[spmem:s2] =	stream.indirect.scatter.add.f32 [tilespmem:s28], [sflag:$0x5], $0x80, s9, s23, $0xb8;
	[tilespmem:$0x1E800] =	vst v63  }
0x1d8: {  	_ =	swait.ge [sflag:s22], $0x2000  }
0x1d9: {  	[sflag:s22] =	ssyncset.done $0x0  }
0x1da: {  	[sflag:s22] =	ssyncadd.s32 $0xFFFFE000  }
0x1db: {  	_ =	swait.ge [sflag:s6], $0x2000  }
0x1dc: {  	[sflag:s6] =	ssyncset.done $0x0  }
0x1dd: {  	[sflag:s6] =	ssyncadd.s32 $0xFFFFE000  }
0x1de: {  	[spmem:s2] =	stream.indirect.scatter.add.f32 [tilespmem:s30], [sflag:$0x5], $0x80, s10, s23, $0xb8;
	[tilespmem:$0x1E800] =	vst v63  }
0x1df: {  	_ =	swait.ge [sflag:s22], $0x2000  }
0x1e0: {  	[sflag:s22] =	ssyncset.done $0x0  }
0x1e1: {  	s11 =	simm.s32 $0x0;
	[sflag:s22] =	ssyncadd.s32 $0xFFFFE000  }
0x1e2: {  	[tilespmem:s11], [sflag:$0x5] =	stream.linear.gather [hbm4b:s18+s11], $0x1400, $0x38;
	[tilespmem:$0x1E800] =	vst v63  }
0x1e3: {  	_ =	swait.ge [sflag:s22], $0x1400  }
0x1e4: {  	[sflag:s22] =	ssyncset.done $0x0  }
0x1e5: {  	s12 =	simm.s32 $0x0;
	[sflag:s22] =	ssyncadd.s32 $0xFFFFEC00  }
0x1e6: {  	v1 =	vld [tilespmem:s12+$0x0]  }
0x1e7: {  	v4 =	vld [tilespmem:s12+$0x10]  }
0x1e8: {  	v5 =	vld [tilespmem:s12+$0x20]  }
0x1e9: {  	v6 =	vld [tilespmem:s12+$0x30];
	_ =	sdelay $0x1  }
0x1ea: {  	v2 =	vshra.s32 v1, $0xE  }
0x1eb: {  	[tilespmem:s12+$0x0] =	vst v2;
	v2 =	vshra.s32 v4, $0xE  }
0x1ec: {  	s11 =	simm.s32 $0x80;
	v3 =	vshra.s32 v5, $0xE;
	[tilespmem:s12+$0x10] =	vst v2  }
0x1ed: {  	v7 =	vshra.s32 v6, $0xE;
	v2 =	vld [tilespmem:s11+$0x0];
	[tilespmem:s12+$0x20] =	vst v3  }
0x1ee: {  	v3 =	vld [tilespmem:s11+$0x10];
	[tilespmem:s12+$0x30] =	vst v7;
	v7 =	vand.u32 $0x3FFF, v1  }
0x1ef: {  	s13 =	simm.s32 $0x400;
	v5 =	vand.u32 $0x3FFF, v5;
	v6 =	vand.u32 $0x3FFF, v6;
	v4 =	vand.u32 $0x3FFF, v4;
	v1 =	vld [tilespmem:s11+$0x20];
	[tilespmem:s12+$0x1400] =	vst v7  }
.LBB2_16:
0x1f0: {  	p0 =	sne.s32 s13, $0x4E00;
	v7 =	vld [tilespmem:s11+$0x30];
	[tilespmem:s12+$0x1410] =	vst v4  }
0x1f1: {  	[tilespmem:s12+$0x1420] =	vst v5  }
0x1f2: {  	v4 =	vshra.s32 v2, $0xE;
	v8 =	vand.u32 $0x3FFF, v2;
	[tilespmem:s12+$0x1430] =	vst v6;
	s12 =	smov.u32 s11  }
.Ltmp7:
0x1f3: {  	[tilespmem:s12+$0x0] =	vst v4;
	v2 =	vshra.s32 v3, $0xE;
	v4 =	vand.u32 $0x3FFF, v3;
	(pc) =	sbr.rel @p0 .LBB2_16-.Ltmp7, $4  }
0x1f4: {  	s11 =	sshra.s32 s13, $0x2;
	[tilespmem:s12+$0x10] =	vst v2;
	v3 =	vshra.s32 v1, $0xE;
	v5 =	vand.u32 $0x3FFF, v1  }
0x1f5: {  	v2 =	vld [tilespmem:s11+$0x0];
	[tilespmem:s12+$0x20] =	vst v3;
	v1 =	vshra.s32 v7, $0xE;
	v6 =	vand.u32 $0x3FFF, v7  }
0x1f6: {  	v3 =	vld [tilespmem:s11+$0x10];
	[tilespmem:s12+$0x30] =	vst v1  }
0x1f7: {  	s13 =	sadd.s32 $0x200, s13;
	v1 =	vld [tilespmem:s11+$0x20];
	[tilespmem:s12+$0x1400] =	vst v8  }
0x1f8: {  	v7 =	vld [tilespmem:s11+$0x30];
	[tilespmem:s12+$0x1410] =	vst v4  }
0x1f9: {  	[tilespmem:s12+$0x1420] =	vst v5  }
0x1fa: {  	[tilespmem:s12+$0x1430] =	vst v6;
	v60 =	vshra.s32 v2, $0xE  }
0x1fb: {  	v2 =	vand.u32 $0x3FFF, v2;
	[tilespmem:s11+$0x0] =	vst v60  }
0x1fc: {  	v61 =	vshra.s32 v3, $0xE;
	[tilespmem:s11+$0x1400] =	vst v2  }
0x1fd: {  	v3 =	vand.u32 $0x3FFF, v3;
	[tilespmem:s11+$0x10] =	vst v61  }
0x1fe: {  	v62 =	vshra.s32 v1, $0xE;
	[tilespmem:s11+$0x1410] =	vst v3  }
0x1ff: {  	v1 =	vand.u32 $0x3FFF, v1;
	[tilespmem:s11+$0x20] =	vst v62  }
0x200: {  	v63 =	vshra.s32 v7, $0xE;
	[tilespmem:s11+$0x1420] =	vst v1  }
0x201: {  	v2 =	vand.u32 $0x3FFF, v7;
	[tilespmem:s11+$0x30] =	vst v63  }
0x202: {  	s12 =	simm.s32 $0x0;
	[tilespmem:s11+$0x1430] =	vst v2  }
0x203: {  	[tilespmem:s21], [sflag:$0x1] =	stream.indirect.gather [hbm4b:s4+s23], $0x80, s12, s23, $0xb8;
	[tilespmem:$0x1E800] =	vst v63  }
0x204: {  	_ = 	snop  }
0x205: {  	[tilespmem:s25], [sflag:$0x2] =	stream.indirect.gather [hbm4b:s4+s23], $0x80, s24, s23, $0xb8;
	[tilespmem:$0x1E800] =	vst v63  }
0x206: {  	_ = 	snop  }
0x207: {  	[tilespmem:s28], [sflag:$0x3] =	stream.indirect.gather [hbm4b:s4+s23], $0x80, s26, s23, $0xb8;
	[tilespmem:$0x1E800] =	vst v63  }
0x208: {  	_ = 	snop  }
0x209: {  	[tilespmem:s30], [sflag:$0x4] =	stream.indirect.gather [hbm4b:s4+s23], $0x80, s29, s23, $0xb8;
	[tilespmem:$0x1E800] =	vst v63  }
0x20a: {  	_ =	swait.ge [sflag:s31], $0x2000  }
0x20b: {  	[sflag:s31] =	ssyncset.done $0x0  }
0x20c: {  	s13 =	simm.s32 $0x1400;
	[sflag:s31] =	ssyncadd.s32 $0xFFFFE000  }
0x20d: {  	[spmem:s2] =	stream.indirect.scatter.add.f32 [tilespmem:s21], [sflag:$0x5], $0x80, s13, s23, $0xb8;
	[tilespmem:$0x1E800] =	vst v63  }
0x20e: {  	_ =	swait.ge [sflag:s22], $0x2000  }
0x20f: {  	[sflag:s22] =	ssyncset.done $0x0  }
0x210: {  	s12 =	simm.s32 $0x200;
	[sflag:s22] =	ssyncadd.s32 $0xFFFFE000  }
0x211: {  	[tilespmem:s21], [sflag:$0x1] =	stream.indirect.gather [hbm4b:s4+s23], $0x80, s12, s23, $0xb8;
	[tilespmem:$0x1E800] =	vst v63  }
0x212: {  	_ =	swait.ge [sflag:s0], $0x2000  }
0x213: {  	[sflag:s0] =	ssyncset.done $0x0  }
0x214: {  	s13 =	simm.s32 $0x1480;
	[sflag:s0] =	ssyncadd.s32 $0xFFFFE000  }
0x215: {  	[spmem:s2] =	stream.indirect.scatter.add.f32 [tilespmem:s25], [sflag:$0x5], $0x80, s13, s23, $0xb8;
	[tilespmem:$0x1E800] =	vst v63  }
0x216: {  	_ =	swait.ge [sflag:s22], $0x2000  }
0x217: {  	[sflag:s22] =	ssyncset.done $0x0  }
0x218: {  	s12 =	simm.s32 $0x280;
	[sflag:s22] =	ssyncadd.s32 $0xFFFFE000  }
0x219: {  	[tilespmem:s25], [sflag:$0x2] =	stream.indirect.gather [hbm4b:s4+s23], $0x80, s12, s23, $0xb8;
	[tilespmem:$0x1E800] =	vst v63  }
0x21a: {  	_ =	swait.ge [sflag:s1], $0x2000  }
0x21b: {  	[sflag:s1] =	ssyncset.done $0x0  }
0x21c: {  	s13 =	simm.s32 $0x1500;
	[sflag:s1] =	ssyncadd.s32 $0xFFFFE000  }
0x21d: {  	[spmem:s2] =	stream.indirect.scatter.add.f32 [tilespmem:s28], [sflag:$0x5], $0x80, s13, s23, $0xb8;
	[tilespmem:$0x1E800] =	vst v63  }
0x21e: {  	_ =	swait.ge [sflag:s22], $0x2000  }
0x21f: {  	[sflag:s22] =	ssyncset.done $0x0  }
0x220: {  	s12 =	simm.s32 $0x300;
	[sflag:s22] =	ssyncadd.s32 $0xFFFFE000  }
0x221: {  	[tilespmem:s28], [sflag:$0x3] =	stream.indirect.gather [hbm4b:s4+s23], $0x80, s12, s23, $0xb8;
	[tilespmem:$0x1E800] =	vst v63  }
0x222: {  	_ =	swait.ge [sflag:s6], $0x2000  }
0x223: {  	[sflag:s6] =	ssyncset.done $0x0  }
0x224: {  	s13 =	simm.s32 $0x1580;
	[sflag:s6] =	ssyncadd.s32 $0xFFFFE000  }
0x225: {  	[spmem:s2] =	stream.indirect.scatter.add.f32 [tilespmem:s30], [sflag:$0x5], $0x80, s13, s23, $0xb8;
	[tilespmem:$0x1E800] =	vst v63  }
0x226: {  	_ =	swait.ge [sflag:s22], $0x2000  }
0x227: {  	[sflag:s22] =	ssyncset.done $0x0  }
0x228: {  	s11 =	simm.s32 $0x800;
	s12 =	simm.s32 $0x380;
	[sflag:s22] =	ssyncadd.s32 $0xFFFFE000  }
.LBB2_18:
0x229: {  	[tilespmem:s30], [sflag:$0x4] =	stream.indirect.gather [hbm4b:s4+s23], $0x80, s12, s23, $0xb8;
	[tilespmem:$0x1E800] =	vst v63  }
0x22a: {  	s12 =	smov.u32 s11  }
0x22b: {  	p0 =	sne.s32 s11, $0x4000;
	s11 =	sadd.s32 $0x800, s11;
	_ =	swait.ge [sflag:s31], $0x2000  }
0x22c: {  	s12 =	sshra.s32 s12, $0x2;
	[sflag:s31] =	ssyncset.done $0x0  }
0x22d: {  	s13 =	sadd.s32 $0x1400, s12;
	[sflag:s31] =	ssyncadd.s32 $0xFFFFE000  }
0x22e: {  	[spmem:s2] =	stream.indirect.scatter.add.f32 [tilespmem:s21], [sflag:$0x5], $0x80, s13, s23, $0xb8;
	[tilespmem:$0x1E800] =	vst v63  }
0x22f: {  	_ =	swait.ge [sflag:s22], $0x2000  }
0x230: {  	[sflag:s22] =	ssyncset.done $0x0  }
0x231: {  	s13 =	sadd.s32 $0x200, s12;
	[sflag:s22] =	ssyncadd.s32 $0xFFFFE000  }
0x232: {  	[tilespmem:s21], [sflag:$0x1] =	stream.indirect.gather [hbm4b:s4+s23], $0x80, s13, s23, $0xb8;
	[tilespmem:$0x1E800] =	vst v63  }
0x233: {  	_ =	swait.ge [sflag:s0], $0x2000  }
0x234: {  	[sflag:s0] =	ssyncset.done $0x0  }
0x235: {  	s13 =	sadd.s32 $0x1480, s12;
	[sflag:s0] =	ssyncadd.s32 $0xFFFFE000  }
0x236: {  	[spmem:s2] =	stream.indirect.scatter.add.f32 [tilespmem:s25], [sflag:$0x5], $0x80, s13, s23, $0xb8;
	[tilespmem:$0x1E800] =	vst v63  }
0x237: {  	_ =	swait.ge [sflag:s22], $0x2000  }
0x238: {  	[sflag:s22] =	ssyncset.done $0x0  }
0x239: {  	s13 =	sadd.s32 $0x280, s12;
	[sflag:s22] =	ssyncadd.s32 $0xFFFFE000  }
0x23a: {  	[tilespmem:s25], [sflag:$0x2] =	stream.indirect.gather [hbm4b:s4+s23], $0x80, s13, s23, $0xb8;
	[tilespmem:$0x1E800] =	vst v63  }
0x23b: {  	_ =	swait.ge [sflag:s1], $0x2000  }
0x23c: {  	[sflag:s1] =	ssyncset.done $0x0  }
0x23d: {  	s13 =	sadd.s32 $0x1500, s12;
	[sflag:s1] =	ssyncadd.s32 $0xFFFFE000  }
0x23e: {  	[spmem:s2] =	stream.indirect.scatter.add.f32 [tilespmem:s28], [sflag:$0x5], $0x80, s13, s23, $0xb8;
	[tilespmem:$0x1E800] =	vst v63  }
0x23f: {  	_ =	swait.ge [sflag:s22], $0x2000  }
0x240: {  	[sflag:s22] =	ssyncset.done $0x0  }
0x241: {  	s13 =	sadd.s32 $0x300, s12;
	[sflag:s22] =	ssyncadd.s32 $0xFFFFE000  }
0x242: {  	[tilespmem:s28], [sflag:$0x3] =	stream.indirect.gather [hbm4b:s4+s23], $0x80, s13, s23, $0xb8;
	[tilespmem:$0x1E800] =	vst v63  }
0x243: {  	_ =	swait.ge [sflag:s6], $0x2000  }
0x244: {  	[sflag:s6] =	ssyncset.done $0x0  }
.Ltmp8:
0x245: {  	s13 =	sadd.s32 $0x1580, s12;
	[sflag:s6] =	ssyncadd.s32 $0xFFFFE000;
	(pc) =	sbr.rel @p0 .LBB2_18-.Ltmp8, $4  }
0x246: {  	[spmem:s2] =	stream.indirect.scatter.add.f32 [tilespmem:s30], [sflag:$0x5], $0x80, s13, s23, $0xb8;
	[tilespmem:$0x1E800] =	vst v63  }
0x247: {  	_ =	swait.ge [sflag:s22], $0x2000  }
0x248: {  	[sflag:s22] =	ssyncset.done $0x0  }
0x249: {  	s12 =	sadd.s32 $0x380, s12;
	[sflag:s22] =	ssyncadd.s32 $0xFFFFE000  }
0x24a: {  	[tilespmem:s30], [sflag:$0x4] =	stream.indirect.gather [hbm4b:s4+s23], $0x80, s12, s23, $0xb8;
	[tilespmem:$0x1E800] =	vst v63  }
0x24b: {  	_ =	swait.ge [sflag:s31], $0x2000  }
0x24c: {  	[sflag:s31] =	ssyncset.done $0x0  }
0x24d: {  	[sflag:s31] =	ssyncadd.s32 $0xFFFFE000  }
0x24e: {  	[spmem:s2] =	stream.indirect.scatter.add.f32 [tilespmem:s21], [sflag:$0x5], $0x80, s7, s23, $0xb8;
	[tilespmem:$0x1E800] =	vst v63  }
0x24f: {  	_ =	swait.ge [sflag:s22], $0x2000  }
0x250: {  	[sflag:s22] =	ssyncset.done $0x0  }
0x251: {  	[sflag:s22] =	ssyncadd.s32 $0xFFFFE000  }
0x252: {  	_ =	swait.ge [sflag:s0], $0x2000  }
0x253: {  	[sflag:s0] =	ssyncset.done $0x0  }
0x254: {  	[sflag:s0] =	ssyncadd.s32 $0xFFFFE000  }
0x255: {  	[spmem:s2] =	stream.indirect.scatter.add.f32 [tilespmem:s25], [sflag:$0x5], $0x80, s8, s23, $0xb8;
	[tilespmem:$0x1E800] =	vst v63  }
0x256: {  	_ =	swait.ge [sflag:s22], $0x2000  }
0x257: {  	[sflag:s22] =	ssyncset.done $0x0  }
0x258: {  	[sflag:s22] =	ssyncadd.s32 $0xFFFFE000  }
0x259: {  	_ =	swait.ge [sflag:s1], $0x2000  }
0x25a: {  	[sflag:s1] =	ssyncset.done $0x0  }
0x25b: {  	[sflag:s1] =	ssyncadd.s32 $0xFFFFE000  }
0x25c: {  	[spmem:s2] =	stream.indirect.scatter.add.f32 [tilespmem:s28], [sflag:$0x5], $0x80, s9, s23, $0xb8;
	[tilespmem:$0x1E800] =	vst v63  }
0x25d: {  	_ =	swait.ge [sflag:s22], $0x2000  }
0x25e: {  	[sflag:s22] =	ssyncset.done $0x0  }
0x25f: {  	[sflag:s22] =	ssyncadd.s32 $0xFFFFE000  }
0x260: {  	_ =	swait.ge [sflag:s6], $0x2000  }
0x261: {  	[sflag:s6] =	ssyncset.done $0x0  }
0x262: {  	[sflag:s6] =	ssyncadd.s32 $0xFFFFE000  }
0x263: {  	[spmem:s2] =	stream.indirect.scatter.add.f32 [tilespmem:s30], [sflag:$0x5], $0x80, s10, s23, $0xb8;
	[tilespmem:$0x1E800] =	vst v63  }
0x264: {  	s11 =	stileid.u32;
	_ =	swait.ge [sflag:s22], $0x2000  }
0x265: {  	s13 =	sshrl.u32 s5, $0x3;
	s3 =	sadd.s32 $0x1, s3;
	[sflag:s22] =	ssyncset.done $0x0  }
0x266: {  	s11 =	sshll.u32 s11, $0x6;
	p0 =	sne.s32 s3, s20;
	[sflag:s22] =	ssyncadd.s32 $0xFFFFE000  }
.Ltmp9:
0x267: {  	s11 =	sor.u32 $0x1C05, s11;
	[bflag:$0x0] =	sbarrier.arrive $0xFFFF;
	(pc) =	sbr.rel @p0 .LBB2_1-.Ltmp9, $4  }
0x268: {  	[hbm:s19], [sflag:s11] =	dma.local [spmem:s13], $0x2800  }
0x269: {  	_ =	swait.ge [sflag:s22], $0x2800  }
0x26a: {  	[sflag:s22] =	ssyncset.done $0x0  }
0x26b: {  	[sflag:s22] =	ssyncadd.s32 $0xFFFFD800  }
0x26c: {  	_ =	sfence.sel $0x180000  }
0x26d: {  	[bflag:$0x0] =	sbarrier.arrive $0xFFFF  }
0x26e: {  	_ =	strace $0x90000047  }
0x26f: {  	s0 =	stileid.u32;
	[bflag:$0x2] =	sbarrier.arrive $0xFFFF  }
0x270: {  	p0 =	sne.s32 s0, $0x0;
	s0 =	rddreg [dreg:$0x3]  }
0x271: {  	s0 =	sadd.s32 @!p0 $0x100000, s0  }
0x272: {  	[sflag:s0] =	ssyncadd.tile.s32 @!p0 $0x1;
	_ =	shalt  }
.Lfunc_end2:
_tile_overlayer_lowered:
.L_overlay_start_2:
0x273: {  	(tag) =	ssettag $0x2  }
0x274: {  	s0 =	rddreg [dreg:$0x0];
	s2 =	stileid.u32  }
0x275: {  	s1 =	rddreg [dreg:$0x1];
	p0 =	sne.s32 s2, $0x0  }
0x276: {  	s3 =	rddreg [dreg:$0x2];
	[bflag:$0x3] =	sbarrier.arrive $0xFFFF;
	s2 =	simm.s32 @!p0 $0x1C05  }
0x277: {  	[timem:s3], [sflag:s2] =	dma.local @!p0 [hbm:s0], s1  }
0x278: {  	s0 =	simm.s32 @!p0 $0x5  }
0x279: {  	_ =	swait.ge @!p0 [sflag:s0], s1  }
0x27a: {  	s1 =	ssub.s32 @!p0 $0x0, s1;
	[sflag:s0] =	ssyncset.done @!p0 $0x0  }
0x27b: {  	[sflag:s0] =	ssyncadd.s32 @!p0 s1  }
0x27c: {  	[bflag:$0x3] =	sbarrier.arrive $0xFFFF  }
0x27d: {  	_ =	shalt  }

// kernel: edge_agg.7.cloned.1.call-start
scs
__scs_entry_jumppad:
0x0: {  	(pc) =	sbr.rel $0x88, $3  }
0x1: {  	(tag) =	ssettag $0x0;
	lr =	simm.s32 $0x1  }
0x2: {  	[smem:$0x3F88] =	sst lr;
	_ =	strace $0xD0000000  }
0x3: {  	_ = 	snop  }
0x4: {  	_ = 	snop  }
0x5: {  	_ = 	snop  }
0x6: {  	_ = 	snop  }
0x7: {  	_ = 	snop  }
__scs_overlays_trampoline_lowered:
0x8: {  	[smem:$0x3F97] =	sst s0  }
0x9: {  	[smem:$0x3F98] =	sst s1  }
0xa: {  	[smem:$0x3F99] =	sst s2  }
0xb: {  	[smem:$0x3F9A] =	sst s3  }
0xc: {  	[smem:$0x3F9B] =	sst s4  }
0xd: {  	[smem:$0x3F9C] =	sst s5  }
0xe: {  	[smem:$0x3F9D] =	sst s6  }
0xf: {  	[smem:$0x3F9E] =	sst s7  }
0x10: {  	[smem:$0x3F9F] =	sst s8  }
0x11: {  	[smem:$0x3FA0] =	sst s9;
	s0 =	simm.s32 @!p0 $0x0  }
0x12: {  	s1 =	sld [smem:$0x3F86];
	s0 =	simm.s32 @p0 $0x1  }
0x13: {  	[smem:$0x3FA1] =	sst s0;
	s0 =	simm.s32 @!p1 $0x0  }
0x14: {  	s2 =	sld [smem:$0x3F85];
	s0 =	simm.s32 @p1 $0x1  }
0x15: {  	[smem:$0x3FA2] =	sst s0;
	s0 =	simm.s32 @!p2 $0x0  }
0x16: {  	s3 =	sld [smem:$0x3FDB];
	s0 =	simm.s32 @p2 $0x1  }
0x17: {  	s4 =	simm.s32 $0x1BF5;
	[smem:$0x3FA4] =	sst s0  }
0x18: {  	s0 =	sld [smem:$0x3F87];
	_ =	swait.ge [sflag:s4], $0x0  }
0x19: {  	s7 =	sld [smem:$0x3F88]  }
0x1a: {  	s8 =	sadd.s32 $0xFFFFE003, lr  }
0x1b: {  	s9 =	sadd.s32 $0xFFFFFEF7, lr;
	s5 =	simm.s32 $0xFFFFFFFF;
	p2 =	slt.u32 s8, $0xFFFFF086  }
0x1c: {  	p1 =	slt.u32 s9, $0xF7A;
	s5 =	simm.s32 @!p2 $0x0  }
0x1d: {  	s5 =	simm.s32 @p1 $0x1;
	p0 =	seq.s32 s7, s2  }
0x1e: {  	s7 =	smul.u32 @!p0 $0xF7A, s2;
	p2 =	seq.s32 @!p0 s5, $0x0  }
0x1f: {  	s9 =	smul.u32 $0xF7A, s1;
	s8 =	simm.s32 @!p0 $0x1BF5;
	p2 =	por !p2, p0  }
0x20: {  	[sflag:s8] =	ssyncset.s32 @!p0 $0xFFFFF086;
	s6 =	sadd.s32 @!p0 s3, s7;
	s7 =	simm.s32 @!p0 $0x108  }
0x21: {  	s3 =	sadd.s32 s3, s9;
	s6 =	sadd.s32 @!p0 $0x88, s6;
	s7 =	simm.s32 @p2 $0x1082  }
0x22: {  	[simem:s7], [sflag:s8] =	dma.local @!p0 [hbm:s6], $0xF7A  }
0x23: {  	s9 =	sor.u32 $0xD0000000, s2;
	s6 =	simm.s32 $0x108;
	_ =	swait.ge @!p0 [sflag:s8], $0x0  }
0x24: {  	s3 =	sadd.s32 $0x88, s3;
	s6 =	simm.s32 @!p1 $0x1082;
	[sflag:s4] =	ssyncset.s32 $0xFFFFF086  }
0x25: {  	[simem:s6], [sflag:s4] =	dma.local [hbm:s3], $0xF7A  }
0x26: {  	[smem:$0x3F88] =	sst s1;
	(tag) =	ssettag s2;
	_ =	strace s9  }
0x27: {  	s1 =	sld [smem:$0x3F98]  }
0x28: {  	s2 =	sld [smem:$0x3F99]  }
0x29: {  	s4 =	sld [smem:$0x3F9B]  }
0x2a: {  	p0 =	seq.s32 s5, $0x0;
	s5 =	sld [smem:$0x3F9C]  }
0x2b: {  	s6 =	sld [smem:$0x3F9D]  }
0x2c: {  	s7 =	sld [smem:$0x3F9E]  }
0x2d: {  	s3 =	simm.s32 $0x108;
	s8 =	sld [smem:$0x3F9F]  }
0x2e: {  	s3 =	simm.s32 @!p0 $0x1082;
	s9 =	sld [smem:$0x3FA0]  }
0x2f: {  	lr =	sadd.s32 s0, s3;
	s0 =	sld [smem:$0x3F97]  }
0x30: {  	s3 =	sld [smem:$0x3F9A]  }
0x31: {  	[smem:$0x3FA3] =	sst s10  }
0x32: {  	s10 =	sld [smem:$0x3FA1];
	_ =	sdelay $0x3  }
0x33: {  	p0 =	seq.s32 s10, $0x1;
	s10 =	sld [smem:$0x3FA3];
	_ =	sdelay $0x3  }
0x34: {  	[smem:$0x3FA3] =	sst s10  }
0x35: {  	s10 =	sld [smem:$0x3FA2];
	_ =	sdelay $0x3  }
0x36: {  	p1 =	seq.s32 s10, $0x1;
	s10 =	sld [smem:$0x3FA3];
	_ =	sdelay $0x3  }
0x37: {  	[smem:$0x3FA3] =	sst s10  }
0x38: {  	s10 =	sld [smem:$0x3FA4]  }
0x39: {  	_ = 	snop;
	(pc) =	sbr.ind lr, $3  }
0x3a: {  	_ = 	snop  }
0x3b: {  	_ = 	snop  }
0x3c: {  	p2 =	seq.s32 s10, $0x1;
	s10 =	sld [smem:$0x3FA3]  }
0x3d: {  	_ =	shalt  }
0x3e: {  	_ =	shalt  }
0x3f: {  	_ =	shalt  }
0x40: {  	_ =	shalt  }
0x41: {  	_ =	shalt  }
0x42: {  	_ =	shalt  }
0x43: {  	_ =	shalt  }
0x44: {  	_ =	shalt  }
0x45: {  	_ =	shalt  }
0x46: {  	_ =	shalt  }
0x47: {  	_ =	shalt  }
0x48: {  	_ =	shalt  }
0x49: {  	_ =	shalt  }
0x4a: {  	_ =	shalt  }
0x4b: {  	_ =	shalt  }
0x4c: {  	_ =	shalt  }
0x4d: {  	_ =	shalt  }
0x4e: {  	_ =	shalt  }
0x4f: {  	_ =	shalt  }
0x50: {  	_ =	shalt  }
0x51: {  	_ =	shalt  }
0x52: {  	_ =	shalt  }
0x53: {  	_ =	shalt  }
0x54: {  	_ =	shalt  }
0x55: {  	_ =	shalt  }
0x56: {  	_ =	shalt  }
0x57: {  	_ =	shalt  }
0x58: {  	_ =	shalt  }
0x59: {  	_ =	shalt  }
0x5a: {  	_ =	shalt  }
0x5b: {  	_ =	shalt  }
0x5c: {  	_ =	shalt  }
0x5d: {  	_ =	shalt  }
0x5e: {  	_ =	shalt  }
0x5f: {  	_ =	shalt  }
0x60: {  	_ =	shalt  }
0x61: {  	_ =	shalt  }
0x62: {  	_ =	shalt  }
0x63: {  	_ =	shalt  }
0x64: {  	_ =	shalt  }
0x65: {  	_ =	shalt  }
0x66: {  	_ =	shalt  }
0x67: {  	_ =	shalt  }
0x68: {  	_ =	shalt  }
0x69: {  	_ =	shalt  }
0x6a: {  	_ =	shalt  }
0x6b: {  	_ =	shalt  }
0x6c: {  	_ =	shalt  }
0x6d: {  	_ =	shalt  }
0x6e: {  	_ =	shalt  }
0x6f: {  	_ =	shalt  }
0x70: {  	_ =	shalt  }
0x71: {  	_ =	shalt  }
0x72: {  	_ =	shalt  }
0x73: {  	_ =	shalt  }
0x74: {  	_ =	shalt  }
0x75: {  	_ =	shalt  }
0x76: {  	_ =	shalt  }
0x77: {  	_ =	shalt  }
0x78: {  	_ =	shalt  }
0x79: {  	_ =	shalt  }
0x7a: {  	_ =	shalt  }
0x7b: {  	_ =	shalt  }
0x7c: {  	_ =	shalt  }
0x7d: {  	_ =	shalt  }
0x7e: {  	_ =	shalt  }
0x7f: {  	_ =	shalt  }
0x80: {  	_ =	shalt  }
0x81: {  	_ =	shalt  }
0x82: {  	_ =	shalt  }
0x83: {  	_ =	shalt  }
0x84: {  	_ =	shalt  }
0x85: {  	_ =	shalt  }
0x86: {  	_ =	shalt  }
0x87: {  	_ =	shalt  }
.Lfunc_end0:
.L_simem_size_0:
called_computation.1_lowered:
.L_overlay_start_0:
0x88: {  	s2 =	sld [smem:$0x3FD9]  }
0x89: {  	s3 =	sld [smem:$0x3FFE];
	_ =	sdelay $0x1  }
0x8a: {  	s1 =	srdreg.scid  }
0x8b: {  	s0 =	sand.u32 $0x1, s1  }
0x8c: {  	s17 =	sshll.u32 s0, $0xA;
	s2 =	sadd.s32 s3, s2  }
0x8d: {  	s2 =	sadd.s32 s2, s17  }
0x8e: {  	[smem:$0x3FAF] =	sst s2  }
0x8f: {  	_ = 	snop  }
0x90: {  	s2 =	sld [smem:$0x3FD0];
	(tm) =	ssettm $0x1  }
0x91: {  	s18 =	sld [smem:$0x3FFB];
	_ =	sdelay $0x3  }
0x92: {  	_ =	strace s18  }
0x93: {  	s3 =	sld [smem:$0x3FFC];
	_ =	sdelay $0x3  }
0x94: {  	_ =	strace s3  }
0x95: {  	s3 =	sld [smem:$0x3FFD];
	_ =	sdelay $0x3  }
0x96: {  	_ =	strace s3  }
0x97: {  	_ =	strace $0x8FFFFFFF  }
0x98: {  	s19 =	sld [smem:$0x3FDB];
	_ =	sdelay $0x1  }
0x99: {  	s4 =	simm.s32 $_scs_section_size  }
0x9a: {  	s5 =	simm.s32 $_size__tile_overlayer_lowered;
	s6 =	simm.s32 $_tile_overlayer_lowered  }
0x9b: {  	s22 =	simm.s32 $0x1BFF;
	s21 =	sshll.u32 s6, $0x1;
	s3 =	sadd.s32 s4, s19  }
0x9c: {  	s7 =	simm.s32 $0x0;
	s20 =	sshll.u32 s5, $0x1;
	s5 =	sadd.s32 s21, s3  }
0x9d: {  	[timem:s7], [sflag:s22] =	dma.local [hbm:s5], s20  }
0x9e: {  	_ =	swait.ge [sflag:s22], s20  }
0x9f: {  	s4 =	ssub.s32 $0x0, s20;
	[sflag:s22] =	ssyncset.done $0x0  }
0xa0: {  	[sflag:s22] =	ssyncadd.s32 s4;
	_ =	sdelay $0x1  }
0xa1: {  	s23 =	simm.s32 $0x1B8B  }
0xa2: {  	_ =	swait.ge [sflag:s23], $0x1  }
0xa3: {  	[sflag:s23] =	ssyncset.done $0x0  }
0xa4: {  	s25 =	simm.s32 $0x1B8E;
	s24 =	sld [smem:$0x3FFE];
	[sflag:s23] =	ssyncadd.s32 $0xFFFFFFFF  }
0xa5: {  	s26 =	simm.s32 $execute0_lowered;
	[smem:$0x3FD2] =	sst s25  }
0xa6: {  	s5 =	sshll.u32 s26, $0x1;
	_ =	strace $0x80000049;
	[dreg:$0x1] =	wrdreg $0xFFFFFFFF  }
0xa7: {  	s28 =	simm.s32 $_size_execute0_lowered;
	s3 =	sadd.s32 s3, s5;
	[dreg:$0x0] =	wrdreg $0x0  }
0xa8: {  	s5 =	sshll.u32 s28, $0x1;
	[dreg:$0x2] =	wrdreg s3  }
0xa9: {  	[dreg:$0x3] =	wrdreg s5  }
0xaa: {  	[dreg:$0x4] =	wrdreg $0xC0  }
0xab: {  	_ =	task [dreg:s7], $0x5FFFF  }
0xac: {  	[dreg:$0x1] =	wrdreg $0xFFFFFFFF  }
0xad: {  	[dreg:$0x0] =	wrdreg $0x60  }
0xae: {  	[dreg:$0x2] =	wrdreg s24  }
0xaf: {  	[dreg:$0x3] =	wrdreg s2  }
0xb0: {  	[dreg:$0x4] =	wrdreg $0xA8000  }
0xb1: {  	[dreg:$0x5] =	wrdreg $0x9  }
0xb2: {  	_ =	task.clear_ibuf [dreg:s7], $0x6FFFF;
	_ =	strace $0x90000049  }
0xb3: {  	s29 =	simm.s32 $0x9;
	_ =	strace $0x8000004B  }
0xb4: {  	_ =	swait.ge [sflag:s29], $0x1  }
0xb5: {  	[sflag:s29] =	ssyncadd.s32 $0xFFFFFFFF  }
0xb6: {  	_ =	strace $0x9000004B  }
0xb7: {  	_ =	sfence  }
0xb8: {  	s30 =	sld [smem:$0x0];
	_ =	sdelay $0x2  }
0xb9: {  	s31 =	sshll.u32 s1, $0xD;
	s1 =	sshrl.u32 s1, $0x2  }
0xba: {  	s3 =	sand.u32 $0x4000, s31;
	s1 =	sadd.s32 s1, s30  }
0xbb: {  	s0 =	sor.u32 s3, s0;
	s1 =	sshll.u32 s1, $0x11  }
0xbc: {  	s0 =	sor.u32 s1, s0  }
0xbd: {  	s0 =	sadd.s32 $0x8F2B, s0  }
0xbe: {  	[sflag:s0] =	ssyncadd.remote.s32 $0x1  }
0xbf: {  	_ =	sfence.sel $0xFFFF  }
0xc0: {  	[dreg:$0x0] =	wrdreg $0xFFFFFFFF;
	(pc) =	sbr.abs _section_cstart, $3  }
0xc1: {  	[dreg:$0x1] =	wrdreg $0xFFFFFFFF  }
0xc2: {  	_ =	task.clear_ibuf [dreg:s7], $0x2FFFF;
	_ =	strace $0x9FFFFFFF  }
0xc3: {  	(tm) =	ssettm $0x7FFFFFFF  }
tec
execute0_lowered:
.L_overlay_start_1:
0x0: {  	(tag) =	ssettag $0x1  }
0x1: {  	s0 =	rddreg [dreg:$0x0]  }
0x2: {  	s1 =	rddreg [dreg:$0x1]  }
0x3: {  	s2 =	rddreg [dreg:$0x2];
	s3 =	simm.s32 $0x0;
	s4 =	srdreg.scid  }
0x4: {  	s11 =	stileid.u32;
	s28 =	simm.s32 $0x6800;
	s29 =	simm.s32 $0x180  }
0x5: {  	s30 =	simm.s32 $0x8800;
	s31 =	simm.s32 $0x1;
	[smem:$0x7FF] =	sst s3  }
0x6: {  	s6 =	sand.u32 $0x1, s4;
	s5 =	smul.u32 $0x50000, s11;
	s4 =	sadd.s32 $0x18200, s0  }
0x7: {  	s0 =	sadd.s32 $0x4200, s0;
	s9 =	sshll.u32 s11, $0x3;
	s24 =	smul.u32 $0x14000, s11  }
0x8: {  	_ =	strace $0x8000004A;
	s7 =	ssub.s32 $0x2, s6;
	s5 =	sshrl.u32 s5, $0x2  }
0x9: {  	s10 =	sshll.u32 s6, $0x2;
	s6 =	smul.u32 $0x140000, s6;
	s5 =	sadd.s32 s5, s2  }
0xa: {  	s8 =	sshrl.u32 s7, $0x1;
	s16 =	sor.u32 s10, s9;
	s15 =	sadd.s32 $0x2000, s5  }
0xb: {  	s10 =	simm.s32 $0x2780;
	s17 =	sadd.s32 $0x4000, s5;
	[dreg:$0x4] =	wrdreg s15  }
0xc: {  	s7 =	ssub.s32 s7, s8;
	s18 =	sadd.s32 $0x6000, s5;
	[dreg:$0x5] =	wrdreg s17  }
0xd: {  	s19 =	smul.u32 $0x1400, s16;
	s20 =	sadd.s32 $0x8000, s5;
	[dreg:$0x6] =	wrdreg s18  }
0xe: {  	s8 =	smul.u32 $0x280, s16;
	s21 =	sadd.s32 $0xA000, s5;
	[dreg:$0x7] =	wrdreg s20  }
0xf: {  	s6 =	sadd.s32 s24, s6;
	s22 =	sadd.s32 $0xC000, s5;
	[dreg:$0x8] =	wrdreg s21  }
0x10: {  	s24 =	simm.s32 $0x80;
	s23 =	sadd.s32 $0xE000, s5;
	[dreg:$0x9] =	wrdreg s22  }
0x11: {  	s25 =	sadd.s32 $0x10000, s5;
	s14 =	sadd.s32 $0x12000, s5;
	[dreg:$0xa] =	wrdreg s23  }
0x12: {  	s26 =	sshrl.u32 s6, $0x3;
	s6 =	simm.s32 $0x4;
	[dreg:$0xb] =	wrdreg s25  }
0x13: {  	s9 =	sshrl.u32 s19, $0x3;
	s15 =	sadd.s32 s0, s8;
	s19 =	sadd.s32 s1, s26  }
0x14: {  	s20 =	smax.u32 s7, $0x1;
	s21 =	simm.s32 $0x2800;
	s22 =	simm.s32 $0x5  }
0x15: {  	s23 =	simm.s32 $0x40;
	s25 =	simm.s32 $0x4800;
	s26 =	simm.s32 $0x100  }
0x16: {  	s1 =	simm.s32 $0x3;
	s7 =	simm.s32 $0x2600;
	s9 =	sadd.s32 s0, s9  }
0x17: {  	s8 =	simm.s32 $0x2680;
	s0 =	simm.s32 $0x2;
	s16 =	sadd.s32 $0x280, s9  }
0x18: {  	v0 =	vimm.f32 $0.0e+00;
	s17 =	sadd.s32 $0x500, s9;
	s18 =	sadd.s32 $0x780, s9;
	s9 =	simm.s32 $0x2700  }
.LBB2_1:
0x19: {  	s11 =	simm.s32 $0x0;
	s12 =	simm.s32 $0x200  }
.LBB2_2:
0x1a: {  	p0 =	sne.s32 s12, $0x7E00;
	[tilespmem:s11+$0x2870] =	vst v0  }
0x1b: {  	[tilespmem:s11+$0x2800] =	vst v0  }
0x1c: {  	[tilespmem:s11+$0x2810] =	vst v0  }
.Ltmp0:
0x1d: {  	[tilespmem:s11+$0x2820] =	vst v0;
	(pc) =	sbr.rel @p0 .LBB2_2-.Ltmp0, $4  }
0x1e: {  	[tilespmem:s11+$0x2830] =	vst v0  }
0x1f: {  	[tilespmem:s11+$0x2840] =	vst v0  }
0x20: {  	[tilespmem:s11+$0x2850] =	vst v0  }
0x21: {  	[tilespmem:s11+$0x2860] =	vst v0;
	s11 =	sshra.s32 s12, $0x2;
	s12 =	sadd.s32 $0x200, s12  }
0x22: {  	[tilespmem:s11+$0x2870] =	vst v0  }
0x23: {  	[tilespmem:s11+$0x2800] =	vst v0  }
0x24: {  	[tilespmem:s11+$0x2810] =	vst v0  }
0x25: {  	[tilespmem:s11+$0x2820] =	vst v0  }
0x26: {  	[tilespmem:s11+$0x2830] =	vst v0  }
0x27: {  	[tilespmem:s11+$0x2840] =	vst v0  }
0x28: {  	[tilespmem:s11+$0x2850] =	vst v0  }
0x29: {  	[tilespmem:s11+$0x2860] =	vst v0  }
0x2a: {  	[spmem:s5] =	stream.linear.scatter [tilespmem:s21], [sflag:$0x5], $0x2000, $0x38;
	[tilespmem:$0x1E800] =	vst v63  }
0x2b: {  	_ =	swait.ge [sflag:s22], $0x2000  }
0x2c: {  	[sflag:s22] =	ssyncset.done $0x0  }
0x2d: {  	s13 =	rddreg [dreg:$0x4];
	[sflag:s22] =	ssyncadd.s32 $0xFFFFE000  }
0x2e: {  	[spmem:s13] =	stream.linear.scatter [tilespmem:s21], [sflag:$0x5], $0x2000, $0x38;
	[tilespmem:$0x1E800] =	vst v63  }
0x2f: {  	_ =	swait.ge [sflag:s22], $0x2000  }
0x30: {  	[sflag:s22] =	ssyncset.done $0x0  }
0x31: {  	s12 =	rddreg [dreg:$0x5];
	[sflag:s22] =	ssyncadd.s32 $0xFFFFE000  }
0x32: {  	[spmem:s12] =	stream.linear.scatter [tilespmem:s21], [sflag:$0x5], $0x2000, $0x38;
	[tilespmem:$0x1E800] =	vst v63  }
0x33: {  	_ =	swait.ge [sflag:s22], $0x2000  }
0x34: {  	[sflag:s22] =	ssyncset.done $0x0  }
0x35: {  	s13 =	rddreg [dreg:$0x6];
	[sflag:s22] =	ssyncadd.s32 $0xFFFFE000  }
0x36: {  	[spmem:s13] =	stream.linear.scatter [tilespmem:s21], [sflag:$0x5], $0x2000, $0x38;
	[tilespmem:$0x1E800] =	vst v63  }
0x37: {  	_ =	swait.ge [sflag:s22], $0x2000  }
0x38: {  	[sflag:s22] =	ssyncset.done $0x0  }
0x39: {  	s12 =	rddreg [dreg:$0x7];
	[sflag:s22] =	ssyncadd.s32 $0xFFFFE000  }
0x3a: {  	[spmem:s12] =	stream.linear.scatter [tilespmem:s21], [sflag:$0x5], $0x2000, $0x38;
	[tilespmem:$0x1E800] =	vst v63  }
0x3b: {  	_ =	swait.ge [sflag:s22], $0x2000  }
0x3c: {  	[sflag:s22] =	ssyncset.done $0x0  }
0x3d: {  	s13 =	rddreg [dreg:$0x8];
	[sflag:s22] =	ssyncadd.s32 $0xFFFFE000  }
0x3e: {  	[spmem:s13] =	stream.linear.scatter [tilespmem:s21], [sflag:$0x5], $0x2000, $0x38;
	[tilespmem:$0x1E800] =	vst v63  }
0x3f: {  	_ =	swait.ge [sflag:s22], $0x2000  }
0x40: {  	[sflag:s22] =	ssyncset.done $0x0  }
0x41: {  	s12 =	rddreg [dreg:$0x9];
	[sflag:s22] =	ssyncadd.s32 $0xFFFFE000  }
0x42: {  	[spmem:s12] =	stream.linear.scatter [tilespmem:s21], [sflag:$0x5], $0x2000, $0x38;
	[tilespmem:$0x1E800] =	vst v63  }
0x43: {  	_ =	swait.ge [sflag:s22], $0x2000  }
0x44: {  	[sflag:s22] =	ssyncset.done $0x0  }
0x45: {  	s13 =	rddreg [dreg:$0xa];
	[sflag:s22] =	ssyncadd.s32 $0xFFFFE000  }
0x46: {  	[spmem:s13] =	stream.linear.scatter [tilespmem:s21], [sflag:$0x5], $0x2000, $0x38;
	[tilespmem:$0x1E800] =	vst v63  }
0x47: {  	_ =	swait.ge [sflag:s22], $0x2000  }
0x48: {  	[sflag:s22] =	ssyncset.done $0x0  }
0x49: {  	s12 =	rddreg [dreg:$0xb];
	[sflag:s22] =	ssyncadd.s32 $0xFFFFE000  }
0x4a: {  	[spmem:s12] =	stream.linear.scatter [tilespmem:s21], [sflag:$0x5], $0x2000, $0x38;
	[tilespmem:$0x1E800] =	vst v63  }
0x4b: {  	_ =	swait.ge [sflag:s22], $0x2000  }
0x4c: {  	[sflag:s22] =	ssyncset.done $0x0  }
0x4d: {  	[sflag:s22] =	ssyncadd.s32 $0xFFFFE000  }
0x4e: {  	[spmem:s14] =	stream.linear.scatter [tilespmem:s21], [sflag:$0x5], $0x2000, $0x38;
	[tilespmem:$0x1E800] =	vst v63  }
0x4f: {  	_ =	swait.ge [sflag:s22], $0x2000  }
0x50: {  	[sflag:s22] =	ssyncset.done $0x0  }
0x51: {  	[sflag:s22] =	ssyncadd.s32 $0xFFFFE000  }
0x52: {  	s13 =	simm.s32 $0x0;
	[bflag:$0x0] =	sbarrier.arrive $0xFFFF  }
0x53: {  	[tilespmem:s13], [sflag:$0x5] =	stream.linear.gather [hbm4b:s15+s13], $0x1400, $0x38;
	[tilespmem:$0x1E800] =	vst v63  }
0x54: {  	_ =	swait.ge [sflag:s22], $0x1400  }
0x55: {  	[sflag:s22] =	ssyncset.done $0x0  }
0x56: {  	s12 =	simm.s32 $0x0;
	[sflag:s22] =	ssyncadd.s32 $0xFFFFEC00  }
0x57: {  	v1 =	vld [tilespmem:s12+$0x0]  }
0x58: {  	v4 =	vld [tilespmem:s12+$0x10]  }
0x59: {  	v5 =	vld [tilespmem:s12+$0x20]  }
0x5a: {  	v6 =	vld [tilespmem:s12+$0x30];
	_ =	sdelay $0x1  }
0x5b: {  	v2 =	vshra.s32 v1, $0xE  }
0x5c: {  	[tilespmem:s12+$0x0] =	vst v2;
	v2 =	vshra.s32 v4, $0xE  }
0x5d: {  	s11 =	simm.s32 $0x80;
	v3 =	vshra.s32 v5, $0xE;
	[tilespmem:s12+$0x10] =	vst v2  }
0x5e: {  	v7 =	vshra.s32 v6, $0xE;
	v2 =	vld [tilespmem:s11+$0x0];
	[tilespmem:s12+$0x20] =	vst v3  }
0x5f: {  	v3 =	vld [tilespmem:s11+$0x10];
	[tilespmem:s12+$0x30] =	vst v7;
	v7 =	vand.u32 $0x3FFF, v1  }
0x60: {  	s13 =	simm.s32 $0x400;
	v5 =	vand.u32 $0x3FFF, v5;
	v6 =	vand.u32 $0x3FFF, v6;
	v4 =	vand.u32 $0x3FFF, v4;
	v1 =	vld [tilespmem:s11+$0x20];
	[tilespmem:s12+$0x1400] =	vst v7  }
.LBB2_4:
0x61: {  	p0 =	sne.s32 s13, $0x4E00;
	v7 =	vld [tilespmem:s11+$0x30];
	[tilespmem:s12+$0x1410] =	vst v4  }
0x62: {  	[tilespmem:s12+$0x1420] =	vst v5  }
0x63: {  	v4 =	vshra.s32 v2, $0xE;
	v8 =	vand.u32 $0x3FFF, v2;
	[tilespmem:s12+$0x1430] =	vst v6;
	s12 =	smov.u32 s11  }
.Ltmp1:
0x64: {  	[tilespmem:s12+$0x0] =	vst v4;
	v2 =	vshra.s32 v3, $0xE;
	v4 =	vand.u32 $0x3FFF, v3;
	(pc) =	sbr.rel @p0 .LBB2_4-.Ltmp1, $4  }
0x65: {  	s11 =	sshra.s32 s13, $0x2;
	[tilespmem:s12+$0x10] =	vst v2;
	v3 =	vshra.s32 v1, $0xE;
	v5 =	vand.u32 $0x3FFF, v1  }
0x66: {  	v2 =	vld [tilespmem:s11+$0x0];
	[tilespmem:s12+$0x20] =	vst v3;
	v1 =	vshra.s32 v7, $0xE;
	v6 =	vand.u32 $0x3FFF, v7  }
0x67: {  	v3 =	vld [tilespmem:s11+$0x10];
	[tilespmem:s12+$0x30] =	vst v1  }
0x68: {  	s13 =	sadd.s32 $0x200, s13;
	v1 =	vld [tilespmem:s11+$0x20];
	[tilespmem:s12+$0x1400] =	vst v8  }
0x69: {  	v7 =	vld [tilespmem:s11+$0x30];
	[tilespmem:s12+$0x1410] =	vst v4  }
0x6a: {  	[tilespmem:s12+$0x1420] =	vst v5  }
0x6b: {  	[tilespmem:s12+$0x1430] =	vst v6;
	v60 =	vshra.s32 v2, $0xE  }
0x6c: {  	v2 =	vand.u32 $0x3FFF, v2;
	[tilespmem:s11+$0x0] =	vst v60  }
0x6d: {  	v61 =	vshra.s32 v3, $0xE;
	[tilespmem:s11+$0x1400] =	vst v2  }
0x6e: {  	v3 =	vand.u32 $0x3FFF, v3;
	[tilespmem:s11+$0x10] =	vst v61  }
0x6f: {  	v62 =	vshra.s32 v1, $0xE;
	[tilespmem:s11+$0x1410] =	vst v3  }
0x70: {  	v1 =	vand.u32 $0x3FFF, v1;
	[tilespmem:s11+$0x20] =	vst v62  }
0x71: {  	v63 =	vshra.s32 v7, $0xE;
	[tilespmem:s11+$0x1420] =	vst v1  }
0x72: {  	v2 =	vand.u32 $0x3FFF, v7;
	[tilespmem:s11+$0x30] =	vst v63  }
0x73: {  	s12 =	simm.s32 $0x0;
	[tilespmem:s11+$0x1430] =	vst v2  }
0x74: {  	[tilespmem:s21], [sflag:$0x1] =	stream.indirect.gather [hbm4b:s4+s23], $0x80, s12, s23, $0xb8;
	[tilespmem:$0x1E800] =	vst v63  }
0x75: {  	_ = 	snop  }
0x76: {  	[tilespmem:s25], [sflag:$0x2] =	stream.indirect.gather [hbm4b:s4+s23], $0x80, s24, s23, $0xb8;
	[tilespmem:$0x1E800] =	vst v63  }
0x77: {  	_ = 	snop  }
0x78: {  	[tilespmem:s28], [sflag:$0x3] =	stream.indirect.gather [hbm4b:s4+s23], $0x80, s26, s23, $0xb8;
	[tilespmem:$0x1E800] =	vst v63  }
0x79: {  	_ = 	snop  }
0x7a: {  	[tilespmem:s30], [sflag:$0x4] =	stream.indirect.gather [hbm4b:s4+s23], $0x80, s29, s23, $0xb8;
	[tilespmem:$0x1E800] =	vst v63  }
0x7b: {  	_ =	swait.ge [sflag:s31], $0x2000  }
0x7c: {  	[sflag:s31] =	ssyncset.done $0x0  }
0x7d: {  	s13 =	simm.s32 $0x1400;
	[sflag:s31] =	ssyncadd.s32 $0xFFFFE000  }
0x7e: {  	[spmem:s2] =	stream.indirect.scatter.add.f32 [tilespmem:s21], [sflag:$0x5], $0x80, s13, s23, $0xb8;
	[tilespmem:$0x1E800] =	vst v63  }
0x7f: {  	_ =	swait.ge [sflag:s22], $0x2000  }
0x80: {  	[sflag:s22] =	ssyncset.done $0x0  }
0x81: {  	s12 =	simm.s32 $0x200;
	[sflag:s22] =	ssyncadd.s32 $0xFFFFE000  }
0x82: {  	[tilespmem:s21], [sflag:$0x1] =	stream.indirect.gather [hbm4b:s4+s23], $0x80, s12, s23, $0xb8;
	[tilespmem:$0x1E800] =	vst v63  }
0x83: {  	_ =	swait.ge [sflag:s0], $0x2000  }
0x84: {  	[sflag:s0] =	ssyncset.done $0x0  }
0x85: {  	s13 =	simm.s32 $0x1480;
	[sflag:s0] =	ssyncadd.s32 $0xFFFFE000  }
0x86: {  	[spmem:s2] =	stream.indirect.scatter.add.f32 [tilespmem:s25], [sflag:$0x5], $0x80, s13, s23, $0xb8;
	[tilespmem:$0x1E800] =	vst v63  }
0x87: {  	_ =	swait.ge [sflag:s22], $0x2000  }
0x88: {  	[sflag:s22] =	ssyncset.done $0x0  }
0x89: {  	s12 =	simm.s32 $0x280;
	[sflag:s22] =	ssyncadd.s32 $0xFFFFE000  }
0x8a: {  	[tilespmem:s25], [sflag:$0x2] =	stream.indirect.gather [hbm4b:s4+s23], $0x80, s12, s23, $0xb8;
	[tilespmem:$0x1E800] =	vst v63  }
0x8b: {  	_ =	swait.ge [sflag:s1], $0x2000  }
0x8c: {  	[sflag:s1] =	ssyncset.done $0x0  }
0x8d: {  	s13 =	simm.s32 $0x1500;
	[sflag:s1] =	ssyncadd.s32 $0xFFFFE000  }
0x8e: {  	[spmem:s2] =	stream.indirect.scatter.add.f32 [tilespmem:s28], [sflag:$0x5], $0x80, s13, s23, $0xb8;
	[tilespmem:$0x1E800] =	vst v63  }
0x8f: {  	_ =	swait.ge [sflag:s22], $0x2000  }
0x90: {  	[sflag:s22] =	ssyncset.done $0x0  }
0x91: {  	s12 =	simm.s32 $0x300;
	[sflag:s22] =	ssyncadd.s32 $0xFFFFE000  }
0x92: {  	[tilespmem:s28], [sflag:$0x3] =	stream.indirect.gather [hbm4b:s4+s23], $0x80, s12, s23, $0xb8;
	[tilespmem:$0x1E800] =	vst v63  }
0x93: {  	_ =	swait.ge [sflag:s6], $0x2000  }
0x94: {  	[sflag:s6] =	ssyncset.done $0x0  }
0x95: {  	s13 =	simm.s32 $0x1580;
	[sflag:s6] =	ssyncadd.s32 $0xFFFFE000  }
0x96: {  	[spmem:s2] =	stream.indirect.scatter.add.f32 [tilespmem:s30], [sflag:$0x5], $0x80, s13, s23, $0xb8;
	[tilespmem:$0x1E800] =	vst v63  }
0x97: {  	_ =	swait.ge [sflag:s22], $0x2000  }
0x98: {  	[sflag:s22] =	ssyncset.done $0x0  }
0x99: {  	s11 =	simm.s32 $0x800;
	s12 =	simm.s32 $0x380;
	[sflag:s22] =	ssyncadd.s32 $0xFFFFE000  }
.LBB2_6:
0x9a: {  	[tilespmem:s30], [sflag:$0x4] =	stream.indirect.gather [hbm4b:s4+s23], $0x80, s12, s23, $0xb8;
	[tilespmem:$0x1E800] =	vst v63  }
0x9b: {  	s12 =	smov.u32 s11  }
0x9c: {  	p0 =	sne.s32 s11, $0x4000;
	s11 =	sadd.s32 $0x800, s11;
	_ =	swait.ge [sflag:s31], $0x2000  }
0x9d: {  	s12 =	sshra.s32 s12, $0x2;
	[sflag:s31] =	ssyncset.done $0x0  }
0x9e: {  	s13 =	sadd.s32 $0x1400, s12;
	[sflag:s31] =	ssyncadd.s32 $0xFFFFE000  }
0x9f: {  	[spmem:s2] =	stream.indirect.scatter.add.f32 [tilespmem:s21], [sflag:$0x5], $0x80, s13, s23, $0xb8;
	[tilespmem:$0x1E800] =	vst v63  }
0xa0: {  	_ =	swait.ge [sflag:s22], $0x2000  }
0xa1: {  	[sflag:s22] =	ssyncset.done $0x0  }
0xa2: {  	s13 =	sadd.s32 $0x200, s12;
	[sflag:s22] =	ssyncadd.s32 $0xFFFFE000  }
0xa3: {  	[tilespmem:s21], [sflag:$0x1] =	stream.indirect.gather [hbm4b:s4+s23], $0x80, s13, s23, $0xb8;
	[tilespmem:$0x1E800] =	vst v63  }
0xa4: {  	_ =	swait.ge [sflag:s0], $0x2000  }
0xa5: {  	[sflag:s0] =	ssyncset.done $0x0  }
0xa6: {  	s13 =	sadd.s32 $0x1480, s12;
	[sflag:s0] =	ssyncadd.s32 $0xFFFFE000  }
0xa7: {  	[spmem:s2] =	stream.indirect.scatter.add.f32 [tilespmem:s25], [sflag:$0x5], $0x80, s13, s23, $0xb8;
	[tilespmem:$0x1E800] =	vst v63  }
0xa8: {  	_ =	swait.ge [sflag:s22], $0x2000  }
0xa9: {  	[sflag:s22] =	ssyncset.done $0x0  }
0xaa: {  	s13 =	sadd.s32 $0x280, s12;
	[sflag:s22] =	ssyncadd.s32 $0xFFFFE000  }
0xab: {  	[tilespmem:s25], [sflag:$0x2] =	stream.indirect.gather [hbm4b:s4+s23], $0x80, s13, s23, $0xb8;
	[tilespmem:$0x1E800] =	vst v63  }
0xac: {  	_ =	swait.ge [sflag:s1], $0x2000  }
0xad: {  	[sflag:s1] =	ssyncset.done $0x0  }
0xae: {  	s13 =	sadd.s32 $0x1500, s12;
	[sflag:s1] =	ssyncadd.s32 $0xFFFFE000  }
0xaf: {  	[spmem:s2] =	stream.indirect.scatter.add.f32 [tilespmem:s28], [sflag:$0x5], $0x80, s13, s23, $0xb8;
	[tilespmem:$0x1E800] =	vst v63  }
0xb0: {  	_ =	swait.ge [sflag:s22], $0x2000  }
0xb1: {  	[sflag:s22] =	ssyncset.done $0x0  }
0xb2: {  	s13 =	sadd.s32 $0x300, s12;
	[sflag:s22] =	ssyncadd.s32 $0xFFFFE000  }
0xb3: {  	[tilespmem:s28], [sflag:$0x3] =	stream.indirect.gather [hbm4b:s4+s23], $0x80, s13, s23, $0xb8;
	[tilespmem:$0x1E800] =	vst v63  }
0xb4: {  	_ =	swait.ge [sflag:s6], $0x2000  }
0xb5: {  	[sflag:s6] =	ssyncset.done $0x0  }
.Ltmp2:
0xb6: {  	s13 =	sadd.s32 $0x1580, s12;
	[sflag:s6] =	ssyncadd.s32 $0xFFFFE000;
	(pc) =	sbr.rel @p0 .LBB2_6-.Ltmp2, $4  }
0xb7: {  	[spmem:s2] =	stream.indirect.scatter.add.f32 [tilespmem:s30], [sflag:$0x5], $0x80, s13, s23, $0xb8;
	[tilespmem:$0x1E800] =	vst v63  }
0xb8: {  	_ =	swait.ge [sflag:s22], $0x2000  }
0xb9: {  	[sflag:s22] =	ssyncset.done $0x0  }
0xba: {  	s12 =	sadd.s32 $0x380, s12;
	[sflag:s22] =	ssyncadd.s32 $0xFFFFE000  }
0xbb: {  	[tilespmem:s30], [sflag:$0x4] =	stream.indirect.gather [hbm4b:s4+s23], $0x80, s12, s23, $0xb8;
	[tilespmem:$0x1E800] =	vst v63  }
0xbc: {  	_ =	swait.ge [sflag:s31], $0x2000  }
0xbd: {  	[sflag:s31] =	ssyncset.done $0x0  }
0xbe: {  	[sflag:s31] =	ssyncadd.s32 $0xFFFFE000  }
0xbf: {  	[spmem:s2] =	stream.indirect.scatter.add.f32 [tilespmem:s21], [sflag:$0x5], $0x80, s7, s23, $0xb8;
	[tilespmem:$0x1E800] =	vst v63  }
0xc0: {  	_ =	swait.ge [sflag:s22], $0x2000  }
0xc1: {  	[sflag:s22] =	ssyncset.done $0x0  }
0xc2: {  	[sflag:s22] =	ssyncadd.s32 $0xFFFFE000  }
0xc3: {  	_ =	swait.ge [sflag:s0], $0x2000  }
0xc4: {  	[sflag:s0] =	ssyncset.done $0x0  }
0xc5: {  	[sflag:s0] =	ssyncadd.s32 $0xFFFFE000  }
0xc6: {  	[spmem:s2] =	stream.indirect.scatter.add.f32 [tilespmem:s25], [sflag:$0x5], $0x80, s8, s23, $0xb8;
	[tilespmem:$0x1E800] =	vst v63  }
0xc7: {  	_ =	swait.ge [sflag:s22], $0x2000  }
0xc8: {  	[sflag:s22] =	ssyncset.done $0x0  }
0xc9: {  	[sflag:s22] =	ssyncadd.s32 $0xFFFFE000  }
0xca: {  	_ =	swait.ge [sflag:s1], $0x2000  }
0xcb: {  	[sflag:s1] =	ssyncset.done $0x0  }
0xcc: {  	[sflag:s1] =	ssyncadd.s32 $0xFFFFE000  }
0xcd: {  	[spmem:s2] =	stream.indirect.scatter.add.f32 [tilespmem:s28], [sflag:$0x5], $0x80, s9, s23, $0xb8;
	[tilespmem:$0x1E800] =	vst v63  }
0xce: {  	_ =	swait.ge [sflag:s22], $0x2000  }
0xcf: {  	[sflag:s22] =	ssyncset.done $0x0  }
0xd0: {  	[sflag:s22] =	ssyncadd.s32 $0xFFFFE000  }
0xd1: {  	_ =	swait.ge [sflag:s6], $0x2000  }
0xd2: {  	[sflag:s6] =	ssyncset.done $0x0  }
0xd3: {  	[sflag:s6] =	ssyncadd.s32 $0xFFFFE000  }
0xd4: {  	[spmem:s2] =	stream.indirect.scatter.add.f32 [tilespmem:s30], [sflag:$0x5], $0x80, s10, s23, $0xb8;
	[tilespmem:$0x1E800] =	vst v63  }
0xd5: {  	_ =	swait.ge [sflag:s22], $0x2000  }
0xd6: {  	[sflag:s22] =	ssyncset.done $0x0  }
0xd7: {  	s11 =	simm.s32 $0x0;
	[sflag:s22] =	ssyncadd.s32 $0xFFFFE000  }
0xd8: {  	[tilespmem:s11], [sflag:$0x5] =	stream.linear.gather [hbm4b:s16+s11], $0x1400, $0x38;
	[tilespmem:$0x1E800] =	vst v63  }
0xd9: {  	_ =	swait.ge [sflag:s22], $0x1400  }
0xda: {  	[sflag:s22] =	ssyncset.done $0x0  }
0xdb: {  	s12 =	simm.s32 $0x0;
	[sflag:s22] =	ssyncadd.s32 $0xFFFFEC00  }
0xdc: {  	v1 =	vld [tilespmem:s12+$0x0]  }
0xdd: {  	v4 =	vld [tilespmem:s12+$0x10]  }
0xde: {  	v5 =	vld [tilespmem:s12+$0x20]  }
0xdf: {  	v6 =	vld [tilespmem:s12+$0x30];
	_ =	sdelay $0x1  }
0xe0: {  	v2 =	vshra.s32 v1, $0xE  }
0xe1: {  	[tilespmem:s12+$0x0] =	vst v2;
	v2 =	vshra.s32 v4, $0xE  }
0xe2: {  	s11 =	simm.s32 $0x80;
	v3 =	vshra.s32 v5, $0xE;
	[tilespmem:s12+$0x10] =	vst v2  }
0xe3: {  	v7 =	vshra.s32 v6, $0xE;
	v2 =	vld [tilespmem:s11+$0x0];
	[tilespmem:s12+$0x20] =	vst v3  }
0xe4: {  	v3 =	vld [tilespmem:s11+$0x10];
	[tilespmem:s12+$0x30] =	vst v7;
	v7 =	vand.u32 $0x3FFF, v1  }
0xe5: {  	s13 =	simm.s32 $0x400;
	v5 =	vand.u32 $0x3FFF, v5;
	v6 =	vand.u32 $0x3FFF, v6;
	v4 =	vand.u32 $0x3FFF, v4;
	v1 =	vld [tilespmem:s11+$0x20];
	[tilespmem:s12+$0x1400] =	vst v7  }
.LBB2_8:
0xe6: {  	p0 =	sne.s32 s13, $0x4E00;
	v7 =	vld [tilespmem:s11+$0x30];
	[tilespmem:s12+$0x1410] =	vst v4  }
0xe7: {  	[tilespmem:s12+$0x1420] =	vst v5  }
0xe8: {  	v4 =	vshra.s32 v2, $0xE;
	v8 =	vand.u32 $0x3FFF, v2;
	[tilespmem:s12+$0x1430] =	vst v6;
	s12 =	smov.u32 s11  }
.Ltmp3:
0xe9: {  	[tilespmem:s12+$0x0] =	vst v4;
	v2 =	vshra.s32 v3, $0xE;
	v4 =	vand.u32 $0x3FFF, v3;
	(pc) =	sbr.rel @p0 .LBB2_8-.Ltmp3, $4  }
0xea: {  	s11 =	sshra.s32 s13, $0x2;
	[tilespmem:s12+$0x10] =	vst v2;
	v3 =	vshra.s32 v1, $0xE;
	v5 =	vand.u32 $0x3FFF, v1  }
0xeb: {  	v2 =	vld [tilespmem:s11+$0x0];
	[tilespmem:s12+$0x20] =	vst v3;
	v1 =	vshra.s32 v7, $0xE;
	v6 =	vand.u32 $0x3FFF, v7  }
0xec: {  	v3 =	vld [tilespmem:s11+$0x10];
	[tilespmem:s12+$0x30] =	vst v1  }
0xed: {  	s13 =	sadd.s32 $0x200, s13;
	v1 =	vld [tilespmem:s11+$0x20];
	[tilespmem:s12+$0x1400] =	vst v8  }
0xee: {  	v7 =	vld [tilespmem:s11+$0x30];
	[tilespmem:s12+$0x1410] =	vst v4  }
0xef: {  	[tilespmem:s12+$0x1420] =	vst v5  }
0xf0: {  	[tilespmem:s12+$0x1430] =	vst v6;
	v60 =	vshra.s32 v2, $0xE  }
0xf1: {  	v2 =	vand.u32 $0x3FFF, v2;
	[tilespmem:s11+$0x0] =	vst v60  }
0xf2: {  	v61 =	vshra.s32 v3, $0xE;
	[tilespmem:s11+$0x1400] =	vst v2  }
0xf3: {  	v3 =	vand.u32 $0x3FFF, v3;
	[tilespmem:s11+$0x10] =	vst v61  }
0xf4: {  	v62 =	vshra.s32 v1, $0xE;
	[tilespmem:s11+$0x1410] =	vst v3  }
0xf5: {  	v1 =	vand.u32 $0x3FFF, v1;
	[tilespmem:s11+$0x20] =	vst v62  }
0xf6: {  	v63 =	vshra.s32 v7, $0xE;
	[tilespmem:s11+$0x1420] =	vst v1  }
0xf7: {  	v2 =	vand.u32 $0x3FFF, v7;
	[tilespmem:s11+$0x30] =	vst v63  }
0xf8: {  	s12 =	simm.s32 $0x0;
	[tilespmem:s11+$0x1430] =	vst v2  }
0xf9: {  	[tilespmem:s21], [sflag:$0x1] =	stream.indirect.gather [hbm4b:s4+s23], $0x80, s12, s23, $0xb8;
	[tilespmem:$0x1E800] =	vst v63  }
0xfa: {  	_ = 	snop  }
0xfb: {  	[tilespmem:s25], [sflag:$0x2] =	stream.indirect.gather [hbm4b:s4+s23], $0x80, s24, s23, $0xb8;
	[tilespmem:$0x1E800] =	vst v63  }
0xfc: {  	_ = 	snop  }
0xfd: {  	[tilespmem:s28], [sflag:$0x3] =	stream.indirect.gather [hbm4b:s4+s23], $0x80, s26, s23, $0xb8;
	[tilespmem:$0x1E800] =	vst v63  }
0xfe: {  	_ = 	snop  }
0xff: {  	[tilespmem:s30], [sflag:$0x4] =	stream.indirect.gather [hbm4b:s4+s23], $0x80, s29, s23, $0xb8;
	[tilespmem:$0x1E800] =	vst v63  }
0x100: {  	_ =	swait.ge [sflag:s31], $0x2000  }
0x101: {  	[sflag:s31] =	ssyncset.done $0x0  }
0x102: {  	s13 =	simm.s32 $0x1400;
	[sflag:s31] =	ssyncadd.s32 $0xFFFFE000  }
0x103: {  	[spmem:s2] =	stream.indirect.scatter.add.f32 [tilespmem:s21], [sflag:$0x5], $0x80, s13, s23, $0xb8;
	[tilespmem:$0x1E800] =	vst v63  }
0x104: {  	_ =	swait.ge [sflag:s22], $0x2000  }
0x105: {  	[sflag:s22] =	ssyncset.done $0x0  }
0x106: {  	s12 =	simm.s32 $0x200;
	[sflag:s22] =	ssyncadd.s32 $0xFFFFE000  }
0x107: {  	[tilespmem:s21], [sflag:$0x1] =	stream.indirect.gather [hbm4b:s4+s23], $0x80, s12, s23, $0xb8;
	[tilespmem:$0x1E800] =	vst v63  }
0x108: {  	_ =	swait.ge [sflag:s0], $0x2000  }
0x109: {  	[sflag:s0] =	ssyncset.done $0x0  }
0x10a: {  	s13 =	simm.s32 $0x1480;
	[sflag:s0] =	ssyncadd.s32 $0xFFFFE000  }
0x10b: {  	[spmem:s2] =	stream.indirect.scatter.add.f32 [tilespmem:s25], [sflag:$0x5], $0x80, s13, s23, $0xb8;
	[tilespmem:$0x1E800] =	vst v63  }
0x10c: {  	_ =	swait.ge [sflag:s22], $0x2000  }
0x10d: {  	[sflag:s22] =	ssyncset.done $0x0  }
0x10e: {  	s12 =	simm.s32 $0x280;
	[sflag:s22] =	ssyncadd.s32 $0xFFFFE000  }
0x10f: {  	[tilespmem:s25], [sflag:$0x2] =	stream.indirect.gather [hbm4b:s4+s23], $0x80, s12, s23, $0xb8;
	[tilespmem:$0x1E800] =	vst v63  }
0x110: {  	_ =	swait.ge [sflag:s1], $0x2000  }
0x111: {  	[sflag:s1] =	ssyncset.done $0x0  }
0x112: {  	s13 =	simm.s32 $0x1500;
	[sflag:s1] =	ssyncadd.s32 $0xFFFFE000  }
0x113: {  	[spmem:s2] =	stream.indirect.scatter.add.f32 [tilespmem:s28], [sflag:$0x5], $0x80, s13, s23, $0xb8;
	[tilespmem:$0x1E800] =	vst v63  }
0x114: {  	_ =	swait.ge [sflag:s22], $0x2000  }
0x115: {  	[sflag:s22] =	ssyncset.done $0x0  }
0x116: {  	s12 =	simm.s32 $0x300;
	[sflag:s22] =	ssyncadd.s32 $0xFFFFE000  }
0x117: {  	[tilespmem:s28], [sflag:$0x3] =	stream.indirect.gather [hbm4b:s4+s23], $0x80, s12, s23, $0xb8;
	[tilespmem:$0x1E800] =	vst v63  }
0x118: {  	_ =	swait.ge [sflag:s6], $0x2000  }
0x119: {  	[sflag:s6] =	ssyncset.done $0x0  }
0x11a: {  	s13 =	simm.s32 $0x1580;
	[sflag:s6] =	ssyncadd.s32 $0xFFFFE000  }
0x11b: {  	[spmem:s2] =	stream.indirect.scatter.add.f32 [tilespmem:s30], [sflag:$0x5], $0x80, s13, s23, $0xb8;
	[tilespmem:$0x1E800] =	vst v63  }
0x11c: {  	_ =	swait.ge [sflag:s22], $0x2000  }
0x11d: {  	[sflag:s22] =	ssyncset.done $0x0  }
0x11e: {  	s11 =	simm.s32 $0x800;
	s12 =	simm.s32 $0x380;
	[sflag:s22] =	ssyncadd.s32 $0xFFFFE000  }
.LBB2_10:
0x11f: {  	[tilespmem:s30], [sflag:$0x4] =	stream.indirect.gather [hbm4b:s4+s23], $0x80, s12, s23, $0xb8;
	[tilespmem:$0x1E800] =	vst v63  }
0x120: {  	s12 =	smov.u32 s11  }
0x121: {  	p0 =	sne.s32 s11, $0x4000;
	s11 =	sadd.s32 $0x800, s11;
	_ =	swait.ge [sflag:s31], $0x2000  }
0x122: {  	s12 =	sshra.s32 s12, $0x2;
	[sflag:s31] =	ssyncset.done $0x0  }
0x123: {  	s13 =	sadd.s32 $0x1400, s12;
	[sflag:s31] =	ssyncadd.s32 $0xFFFFE000  }
0x124: {  	[spmem:s2] =	stream.indirect.scatter.add.f32 [tilespmem:s21], [sflag:$0x5], $0x80, s13, s23, $0xb8;
	[tilespmem:$0x1E800] =	vst v63  }
0x125: {  	_ =	swait.ge [sflag:s22], $0x2000  }
0x126: {  	[sflag:s22] =	ssyncset.done $0x0  }
0x127: {  	s13 =	sadd.s32 $0x200, s12;
	[sflag:s22] =	ssyncadd.s32 $0xFFFFE000  }
0x128: {  	[tilespmem:s21], [sflag:$0x1] =	stream.indirect.gather [hbm4b:s4+s23], $0x80, s13, s23, $0xb8;
	[tilespmem:$0x1E800] =	vst v63  }
0x129: {  	_ =	swait.ge [sflag:s0], $0x2000  }
0x12a: {  	[sflag:s0] =	ssyncset.done $0x0  }
0x12b: {  	s13 =	sadd.s32 $0x1480, s12;
	[sflag:s0] =	ssyncadd.s32 $0xFFFFE000  }
0x12c: {  	[spmem:s2] =	stream.indirect.scatter.add.f32 [tilespmem:s25], [sflag:$0x5], $0x80, s13, s23, $0xb8;
	[tilespmem:$0x1E800] =	vst v63  }
0x12d: {  	_ =	swait.ge [sflag:s22], $0x2000  }
0x12e: {  	[sflag:s22] =	ssyncset.done $0x0  }
0x12f: {  	s13 =	sadd.s32 $0x280, s12;
	[sflag:s22] =	ssyncadd.s32 $0xFFFFE000  }
0x130: {  	[tilespmem:s25], [sflag:$0x2] =	stream.indirect.gather [hbm4b:s4+s23], $0x80, s13, s23, $0xb8;
	[tilespmem:$0x1E800] =	vst v63  }
0x131: {  	_ =	swait.ge [sflag:s1], $0x2000  }
0x132: {  	[sflag:s1] =	ssyncset.done $0x0  }
0x133: {  	s13 =	sadd.s32 $0x1500, s12;
	[sflag:s1] =	ssyncadd.s32 $0xFFFFE000  }
0x134: {  	[spmem:s2] =	stream.indirect.scatter.add.f32 [tilespmem:s28], [sflag:$0x5], $0x80, s13, s23, $0xb8;
	[tilespmem:$0x1E800] =	vst v63  }
0x135: {  	_ =	swait.ge [sflag:s22], $0x2000  }
0x136: {  	[sflag:s22] =	ssyncset.done $0x0  }
0x137: {  	s13 =	sadd.s32 $0x300, s12;
	[sflag:s22] =	ssyncadd.s32 $0xFFFFE000  }
0x138: {  	[tilespmem:s28], [sflag:$0x3] =	stream.indirect.gather [hbm4b:s4+s23], $0x80, s13, s23, $0xb8;
	[tilespmem:$0x1E800] =	vst v63  }
0x139: {  	_ =	swait.ge [sflag:s6], $0x2000  }
0x13a: {  	[sflag:s6] =	ssyncset.done $0x0  }
.Ltmp4:
0x13b: {  	s13 =	sadd.s32 $0x1580, s12;
	[sflag:s6] =	ssyncadd.s32 $0xFFFFE000;
	(pc) =	sbr.rel @p0 .LBB2_10-.Ltmp4, $4  }
0x13c: {  	[spmem:s2] =	stream.indirect.scatter.add.f32 [tilespmem:s30], [sflag:$0x5], $0x80, s13, s23, $0xb8;
	[tilespmem:$0x1E800] =	vst v63  }
0x13d: {  	_ =	swait.ge [sflag:s22], $0x2000  }
0x13e: {  	[sflag:s22] =	ssyncset.done $0x0  }
0x13f: {  	s12 =	sadd.s32 $0x380, s12;
	[sflag:s22] =	ssyncadd.s32 $0xFFFFE000  }
0x140: {  	[tilespmem:s30], [sflag:$0x4] =	stream.indirect.gather [hbm4b:s4+s23], $0x80, s12, s23, $0xb8;
	[tilespmem:$0x1E800] =	vst v63  }
0x141: {  	_ =	swait.ge [sflag:s31], $0x2000  }
0x142: {  	[sflag:s31] =	ssyncset.done $0x0  }
0x143: {  	[sflag:s31] =	ssyncadd.s32 $0xFFFFE000  }
0x144: {  	[spmem:s2] =	stream.indirect.scatter.add.f32 [tilespmem:s21], [sflag:$0x5], $0x80, s7, s23, $0xb8;
	[tilespmem:$0x1E800] =	vst v63  }
0x145: {  	_ =	swait.ge [sflag:s22], $0x2000  }
0x146: {  	[sflag:s22] =	ssyncset.done $0x0  }
0x147: {  	[sflag:s22] =	ssyncadd.s32 $0xFFFFE000  }
0x148: {  	_ =	swait.ge [sflag:s0], $0x2000  }
0x149: {  	[sflag:s0] =	ssyncset.done $0x0  }
0x14a: {  	[sflag:s0] =	ssyncadd.s32 $0xFFFFE000  }
0x14b: {  	[spmem:s2] =	stream.indirect.scatter.add.f32 [tilespmem:s25], [sflag:$0x5], $0x80, s8, s23, $0xb8;
	[tilespmem:$0x1E800] =	vst v63  }
0x14c: {  	_ =	swait.ge [sflag:s22], $0x2000  }
0x14d: {  	[sflag:s22] =	ssyncset.done $0x0  }
0x14e: {  	[sflag:s22] =	ssyncadd.s32 $0xFFFFE000  }
0x14f: {  	_ =	swait.ge [sflag:s1], $0x2000  }
0x150: {  	[sflag:s1] =	ssyncset.done $0x0  }
0x151: {  	[sflag:s1] =	ssyncadd.s32 $0xFFFFE000  }
0x152: {  	[spmem:s2] =	stream.indirect.scatter.add.f32 [tilespmem:s28], [sflag:$0x5], $0x80, s9, s23, $0xb8;
	[tilespmem:$0x1E800] =	vst v63  }
0x153: {  	_ =	swait.ge [sflag:s22], $0x2000  }
0x154: {  	[sflag:s22] =	ssyncset.done $0x0  }
0x155: {  	[sflag:s22] =	ssyncadd.s32 $0xFFFFE000  }
0x156: {  	_ =	swait.ge [sflag:s6], $0x2000  }
0x157: {  	[sflag:s6] =	ssyncset.done $0x0  }
0x158: {  	[sflag:s6] =	ssyncadd.s32 $0xFFFFE000  }
0x159: {  	[spmem:s2] =	stream.indirect.scatter.add.f32 [tilespmem:s30], [sflag:$0x5], $0x80, s10, s23, $0xb8;
	[tilespmem:$0x1E800] =	vst v63  }
0x15a: {  	_ =	swait.ge [sflag:s22], $0x2000  }
0x15b: {  	[sflag:s22] =	ssyncset.done $0x0  }
0x15c: {  	s11 =	simm.s32 $0x0;
	[sflag:s22] =	ssyncadd.s32 $0xFFFFE000  }
0x15d: {  	[tilespmem:s11], [sflag:$0x5] =	stream.linear.gather [hbm4b:s17+s11], $0x1400, $0x38;
	[tilespmem:$0x1E800] =	vst v63  }
0x15e: {  	_ =	swait.ge [sflag:s22], $0x1400  }
0x15f: {  	[sflag:s22] =	ssyncset.done $0x0  }
0x160: {  	s12 =	simm.s32 $0x0;
	[sflag:s22] =	ssyncadd.s32 $0xFFFFEC00  }
0x161: {  	v1 =	vld [tilespmem:s12+$0x0]  }
0x162: {  	v4 =	vld [tilespmem:s12+$0x10]  }
0x163: {  	v5 =	vld [tilespmem:s12+$0x20]  }
0x164: {  	v6 =	vld [tilespmem:s12+$0x30];
	_ =	sdelay $0x1  }
0x165: {  	v2 =	vshra.s32 v1, $0xE  }
0x166: {  	[tilespmem:s12+$0x0] =	vst v2;
	v2 =	vshra.s32 v4, $0xE  }
0x167: {  	s11 =	simm.s32 $0x80;
	v3 =	vshra.s32 v5, $0xE;
	[tilespmem:s12+$0x10] =	vst v2  }
0x168: {  	v7 =	vshra.s32 v6, $0xE;
	v2 =	vld [tilespmem:s11+$0x0];
	[tilespmem:s12+$0x20] =	vst v3  }
0x169: {  	v3 =	vld [tilespmem:s11+$0x10];
	[tilespmem:s12+$0x30] =	vst v7;
	v7 =	vand.u32 $0x3FFF, v1  }
0x16a: {  	s13 =	simm.s32 $0x400;
	v5 =	vand.u32 $0x3FFF, v5;
	v6 =	vand.u32 $0x3FFF, v6;
	v4 =	vand.u32 $0x3FFF, v4;
	v1 =	vld [tilespmem:s11+$0x20];
	[tilespmem:s12+$0x1400] =	vst v7  }
.LBB2_12:
0x16b: {  	p0 =	sne.s32 s13, $0x4E00;
	v7 =	vld [tilespmem:s11+$0x30];
	[tilespmem:s12+$0x1410] =	vst v4  }
0x16c: {  	[tilespmem:s12+$0x1420] =	vst v5  }
0x16d: {  	v4 =	vshra.s32 v2, $0xE;
	v8 =	vand.u32 $0x3FFF, v2;
	[tilespmem:s12+$0x1430] =	vst v6;
	s12 =	smov.u32 s11  }
.Ltmp5:
0x16e: {  	[tilespmem:s12+$0x0] =	vst v4;
	v2 =	vshra.s32 v3, $0xE;
	v4 =	vand.u32 $0x3FFF, v3;
	(pc) =	sbr.rel @p0 .LBB2_12-.Ltmp5, $4  }
0x16f: {  	s11 =	sshra.s32 s13, $0x2;
	[tilespmem:s12+$0x10] =	vst v2;
	v3 =	vshra.s32 v1, $0xE;
	v5 =	vand.u32 $0x3FFF, v1  }
0x170: {  	v2 =	vld [tilespmem:s11+$0x0];
	[tilespmem:s12+$0x20] =	vst v3;
	v1 =	vshra.s32 v7, $0xE;
	v6 =	vand.u32 $0x3FFF, v7  }
0x171: {  	v3 =	vld [tilespmem:s11+$0x10];
	[tilespmem:s12+$0x30] =	vst v1  }
0x172: {  	s13 =	sadd.s32 $0x200, s13;
	v1 =	vld [tilespmem:s11+$0x20];
	[tilespmem:s12+$0x1400] =	vst v8  }
0x173: {  	v7 =	vld [tilespmem:s11+$0x30];
	[tilespmem:s12+$0x1410] =	vst v4  }
0x174: {  	[tilespmem:s12+$0x1420] =	vst v5  }
0x175: {  	[tilespmem:s12+$0x1430] =	vst v6;
	v60 =	vshra.s32 v2, $0xE  }
0x176: {  	v2 =	vand.u32 $0x3FFF, v2;
	[tilespmem:s11+$0x0] =	vst v60  }
0x177: {  	v61 =	vshra.s32 v3, $0xE;
	[tilespmem:s11+$0x1400] =	vst v2  }
0x178: {  	v3 =	vand.u32 $0x3FFF, v3;
	[tilespmem:s11+$0x10] =	vst v61  }
0x179: {  	v62 =	vshra.s32 v1, $0xE;
	[tilespmem:s11+$0x1410] =	vst v3  }
0x17a: {  	v1 =	vand.u32 $0x3FFF, v1;
	[tilespmem:s11+$0x20] =	vst v62  }
0x17b: {  	v63 =	vshra.s32 v7, $0xE;
	[tilespmem:s11+$0x1420] =	vst v1  }
0x17c: {  	v2 =	vand.u32 $0x3FFF, v7;
	[tilespmem:s11+$0x30] =	vst v63  }
0x17d: {  	s12 =	simm.s32 $0x0;
	[tilespmem:s11+$0x1430] =	vst v2  }
0x17e: {  	[tilespmem:s21], [sflag:$0x1] =	stream.indirect.gather [hbm4b:s4+s23], $0x80, s12, s23, $0xb8;
	[tilespmem:$0x1E800] =	vst v63  }
0x17f: {  	_ = 	snop  }
0x180: {  	[tilespmem:s25], [sflag:$0x2] =	stream.indirect.gather [hbm4b:s4+s23], $0x80, s24, s23, $0xb8;
	[tilespmem:$0x1E800] =	vst v63  }
0x181: {  	_ = 	snop  }
0x182: {  	[tilespmem:s28], [sflag:$0x3] =	stream.indirect.gather [hbm4b:s4+s23], $0x80, s26, s23, $0xb8;
	[tilespmem:$0x1E800] =	vst v63  }
0x183: {  	_ = 	snop  }
0x184: {  	[tilespmem:s30], [sflag:$0x4] =	stream.indirect.gather [hbm4b:s4+s23], $0x80, s29, s23, $0xb8;
	[tilespmem:$0x1E800] =	vst v63  }
0x185: {  	_ =	swait.ge [sflag:s31], $0x2000  }
0x186: {  	[sflag:s31] =	ssyncset.done $0x0  }
0x187: {  	s13 =	simm.s32 $0x1400;
	[sflag:s31] =	ssyncadd.s32 $0xFFFFE000  }
0x188: {  	[spmem:s2] =	stream.indirect.scatter.add.f32 [tilespmem:s21], [sflag:$0x5], $0x80, s13, s23, $0xb8;
	[tilespmem:$0x1E800] =	vst v63  }
0x189: {  	_ =	swait.ge [sflag:s22], $0x2000  }
0x18a: {  	[sflag:s22] =	ssyncset.done $0x0  }
0x18b: {  	s12 =	simm.s32 $0x200;
	[sflag:s22] =	ssyncadd.s32 $0xFFFFE000  }
0x18c: {  	[tilespmem:s21], [sflag:$0x1] =	stream.indirect.gather [hbm4b:s4+s23], $0x80, s12, s23, $0xb8;
	[tilespmem:$0x1E800] =	vst v63  }
0x18d: {  	_ =	swait.ge [sflag:s0], $0x2000  }
0x18e: {  	[sflag:s0] =	ssyncset.done $0x0  }
0x18f: {  	s13 =	simm.s32 $0x1480;
	[sflag:s0] =	ssyncadd.s32 $0xFFFFE000  }
0x190: {  	[spmem:s2] =	stream.indirect.scatter.add.f32 [tilespmem:s25], [sflag:$0x5], $0x80, s13, s23, $0xb8;
	[tilespmem:$0x1E800] =	vst v63  }
0x191: {  	_ =	swait.ge [sflag:s22], $0x2000  }
0x192: {  	[sflag:s22] =	ssyncset.done $0x0  }
0x193: {  	s12 =	simm.s32 $0x280;
	[sflag:s22] =	ssyncadd.s32 $0xFFFFE000  }
0x194: {  	[tilespmem:s25], [sflag:$0x2] =	stream.indirect.gather [hbm4b:s4+s23], $0x80, s12, s23, $0xb8;
	[tilespmem:$0x1E800] =	vst v63  }
0x195: {  	_ =	swait.ge [sflag:s1], $0x2000  }
0x196: {  	[sflag:s1] =	ssyncset.done $0x0  }
0x197: {  	s13 =	simm.s32 $0x1500;
	[sflag:s1] =	ssyncadd.s32 $0xFFFFE000  }
0x198: {  	[spmem:s2] =	stream.indirect.scatter.add.f32 [tilespmem:s28], [sflag:$0x5], $0x80, s13, s23, $0xb8;
	[tilespmem:$0x1E800] =	vst v63  }
0x199: {  	_ =	swait.ge [sflag:s22], $0x2000  }
0x19a: {  	[sflag:s22] =	ssyncset.done $0x0  }
0x19b: {  	s12 =	simm.s32 $0x300;
	[sflag:s22] =	ssyncadd.s32 $0xFFFFE000  }
0x19c: {  	[tilespmem:s28], [sflag:$0x3] =	stream.indirect.gather [hbm4b:s4+s23], $0x80, s12, s23, $0xb8;
	[tilespmem:$0x1E800] =	vst v63  }
0x19d: {  	_ =	swait.ge [sflag:s6], $0x2000  }
0x19e: {  	[sflag:s6] =	ssyncset.done $0x0  }
0x19f: {  	s13 =	simm.s32 $0x1580;
	[sflag:s6] =	ssyncadd.s32 $0xFFFFE000  }
0x1a0: {  	[spmem:s2] =	stream.indirect.scatter.add.f32 [tilespmem:s30], [sflag:$0x5], $0x80, s13, s23, $0xb8;
	[tilespmem:$0x1E800] =	vst v63  }
0x1a1: {  	_ =	swait.ge [sflag:s22], $0x2000  }
0x1a2: {  	[sflag:s22] =	ssyncset.done $0x0  }
0x1a3: {  	s11 =	simm.s32 $0x800;
	s12 =	simm.s32 $0x380;
	[sflag:s22] =	ssyncadd.s32 $0xFFFFE000  }
.LBB2_14:
0x1a4: {  	[tilespmem:s30], [sflag:$0x4] =	stream.indirect.gather [hbm4b:s4+s23], $0x80, s12, s23, $0xb8;
	[tilespmem:$0x1E800] =	vst v63  }
0x1a5: {  	s12 =	smov.u32 s11  }
0x1a6: {  	p0 =	sne.s32 s11, $0x4000;
	s11 =	sadd.s32 $0x800, s11;
	_ =	swait.ge [sflag:s31], $0x2000  }
0x1a7: {  	s12 =	sshra.s32 s12, $0x2;
	[sflag:s31] =	ssyncset.done $0x0  }
0x1a8: {  	s13 =	sadd.s32 $0x1400, s12;
	[sflag:s31] =	ssyncadd.s32 $0xFFFFE000  }
0x1a9: {  	[spmem:s2] =	stream.indirect.scatter.add.f32 [tilespmem:s21], [sflag:$0x5], $0x80, s13, s23, $0xb8;
	[tilespmem:$0x1E800] =	vst v63  }
0x1aa: {  	_ =	swait.ge [sflag:s22], $0x2000  }
0x1ab: {  	[sflag:s22] =	ssyncset.done $0x0  }
0x1ac: {  	s13 =	sadd.s32 $0x200, s12;
	[sflag:s22] =	ssyncadd.s32 $0xFFFFE000  }
0x1ad: {  	[tilespmem:s21], [sflag:$0x1] =	stream.indirect.gather [hbm4b:s4+s23], $0x80, s13, s23, $0xb8;
	[tilespmem:$0x1E800] =	vst v63  }
0x1ae: {  	_ =	swait.ge [sflag:s0], $0x2000  }
0x1af: {  	[sflag:s0] =	ssyncset.done $0x0  }
0x1b0: {  	s13 =	sadd.s32 $0x1480, s12;
	[sflag:s0] =	ssyncadd.s32 $0xFFFFE000  }
0x1b1: {  	[spmem:s2] =	stream.indirect.scatter.add.f32 [tilespmem:s25], [sflag:$0x5], $0x80, s13, s23, $0xb8;
	[tilespmem:$0x1E800] =	vst v63  }
0x1b2: {  	_ =	swait.ge [sflag:s22], $0x2000  }
0x1b3: {  	[sflag:s22] =	ssyncset.done $0x0  }
0x1b4: {  	s13 =	sadd.s32 $0x280, s12;
	[sflag:s22] =	ssyncadd.s32 $0xFFFFE000  }
0x1b5: {  	[tilespmem:s25], [sflag:$0x2] =	stream.indirect.gather [hbm4b:s4+s23], $0x80, s13, s23, $0xb8;
	[tilespmem:$0x1E800] =	vst v63  }
0x1b6: {  	_ =	swait.ge [sflag:s1], $0x2000  }
0x1b7: {  	[sflag:s1] =	ssyncset.done $0x0  }
0x1b8: {  	s13 =	sadd.s32 $0x1500, s12;
	[sflag:s1] =	ssyncadd.s32 $0xFFFFE000  }
0x1b9: {  	[spmem:s2] =	stream.indirect.scatter.add.f32 [tilespmem:s28], [sflag:$0x5], $0x80, s13, s23, $0xb8;
	[tilespmem:$0x1E800] =	vst v63  }
0x1ba: {  	_ =	swait.ge [sflag:s22], $0x2000  }
0x1bb: {  	[sflag:s22] =	ssyncset.done $0x0  }
0x1bc: {  	s13 =	sadd.s32 $0x300, s12;
	[sflag:s22] =	ssyncadd.s32 $0xFFFFE000  }
0x1bd: {  	[tilespmem:s28], [sflag:$0x3] =	stream.indirect.gather [hbm4b:s4+s23], $0x80, s13, s23, $0xb8;
	[tilespmem:$0x1E800] =	vst v63  }
0x1be: {  	_ =	swait.ge [sflag:s6], $0x2000  }
0x1bf: {  	[sflag:s6] =	ssyncset.done $0x0  }
.Ltmp6:
0x1c0: {  	s13 =	sadd.s32 $0x1580, s12;
	[sflag:s6] =	ssyncadd.s32 $0xFFFFE000;
	(pc) =	sbr.rel @p0 .LBB2_14-.Ltmp6, $4  }
0x1c1: {  	[spmem:s2] =	stream.indirect.scatter.add.f32 [tilespmem:s30], [sflag:$0x5], $0x80, s13, s23, $0xb8;
	[tilespmem:$0x1E800] =	vst v63  }
0x1c2: {  	_ =	swait.ge [sflag:s22], $0x2000  }
0x1c3: {  	[sflag:s22] =	ssyncset.done $0x0  }
0x1c4: {  	s12 =	sadd.s32 $0x380, s12;
	[sflag:s22] =	ssyncadd.s32 $0xFFFFE000  }
0x1c5: {  	[tilespmem:s30], [sflag:$0x4] =	stream.indirect.gather [hbm4b:s4+s23], $0x80, s12, s23, $0xb8;
	[tilespmem:$0x1E800] =	vst v63  }
0x1c6: {  	_ =	swait.ge [sflag:s31], $0x2000  }
0x1c7: {  	[sflag:s31] =	ssyncset.done $0x0  }
0x1c8: {  	[sflag:s31] =	ssyncadd.s32 $0xFFFFE000  }
0x1c9: {  	[spmem:s2] =	stream.indirect.scatter.add.f32 [tilespmem:s21], [sflag:$0x5], $0x80, s7, s23, $0xb8;
	[tilespmem:$0x1E800] =	vst v63  }
0x1ca: {  	_ =	swait.ge [sflag:s22], $0x2000  }
0x1cb: {  	[sflag:s22] =	ssyncset.done $0x0  }
0x1cc: {  	[sflag:s22] =	ssyncadd.s32 $0xFFFFE000  }
0x1cd: {  	_ =	swait.ge [sflag:s0], $0x2000  }
0x1ce: {  	[sflag:s0] =	ssyncset.done $0x0  }
0x1cf: {  	[sflag:s0] =	ssyncadd.s32 $0xFFFFE000  }
0x1d0: {  	[spmem:s2] =	stream.indirect.scatter.add.f32 [tilespmem:s25], [sflag:$0x5], $0x80, s8, s23, $0xb8;
	[tilespmem:$0x1E800] =	vst v63  }
0x1d1: {  	_ =	swait.ge [sflag:s22], $0x2000  }
0x1d2: {  	[sflag:s22] =	ssyncset.done $0x0  }
0x1d3: {  	[sflag:s22] =	ssyncadd.s32 $0xFFFFE000  }
0x1d4: {  	_ =	swait.ge [sflag:s1], $0x2000  }
0x1d5: {  	[sflag:s1] =	ssyncset.done $0x0  }
0x1d6: {  	[sflag:s1] =	ssyncadd.s32 $0xFFFFE000  }
0x1d7: {  	[spmem:s2] =	stream.indirect.scatter.add.f32 [tilespmem:s28], [sflag:$0x5], $0x80, s9, s23, $0xb8;
	[tilespmem:$0x1E800] =	vst v63  }
0x1d8: {  	_ =	swait.ge [sflag:s22], $0x2000  }
0x1d9: {  	[sflag:s22] =	ssyncset.done $0x0  }
0x1da: {  	[sflag:s22] =	ssyncadd.s32 $0xFFFFE000  }
0x1db: {  	_ =	swait.ge [sflag:s6], $0x2000  }
0x1dc: {  	[sflag:s6] =	ssyncset.done $0x0  }
0x1dd: {  	[sflag:s6] =	ssyncadd.s32 $0xFFFFE000  }
0x1de: {  	[spmem:s2] =	stream.indirect.scatter.add.f32 [tilespmem:s30], [sflag:$0x5], $0x80, s10, s23, $0xb8;
	[tilespmem:$0x1E800] =	vst v63  }
0x1df: {  	_ =	swait.ge [sflag:s22], $0x2000  }
0x1e0: {  	[sflag:s22] =	ssyncset.done $0x0  }
0x1e1: {  	s11 =	simm.s32 $0x0;
	[sflag:s22] =	ssyncadd.s32 $0xFFFFE000  }
0x1e2: {  	[tilespmem:s11], [sflag:$0x5] =	stream.linear.gather [hbm4b:s18+s11], $0x1400, $0x38;
	[tilespmem:$0x1E800] =	vst v63  }
0x1e3: {  	_ =	swait.ge [sflag:s22], $0x1400  }
0x1e4: {  	[sflag:s22] =	ssyncset.done $0x0  }
0x1e5: {  	s12 =	simm.s32 $0x0;
	[sflag:s22] =	ssyncadd.s32 $0xFFFFEC00  }
0x1e6: {  	v1 =	vld [tilespmem:s12+$0x0]  }
0x1e7: {  	v4 =	vld [tilespmem:s12+$0x10]  }
0x1e8: {  	v5 =	vld [tilespmem:s12+$0x20]  }
0x1e9: {  	v6 =	vld [tilespmem:s12+$0x30];
	_ =	sdelay $0x1  }
0x1ea: {  	v2 =	vshra.s32 v1, $0xE  }
0x1eb: {  	[tilespmem:s12+$0x0] =	vst v2;
	v2 =	vshra.s32 v4, $0xE  }
0x1ec: {  	s11 =	simm.s32 $0x80;
	v3 =	vshra.s32 v5, $0xE;
	[tilespmem:s12+$0x10] =	vst v2  }
0x1ed: {  	v7 =	vshra.s32 v6, $0xE;
	v2 =	vld [tilespmem:s11+$0x0];
	[tilespmem:s12+$0x20] =	vst v3  }
0x1ee: {  	v3 =	vld [tilespmem:s11+$0x10];
	[tilespmem:s12+$0x30] =	vst v7;
	v7 =	vand.u32 $0x3FFF, v1  }
0x1ef: {  	s13 =	simm.s32 $0x400;
	v5 =	vand.u32 $0x3FFF, v5;
	v6 =	vand.u32 $0x3FFF, v6;
	v4 =	vand.u32 $0x3FFF, v4;
	v1 =	vld [tilespmem:s11+$0x20];
	[tilespmem:s12+$0x1400] =	vst v7  }
.LBB2_16:
0x1f0: {  	p0 =	sne.s32 s13, $0x4E00;
	v7 =	vld [tilespmem:s11+$0x30];
	[tilespmem:s12+$0x1410] =	vst v4  }
0x1f1: {  	[tilespmem:s12+$0x1420] =	vst v5  }
0x1f2: {  	v4 =	vshra.s32 v2, $0xE;
	v8 =	vand.u32 $0x3FFF, v2;
	[tilespmem:s12+$0x1430] =	vst v6;
	s12 =	smov.u32 s11  }
.Ltmp7:
0x1f3: {  	[tilespmem:s12+$0x0] =	vst v4;
	v2 =	vshra.s32 v3, $0xE;
	v4 =	vand.u32 $0x3FFF, v3;
	(pc) =	sbr.rel @p0 .LBB2_16-.Ltmp7, $4  }
0x1f4: {  	s11 =	sshra.s32 s13, $0x2;
	[tilespmem:s12+$0x10] =	vst v2;
	v3 =	vshra.s32 v1, $0xE;
	v5 =	vand.u32 $0x3FFF, v1  }
0x1f5: {  	v2 =	vld [tilespmem:s11+$0x0];
	[tilespmem:s12+$0x20] =	vst v3;
	v1 =	vshra.s32 v7, $0xE;
	v6 =	vand.u32 $0x3FFF, v7  }
0x1f6: {  	v3 =	vld [tilespmem:s11+$0x10];
	[tilespmem:s12+$0x30] =	vst v1  }
0x1f7: {  	s13 =	sadd.s32 $0x200, s13;
	v1 =	vld [tilespmem:s11+$0x20];
	[tilespmem:s12+$0x1400] =	vst v8  }
0x1f8: {  	v7 =	vld [tilespmem:s11+$0x30];
	[tilespmem:s12+$0x1410] =	vst v4  }
0x1f9: {  	[tilespmem:s12+$0x1420] =	vst v5  }
0x1fa: {  	[tilespmem:s12+$0x1430] =	vst v6;
	v60 =	vshra.s32 v2, $0xE  }
0x1fb: {  	v2 =	vand.u32 $0x3FFF, v2;
	[tilespmem:s11+$0x0] =	vst v60  }
0x1fc: {  	v61 =	vshra.s32 v3, $0xE;
	[tilespmem:s11+$0x1400] =	vst v2  }
0x1fd: {  	v3 =	vand.u32 $0x3FFF, v3;
	[tilespmem:s11+$0x10] =	vst v61  }
0x1fe: {  	v62 =	vshra.s32 v1, $0xE;
	[tilespmem:s11+$0x1410] =	vst v3  }
0x1ff: {  	v1 =	vand.u32 $0x3FFF, v1;
	[tilespmem:s11+$0x20] =	vst v62  }
0x200: {  	v63 =	vshra.s32 v7, $0xE;
	[tilespmem:s11+$0x1420] =	vst v1  }
0x201: {  	v2 =	vand.u32 $0x3FFF, v7;
	[tilespmem:s11+$0x30] =	vst v63  }
0x202: {  	s12 =	simm.s32 $0x0;
	[tilespmem:s11+$0x1430] =	vst v2  }
0x203: {  	[tilespmem:s21], [sflag:$0x1] =	stream.indirect.gather [hbm4b:s4+s23], $0x80, s12, s23, $0xb8;
	[tilespmem:$0x1E800] =	vst v63  }
0x204: {  	_ = 	snop  }
0x205: {  	[tilespmem:s25], [sflag:$0x2] =	stream.indirect.gather [hbm4b:s4+s23], $0x80, s24, s23, $0xb8;
	[tilespmem:$0x1E800] =	vst v63  }
0x206: {  	_ = 	snop  }
0x207: {  	[tilespmem:s28], [sflag:$0x3] =	stream.indirect.gather [hbm4b:s4+s23], $0x80, s26, s23, $0xb8;
	[tilespmem:$0x1E800] =	vst v63  }
0x208: {  	_ = 	snop  }
0x209: {  	[tilespmem:s30], [sflag:$0x4] =	stream.indirect.gather [hbm4b:s4+s23], $0x80, s29, s23, $0xb8;
	[tilespmem:$0x1E800] =	vst v63  }
0x20a: {  	_ =	swait.ge [sflag:s31], $0x2000  }
0x20b: {  	[sflag:s31] =	ssyncset.done $0x0  }
0x20c: {  	s13 =	simm.s32 $0x1400;
	[sflag:s31] =	ssyncadd.s32 $0xFFFFE000  }
0x20d: {  	[spmem:s2] =	stream.indirect.scatter.add.f32 [tilespmem:s21], [sflag:$0x5], $0x80, s13, s23, $0xb8;
	[tilespmem:$0x1E800] =	vst v63  }
0x20e: {  	_ =	swait.ge [sflag:s22], $0x2000  }
0x20f: {  	[sflag:s22] =	ssyncset.done $0x0  }
0x210: {  	s12 =	simm.s32 $0x200;
	[sflag:s22] =	ssyncadd.s32 $0xFFFFE000  }
0x211: {  	[tilespmem:s21], [sflag:$0x1] =	stream.indirect.gather [hbm4b:s4+s23], $0x80, s12, s23, $0xb8;
	[tilespmem:$0x1E800] =	vst v63  }
0x212: {  	_ =	swait.ge [sflag:s0], $0x2000  }
0x213: {  	[sflag:s0] =	ssyncset.done $0x0  }
0x214: {  	s13 =	simm.s32 $0x1480;
	[sflag:s0] =	ssyncadd.s32 $0xFFFFE000  }
0x215: {  	[spmem:s2] =	stream.indirect.scatter.add.f32 [tilespmem:s25], [sflag:$0x5], $0x80, s13, s23, $0xb8;
	[tilespmem:$0x1E800] =	vst v63  }
0x216: {  	_ =	swait.ge [sflag:s22], $0x2000  }
0x217: {  	[sflag:s22] =	ssyncset.done $0x0  }
0x218: {  	s12 =	simm.s32 $0x280;
	[sflag:s22] =	ssyncadd.s32 $0xFFFFE000  }
0x219: {  	[tilespmem:s25], [sflag:$0x2] =	stream.indirect.gather [hbm4b:s4+s23], $0x80, s12, s23, $0xb8;
	[tilespmem:$0x1E800] =	vst v63  }
0x21a: {  	_ =	swait.ge [sflag:s1], $0x2000  }
0x21b: {  	[sflag:s1] =	ssyncset.done $0x0  }
0x21c: {  	s13 =	simm.s32 $0x1500;
	[sflag:s1] =	ssyncadd.s32 $0xFFFFE000  }
0x21d: {  	[spmem:s2] =	stream.indirect.scatter.add.f32 [tilespmem:s28], [sflag:$0x5], $0x80, s13, s23, $0xb8;
	[tilespmem:$0x1E800] =	vst v63  }
0x21e: {  	_ =	swait.ge [sflag:s22], $0x2000  }
0x21f: {  	[sflag:s22] =	ssyncset.done $0x0  }
0x220: {  	s12 =	simm.s32 $0x300;
	[sflag:s22] =	ssyncadd.s32 $0xFFFFE000  }
0x221: {  	[tilespmem:s28], [sflag:$0x3] =	stream.indirect.gather [hbm4b:s4+s23], $0x80, s12, s23, $0xb8;
	[tilespmem:$0x1E800] =	vst v63  }
0x222: {  	_ =	swait.ge [sflag:s6], $0x2000  }
0x223: {  	[sflag:s6] =	ssyncset.done $0x0  }
0x224: {  	s13 =	simm.s32 $0x1580;
	[sflag:s6] =	ssyncadd.s32 $0xFFFFE000  }
0x225: {  	[spmem:s2] =	stream.indirect.scatter.add.f32 [tilespmem:s30], [sflag:$0x5], $0x80, s13, s23, $0xb8;
	[tilespmem:$0x1E800] =	vst v63  }
0x226: {  	_ =	swait.ge [sflag:s22], $0x2000  }
0x227: {  	[sflag:s22] =	ssyncset.done $0x0  }
0x228: {  	s11 =	simm.s32 $0x800;
	s12 =	simm.s32 $0x380;
	[sflag:s22] =	ssyncadd.s32 $0xFFFFE000  }
.LBB2_18:
0x229: {  	[tilespmem:s30], [sflag:$0x4] =	stream.indirect.gather [hbm4b:s4+s23], $0x80, s12, s23, $0xb8;
	[tilespmem:$0x1E800] =	vst v63  }
0x22a: {  	s12 =	smov.u32 s11  }
0x22b: {  	p0 =	sne.s32 s11, $0x4000;
	s11 =	sadd.s32 $0x800, s11;
	_ =	swait.ge [sflag:s31], $0x2000  }
0x22c: {  	s12 =	sshra.s32 s12, $0x2;
	[sflag:s31] =	ssyncset.done $0x0  }
0x22d: {  	s13 =	sadd.s32 $0x1400, s12;
	[sflag:s31] =	ssyncadd.s32 $0xFFFFE000  }
0x22e: {  	[spmem:s2] =	stream.indirect.scatter.add.f32 [tilespmem:s21], [sflag:$0x5], $0x80, s13, s23, $0xb8;
	[tilespmem:$0x1E800] =	vst v63  }
0x22f: {  	_ =	swait.ge [sflag:s22], $0x2000  }
0x230: {  	[sflag:s22] =	ssyncset.done $0x0  }
0x231: {  	s13 =	sadd.s32 $0x200, s12;
	[sflag:s22] =	ssyncadd.s32 $0xFFFFE000  }
0x232: {  	[tilespmem:s21], [sflag:$0x1] =	stream.indirect.gather [hbm4b:s4+s23], $0x80, s13, s23, $0xb8;
	[tilespmem:$0x1E800] =	vst v63  }
0x233: {  	_ =	swait.ge [sflag:s0], $0x2000  }
0x234: {  	[sflag:s0] =	ssyncset.done $0x0  }
0x235: {  	s13 =	sadd.s32 $0x1480, s12;
	[sflag:s0] =	ssyncadd.s32 $0xFFFFE000  }
0x236: {  	[spmem:s2] =	stream.indirect.scatter.add.f32 [tilespmem:s25], [sflag:$0x5], $0x80, s13, s23, $0xb8;
	[tilespmem:$0x1E800] =	vst v63  }
0x237: {  	_ =	swait.ge [sflag:s22], $0x2000  }
0x238: {  	[sflag:s22] =	ssyncset.done $0x0  }
0x239: {  	s13 =	sadd.s32 $0x280, s12;
	[sflag:s22] =	ssyncadd.s32 $0xFFFFE000  }
0x23a: {  	[tilespmem:s25], [sflag:$0x2] =	stream.indirect.gather [hbm4b:s4+s23], $0x80, s13, s23, $0xb8;
	[tilespmem:$0x1E800] =	vst v63  }
0x23b: {  	_ =	swait.ge [sflag:s1], $0x2000  }
0x23c: {  	[sflag:s1] =	ssyncset.done $0x0  }
0x23d: {  	s13 =	sadd.s32 $0x1500, s12;
	[sflag:s1] =	ssyncadd.s32 $0xFFFFE000  }
0x23e: {  	[spmem:s2] =	stream.indirect.scatter.add.f32 [tilespmem:s28], [sflag:$0x5], $0x80, s13, s23, $0xb8;
	[tilespmem:$0x1E800] =	vst v63  }
0x23f: {  	_ =	swait.ge [sflag:s22], $0x2000  }
0x240: {  	[sflag:s22] =	ssyncset.done $0x0  }
0x241: {  	s13 =	sadd.s32 $0x300, s12;
	[sflag:s22] =	ssyncadd.s32 $0xFFFFE000  }
0x242: {  	[tilespmem:s28], [sflag:$0x3] =	stream.indirect.gather [hbm4b:s4+s23], $0x80, s13, s23, $0xb8;
	[tilespmem:$0x1E800] =	vst v63  }
0x243: {  	_ =	swait.ge [sflag:s6], $0x2000  }
0x244: {  	[sflag:s6] =	ssyncset.done $0x0  }
.Ltmp8:
0x245: {  	s13 =	sadd.s32 $0x1580, s12;
	[sflag:s6] =	ssyncadd.s32 $0xFFFFE000;
	(pc) =	sbr.rel @p0 .LBB2_18-.Ltmp8, $4  }
0x246: {  	[spmem:s2] =	stream.indirect.scatter.add.f32 [tilespmem:s30], [sflag:$0x5], $0x80, s13, s23, $0xb8;
	[tilespmem:$0x1E800] =	vst v63  }
0x247: {  	_ =	swait.ge [sflag:s22], $0x2000  }
0x248: {  	[sflag:s22] =	ssyncset.done $0x0  }
0x249: {  	s12 =	sadd.s32 $0x380, s12;
	[sflag:s22] =	ssyncadd.s32 $0xFFFFE000  }
0x24a: {  	[tilespmem:s30], [sflag:$0x4] =	stream.indirect.gather [hbm4b:s4+s23], $0x80, s12, s23, $0xb8;
	[tilespmem:$0x1E800] =	vst v63  }
0x24b: {  	_ =	swait.ge [sflag:s31], $0x2000  }
0x24c: {  	[sflag:s31] =	ssyncset.done $0x0  }
0x24d: {  	[sflag:s31] =	ssyncadd.s32 $0xFFFFE000  }
0x24e: {  	[spmem:s2] =	stream.indirect.scatter.add.f32 [tilespmem:s21], [sflag:$0x5], $0x80, s7, s23, $0xb8;
	[tilespmem:$0x1E800] =	vst v63  }
0x24f: {  	_ =	swait.ge [sflag:s22], $0x2000  }
0x250: {  	[sflag:s22] =	ssyncset.done $0x0  }
0x251: {  	[sflag:s22] =	ssyncadd.s32 $0xFFFFE000  }
0x252: {  	_ =	swait.ge [sflag:s0], $0x2000  }
0x253: {  	[sflag:s0] =	ssyncset.done $0x0  }
0x254: {  	[sflag:s0] =	ssyncadd.s32 $0xFFFFE000  }
0x255: {  	[spmem:s2] =	stream.indirect.scatter.add.f32 [tilespmem:s25], [sflag:$0x5], $0x80, s8, s23, $0xb8;
	[tilespmem:$0x1E800] =	vst v63  }
0x256: {  	_ =	swait.ge [sflag:s22], $0x2000  }
0x257: {  	[sflag:s22] =	ssyncset.done $0x0  }
0x258: {  	[sflag:s22] =	ssyncadd.s32 $0xFFFFE000  }
0x259: {  	_ =	swait.ge [sflag:s1], $0x2000  }
0x25a: {  	[sflag:s1] =	ssyncset.done $0x0  }
0x25b: {  	[sflag:s1] =	ssyncadd.s32 $0xFFFFE000  }
0x25c: {  	[spmem:s2] =	stream.indirect.scatter.add.f32 [tilespmem:s28], [sflag:$0x5], $0x80, s9, s23, $0xb8;
	[tilespmem:$0x1E800] =	vst v63  }
0x25d: {  	_ =	swait.ge [sflag:s22], $0x2000  }
0x25e: {  	[sflag:s22] =	ssyncset.done $0x0  }
0x25f: {  	[sflag:s22] =	ssyncadd.s32 $0xFFFFE000  }
0x260: {  	_ =	swait.ge [sflag:s6], $0x2000  }
0x261: {  	[sflag:s6] =	ssyncset.done $0x0  }
0x262: {  	[sflag:s6] =	ssyncadd.s32 $0xFFFFE000  }
0x263: {  	[spmem:s2] =	stream.indirect.scatter.add.f32 [tilespmem:s30], [sflag:$0x5], $0x80, s10, s23, $0xb8;
	[tilespmem:$0x1E800] =	vst v63  }
0x264: {  	s11 =	stileid.u32;
	_ =	swait.ge [sflag:s22], $0x2000  }
0x265: {  	s13 =	sshrl.u32 s5, $0x3;
	s3 =	sadd.s32 $0x1, s3;
	[sflag:s22] =	ssyncset.done $0x0  }
0x266: {  	s11 =	sshll.u32 s11, $0x6;
	p0 =	sne.s32 s3, s20;
	[sflag:s22] =	ssyncadd.s32 $0xFFFFE000  }
.Ltmp9:
0x267: {  	s11 =	sor.u32 $0x1C05, s11;
	[bflag:$0x0] =	sbarrier.arrive $0xFFFF;
	(pc) =	sbr.rel @p0 .LBB2_1-.Ltmp9, $4  }
0x268: {  	[hbm:s19], [sflag:s11] =	dma.local [spmem:s13], $0x2800  }
0x269: {  	_ =	swait.ge [sflag:s22], $0x2800  }
0x26a: {  	[sflag:s22] =	ssyncset.done $0x0  }
0x26b: {  	[sflag:s22] =	ssyncadd.s32 $0xFFFFD800  }
0x26c: {  	_ =	sfence.sel $0x180000  }
0x26d: {  	[bflag:$0x0] =	sbarrier.arrive $0xFFFF  }
0x26e: {  	_ =	strace $0x9000004A  }
0x26f: {  	s0 =	stileid.u32;
	[bflag:$0x2] =	sbarrier.arrive $0xFFFF  }
0x270: {  	p0 =	sne.s32 s0, $0x0;
	s0 =	rddreg [dreg:$0x3]  }
0x271: {  	s0 =	sadd.s32 @!p0 $0x100000, s0  }
0x272: {  	[sflag:s0] =	ssyncadd.tile.s32 @!p0 $0x1;
	_ =	shalt  }
.Lfunc_end2:
_tile_overlayer_lowered:
.L_overlay_start_2:
0x273: {  	(tag) =	ssettag $0x2  }
0x274: {  	s0 =	rddreg [dreg:$0x0];
	s2 =	stileid.u32  }
0x275: {  	s1 =	rddreg [dreg:$0x1];
	p0 =	sne.s32 s2, $0x0  }
0x276: {  	s3 =	rddreg [dreg:$0x2];
	[bflag:$0x3] =	sbarrier.arrive $0xFFFF;
	s2 =	simm.s32 @!p0 $0x1C05  }
0x277: {  	[timem:s3], [sflag:s2] =	dma.local @!p0 [hbm:s0], s1  }
0x278: {  	s0 =	simm.s32 @!p0 $0x5  }
0x279: {  	_ =	swait.ge @!p0 [sflag:s0], s1  }
0x27a: {  	s1 =	ssub.s32 @!p0 $0x0, s1;
	[sflag:s0] =	ssyncset.done @!p0 $0x0  }
0x27b: {  	[sflag:s0] =	ssyncadd.s32 @!p0 s1  }
0x27c: {  	[bflag:$0x3] =	sbarrier.arrive $0xFFFF  }
0x27d: {  	_ =	shalt  }

</sc_bundles>
